<compile_context>
chip_gen: v7x
topology: tpu7x:2x2x1
jax: 0.10.2.dev20260603
libtpu: 0.0.44.dev20260713+nightly
codegen_flags: <defaults>
</compile_context>

<pallas_src>
import functools

import jax
import jax.numpy as jnp
from jax import lax
from jax.experimental import pallas as pl
from jax.experimental.pallas import tpu as pltpu
from jax.experimental.pallas import tpu_sc as plsc

N = 8192
KNN = 20
KPAD = 32
NG = 16
R = 256
E = N * KNN
EPS = 1e-5


def _bf(x):
    return x.astype(jnp.bfloat16)


def _dot(a, b):
    return jnp.dot(_bf(a), _bf(b), preferred_element_type=jnp.float32)


def _vec(v):
    return jnp.reshape(v, (1, -1))



def _sq_body(x_ref, sq_ref):
    x = x_ref[...]
    sq_ref[...] = jnp.sum(x * x, axis=1, keepdims=True)


def _sqnorm(x, F):
    return pl.pallas_call(
        _sq_body,
        grid=(N // R,),
        in_specs=[pl.BlockSpec((R, F), lambda i: (i, 0))],
        out_specs=pl.BlockSpec((R, 1), lambda i: (i, 0)),
        out_shape=jax.ShapeDtypeStruct((N, 1), jnp.float32),
    )(x)



W = 512
NCH = N // W


def _knn_body(xr_ref, sqr_ref, br_ref, xf_ref, bf_ref, sqc_ref, batc_ref,
              idx_ref):
    i0 = pl.program_id(0) * R
    xr = _bf(xr_ref[...])
    sqr = sqr_ref[...]
    br = br_ref[...]
    bf = bf_ref[...]
    b_lo = jnp.min(br)
    b_hi = jnp.max(br)
    cid = lax.broadcasted_iota(jnp.int32, (1, N), 1)
    col_lo = jnp.min(jnp.where(bf == b_lo, cid, N))
    col_hi = jnp.max(jnp.where(bf == b_hi, cid, 0))
    c0 = col_lo // W
    c1 = col_hi // W + 1
    rowid = i0 + lax.broadcasted_iota(jnp.int32, (R, W), 0)
    wiota = lax.broadcasted_iota(jnp.int32, (R, W), 1)
    pos_big = jnp.int32(N)

    def body(c, carry):
        vals, idxs = carry
        cstart = c * W
        xfc = _bf(xf_ref[pl.ds(cstart, W), :])
        sqfc = sqc_ref[c]
        bfc = batc_ref[c]
        d = sqfc + sqr - 2.0 * lax.dot_general(
            xr, xfc, (((1,), (1,)), ((), ())),
            preferred_element_type=jnp.float32)
        colc = cstart + wiota
        ok = (br == bfc) & (colc != rowid)
        d = jnp.where(ok, d, 1e37)
        cv = jnp.concatenate([vals, d], axis=1)
        ci = jnp.concatenate([idxs, colc], axis=1)
        nv, ni = [], []
        for _t in range(KNN):
            m = jnp.min(cv, axis=1, keepdims=True)
            am = jnp.min(jnp.where(cv <= m, ci, pos_big), axis=1,
                         keepdims=True)
            nv.append(m)
            ni.append(am)
            cv = jnp.where(ci == am, 2e38, cv)
        return jnp.concatenate(nv, axis=1), jnp.concatenate(ni, axis=1)

    vals0 = jnp.full((R, KNN), 2e38, jnp.float32)
    idxs0 = jnp.full((R, KNN), N, jnp.int32)
    _, idxs = lax.fori_loop(c0, c1, body, (vals0, idxs0))
    idxs = jnp.minimum(idxs, N - 1)
    idx_ref[...] = jnp.concatenate([idxs, idxs[:, 0:KPAD - KNN]], axis=1)


def _knn(x, sq_col, bat_col, sq_row, bat_row, F):
    sq_ch = jnp.reshape(sq_row, (NCH, 1, W))
    bat_ch = jnp.reshape(bat_row, (NCH, 1, W))
    return pl.pallas_call(
        _knn_body,
        grid=(N // R,),
        in_specs=[
            pl.BlockSpec((R, F), lambda i: (i, 0)),
            pl.BlockSpec((R, 1), lambda i: (i, 0)),
            pl.BlockSpec((R, 1), lambda i: (i, 0)),
            pl.BlockSpec((N, F), lambda i: (0, 0)),
            pl.BlockSpec((1, N), lambda i: (0, 0)),
            pl.BlockSpec((NCH, 1, W), lambda i: (0, 0, 0)),
            pl.BlockSpec((NCH, 1, W), lambda i: (0, 0, 0)),
        ],
        out_specs=pl.BlockSpec((R, KPAD), lambda i: (i, 0)),
        out_shape=jax.ShapeDtypeStruct((N, KPAD), jnp.int32),
        compiler_params=pltpu.CompilerParams(
            dimension_semantics=("parallel",)),
    )(x, sq_col, bat_col, x, bat_row, sq_ch, bat_ch)



def _gather_rows(table, idx, D, C):
    info = plsc.get_sparse_core_info()
    nw = info.num_cores * info.num_subcores
    bpw = E // nw
    nchunk = bpw // C
    mesh = plsc.VectorSubcoreMesh(core_axis_name="c", subcore_axis_name="s")

    @functools.partial(
        pl.kernel, mesh=mesh,
        out_type=jax.ShapeDtypeStruct((E, D), jnp.float32),
        scratch_types=[
            pltpu.VMEM((C,), jnp.int32),
            pltpu.VMEM((C, D), jnp.float32),
            pltpu.SemaphoreType.DMA,
        ],
    )
    def k(table_hbm, idx_hbm, out_hbm, idx_v, rows_v, sem):
        wid = lax.axis_index("s") * info.num_cores + lax.axis_index("c")
        base = wid * bpw
        for c in range(nchunk):
            off = base + c * C
            pltpu.sync_copy(idx_hbm.at[pl.ds(off, C)], idx_v)
            pltpu.async_copy(table_hbm.at[idx_v], rows_v, sem).wait()
            pltpu.sync_copy(rows_v, out_hbm.at[pl.ds(off, C)])

    return k(table, idx)



def _h1_from_dx(pos_ref, dx, wa_ref, wb_ref, b1_ref):
    xi = pos_ref[...]
    xia = _dot(xi, wa_ref[...]) + b1_ref[...]
    hb = _dot(jnp.reshape(dx, (R * KNN, 8)), wb_ref[...])
    return jnp.reshape(xia[:, None, :] + jnp.reshape(hb, (R, KNN, 64)),
                       (R * KNN, 64))


def _stats_from(st, cnt):
    mu = st[0:1, :] / cnt
    var = st[1:2, :] / cnt - mu * mu
    inv = lax.rsqrt(var + EPS)
    return mu, inv


def _acc_stats(st_ref, h):
    s = jnp.sum(h, axis=0, keepdims=True)
    s2 = jnp.sum(h * h, axis=0, keepdims=True)

    @pl.when(pl.program_id(0) == 0)
    def _():
        st_ref[...] = jnp.zeros_like(st_ref)

    st_ref[...] += jnp.concatenate([s, s2], axis=0)


def _e1_body(pos_ref, bg_ref, wa_ref, wb_ref, b1_ref, st_ref, h1_ref):
    dx = bg_ref[...][:, :, 0:8] - pos_ref[...][:, None, :]
    h = _h1_from_dx(pos_ref, dx, wa_ref, wb_ref, b1_ref)
    h1_ref[...] = h
    _acc_stats(st_ref, h)


def _e2_body(h1_ref, st1_ref, g1_ref, be1_ref, w2_ref, b2_ref,
             st_ref, h2_ref):
    h = h1_ref[...]
    mu, inv = _stats_from(st1_ref[...], float(E))
    h = jnp.maximum((h - mu) * inv * g1_ref[...] + be1_ref[...], 0.0)
    h2 = _dot(h, w2_ref[...]) + b2_ref[...]
    h2_ref[...] = h2
    _acc_stats(st_ref, h2)


def _e3_body(h2_ref, st2_ref, g2_ref, be2_ref, w3_ref,
             b3_ref, x1_ref, sq_ref):
    h = h2_ref[...]
    mu2, inv2 = _stats_from(st2_ref[...], float(E))
    h = jnp.maximum((h - mu2) * inv2 * g2_ref[...] + be2_ref[...], 0.0)
    h = _dot(h, w3_ref[...]) + b3_ref[...]
    x1 = jnp.max(jnp.reshape(h, (R, KNN, 64)), axis=1)
    x1_ref[...] = x1
    sq_ref[...] = jnp.sum(x1 * x1, axis=1, keepdims=True)


def _conv1(posp, bg1, wa, wb, b1, g1, be1, w2, b2, g2, be2, w3, b3):
    grid = (N // R,)
    pos_spec = pl.BlockSpec((R, 8), lambda i: (i, 0))
    bg_spec = pl.BlockSpec((R, KNN, 128), lambda i: (i, 0, 0))
    st_spec = pl.BlockSpec((2, 64), lambda i: (0, 0))
    w8_spec = pl.BlockSpec((8, 64), lambda i: (0, 0))
    w_spec = pl.BlockSpec((64, 64), lambda i: (0, 0))
    v_spec = pl.BlockSpec((1, 64), lambda i: (0, 0))
    st_shape = jax.ShapeDtypeStruct((2, 64), jnp.float32)

    h_spec = pl.BlockSpec((R * KNN, 64), lambda i: (i, 0))
    h_shape = jax.ShapeDtypeStruct((E, 64), jnp.float32)

    st1, h1 = pl.pallas_call(
        _e1_body, grid=grid,
        in_specs=[pos_spec, bg_spec, w8_spec, w8_spec, v_spec],
        out_specs=[st_spec, h_spec],
        out_shape=[st_shape, h_shape])(posp, bg1, wa, wb, b1)
    st2, h2 = pl.pallas_call(
        _e2_body, grid=grid,
        in_specs=[h_spec, st_spec, v_spec, v_spec, w_spec, v_spec],
        out_specs=[st_spec, h_spec],
        out_shape=[st_shape, h_shape])(h1, st1, g1, be1, w2, b2)
    x1, sq1 = pl.pallas_call(
        _e3_body, grid=grid,
        in_specs=[h_spec, st_spec, v_spec, v_spec, w_spec, v_spec],
        out_specs=[pl.BlockSpec((R, 64), lambda i: (i, 0)),
                   pl.BlockSpec((R, 1), lambda i: (i, 0))],
        out_shape=[jax.ShapeDtypeStruct((N, 64), jnp.float32),
                   jax.ShapeDtypeStruct((N, 1), jnp.float32)])(
            h2, st2, g2, be2, w3, b3)
    return x1, sq1



def _l1_body(x1_ref, bg2_ref, bat_ref, c2w_ref, c2b_ref, lw_ref, lb_ref,
             m1w_ref, m1b_ref, m2w_ref, m2b_ref, hw_ref, hb_ref,
             out_ref, acc_ref):
    g = pl.program_id(0)
    x1 = x1_ref[...]
    xia = _dot(x1, c2w_ref[0:64, :]) + c2b_ref[...]
    dx = bg2_ref[...][:, :, 0:64] - x1[:, None, :]
    hb = _dot(jnp.reshape(dx, (R * KNN, 64)), c2w_ref[64:128, :])
    x2 = xia + jnp.max(jnp.reshape(hb, (R, KNN, 128)), axis=1)
    y = (_dot(x1, lw_ref[0:64, :]) + _dot(x2, lw_ref[64:192, :])
         + lb_ref[...])

    @pl.when(g == 0)
    def _():
        acc_ref[...] = jnp.full_like(acc_ref, -jnp.inf)

    bat = bat_ref[...]
    b_lo = jnp.min(bat)
    b_hi = jnp.max(bat)

    def seg_body(s, _):
        my = jnp.max(jnp.where(bat == s, y, -jnp.inf), axis=0, keepdims=True)
        acc_ref[pl.ds(s, 1), :] = jnp.maximum(acc_ref[pl.ds(s, 1), :], my)
        return 0

    lax.fori_loop(b_lo, b_hi + 1, seg_body, 0)

    @pl.when(g == (N // R) - 1)
    def _():
        t = _dot(acc_ref[...], m1w_ref[...]) + m1b_ref[...]
        t = _dot(t, m2w_ref[...]) + m2b_ref[...]
        out_ref[...] = _dot(t, hw_ref[...]) + hb_ref[...]


def _l1(x1, bg2, bat_col, c2_W, c2_b, l1_W, l1_b, m1_W, m1_b, m2_W, m2_b,
        h_W, h_b):
    full = lambda r, c: pl.BlockSpec((r, c), lambda i: (0, 0))
    return pl.pallas_call(
        _l1_body,
        grid=(N // R,),
        in_specs=[
            pl.BlockSpec((R, 64), lambda i: (i, 0)),
            pl.BlockSpec((R, KNN, 128), lambda i: (i, 0, 0)),
            pl.BlockSpec((R, 1), lambda i: (i, 0)),
            full(128, 128), full(1, 128),
            full(192, 1024), full(1, 1024),
            full(1024, 512), full(1, 512),
            full(512, 256), full(1, 256),
            full(256, 40), full(1, 40),
        ],
        out_specs=full(NG, 40),
        out_shape=jax.ShapeDtypeStruct((NG, 40), jnp.float32),
        scratch_shapes=[pltpu.VMEM((NG, 1024), jnp.float32)],
    )(x1, bg2, bat_col, c2_W, _vec(c2_b), l1_W, _vec(l1_b), m1_W,
      _vec(m1_b), m2_W, _vec(m2_b), h_W, _vec(h_b))



def kernel(pos, batch, c1_W1, c1_b1, c1_g1, c1_be1, c1_W2, c1_b2, c1_g2,
           c1_be2, c1_W3, c1_b3, c2_W, c2_b, l1_W, l1_b, m1_W, m1_b,
           m2_W, m2_b, h_W, h_b):
    bat = batch.astype(jnp.int32)
    bat_col = jnp.reshape(bat, (N, 1))
    bat_row = jnp.reshape(bat, (1, N))

    posp = jnp.concatenate([pos, jnp.zeros((N, 5), jnp.float32)], axis=1)
    post = jnp.concatenate([pos, jnp.zeros((N, 125), jnp.float32)], axis=1)
    zpad = jnp.zeros((5, 64), jnp.float32)
    wa = jnp.concatenate([c1_W1[0:3, :], zpad], axis=0)
    wb = jnp.concatenate([c1_W1[3:6, :], zpad], axis=0)

    sqp = _sqnorm(posp, 8)
    idx1 = _knn(posp, sqp, bat_col, jnp.reshape(sqp, (1, N)), bat_row, 8)
    idx1f = jnp.reshape(idx1[:, :KNN], (E,))
    bg1 = jnp.reshape(_gather_rows(post, idx1f, 128, 256), (N, KNN, 128))

    x1, sq1 = _conv1(posp, bg1, wa, wb, _vec(c1_b1), _vec(c1_g1),
                     _vec(c1_be1), c1_W2, _vec(c1_b2), _vec(c1_g2),
                     _vec(c1_be2), c1_W3, _vec(c1_b3))

    x1t = jnp.concatenate([x1, jnp.zeros((N, 64), jnp.float32)], axis=1)
    idx2 = _knn(x1, sq1, bat_col, jnp.reshape(sq1, (1, N)), bat_row, 64)
    idx2f = jnp.reshape(idx2[:, :KNN], (E,))
    bg2 = jnp.reshape(_gather_rows(x1t, idx2f, 128, 256), (N, KNN, 128))

    return _l1(x1, bg2, bat_col, c2_W, c2_b, l1_W, l1_b, m1_W, m1_b,
               m2_W, m2_b, h_W, h_b)

# --- scband reference (transcript-rebuilt; emitter-appended) ---
"""Pipeline reference for scband-dgcnn-34041910788657 (READ-ONLY COPY).

The authoritative reference and input builder live on the scoring server;
editing this copy changes nothing except your own understanding.
"""

import jax, jax.numpy as jnp
import numpy as np

K = 20
NUM_GRAPHS = 16


def _bn(x, g, b, eps=1e-5):
    m = jnp.mean(x, axis=0, keepdims=True)
    v = jnp.var(x, axis=0, keepdims=True)
    return (x - m) / jnp.sqrt(v + eps) * g + b


def _knn_idx(x, batch, k):
    x2 = jnp.sum(x * x, axis=1)
    d = x2[:, None] + x2[None, :] - 2.0 * (x @ x.T)
    same = batch[:, None] == batch[None, :]
    d = jnp.where(same, d, jnp.inf)
    n = x.shape[0]
    d = d.at[jnp.arange(n), jnp.arange(n)].set(jnp.inf)
    _, idx = jax.lax.top_k(-d, k)
    return idx


def _edge_conv(x, batch, k, nn_fn):
    idx = _knn_idx(x, batch, k)
    xj = x[idx]
    xi = jnp.broadcast_to(x[:, None, :], xj.shape)
    e = jnp.concatenate([xi, xj - xi], axis=-1)
    n = x.shape[0]
    h = nn_fn(e.reshape(n * k, -1)).reshape(n, k, -1)
    return jnp.max(h, axis=1)


def setup_inputs(seed: int = 0):
    key = jax.random.key(seed)
    ks = jax.random.split(key, 24)
    N = 8192
    inp = {}
    inp['pos'] = jax.random.normal(ks[0], (N, 3), dtype=jnp.float32)
    inp['batch'] = jnp.sort(jax.random.randint(ks[1], (N,), 0, NUM_GRAPHS))
    s = 0.1
    inp['c1_W1'] = jax.random.normal(ks[2], (6, 64), dtype=jnp.float32) * s
    inp['c1_b1'] = jnp.zeros((64,), dtype=jnp.float32)
    inp['c1_g1'] = jnp.ones((64,), dtype=jnp.float32)
    inp['c1_be1'] = jnp.zeros((64,), dtype=jnp.float32)
    inp['c1_W2'] = jax.random.normal(ks[3], (64, 64), dtype=jnp.float32) * s
    inp['c1_b2'] = jnp.zeros((64,), dtype=jnp.float32)
    inp['c1_g2'] = jnp.ones((64,), dtype=jnp.float32)
    inp['c1_be2'] = jnp.zeros((64,), dtype=jnp.float32)
    inp['c1_W3'] = jax.random.normal(ks[4], (64, 64), dtype=jnp.float32) * s
    inp['c1_b3'] = jnp.zeros((64,), dtype=jnp.float32)
    inp['c2_W'] = jax.random.normal(ks[5], (128, 128), dtype=jnp.float32) * s
    inp['c2_b'] = jnp.zeros((128,), dtype=jnp.float32)
    inp['l1_W'] = jax.random.normal(ks[6], (192, 1024), dtype=jnp.float32) * s
    inp['l1_b'] = jnp.zeros((1024,), dtype=jnp.float32)
    inp['m1_W'] = jax.random.normal(ks[7], (1024, 512), dtype=jnp.float32) * s
    inp['m1_b'] = jnp.zeros((512,), dtype=jnp.float32)
    inp['m2_W'] = jax.random.normal(ks[8], (512, 256), dtype=jnp.float32) * s
    inp['m2_b'] = jnp.zeros((256,), dtype=jnp.float32)
    inp['h_W'] = jax.random.normal(ks[9], (256, 40), dtype=jnp.float32) * s
    inp['h_b'] = jnp.zeros((40,), dtype=jnp.float32)
    return inp


def reference(pos, batch, c1_W1, c1_b1, c1_g1, c1_be1, c1_W2, c1_b2, c1_g2, c1_be2, c1_W3, c1_b3, c2_W, c2_b, l1_W, l1_b, m1_W, m1_b, m2_W, m2_b, h_W, h_b):
    def nn1(e):
        h = jax.nn.relu(_bn(e @ c1_W1 + c1_b1, c1_g1, c1_be1))
        h = jax.nn.relu(_bn(h @ c1_W2 + c1_b2, c1_g2, c1_be2))
        return h @ c1_W3 + c1_b3

    def nn2(e):
        return e @ c2_W + c2_b

    x1 = _edge_conv(pos, batch, K, nn1)
    x2 = _edge_conv(x1, batch, K, nn2)
    out = jnp.concatenate([x1, x2], axis=1) @ l1_W + l1_b
    out = jax.ops.segment_max(out, batch, num_segments=NUM_GRAPHS)
    out = out @ m1_W + m1_b  # dropout is identity in eval
    out = out @ m2_W + m2_b
    return out @ h_W + h_b

if __name__ == "__main__":
    import jax
    _d = setup_inputs()
    print(jax.jit(kernel)(*tuple(_d.values())))

</pallas_src>

<mosaic_0001>
#map = affine_map<(d0, d1) -> (0, 0)>
#map1 = affine_map<(d0, d1) -> (0)>
module attributes {stable_mosaic.version = 14 : i64} {
  func.func @k(%arg0: i32, %arg1: i32, %arg2: memref<8192x128xf32, #tpu.memory_space<hbm>>, %arg3: memref<163840xi32, #tpu.memory_space<hbm>>, %arg4: memref<163840x128xf32, #tpu.memory_space<hbm>>, %arg5: memref<256xi32, #tpu.memory_space<vmem>>, %arg6: memref<256x128xf32, #tpu.memory_space<vmem>>, %arg7: memref<!tpu.dma_semaphore, #tpu.memory_space<semaphore_mem>>) attributes {dimension_semantics = [#tpu.dimension_semantics<core_parallel>, #tpu.dimension_semantics<subcore_parallel>], iteration_bounds = array<i64: 2, 16>, scalar_prefetch = 0 : i64, scratch_operands = 3 : i64, tpu.core_type = #tpu.core_type<sc_vector_subcore>, window_params = [{transform_indices = #map}, {transform_indices = #map1}, {transform_indices = #map}]} {
    %mul3A = arith.constant 2 : i32
    %mul3A_0 = arith.muli %arg1, %mul3A : i32
    %add3A = arith.addi %mul3A_0, %arg0 : i32
    %mul3A_1 = arith.constant 5120 : i32
    %mul3A_2 = arith.muli %add3A, %mul3A_1 : i32
    %add3A_3 = arith.constant 0 : i32
    %add3A_4 = arith.addi %mul3A_2, %add3A_3 : i32
    "tpu.region"() ({
      %run_scoped3A = tpu.sem_alloc : memref<!tpu.dma_semaphore, #tpu.memory_space<semaphore_mem>>
      %dma_start3A_161 = tpu.memref_slice %arg3[%add3A_4] : memref<163840xi32, #tpu.memory_space<hbm>> -> memref<256xi32, #tpu.memory_space<hbm>>
      %dma_start3A_162 = tpu.memref_slice %arg3[%add3A_4] : memref<163840xi32, #tpu.memory_space<hbm>> -> memref<256xi32, #tpu.memory_space<hbm>>
      tpu.enqueue_dma source(%dma_start3A_162 : memref<256xi32, #tpu.memory_space<hbm>>) target(%arg5 : memref<256xi32, #tpu.memory_space<vmem>>) target_semaphore(%run_scoped3A : memref<!tpu.dma_semaphore, #tpu.memory_space<semaphore_mem>>)
      %dma_wait3A_163 = tpu.memref_slice %arg3[%add3A_4] : memref<163840xi32, #tpu.memory_space<hbm>> -> memref<256xi32, #tpu.memory_space<hbm>>
      %dma_wait3A_164 = tpu.memref_slice %arg3[%add3A_4] : memref<163840xi32, #tpu.memory_space<hbm>> -> memref<256xi32, #tpu.memory_space<hbm>>
      tpu.wait_dma2 semaphore(%run_scoped3A : memref<!tpu.dma_semaphore, #tpu.memory_space<semaphore_mem>>) src(%dma_wait3A_164 : memref<256xi32, #tpu.memory_space<hbm>>) dst(%arg5 : memref<256xi32, #tpu.memory_space<vmem>>)
      tpu.yield
    }) : () -> ()
    %dma_start3A = arith.constant 0 : i32
    %dma_start3A_5 = arith.constant 0 : i32
    %dma_start3A_6 = tpu.memref_slice %arg2[%dma_start3A, %dma_start3A_5] : memref<8192x128xf32, #tpu.memory_space<hbm>> -> memref<8192x128xf32, #tpu.memory_space<hbm>>
    tpu.enqueue_indirect_dma source(%dma_start3A_6 : memref<8192x128xf32, #tpu.memory_space<hbm>>) target(%arg6 : memref<256x128xf32, #tpu.memory_space<vmem>>) offsets(%arg5 : memref<256xi32, #tpu.memory_space<vmem>>) semaphore(%arg7 : memref<!tpu.dma_semaphore, #tpu.memory_space<semaphore_mem>>)
    %dma_wait3A = arith.constant 0 : i32
    %dma_wait3A_7 = arith.constant 0 : i32
    %dma_wait3A_8 = tpu.memref_slice %arg2[%dma_wait3A, %dma_wait3A_7] : memref<8192x128xf32, #tpu.memory_space<hbm>> -> memref<8192x128xf32, #tpu.memory_space<hbm>>
    tpu.wait_indirect_dma semaphore(%arg7 : memref<!tpu.dma_semaphore, #tpu.memory_space<semaphore_mem>>) src(%dma_wait3A_8 : memref<8192x128xf32, #tpu.memory_space<hbm>>) dst(%arg6 : memref<256x128xf32, #tpu.memory_space<vmem>>)
    "tpu.region"() ({
      %run_scoped3A = tpu.sem_alloc : memref<!tpu.dma_semaphore, #tpu.memory_space<semaphore_mem>>
      %dma_start3A_161 = arith.constant 0 : i32
      %dma_start3A_162 = tpu.memref_slice %arg4[%add3A_4, %dma_start3A_161] : memref<163840x128xf32, #tpu.memory_space<hbm>> -> memref<256x128xf32, #tpu.memory_space<hbm>>
      %dma_start3A_163 = arith.constant 0 : i32
      %dma_start3A_164 = tpu.memref_slice %arg4[%add3A_4, %dma_start3A_163] : memref<163840x128xf32, #tpu.memory_space<hbm>> -> memref<256x128xf32, #tpu.memory_space<hbm>>
      tpu.enqueue_dma source(%arg6 : memref<256x128xf32, #tpu.memory_space<vmem>>) target(%dma_start3A_164 : memref<256x128xf32, #tpu.memory_space<hbm>>) target_semaphore(%run_scoped3A : memref<!tpu.dma_semaphore, #tpu.memory_space<semaphore_mem>>)
      %dma_wait3A_165 = arith.constant 0 : i32
      %dma_wait3A_166 = tpu.memref_slice %arg4[%add3A_4, %dma_wait3A_165] : memref<163840x128xf32, #tpu.memory_space<hbm>> -> memref<256x128xf32, #tpu.memory_space<hbm>>
      %dma_wait3A_167 = arith.constant 0 : i32
      %dma_wait3A_168 = tpu.memref_slice %arg4[%add3A_4, %dma_wait3A_167] : memref<163840x128xf32, #tpu.memory_space<hbm>> -> memref<256x128xf32, #tpu.memory_space<hbm>>
      tpu.wait_dma2 semaphore(%run_scoped3A : memref<!tpu.dma_semaphore, #tpu.memory_space<semaphore_mem>>) src(%arg6 : memref<256x128xf32, #tpu.memory_space<vmem>>) dst(%dma_wait3A_168 : memref<256x128xf32, #tpu.memory_space<hbm>>)
      tpu.yield
    }) : () -> ()
    %add3A_9 = arith.constant 256 : i32
    %add3A_10 = arith.addi %mul3A_2, %add3A_9 : i32
    "tpu.region"() ({
      %run_scoped3A = tpu.sem_alloc : memref<!tpu.dma_semaphore, #tpu.memory_space<semaphore_mem>>
      %dma_start3A_161 = tpu.memref_slice %arg3[%add3A_10] : memref<163840xi32, #tpu.memory_space<hbm>> -> memref<256xi32, #tpu.memory_space<hbm>>
      %dma_start3A_162 = tpu.memref_slice %arg3[%add3A_10] : memref<163840xi32, #tpu.memory_space<hbm>> -> memref<256xi32, #tpu.memory_space<hbm>>
      tpu.enqueue_dma source(%dma_start3A_162 : memref<256xi32, #tpu.memory_space<hbm>>) target(%arg5 : memref<256xi32, #tpu.memory_space<vmem>>) target_semaphore(%run_scoped3A : memref<!tpu.dma_semaphore, #tpu.memory_space<semaphore_mem>>)
      %dma_wait3A_163 = tpu.memref_slice %arg3[%add3A_10] : memref<163840xi32, #tpu.memory_space<hbm>> -> memref<256xi32, #tpu.memory_space<hbm>>
      %dma_wait3A_164 = tpu.memref_slice %arg3[%add3A_10] : memref<163840xi32, #tpu.memory_space<hbm>> -> memref<256xi32, #tpu.memory_space<hbm>>
      tpu.wait_dma2 semaphore(%run_scoped3A : memref<!tpu.dma_semaphore, #tpu.memory_space<semaphore_mem>>) src(%dma_wait3A_164 : memref<256xi32, #tpu.memory_space<hbm>>) dst(%arg5 : memref<256xi32, #tpu.memory_space<vmem>>)
      tpu.yield
    }) : () -> ()
    %dma_start3A_11 = arith.constant 0 : i32
    %dma_start3A_12 = arith.constant 0 : i32
    %dma_start3A_13 = tpu.memref_slice %arg2[%dma_start3A_11, %dma_start3A_12] : memref<8192x128xf32, #tpu.memory_space<hbm>> -> memref<8192x128xf32, #tpu.memory_space<hbm>>
    tpu.enqueue_indirect_dma source(%dma_start3A_13 : memref<8192x128xf32, #tpu.memory_space<hbm>>) target(%arg6 : memref<256x128xf32, #tpu.memory_space<vmem>>) offsets(%arg5 : memref<256xi32, #tpu.memory_space<vmem>>) semaphore(%arg7 : memref<!tpu.dma_semaphore, #tpu.memory_space<semaphore_mem>>)
    %dma_wait3A_14 = arith.constant 0 : i32
    %dma_wait3A_15 = arith.constant 0 : i32
    %dma_wait3A_16 = tpu.memref_slice %arg2[%dma_wait3A_14, %dma_wait3A_15] : memref<8192x128xf32, #tpu.memory_space<hbm>> -> memref<8192x128xf32, #tpu.memory_space<hbm>>
    tpu.wait_indirect_dma semaphore(%arg7 : memref<!tpu.dma_semaphore, #tpu.memory_space<semaphore_mem>>) src(%dma_wait3A_16 : memref<8192x128xf32, #tpu.memory_space<hbm>>) dst(%arg6 : memref<256x128xf32, #tpu.memory_space<vmem>>)
    "tpu.region"() ({
      %run_scoped3A = tpu.sem_alloc : memref<!tpu.dma_semaphore, #tpu.memory_space<semaphore_mem>>
      %dma_start3A_161 = arith.constant 0 : i32
      %dma_start3A_162 = tpu.memref_slice %arg4[%add3A_10, %dma_start3A_161] : memref<163840x128xf32, #tpu.memory_space<hbm>> -> memref<256x128xf32, #tpu.memory_space<hbm>>
      %dma_start3A_163 = arith.constant 0 : i32
      %dma_start3A_164 = tpu.memref_slice %arg4[%add3A_10, %dma_start3A_163] : memref<163840x128xf32, #tpu.memory_space<hbm>> -> memref<256x128xf32, #tpu.memory_space<hbm>>
      tpu.enqueue_dma source(%arg6 : memref<256x128xf32, #tpu.memory_space<vmem>>) target(%dma_start3A_164 : memref<256x128xf32, #tpu.memory_space<hbm>>) target_semaphore(%run_scoped3A : memref<!tpu.dma_semaphore, #tpu.memory_space<semaphore_mem>>)
      %dma_wait3A_165 = arith.constant 0 : i32
      %dma_wait3A_166 = tpu.memref_slice %arg4[%add3A_10, %dma_wait3A_165] : memref<163840x128xf32, #tpu.memory_space<hbm>> -> memref<256x128xf32, #tpu.memory_space<hbm>>
      %dma_wait3A_167 = arith.constant 0 : i32
      %dma_wait3A_168 = tpu.memref_slice %arg4[%add3A_10, %dma_wait3A_167] : memref<163840x128xf32, #tpu.memory_space<hbm>> -> memref<256x128xf32, #tpu.memory_space<hbm>>
      tpu.wait_dma2 semaphore(%run_scoped3A : memref<!tpu.dma_semaphore, #tpu.memory_space<semaphore_mem>>) src(%arg6 : memref<256x128xf32, #tpu.memory_space<vmem>>) dst(%dma_wait3A_168 : memref<256x128xf32, #tpu.memory_space<hbm>>)
      tpu.yield
    }) : () -> ()
    %add3A_17 = arith.constant 512 : i32
    %add3A_18 = arith.addi %mul3A_2, %add3A_17 : i32
    "tpu.region"() ({
      %run_scoped3A = tpu.sem_alloc : memref<!tpu.dma_semaphore, #tpu.memory_space<semaphore_mem>>
      %dma_start3A_161 = tpu.memref_slice %arg3[%add3A_18] : memref<163840xi32, #tpu.memory_space<hbm>> -> memref<256xi32, #tpu.memory_space<hbm>>
      %dma_start3A_162 = tpu.memref_slice %arg3[%add3A_18] : memref<163840xi32, #tpu.memory_space<hbm>> -> memref<256xi32, #tpu.memory_space<hbm>>
      tpu.enqueue_dma source(%dma_start3A_162 : memref<256xi32, #tpu.memory_space<hbm>>) target(%arg5 : memref<256xi32, #tpu.memory_space<vmem>>) target_semaphore(%run_scoped3A : memref<!tpu.dma_semaphore, #tpu.memory_space<semaphore_mem>>)
      %dma_wait3A_163 = tpu.memref_slice %arg3[%add3A_18] : memref<163840xi32, #tpu.memory_space<hbm>> -> memref<256xi32, #tpu.memory_space<hbm>>
      %dma_wait3A_164 = tpu.memref_slice %arg3[%add3A_18] : memref<163840xi32, #tpu.memory_space<hbm>> -> memref<256xi32, #tpu.memory_space<hbm>>
      tpu.wait_dma2 semaphore(%run_scoped3A : memref<!tpu.dma_semaphore, #tpu.memory_space<semaphore_mem>>) src(%dma_wait3A_164 : memref<256xi32, #tpu.memory_space<hbm>>) dst(%arg5 : memref<256xi32, #tpu.memory_space<vmem>>)
      tpu.yield
    }) : () -> ()
    %dma_start3A_19 = arith.constant 0 : i32
    %dma_start3A_20 = arith.constant 0 : i32
    %dma_start3A_21 = tpu.memref_slice %arg2[%dma_start3A_19, %dma_start3A_20] : memref<8192x128xf32, #tpu.memory_space<hbm>> -> memref<8192x128xf32, #tpu.memory_space<hbm>>
    tpu.enqueue_indirect_dma source(%dma_start3A_21 : memref<8192x128xf32, #tpu.memory_space<hbm>>) target(%arg6 : memref<256x128xf32, #tpu.memory_space<vmem>>) offsets(%arg5 : memref<256xi32, #tpu.memory_space<vmem>>) semaphore(%arg7 : memref<!tpu.dma_semaphore, #tpu.memory_space<semaphore_mem>>)
    %dma_wait3A_22 = arith.constant 0 : i32
    %dma_wait3A_23 = arith.constant 0 : i32
    %dma_wait3A_24 = tpu.memref_slice %arg2[%dma_wait3A_22, %dma_wait3A_23] : memref<8192x128xf32, #tpu.memory_space<hbm>> -> memref<8192x128xf32, #tpu.memory_space<hbm>>
    tpu.wait_indirect_dma semaphore(%arg7 : memref<!tpu.dma_semaphore, #tpu.memory_space<semaphore_mem>>) src(%dma_wait3A_24 : memref<8192x128xf32, #tpu.memory_space<hbm>>) dst(%arg6 : memref<256x128xf32, #tpu.memory_space<vmem>>)
    "tpu.region"() ({
      %run_scoped3A = tpu.sem_alloc : memref<!tpu.dma_semaphore, #tpu.memory_space<semaphore_mem>>
      %dma_start3A_161 = arith.constant 0 : i32
      %dma_start3A_162 = tpu.memref_slice %arg4[%add3A_18, %dma_start3A_161] : memref<163840x128xf32, #tpu.memory_space<hbm>> -> memref<256x128xf32, #tpu.memory_space<hbm>>
      %dma_start3A_163 = arith.constant 0 : i32
      %dma_start3A_164 = tpu.memref_slice %arg4[%add3A_18, %dma_start3A_163] : memref<163840x128xf32, #tpu.memory_space<hbm>> -> memref<256x128xf32, #tpu.memory_space<hbm>>
      tpu.enqueue_dma source(%arg6 : memref<256x128xf32, #tpu.memory_space<vmem>>) target(%dma_start3A_164 : memref<256x128xf32, #tpu.memory_space<hbm>>) target_semaphore(%run_scoped3A : memref<!tpu.dma_semaphore, #tpu.memory_space<semaphore_mem>>)
      %dma_wait3A_165 = arith.constant 0 : i32
      %dma_wait3A_166 = tpu.memref_slice %arg4[%add3A_18, %dma_wait3A_165] : memref<163840x128xf32, #tpu.memory_space<hbm>> -> memref<256x128xf32, #tpu.memory_space<hbm>>
      %dma_wait3A_167 = arith.constant 0 : i32
      %dma_wait3A_168 = tpu.memref_slice %arg4[%add3A_18, %dma_wait3A_167] : memref<163840x128xf32, #tpu.memory_space<hbm>> -> memref<256x128xf32, #tpu.memory_space<hbm>>
      tpu.wait_dma2 semaphore(%run_scoped3A : memref<!tpu.dma_semaphore, #tpu.memory_space<semaphore_mem>>) src(%arg6 : memref<256x128xf32, #tpu.memory_space<vmem>>) dst(%dma_wait3A_168 : memref<256x128xf32, #tpu.memory_space<hbm>>)
      tpu.yield
    }) : () -> ()
    %add3A_25 = arith.constant 768 : i32
    %add3A_26 = arith.addi %mul3A_2, %add3A_25 : i32
    "tpu.region"() ({
      %run_scoped3A = tpu.sem_alloc : memref<!tpu.dma_semaphore, #tpu.memory_space<semaphore_mem>>
      %dma_start3A_161 = tpu.memref_slice %arg3[%add3A_26] : memref<163840xi32, #tpu.memory_space<hbm>> -> memref<256xi32, #tpu.memory_space<hbm>>
      %dma_start3A_162 = tpu.memref_slice %arg3[%add3A_26] : memref<163840xi32, #tpu.memory_space<hbm>> -> memref<256xi32, #tpu.memory_space<hbm>>
      tpu.enqueue_dma source(%dma_start3A_162 : memref<256xi32, #tpu.memory_space<hbm>>) target(%arg5 : memref<256xi32, #tpu.memory_space<vmem>>) target_semaphore(%run_scoped3A : memref<!tpu.dma_semaphore, #tpu.memory_space<semaphore_mem>>)
      %dma_wait3A_163 = tpu.memref_slice %arg3[%add3A_26] : memref<163840xi32, #tpu.memory_space<hbm>> -> memref<256xi32, #tpu.memory_space<hbm>>
      %dma_wait3A_164 = tpu.memref_slice %arg3[%add3A_26] : memref<163840xi32, #tpu.memory_space<hbm>> -> memref<256xi32, #tpu.memory_space<hbm>>
      tpu.wait_dma2 semaphore(%run_scoped3A : memref<!tpu.dma_semaphore, #tpu.memory_space<semaphore_mem>>) src(%dma_wait3A_164 : memref<256xi32, #tpu.memory_space<hbm>>) dst(%arg5 : memref<256xi32, #tpu.memory_space<vmem>>)
      tpu.yield
    }) : () -> ()
    %dma_start3A_27 = arith.constant 0 : i32
    %dma_start3A_28 = arith.constant 0 : i32
    %dma_start3A_29 = tpu.memref_slice %arg2[%dma_start3A_27, %dma_start3A_28] : memref<8192x128xf32, #tpu.memory_space<hbm>> -> memref<8192x128xf32, #tpu.memory_space<hbm>>
    tpu.enqueue_indirect_dma source(%dma_start3A_29 : memref<8192x128xf32, #tpu.memory_space<hbm>>) target(%arg6 : memref<256x128xf32, #tpu.memory_space<vmem>>) offsets(%arg5 : memref<256xi32, #tpu.memory_space<vmem>>) semaphore(%arg7 : memref<!tpu.dma_semaphore, #tpu.memory_space<semaphore_mem>>)
    %dma_wait3A_30 = arith.constant 0 : i32
    %dma_wait3A_31 = arith.constant 0 : i32
    %dma_wait3A_32 = tpu.memref_slice %arg2[%dma_wait3A_30, %dma_wait3A_31] : memref<8192x128xf32, #tpu.memory_space<hbm>> -> memref<8192x128xf32, #tpu.memory_space<hbm>>
    tpu.wait_indirect_dma semaphore(%arg7 : memref<!tpu.dma_semaphore, #tpu.memory_space<semaphore_mem>>) src(%dma_wait3A_32 : memref<8192x128xf32, #tpu.memory_space<hbm>>) dst(%arg6 : memref<256x128xf32, #tpu.memory_space<vmem>>)
    "tpu.region"() ({
      %run_scoped3A = tpu.sem_alloc : memref<!tpu.dma_semaphore, #tpu.memory_space<semaphore_mem>>
      %dma_start3A_161 = arith.constant 0 : i32
      %dma_start3A_162 = tpu.memref_slice %arg4[%add3A_26, %dma_start3A_161] : memref<163840x128xf32, #tpu.memory_space<hbm>> -> memref<256x128xf32, #tpu.memory_space<hbm>>
      %dma_start3A_163 = arith.constant 0 : i32
      %dma_start3A_164 = tpu.memref_slice %arg4[%add3A_26, %dma_start3A_163] : memref<163840x128xf32, #tpu.memory_space<hbm>> -> memref<256x128xf32, #tpu.memory_space<hbm>>
      tpu.enqueue_dma source(%arg6 : memref<256x128xf32, #tpu.memory_space<vmem>>) target(%dma_start3A_164 : memref<256x128xf32, #tpu.memory_space<hbm>>) target_semaphore(%run_scoped3A : memref<!tpu.dma_semaphore, #tpu.memory_space<semaphore_mem>>)
      %dma_wait3A_165 = arith.constant 0 : i32
      %dma_wait3A_166 = tpu.memref_slice %arg4[%add3A_26, %dma_wait3A_165] : memref<163840x128xf32, #tpu.memory_space<hbm>> -> memref<256x128xf32, #tpu.memory_space<hbm>>
      %dma_wait3A_167 = arith.constant 0 : i32
      %dma_wait3A_168 = tpu.memref_slice %arg4[%add3A_26, %dma_wait3A_167] : memref<163840x128xf32, #tpu.memory_space<hbm>> -> memref<256x128xf32, #tpu.memory_space<hbm>>
      tpu.wait_dma2 semaphore(%run_scoped3A : memref<!tpu.dma_semaphore, #tpu.memory_space<semaphore_mem>>) src(%arg6 : memref<256x128xf32, #tpu.memory_space<vmem>>) dst(%dma_wait3A_168 : memref<256x128xf32, #tpu.memory_space<hbm>>)
      tpu.yield
    }) : () -> ()
    %add3A_33 = arith.constant 1024 : i32
    %add3A_34 = arith.addi %mul3A_2, %add3A_33 : i32
    "tpu.region"() ({
      %run_scoped3A = tpu.sem_alloc : memref<!tpu.dma_semaphore, #tpu.memory_space<semaphore_mem>>
      %dma_start3A_161 = tpu.memref_slice %arg3[%add3A_34] : memref<163840xi32, #tpu.memory_space<hbm>> -> memref<256xi32, #tpu.memory_space<hbm>>
      %dma_start3A_162 = tpu.memref_slice %arg3[%add3A_34] : memref<163840xi32, #tpu.memory_space<hbm>> -> memref<256xi32, #tpu.memory_space<hbm>>
      tpu.enqueue_dma source(%dma_start3A_162 : memref<256xi32, #tpu.memory_space<hbm>>) target(%arg5 : memref<256xi32, #tpu.memory_space<vmem>>) target_semaphore(%run_scoped3A : memref<!tpu.dma_semaphore, #tpu.memory_space<semaphore_mem>>)
      %dma_wait3A_163 = tpu.memref_slice %arg3[%add3A_34] : memref<163840xi32, #tpu.memory_space<hbm>> -> memref<256xi32, #tpu.memory_space<hbm>>
      %dma_wait3A_164 = tpu.memref_slice %arg3[%add3A_34] : memref<163840xi32, #tpu.memory_space<hbm>> -> memref<256xi32, #tpu.memory_space<hbm>>
      tpu.wait_dma2 semaphore(%run_scoped3A : memref<!tpu.dma_semaphore, #tpu.memory_space<semaphore_mem>>) src(%dma_wait3A_164 : memref<256xi32, #tpu.memory_space<hbm>>) dst(%arg5 : memref<256xi32, #tpu.memory_space<vmem>>)
      tpu.yield
    }) : () -> ()
    %dma_start3A_35 = arith.constant 0 : i32
    %dma_start3A_36 = arith.constant 0 : i32
    %dma_start3A_37 = tpu.memref_slice %arg2[%dma_start3A_35, %dma_start3A_36] : memref<8192x128xf32, #tpu.memory_space<hbm>> -> memref<8192x128xf32, #tpu.memory_space<hbm>>
    tpu.enqueue_indirect_dma source(%dma_start3A_37 : memref<8192x128xf32, #tpu.memory_space<hbm>>) target(%arg6 : memref<256x128xf32, #tpu.memory_space<vmem>>) offsets(%arg5 : memref<256xi32, #tpu.memory_space<vmem>>) semaphore(%arg7 : memref<!tpu.dma_semaphore, #tpu.memory_space<semaphore_mem>>)
    %dma_wait3A_38 = arith.constant 0 : i32
    %dma_wait3A_39 = arith.constant 0 : i32
    %dma_wait3A_40 = tpu.memref_slice %arg2[%dma_wait3A_38, %dma_wait3A_39] : memref<8192x128xf32, #tpu.memory_space<hbm>> -> memref<8192x128xf32, #tpu.memory_space<hbm>>
    tpu.wait_indirect_dma semaphore(%arg7 : memref<!tpu.dma_semaphore, #tpu.memory_space<semaphore_mem>>) src(%dma_wait3A_40 : memref<8192x128xf32, #tpu.memory_space<hbm>>) dst(%arg6 : memref<256x128xf32, #tpu.memory_space<vmem>>)
    "tpu.region"() ({
      %run_scoped3A = tpu.sem_alloc : memref<!tpu.dma_semaphore, #tpu.memory_space<semaphore_mem>>
      %dma_start3A_161 = arith.constant 0 : i32
      %dma_start3A_162 = tpu.memref_slice %arg4[%add3A_34, %dma_start3A_161] : memref<163840x128xf32, #tpu.memory_space<hbm>> -> memref<256x128xf32, #tpu.memory_space<hbm>>
      %dma_start3A_163 = arith.constant 0 : i32
      %dma_start3A_164 = tpu.memref_slice %arg4[%add3A_34, %dma_start3A_163] : memref<163840x128xf32, #tpu.memory_space<hbm>> -> memref<256x128xf32, #tpu.memory_space<hbm>>
      tpu.enqueue_dma source(%arg6 : memref<256x128xf32, #tpu.memory_space<vmem>>) target(%dma_start3A_164 : memref<256x128xf32, #tpu.memory_space<hbm>>) target_semaphore(%run_scoped3A : memref<!tpu.dma_semaphore, #tpu.memory_space<semaphore_mem>>)
      %dma_wait3A_165 = arith.constant 0 : i32
      %dma_wait3A_166 = tpu.memref_slice %arg4[%add3A_34, %dma_wait3A_165] : memref<163840x128xf32, #tpu.memory_space<hbm>> -> memref<256x128xf32, #tpu.memory_space<hbm>>
      %dma_wait3A_167 = arith.constant 0 : i32
      %dma_wait3A_168 = tpu.memref_slice %arg4[%add3A_34, %dma_wait3A_167] : memref<163840x128xf32, #tpu.memory_space<hbm>> -> memref<256x128xf32, #tpu.memory_space<hbm>>
      tpu.wait_dma2 semaphore(%run_scoped3A : memref<!tpu.dma_semaphore, #tpu.memory_space<semaphore_mem>>) src(%arg6 : memref<256x128xf32, #tpu.memory_space<vmem>>) dst(%dma_wait3A_168 : memref<256x128xf32, #tpu.memory_space<hbm>>)
      tpu.yield
    }) : () -> ()
    %add3A_41 = arith.constant 1280 : i32
    %add3A_42 = arith.addi %mul3A_2, %add3A_41 : i32
    "tpu.region"() ({
      %run_scoped3A = tpu.sem_alloc : memref<!tpu.dma_semaphore, #tpu.memory_space<semaphore_mem>>
      %dma_start3A_161 = tpu.memref_slice %arg3[%add3A_42] : memref<163840xi32, #tpu.memory_space<hbm>> -> memref<256xi32, #tpu.memory_space<hbm>>
      %dma_start3A_162 = tpu.memref_slice %arg3[%add3A_42] : memref<163840xi32, #tpu.memory_space<hbm>> -> memref<256xi32, #tpu.memory_space<hbm>>
      tpu.enqueue_dma source(%dma_start3A_162 : memref<256xi32, #tpu.memory_space<hbm>>) target(%arg5 : memref<256xi32, #tpu.memory_space<vmem>>) target_semaphore(%run_scoped3A : memref<!tpu.dma_semaphore, #tpu.memory_space<semaphore_mem>>)
      %dma_wait3A_163 = tpu.memref_slice %arg3[%add3A_42] : memref<163840xi32, #tpu.memory_space<hbm>> -> memref<256xi32, #tpu.memory_space<hbm>>
      %dma_wait3A_164 = tpu.memref_slice %arg3[%add3A_42] : memref<163840xi32, #tpu.memory_space<hbm>> -> memref<256xi32, #tpu.memory_space<hbm>>
      tpu.wait_dma2 semaphore(%run_scoped3A : memref<!tpu.dma_semaphore, #tpu.memory_space<semaphore_mem>>) src(%dma_wait3A_164 : memref<256xi32, #tpu.memory_space<hbm>>) dst(%arg5 : memref<256xi32, #tpu.memory_space<vmem>>)
      tpu.yield
    }) : () -> ()
    %dma_start3A_43 = arith.constant 0 : i32
    %dma_start3A_44 = arith.constant 0 : i32
    %dma_start3A_45 = tpu.memref_slice %arg2[%dma_start3A_43, %dma_start3A_44] : memref<8192x128xf32, #tpu.memory_space<hbm>> -> memref<8192x128xf32, #tpu.memory_space<hbm>>
    tpu.enqueue_indirect_dma source(%dma_start3A_45 : memref<8192x128xf32, #tpu.memory_space<hbm>>) target(%arg6 : memref<256x128xf32, #tpu.memory_space<vmem>>) offsets(%arg5 : memref<256xi32, #tpu.memory_space<vmem>>) semaphore(%arg7 : memref<!tpu.dma_semaphore, #tpu.memory_space<semaphore_mem>>)
    %dma_wait3A_46 = arith.constant 0 : i32
    %dma_wait3A_47 = arith.constant 0 : i32
    %dma_wait3A_48 = tpu.memref_slice %arg2[%dma_wait3A_46, %dma_wait3A_47] : memref<8192x128xf32, #tpu.memory_space<hbm>> -> memref<8192x128xf32, #tpu.memory_space<hbm>>
    tpu.wait_indirect_dma semaphore(%arg7 : memref<!tpu.dma_semaphore, #tpu.memory_space<semaphore_mem>>) src(%dma_wait3A_48 : memref<8192x128xf32, #tpu.memory_space<hbm>>) dst(%arg6 : memref<256x128xf32, #tpu.memory_space<vmem>>)
    "tpu.region"() ({
      %run_scoped3A = tpu.sem_alloc : memref<!tpu.dma_semaphore, #tpu.memory_space<semaphore_mem>>
      %dma_start3A_161 = arith.constant 0 : i32
      %dma_start3A_162 = tpu.memref_slice %arg4[%add3A_42, %dma_start3A_161] : memref<163840x128xf32, #tpu.memory_space<hbm>> -> memref<256x128xf32, #tpu.memory_space<hbm>>
      %dma_start3A_163 = arith.constant 0 : i32
      %dma_start3A_164 = tpu.memref_slice %arg4[%add3A_42, %dma_start3A_163] : memref<163840x128xf32, #tpu.memory_space<hbm>> -> memref<256x128xf32, #tpu.memory_space<hbm>>
      tpu.enqueue_dma source(%arg6 : memref<256x128xf32, #tpu.memory_space<vmem>>) target(%dma_start3A_164 : memref<256x128xf32, #tpu.memory_space<hbm>>) target_semaphore(%run_scoped3A : memref<!tpu.dma_semaphore, #tpu.memory_space<semaphore_mem>>)
      %dma_wait3A_165 = arith.constant 0 : i32
      %dma_wait3A_166 = tpu.memref_slice %arg4[%add3A_42, %dma_wait3A_165] : memref<163840x128xf32, #tpu.memory_space<hbm>> -> memref<256x128xf32, #tpu.memory_space<hbm>>
      %dma_wait3A_167 = arith.constant 0 : i32
      %dma_wait3A_168 = tpu.memref_slice %arg4[%add3A_42, %dma_wait3A_167] : memref<163840x128xf32, #tpu.memory_space<hbm>> -> memref<256x128xf32, #tpu.memory_space<hbm>>
      tpu.wait_dma2 semaphore(%run_scoped3A : memref<!tpu.dma_semaphore, #tpu.memory_space<semaphore_mem>>) src(%arg6 : memref<256x128xf32, #tpu.memory_space<vmem>>) dst(%dma_wait3A_168 : memref<256x128xf32, #tpu.memory_space<hbm>>)
      tpu.yield
    }) : () -> ()
    %add3A_49 = arith.constant 1536 : i32
    %add3A_50 = arith.addi %mul3A_2, %add3A_49 : i32
    "tpu.region"() ({
      %run_scoped3A = tpu.sem_alloc : memref<!tpu.dma_semaphore, #tpu.memory_space<semaphore_mem>>
      %dma_start3A_161 = tpu.memref_slice %arg3[%add3A_50] : memref<163840xi32, #tpu.memory_space<hbm>> -> memref<256xi32, #tpu.memory_space<hbm>>
      %dma_start3A_162 = tpu.memref_slice %arg3[%add3A_50] : memref<163840xi32, #tpu.memory_space<hbm>> -> memref<256xi32, #tpu.memory_space<hbm>>
      tpu.enqueue_dma source(%dma_start3A_162 : memref<256xi32, #tpu.memory_space<hbm>>) target(%arg5 : memref<256xi32, #tpu.memory_space<vmem>>) target_semaphore(%run_scoped3A : memref<!tpu.dma_semaphore, #tpu.memory_space<semaphore_mem>>)
      %dma_wait3A_163 = tpu.memref_slice %arg3[%add3A_50] : memref<163840xi32, #tpu.memory_space<hbm>> -> memref<256xi32, #tpu.memory_space<hbm>>
      %dma_wait3A_164 = tpu.memref_slice %arg3[%add3A_50] : memref<163840xi32, #tpu.memory_space<hbm>> -> memref<256xi32, #tpu.memory_space<hbm>>
      tpu.wait_dma2 semaphore(%run_scoped3A : memref<!tpu.dma_semaphore, #tpu.memory_space<semaphore_mem>>) src(%dma_wait3A_164 : memref<256xi32, #tpu.memory_space<hbm>>) dst(%arg5 : memref<256xi32, #tpu.memory_space<vmem>>)
      tpu.yield
    }) : () -> ()
    %dma_start3A_51 = arith.constant 0 : i32
    %dma_start3A_52 = arith.constant 0 : i32
    %dma_start3A_53 = tpu.memref_slice %arg2[%dma_start3A_51, %dma_start3A_52] : memref<8192x128xf32, #tpu.memory_space<hbm>> -> memref<8192x128xf32, #tpu.memory_space<hbm>>
    tpu.enqueue_indirect_dma source(%dma_start3A_53 : memref<8192x128xf32, #tpu.memory_space<hbm>>) target(%arg6 : memref<256x128xf32, #tpu.memory_space<vmem>>) offsets(%arg5 : memref<256xi32, #tpu.memory_space<vmem>>) semaphore(%arg7 : memref<!tpu.dma_semaphore, #tpu.memory_space<semaphore_mem>>)
    %dma_wait3A_54 = arith.constant 0 : i32
    %dma_wait3A_55 = arith.constant 0 : i32
    %dma_wait3A_56 = tpu.memref_slice %arg2[%dma_wait3A_54, %dma_wait3A_55] : memref<8192x128xf32, #tpu.memory_space<hbm>> -> memref<8192x128xf32, #tpu.memory_space<hbm>>
    tpu.wait_indirect_dma semaphore(%arg7 : memref<!tpu.dma_semaphore, #tpu.memory_space<semaphore_mem>>) src(%dma_wait3A_56 : memref<8192x128xf32, #tpu.memory_space<hbm>>) dst(%arg6 : memref<256x128xf32, #tpu.memory_space<vmem>>)
    "tpu.region"() ({
      %run_scoped3A = tpu.sem_alloc : memref<!tpu.dma_semaphore, #tpu.memory_space<semaphore_mem>>
      %dma_start3A_161 = arith.constant 0 : i32
      %dma_start3A_162 = tpu.memref_slice %arg4[%add3A_50, %dma_start3A_161] : memref<163840x128xf32, #tpu.memory_space<hbm>> -> memref<256x128xf32, #tpu.memory_space<hbm>>
      %dma_start3A_163 = arith.constant 0 : i32
      %dma_start3A_164 = tpu.memref_slice %arg4[%add3A_50, %dma_start3A_163] : memref<163840x128xf32, #tpu.memory_space<hbm>> -> memref<256x128xf32, #tpu.memory_space<hbm>>
      tpu.enqueue_dma source(%arg6 : memref<256x128xf32, #tpu.memory_space<vmem>>) target(%dma_start3A_164 : memref<256x128xf32, #tpu.memory_space<hbm>>) target_semaphore(%run_scoped3A : memref<!tpu.dma_semaphore, #tpu.memory_space<semaphore_mem>>)
      %dma_wait3A_165 = arith.constant 0 : i32
      %dma_wait3A_166 = tpu.memref_slice %arg4[%add3A_50, %dma_wait3A_165] : memref<163840x128xf32, #tpu.memory_space<hbm>> -> memref<256x128xf32, #tpu.memory_space<hbm>>
      %dma_wait3A_167 = arith.constant 0 : i32
      %dma_wait3A_168 = tpu.memref_slice %arg4[%add3A_50, %dma_wait3A_167] : memref<163840x128xf32, #tpu.memory_space<hbm>> -> memref<256x128xf32, #tpu.memory_space<hbm>>
      tpu.wait_dma2 semaphore(%run_scoped3A : memref<!tpu.dma_semaphore, #tpu.memory_space<semaphore_mem>>) src(%arg6 : memref<256x128xf32, #tpu.memory_space<vmem>>) dst(%dma_wait3A_168 : memref<256x128xf32, #tpu.memory_space<hbm>>)
      tpu.yield
    }) : () -> ()
    %add3A_57 = arith.constant 1792 : i32
    %add3A_58 = arith.addi %mul3A_2, %add3A_57 : i32
    "tpu.region"() ({
      %run_scoped3A = tpu.sem_alloc : memref<!tpu.dma_semaphore, #tpu.memory_space<semaphore_mem>>
      %dma_start3A_161 = tpu.memref_slice %arg3[%add3A_58] : memref<163840xi32, #tpu.memory_space<hbm>> -> memref<256xi32, #tpu.memory_space<hbm>>
      %dma_start3A_162 = tpu.memref_slice %arg3[%add3A_58] : memref<163840xi32, #tpu.memory_space<hbm>> -> memref<256xi32, #tpu.memory_space<hbm>>
      tpu.enqueue_dma source(%dma_start3A_162 : memref<256xi32, #tpu.memory_space<hbm>>) target(%arg5 : memref<256xi32, #tpu.memory_space<vmem>>) target_semaphore(%run_scoped3A : memref<!tpu.dma_semaphore, #tpu.memory_space<semaphore_mem>>)
      %dma_wait3A_163 = tpu.memref_slice %arg3[%add3A_58] : memref<163840xi32, #tpu.memory_space<hbm>> -> memref<256xi32, #tpu.memory_space<hbm>>
      %dma_wait3A_164 = tpu.memref_slice %arg3[%add3A_58] : memref<163840xi32, #tpu.memory_space<hbm>> -> memref<256xi32, #tpu.memory_space<hbm>>
      tpu.wait_dma2 semaphore(%run_scoped3A : memref<!tpu.dma_semaphore, #tpu.memory_space<semaphore_mem>>) src(%dma_wait3A_164 : memref<256xi32, #tpu.memory_space<hbm>>) dst(%arg5 : memref<256xi32, #tpu.memory_space<vmem>>)
      tpu.yield
    }) : () -> ()
    %dma_start3A_59 = arith.constant 0 : i32
    %dma_start3A_60 = arith.constant 0 : i32
    %dma_start3A_61 = tpu.memref_slice %arg2[%dma_start3A_59, %dma_start3A_60] : memref<8192x128xf32, #tpu.memory_space<hbm>> -> memref<8192x128xf32, #tpu.memory_space<hbm>>
    tpu.enqueue_indirect_dma source(%dma_start3A_61 : memref<8192x128xf32, #tpu.memory_space<hbm>>) target(%arg6 : memref<256x128xf32, #tpu.memory_space<vmem>>) offsets(%arg5 : memref<256xi32, #tpu.memory_space<vmem>>) semaphore(%arg7 : memref<!tpu.dma_semaphore, #tpu.memory_space<semaphore_mem>>)
    %dma_wait3A_62 = arith.constant 0 : i32
    %dma_wait3A_63 = arith.constant 0 : i32
    %dma_wait3A_64 = tpu.memref_slice %arg2[%dma_wait3A_62, %dma_wait3A_63] : memref<8192x128xf32, #tpu.memory_space<hbm>> -> memref<8192x128xf32, #tpu.memory_space<hbm>>
    tpu.wait_indirect_dma semaphore(%arg7 : memref<!tpu.dma_semaphore, #tpu.memory_space<semaphore_mem>>) src(%dma_wait3A_64 : memref<8192x128xf32, #tpu.memory_space<hbm>>) dst(%arg6 : memref<256x128xf32, #tpu.memory_space<vmem>>)
    "tpu.region"() ({
      %run_scoped3A = tpu.sem_alloc : memref<!tpu.dma_semaphore, #tpu.memory_space<semaphore_mem>>
      %dma_start3A_161 = arith.constant 0 : i32
      %dma_start3A_162 = tpu.memref_slice %arg4[%add3A_58, %dma_start3A_161] : memref<163840x128xf32, #tpu.memory_space<hbm>> -> memref<256x128xf32, #tpu.memory_space<hbm>>
      %dma_start3A_163 = arith.constant 0 : i32
      %dma_start3A_164 = tpu.memref_slice %arg4[%add3A_58, %dma_start3A_163] : memref<163840x128xf32, #tpu.memory_space<hbm>> -> memref<256x128xf32, #tpu.memory_space<hbm>>
      tpu.enqueue_dma source(%arg6 : memref<256x128xf32, #tpu.memory_space<vmem>>) target(%dma_start3A_164 : memref<256x128xf32, #tpu.memory_space<hbm>>) target_semaphore(%run_scoped3A : memref<!tpu.dma_semaphore, #tpu.memory_space<semaphore_mem>>)
      %dma_wait3A_165 = arith.constant 0 : i32
      %dma_wait3A_166 = tpu.memref_slice %arg4[%add3A_58, %dma_wait3A_165] : memref<163840x128xf32, #tpu.memory_space<hbm>> -> memref<256x128xf32, #tpu.memory_space<hbm>>
      %dma_wait3A_167 = arith.constant 0 : i32
      %dma_wait3A_168 = tpu.memref_slice %arg4[%add3A_58, %dma_wait3A_167] : memref<163840x128xf32, #tpu.memory_space<hbm>> -> memref<256x128xf32, #tpu.memory_space<hbm>>
      tpu.wait_dma2 semaphore(%run_scoped3A : memref<!tpu.dma_semaphore, #tpu.memory_space<semaphore_mem>>) src(%arg6 : memref<256x128xf32, #tpu.memory_space<vmem>>) dst(%dma_wait3A_168 : memref<256x128xf32, #tpu.memory_space<hbm>>)
      tpu.yield
    }) : () -> ()
    %add3A_65 = arith.constant 2048 : i32
    %add3A_66 = arith.addi %mul3A_2, %add3A_65 : i32
    "tpu.region"() ({
      %run_scoped3A = tpu.sem_alloc : memref<!tpu.dma_semaphore, #tpu.memory_space<semaphore_mem>>
      %dma_start3A_161 = tpu.memref_slice %arg3[%add3A_66] : memref<163840xi32, #tpu.memory_space<hbm>> -> memref<256xi32, #tpu.memory_space<hbm>>
      %dma_start3A_162 = tpu.memref_slice %arg3[%add3A_66] : memref<163840xi32, #tpu.memory_space<hbm>> -> memref<256xi32, #tpu.memory_space<hbm>>
      tpu.enqueue_dma source(%dma_start3A_162 : memref<256xi32, #tpu.memory_space<hbm>>) target(%arg5 : memref<256xi32, #tpu.memory_space<vmem>>) target_semaphore(%run_scoped3A : memref<!tpu.dma_semaphore, #tpu.memory_space<semaphore_mem>>)
      %dma_wait3A_163 = tpu.memref_slice %arg3[%add3A_66] : memref<163840xi32, #tpu.memory_space<hbm>> -> memref<256xi32, #tpu.memory_space<hbm>>
      %dma_wait3A_164 = tpu.memref_slice %arg3[%add3A_66] : memref<163840xi32, #tpu.memory_space<hbm>> -> memref<256xi32, #tpu.memory_space<hbm>>
      tpu.wait_dma2 semaphore(%run_scoped3A : memref<!tpu.dma_semaphore, #tpu.memory_space<semaphore_mem>>) src(%dma_wait3A_164 : memref<256xi32, #tpu.memory_space<hbm>>) dst(%arg5 : memref<256xi32, #tpu.memory_space<vmem>>)
      tpu.yield
    }) : () -> ()
    %dma_start3A_67 = arith.constant 0 : i32
    %dma_start3A_68 = arith.constant 0 : i32
    %dma_start3A_69 = tpu.memref_slice %arg2[%dma_start3A_67, %dma_start3A_68] : memref<8192x128xf32, #tpu.memory_space<hbm>> -> memref<8192x128xf32, #tpu.memory_space<hbm>>
    tpu.enqueue_indirect_dma source(%dma_start3A_69 : memref<8192x128xf32, #tpu.memory_space<hbm>>) target(%arg6 : memref<256x128xf32, #tpu.memory_space<vmem>>) offsets(%arg5 : memref<256xi32, #tpu.memory_space<vmem>>) semaphore(%arg7 : memref<!tpu.dma_semaphore, #tpu.memory_space<semaphore_mem>>)
    %dma_wait3A_70 = arith.constant 0 : i32
    %dma_wait3A_71 = arith.constant 0 : i32
    %dma_wait3A_72 = tpu.memref_slice %arg2[%dma_wait3A_70, %dma_wait3A_71] : memref<8192x128xf32, #tpu.memory_space<hbm>> -> memref<8192x128xf32, #tpu.memory_space<hbm>>
    tpu.wait_indirect_dma semaphore(%arg7 : memref<!tpu.dma_semaphore, #tpu.memory_space<semaphore_mem>>) src(%dma_wait3A_72 : memref<8192x128xf32, #tpu.memory_space<hbm>>) dst(%arg6 : memref<256x128xf32, #tpu.memory_space<vmem>>)
    "tpu.region"() ({
      %run_scoped3A = tpu.sem_alloc : memref<!tpu.dma_semaphore, #tpu.memory_space<semaphore_mem>>
      %dma_start3A_161 = arith.constant 0 : i32
      %dma_start3A_162 = tpu.memref_slice %arg4[%add3A_66, %dma_start3A_161] : memref<163840x128xf32, #tpu.memory_space<hbm>> -> memref<256x128xf32, #tpu.memory_space<hbm>>
      %dma_start3A_163 = arith.constant 0 : i32
      %dma_start3A_164 = tpu.memref_slice %arg4[%add3A_66, %dma_start3A_163] : memref<163840x128xf32, #tpu.memory_space<hbm>> -> memref<256x128xf32, #tpu.memory_space<hbm>>
      tpu.enqueue_dma source(%arg6 : memref<256x128xf32, #tpu.memory_space<vmem>>) target(%dma_start3A_164 : memref<256x128xf32, #tpu.memory_space<hbm>>) target_semaphore(%run_scoped3A : memref<!tpu.dma_semaphore, #tpu.memory_space<semaphore_mem>>)
      %dma_wait3A_165 = arith.constant 0 : i32
      %dma_wait3A_166 = tpu.memref_slice %arg4[%add3A_66, %dma_wait3A_165] : memref<163840x128xf32, #tpu.memory_space<hbm>> -> memref<256x128xf32, #tpu.memory_space<hbm>>
      %dma_wait3A_167 = arith.constant 0 : i32
      %dma_wait3A_168 = tpu.memref_slice %arg4[%add3A_66, %dma_wait3A_167] : memref<163840x128xf32, #tpu.memory_space<hbm>> -> memref<256x128xf32, #tpu.memory_space<hbm>>
      tpu.wait_dma2 semaphore(%run_scoped3A : memref<!tpu.dma_semaphore, #tpu.memory_space<semaphore_mem>>) src(%arg6 : memref<256x128xf32, #tpu.memory_space<vmem>>) dst(%dma_wait3A_168 : memref<256x128xf32, #tpu.memory_space<hbm>>)
      tpu.yield
    }) : () -> ()
    %add3A_73 = arith.constant 2304 : i32
    %add3A_74 = arith.addi %mul3A_2, %add3A_73 : i32
    "tpu.region"() ({
      %run_scoped3A = tpu.sem_alloc : memref<!tpu.dma_semaphore, #tpu.memory_space<semaphore_mem>>
      %dma_start3A_161 = tpu.memref_slice %arg3[%add3A_74] : memref<163840xi32, #tpu.memory_space<hbm>> -> memref<256xi32, #tpu.memory_space<hbm>>
      %dma_start3A_162 = tpu.memref_slice %arg3[%add3A_74] : memref<163840xi32, #tpu.memory_space<hbm>> -> memref<256xi32, #tpu.memory_space<hbm>>
      tpu.enqueue_dma source(%dma_start3A_162 : memref<256xi32, #tpu.memory_space<hbm>>) target(%arg5 : memref<256xi32, #tpu.memory_space<vmem>>) target_semaphore(%run_scoped3A : memref<!tpu.dma_semaphore, #tpu.memory_space<semaphore_mem>>)
      %dma_wait3A_163 = tpu.memref_slice %arg3[%add3A_74] : memref<163840xi32, #tpu.memory_space<hbm>> -> memref<256xi32, #tpu.memory_space<hbm>>
      %dma_wait3A_164 = tpu.memref_slice %arg3[%add3A_74] : memref<163840xi32, #tpu.memory_space<hbm>> -> memref<256xi32, #tpu.memory_space<hbm>>
      tpu.wait_dma2 semaphore(%run_scoped3A : memref<!tpu.dma_semaphore, #tpu.memory_space<semaphore_mem>>) src(%dma_wait3A_164 : memref<256xi32, #tpu.memory_space<hbm>>) dst(%arg5 : memref<256xi32, #tpu.memory_space<vmem>>)
      tpu.yield
    }) : () -> ()
    %dma_start3A_75 = arith.constant 0 : i32
    %dma_start3A_76 = arith.constant 0 : i32
    %dma_start3A_77 = tpu.memref_slice %arg2[%dma_start3A_75, %dma_start3A_76] : memref<8192x128xf32, #tpu.memory_space<hbm>> -> memref<8192x128xf32, #tpu.memory_space<hbm>>
    tpu.enqueue_indirect_dma source(%dma_start3A_77 : memref<8192x128xf32, #tpu.memory_space<hbm>>) target(%arg6 : memref<256x128xf32, #tpu.memory_space<vmem>>) offsets(%arg5 : memref<256xi32, #tpu.memory_space<vmem>>) semaphore(%arg7 : memref<!tpu.dma_semaphore, #tpu.memory_space<semaphore_mem>>)
    %dma_wait3A_78 = arith.constant 0 : i32
    %dma_wait3A_79 = arith.constant 0 : i32
    %dma_wait3A_80 = tpu.memref_slice %arg2[%dma_wait3A_78, %dma_wait3A_79] : memref<8192x128xf32, #tpu.memory_space<hbm>> -> memref<8192x128xf32, #tpu.memory_space<hbm>>
    tpu.wait_indirect_dma semaphore(%arg7 : memref<!tpu.dma_semaphore, #tpu.memory_space<semaphore_mem>>) src(%dma_wait3A_80 : memref<8192x128xf32, #tpu.memory_space<hbm>>) dst(%arg6 : memref<256x128xf32, #tpu.memory_space<vmem>>)
    "tpu.region"() ({
      %run_scoped3A = tpu.sem_alloc : memref<!tpu.dma_semaphore, #tpu.memory_space<semaphore_mem>>
      %dma_start3A_161 = arith.constant 0 : i32
      %dma_start3A_162 = tpu.memref_slice %arg4[%add3A_74, %dma_start3A_161] : memref<163840x128xf32, #tpu.memory_space<hbm>> -> memref<256x128xf32, #tpu.memory_space<hbm>>
      %dma_start3A_163 = arith.constant 0 : i32
      %dma_start3A_164 = tpu.memref_slice %arg4[%add3A_74, %dma_start3A_163] : memref<163840x128xf32, #tpu.memory_space<hbm>> -> memref<256x128xf32, #tpu.memory_space<hbm>>
      tpu.enqueue_dma source(%arg6 : memref<256x128xf32, #tpu.memory_space<vmem>>) target(%dma_start3A_164 : memref<256x128xf32, #tpu.memory_space<hbm>>) target_semaphore(%run_scoped3A : memref<!tpu.dma_semaphore, #tpu.memory_space<semaphore_mem>>)
      %dma_wait3A_165 = arith.constant 0 : i32
      %dma_wait3A_166 = tpu.memref_slice %arg4[%add3A_74, %dma_wait3A_165] : memref<163840x128xf32, #tpu.memory_space<hbm>> -> memref<256x128xf32, #tpu.memory_space<hbm>>
      %dma_wait3A_167 = arith.constant 0 : i32
      %dma_wait3A_168 = tpu.memref_slice %arg4[%add3A_74, %dma_wait3A_167] : memref<163840x128xf32, #tpu.memory_space<hbm>> -> memref<256x128xf32, #tpu.memory_space<hbm>>
      tpu.wait_dma2 semaphore(%run_scoped3A : memref<!tpu.dma_semaphore, #tpu.memory_space<semaphore_mem>>) src(%arg6 : memref<256x128xf32, #tpu.memory_space<vmem>>) dst(%dma_wait3A_168 : memref<256x128xf32, #tpu.memory_space<hbm>>)
      tpu.yield
    }) : () -> ()
    %add3A_81 = arith.constant 2560 : i32
    %add3A_82 = arith.addi %mul3A_2, %add3A_81 : i32
    "tpu.region"() ({
      %run_scoped3A = tpu.sem_alloc : memref<!tpu.dma_semaphore, #tpu.memory_space<semaphore_mem>>
      %dma_start3A_161 = tpu.memref_slice %arg3[%add3A_82] : memref<163840xi32, #tpu.memory_space<hbm>> -> memref<256xi32, #tpu.memory_space<hbm>>
      %dma_start3A_162 = tpu.memref_slice %arg3[%add3A_82] : memref<163840xi32, #tpu.memory_space<hbm>> -> memref<256xi32, #tpu.memory_space<hbm>>
      tpu.enqueue_dma source(%dma_start3A_162 : memref<256xi32, #tpu.memory_space<hbm>>) target(%arg5 : memref<256xi32, #tpu.memory_space<vmem>>) target_semaphore(%run_scoped3A : memref<!tpu.dma_semaphore, #tpu.memory_space<semaphore_mem>>)
      %dma_wait3A_163 = tpu.memref_slice %arg3[%add3A_82] : memref<163840xi32, #tpu.memory_space<hbm>> -> memref<256xi32, #tpu.memory_space<hbm>>
      %dma_wait3A_164 = tpu.memref_slice %arg3[%add3A_82] : memref<163840xi32, #tpu.memory_space<hbm>> -> memref<256xi32, #tpu.memory_space<hbm>>
      tpu.wait_dma2 semaphore(%run_scoped3A : memref<!tpu.dma_semaphore, #tpu.memory_space<semaphore_mem>>) src(%dma_wait3A_164 : memref<256xi32, #tpu.memory_space<hbm>>) dst(%arg5 : memref<256xi32, #tpu.memory_space<vmem>>)
      tpu.yield
    }) : () -> ()
    %dma_start3A_83 = arith.constant 0 : i32
    %dma_start3A_84 = arith.constant 0 : i32
    %dma_start3A_85 = tpu.memref_slice %arg2[%dma_start3A_83, %dma_start3A_84] : memref<8192x128xf32, #tpu.memory_space<hbm>> -> memref<8192x128xf32, #tpu.memory_space<hbm>>
    tpu.enqueue_indirect_dma source(%dma_start3A_85 : memref<8192x128xf32, #tpu.memory_space<hbm>>) target(%arg6 : memref<256x128xf32, #tpu.memory_space<vmem>>) offsets(%arg5 : memref<256xi32, #tpu.memory_space<vmem>>) semaphore(%arg7 : memref<!tpu.dma_semaphore, #tpu.memory_space<semaphore_mem>>)
    %dma_wait3A_86 = arith.constant 0 : i32
    %dma_wait3A_87 = arith.constant 0 : i32
    %dma_wait3A_88 = tpu.memref_slice %arg2[%dma_wait3A_86, %dma_wait3A_87] : memref<8192x128xf32, #tpu.memory_space<hbm>> -> memref<8192x128xf32, #tpu.memory_space<hbm>>
    tpu.wait_indirect_dma semaphore(%arg7 : memref<!tpu.dma_semaphore, #tpu.memory_space<semaphore_mem>>) src(%dma_wait3A_88 : memref<8192x128xf32, #tpu.memory_space<hbm>>) dst(%arg6 : memref<256x128xf32, #tpu.memory_space<vmem>>)
    "tpu.region"() ({
      %run_scoped3A = tpu.sem_alloc : memref<!tpu.dma_semaphore, #tpu.memory_space<semaphore_mem>>
      %dma_start3A_161 = arith.constant 0 : i32
      %dma_start3A_162 = tpu.memref_slice %arg4[%add3A_82, %dma_start3A_161] : memref<163840x128xf32, #tpu.memory_space<hbm>> -> memref<256x128xf32, #tpu.memory_space<hbm>>
      %dma_start3A_163 = arith.constant 0 : i32
      %dma_start3A_164 = tpu.memref_slice %arg4[%add3A_82, %dma_start3A_163] : memref<163840x128xf32, #tpu.memory_space<hbm>> -> memref<256x128xf32, #tpu.memory_space<hbm>>
      tpu.enqueue_dma source(%arg6 : memref<256x128xf32, #tpu.memory_space<vmem>>) target(%dma_start3A_164 : memref<256x128xf32, #tpu.memory_space<hbm>>) target_semaphore(%run_scoped3A : memref<!tpu.dma_semaphore, #tpu.memory_space<semaphore_mem>>)
      %dma_wait3A_165 = arith.constant 0 : i32
      %dma_wait3A_166 = tpu.memref_slice %arg4[%add3A_82, %dma_wait3A_165] : memref<163840x128xf32, #tpu.memory_space<hbm>> -> memref<256x128xf32, #tpu.memory_space<hbm>>
      %dma_wait3A_167 = arith.constant 0 : i32
      %dma_wait3A_168 = tpu.memref_slice %arg4[%add3A_82, %dma_wait3A_167] : memref<163840x128xf32, #tpu.memory_space<hbm>> -> memref<256x128xf32, #tpu.memory_space<hbm>>
      tpu.wait_dma2 semaphore(%run_scoped3A : memref<!tpu.dma_semaphore, #tpu.memory_space<semaphore_mem>>) src(%arg6 : memref<256x128xf32, #tpu.memory_space<vmem>>) dst(%dma_wait3A_168 : memref<256x128xf32, #tpu.memory_space<hbm>>)
      tpu.yield
    }) : () -> ()
    %add3A_89 = arith.constant 2816 : i32
    %add3A_90 = arith.addi %mul3A_2, %add3A_89 : i32
    "tpu.region"() ({
      %run_scoped3A = tpu.sem_alloc : memref<!tpu.dma_semaphore, #tpu.memory_space<semaphore_mem>>
      %dma_start3A_161 = tpu.memref_slice %arg3[%add3A_90] : memref<163840xi32, #tpu.memory_space<hbm>> -> memref<256xi32, #tpu.memory_space<hbm>>
      %dma_start3A_162 = tpu.memref_slice %arg3[%add3A_90] : memref<163840xi32, #tpu.memory_space<hbm>> -> memref<256xi32, #tpu.memory_space<hbm>>
      tpu.enqueue_dma source(%dma_start3A_162 : memref<256xi32, #tpu.memory_space<hbm>>) target(%arg5 : memref<256xi32, #tpu.memory_space<vmem>>) target_semaphore(%run_scoped3A : memref<!tpu.dma_semaphore, #tpu.memory_space<semaphore_mem>>)
      %dma_wait3A_163 = tpu.memref_slice %arg3[%add3A_90] : memref<163840xi32, #tpu.memory_space<hbm>> -> memref<256xi32, #tpu.memory_space<hbm>>
      %dma_wait3A_164 = tpu.memref_slice %arg3[%add3A_90] : memref<163840xi32, #tpu.memory_space<hbm>> -> memref<256xi32, #tpu.memory_space<hbm>>
      tpu.wait_dma2 semaphore(%run_scoped3A : memref<!tpu.dma_semaphore, #tpu.memory_space<semaphore_mem>>) src(%dma_wait3A_164 : memref<256xi32, #tpu.memory_space<hbm>>) dst(%arg5 : memref<256xi32, #tpu.memory_space<vmem>>)
      tpu.yield
    }) : () -> ()
    %dma_start3A_91 = arith.constant 0 : i32
    %dma_start3A_92 = arith.constant 0 : i32
    %dma_start3A_93 = tpu.memref_slice %arg2[%dma_start3A_91, %dma_start3A_92] : memref<8192x128xf32, #tpu.memory_space<hbm>> -> memref<8192x128xf32, #tpu.memory_space<hbm>>
    tpu.enqueue_indirect_dma source(%dma_start3A_93 : memref<8192x128xf32, #tpu.memory_space<hbm>>) target(%arg6 : memref<256x128xf32, #tpu.memory_space<vmem>>) offsets(%arg5 : memref<256xi32, #tpu.memory_space<vmem>>) semaphore(%arg7 : memref<!tpu.dma_semaphore, #tpu.memory_space<semaphore_mem>>)
    %dma_wait3A_94 = arith.constant 0 : i32
    %dma_wait3A_95 = arith.constant 0 : i32
    %dma_wait3A_96 = tpu.memref_slice %arg2[%dma_wait3A_94, %dma_wait3A_95] : memref<8192x128xf32, #tpu.memory_space<hbm>> -> memref<8192x128xf32, #tpu.memory_space<hbm>>
    tpu.wait_indirect_dma semaphore(%arg7 : memref<!tpu.dma_semaphore, #tpu.memory_space<semaphore_mem>>) src(%dma_wait3A_96 : memref<8192x128xf32, #tpu.memory_space<hbm>>) dst(%arg6 : memref<256x128xf32, #tpu.memory_space<vmem>>)
    "tpu.region"() ({
      %run_scoped3A = tpu.sem_alloc : memref<!tpu.dma_semaphore, #tpu.memory_space<semaphore_mem>>
      %dma_start3A_161 = arith.constant 0 : i32
      %dma_start3A_162 = tpu.memref_slice %arg4[%add3A_90, %dma_start3A_161] : memref<163840x128xf32, #tpu.memory_space<hbm>> -> memref<256x128xf32, #tpu.memory_space<hbm>>
      %dma_start3A_163 = arith.constant 0 : i32
      %dma_start3A_164 = tpu.memref_slice %arg4[%add3A_90, %dma_start3A_163] : memref<163840x128xf32, #tpu.memory_space<hbm>> -> memref<256x128xf32, #tpu.memory_space<hbm>>
      tpu.enqueue_dma source(%arg6 : memref<256x128xf32, #tpu.memory_space<vmem>>) target(%dma_start3A_164 : memref<256x128xf32, #tpu.memory_space<hbm>>) target_semaphore(%run_scoped3A : memref<!tpu.dma_semaphore, #tpu.memory_space<semaphore_mem>>)
      %dma_wait3A_165 = arith.constant 0 : i32
      %dma_wait3A_166 = tpu.memref_slice %arg4[%add3A_90, %dma_wait3A_165] : memref<163840x128xf32, #tpu.memory_space<hbm>> -> memref<256x128xf32, #tpu.memory_space<hbm>>
      %dma_wait3A_167 = arith.constant 0 : i32
      %dma_wait3A_168 = tpu.memref_slice %arg4[%add3A_90, %dma_wait3A_167] : memref<163840x128xf32, #tpu.memory_space<hbm>> -> memref<256x128xf32, #tpu.memory_space<hbm>>
      tpu.wait_dma2 semaphore(%run_scoped3A : memref<!tpu.dma_semaphore, #tpu.memory_space<semaphore_mem>>) src(%arg6 : memref<256x128xf32, #tpu.memory_space<vmem>>) dst(%dma_wait3A_168 : memref<256x128xf32, #tpu.memory_space<hbm>>)
      tpu.yield
    }) : () -> ()
    %add3A_97 = arith.constant 3072 : i32
    %add3A_98 = arith.addi %mul3A_2, %add3A_97 : i32
    "tpu.region"() ({
      %run_scoped3A = tpu.sem_alloc : memref<!tpu.dma_semaphore, #tpu.memory_space<semaphore_mem>>
      %dma_start3A_161 = tpu.memref_slice %arg3[%add3A_98] : memref<163840xi32, #tpu.memory_space<hbm>> -> memref<256xi32, #tpu.memory_space<hbm>>
      %dma_start3A_162 = tpu.memref_slice %arg3[%add3A_98] : memref<163840xi32, #tpu.memory_space<hbm>> -> memref<256xi32, #tpu.memory_space<hbm>>
      tpu.enqueue_dma source(%dma_start3A_162 : memref<256xi32, #tpu.memory_space<hbm>>) target(%arg5 : memref<256xi32, #tpu.memory_space<vmem>>) target_semaphore(%run_scoped3A : memref<!tpu.dma_semaphore, #tpu.memory_space<semaphore_mem>>)
      %dma_wait3A_163 = tpu.memref_slice %arg3[%add3A_98] : memref<163840xi32, #tpu.memory_space<hbm>> -> memref<256xi32, #tpu.memory_space<hbm>>
      %dma_wait3A_164 = tpu.memref_slice %arg3[%add3A_98] : memref<163840xi32, #tpu.memory_space<hbm>> -> memref<256xi32, #tpu.memory_space<hbm>>
      tpu.wait_dma2 semaphore(%run_scoped3A : memref<!tpu.dma_semaphore, #tpu.memory_space<semaphore_mem>>) src(%dma_wait3A_164 : memref<256xi32, #tpu.memory_space<hbm>>) dst(%arg5 : memref<256xi32, #tpu.memory_space<vmem>>)
      tpu.yield
    }) : () -> ()
    %dma_start3A_99 = arith.constant 0 : i32
    %dma_start3A_100 = arith.constant 0 : i32
    %dma_start3A_101 = tpu.memref_slice %arg2[%dma_start3A_99, %dma_start3A_100] : memref<8192x128xf32, #tpu.memory_space<hbm>> -> memref<8192x128xf32, #tpu.memory_space<hbm>>
    tpu.enqueue_indirect_dma source(%dma_start3A_101 : memref<8192x128xf32, #tpu.memory_space<hbm>>) target(%arg6 : memref<256x128xf32, #tpu.memory_space<vmem>>) offsets(%arg5 : memref<256xi32, #tpu.memory_space<vmem>>) semaphore(%arg7 : memref<!tpu.dma_semaphore, #tpu.memory_space<semaphore_mem>>)
    %dma_wait3A_102 = arith.constant 0 : i32
    %dma_wait3A_103 = arith.constant 0 : i32
    %dma_wait3A_104 = tpu.memref_slice %arg2[%dma_wait3A_102, %dma_wait3A_103] : memref<8192x128xf32, #tpu.memory_space<hbm>> -> memref<8192x128xf32, #tpu.memory_space<hbm>>
    tpu.wait_indirect_dma semaphore(%arg7 : memref<!tpu.dma_semaphore, #tpu.memory_space<semaphore_mem>>) src(%dma_wait3A_104 : memref<8192x128xf32, #tpu.memory_space<hbm>>) dst(%arg6 : memref<256x128xf32, #tpu.memory_space<vmem>>)
    "tpu.region"() ({
      %run_scoped3A = tpu.sem_alloc : memref<!tpu.dma_semaphore, #tpu.memory_space<semaphore_mem>>
      %dma_start3A_161 = arith.constant 0 : i32
      %dma_start3A_162 = tpu.memref_slice %arg4[%add3A_98, %dma_start3A_161] : memref<163840x128xf32, #tpu.memory_space<hbm>> -> memref<256x128xf32, #tpu.memory_space<hbm>>
      %dma_start3A_163 = arith.constant 0 : i32
      %dma_start3A_164 = tpu.memref_slice %arg4[%add3A_98, %dma_start3A_163] : memref<163840x128xf32, #tpu.memory_space<hbm>> -> memref<256x128xf32, #tpu.memory_space<hbm>>
      tpu.enqueue_dma source(%arg6 : memref<256x128xf32, #tpu.memory_space<vmem>>) target(%dma_start3A_164 : memref<256x128xf32, #tpu.memory_space<hbm>>) target_semaphore(%run_scoped3A : memref<!tpu.dma_semaphore, #tpu.memory_space<semaphore_mem>>)
      %dma_wait3A_165 = arith.constant 0 : i32
      %dma_wait3A_166 = tpu.memref_slice %arg4[%add3A_98, %dma_wait3A_165] : memref<163840x128xf32, #tpu.memory_space<hbm>> -> memref<256x128xf32, #tpu.memory_space<hbm>>
      %dma_wait3A_167 = arith.constant 0 : i32
      %dma_wait3A_168 = tpu.memref_slice %arg4[%add3A_98, %dma_wait3A_167] : memref<163840x128xf32, #tpu.memory_space<hbm>> -> memref<256x128xf32, #tpu.memory_space<hbm>>
      tpu.wait_dma2 semaphore(%run_scoped3A : memref<!tpu.dma_semaphore, #tpu.memory_space<semaphore_mem>>) src(%arg6 : memref<256x128xf32, #tpu.memory_space<vmem>>) dst(%dma_wait3A_168 : memref<256x128xf32, #tpu.memory_space<hbm>>)
      tpu.yield
    }) : () -> ()
    %add3A_105 = arith.constant 3328 : i32
    %add3A_106 = arith.addi %mul3A_2, %add3A_105 : i32
    "tpu.region"() ({
      %run_scoped3A = tpu.sem_alloc : memref<!tpu.dma_semaphore, #tpu.memory_space<semaphore_mem>>
      %dma_start3A_161 = tpu.memref_slice %arg3[%add3A_106] : memref<163840xi32, #tpu.memory_space<hbm>> -> memref<256xi32, #tpu.memory_space<hbm>>
      %dma_start3A_162 = tpu.memref_slice %arg3[%add3A_106] : memref<163840xi32, #tpu.memory_space<hbm>> -> memref<256xi32, #tpu.memory_space<hbm>>
      tpu.enqueue_dma source(%dma_start3A_162 : memref<256xi32, #tpu.memory_space<hbm>>) target(%arg5 : memref<256xi32, #tpu.memory_space<vmem>>) target_semaphore(%run_scoped3A : memref<!tpu.dma_semaphore, #tpu.memory_space<semaphore_mem>>)
      %dma_wait3A_163 = tpu.memref_slice %arg3[%add3A_106] : memref<163840xi32, #tpu.memory_space<hbm>> -> memref<256xi32, #tpu.memory_space<hbm>>
      %dma_wait3A_164 = tpu.memref_slice %arg3[%add3A_106] : memref<163840xi32, #tpu.memory_space<hbm>> -> memref<256xi32, #tpu.memory_space<hbm>>
      tpu.wait_dma2 semaphore(%run_scoped3A : memref<!tpu.dma_semaphore, #tpu.memory_space<semaphore_mem>>) src(%dma_wait3A_164 : memref<256xi32, #tpu.memory_space<hbm>>) dst(%arg5 : memref<256xi32, #tpu.memory_space<vmem>>)
      tpu.yield
    }) : () -> ()
    %dma_start3A_107 = arith.constant 0 : i32
    %dma_start3A_108 = arith.constant 0 : i32
    %dma_start3A_109 = tpu.memref_slice %arg2[%dma_start3A_107, %dma_start3A_108] : memref<8192x128xf32, #tpu.memory_space<hbm>> -> memref<8192x128xf32, #tpu.memory_space<hbm>>
    tpu.enqueue_indirect_dma source(%dma_start3A_109 : memref<8192x128xf32, #tpu.memory_space<hbm>>) target(%arg6 : memref<256x128xf32, #tpu.memory_space<vmem>>) offsets(%arg5 : memref<256xi32, #tpu.memory_space<vmem>>) semaphore(%arg7 : memref<!tpu.dma_semaphore, #tpu.memory_space<semaphore_mem>>)
    %dma_wait3A_110 = arith.constant 0 : i32
    %dma_wait3A_111 = arith.constant 0 : i32
    %dma_wait3A_112 = tpu.memref_slice %arg2[%dma_wait3A_110, %dma_wait3A_111] : memref<8192x128xf32, #tpu.memory_space<hbm>> -> memref<8192x128xf32, #tpu.memory_space<hbm>>
    tpu.wait_indirect_dma semaphore(%arg7 : memref<!tpu.dma_semaphore, #tpu.memory_space<semaphore_mem>>) src(%dma_wait3A_112 : memref<8192x128xf32, #tpu.memory_space<hbm>>) dst(%arg6 : memref<256x128xf32, #tpu.memory_space<vmem>>)
    "tpu.region"() ({
      %run_scoped3A = tpu.sem_alloc : memref<!tpu.dma_semaphore, #tpu.memory_space<semaphore_mem>>
      %dma_start3A_161 = arith.constant 0 : i32
      %dma_start3A_162 = tpu.memref_slice %arg4[%add3A_106, %dma_start3A_161] : memref<163840x128xf32, #tpu.memory_space<hbm>> -> memref<256x128xf32, #tpu.memory_space<hbm>>
      %dma_start3A_163 = arith.constant 0 : i32
      %dma_start3A_164 = tpu.memref_slice %arg4[%add3A_106, %dma_start3A_163] : memref<163840x128xf32, #tpu.memory_space<hbm>> -> memref<256x128xf32, #tpu.memory_space<hbm>>
      tpu.enqueue_dma source(%arg6 : memref<256x128xf32, #tpu.memory_space<vmem>>) target(%dma_start3A_164 : memref<256x128xf32, #tpu.memory_space<hbm>>) target_semaphore(%run_scoped3A : memref<!tpu.dma_semaphore, #tpu.memory_space<semaphore_mem>>)
      %dma_wait3A_165 = arith.constant 0 : i32
      %dma_wait3A_166 = tpu.memref_slice %arg4[%add3A_106, %dma_wait3A_165] : memref<163840x128xf32, #tpu.memory_space<hbm>> -> memref<256x128xf32, #tpu.memory_space<hbm>>
      %dma_wait3A_167 = arith.constant 0 : i32
      %dma_wait3A_168 = tpu.memref_slice %arg4[%add3A_106, %dma_wait3A_167] : memref<163840x128xf32, #tpu.memory_space<hbm>> -> memref<256x128xf32, #tpu.memory_space<hbm>>
      tpu.wait_dma2 semaphore(%run_scoped3A : memref<!tpu.dma_semaphore, #tpu.memory_space<semaphore_mem>>) src(%arg6 : memref<256x128xf32, #tpu.memory_space<vmem>>) dst(%dma_wait3A_168 : memref<256x128xf32, #tpu.memory_space<hbm>>)
      tpu.yield
    }) : () -> ()
    %add3A_113 = arith.constant 3584 : i32
    %add3A_114 = arith.addi %mul3A_2, %add3A_113 : i32
    "tpu.region"() ({
      %run_scoped3A = tpu.sem_alloc : memref<!tpu.dma_semaphore, #tpu.memory_space<semaphore_mem>>
      %dma_start3A_161 = tpu.memref_slice %arg3[%add3A_114] : memref<163840xi32, #tpu.memory_space<hbm>> -> memref<256xi32, #tpu.memory_space<hbm>>
      %dma_start3A_162 = tpu.memref_slice %arg3[%add3A_114] : memref<163840xi32, #tpu.memory_space<hbm>> -> memref<256xi32, #tpu.memory_space<hbm>>
      tpu.enqueue_dma source(%dma_start3A_162 : memref<256xi32, #tpu.memory_space<hbm>>) target(%arg5 : memref<256xi32, #tpu.memory_space<vmem>>) target_semaphore(%run_scoped3A : memref<!tpu.dma_semaphore, #tpu.memory_space<semaphore_mem>>)
      %dma_wait3A_163 = tpu.memref_slice %arg3[%add3A_114] : memref<163840xi32, #tpu.memory_space<hbm>> -> memref<256xi32, #tpu.memory_space<hbm>>
      %dma_wait3A_164 = tpu.memref_slice %arg3[%add3A_114] : memref<163840xi32, #tpu.memory_space<hbm>> -> memref<256xi32, #tpu.memory_space<hbm>>
      tpu.wait_dma2 semaphore(%run_scoped3A : memref<!tpu.dma_semaphore, #tpu.memory_space<semaphore_mem>>) src(%dma_wait3A_164 : memref<256xi32, #tpu.memory_space<hbm>>) dst(%arg5 : memref<256xi32, #tpu.memory_space<vmem>>)
      tpu.yield
    }) : () -> ()
    %dma_start3A_115 = arith.constant 0 : i32
    %dma_start3A_116 = arith.constant 0 : i32
    %dma_start3A_117 = tpu.memref_slice %arg2[%dma_start3A_115, %dma_start3A_116] : memref<8192x128xf32, #tpu.memory_space<hbm>> -> memref<8192x128xf32, #tpu.memory_space<hbm>>
    tpu.enqueue_indirect_dma source(%dma_start3A_117 : memref<8192x128xf32, #tpu.memory_space<hbm>>) target(%arg6 : memref<256x128xf32, #tpu.memory_space<vmem>>) offsets(%arg5 : memref<256xi32, #tpu.memory_space<vmem>>) semaphore(%arg7 : memref<!tpu.dma_semaphore, #tpu.memory_space<semaphore_mem>>)
    %dma_wait3A_118 = arith.constant 0 : i32
    %dma_wait3A_119 = arith.constant 0 : i32
    %dma_wait3A_120 = tpu.memref_slice %arg2[%dma_wait3A_118, %dma_wait3A_119] : memref<8192x128xf32, #tpu.memory_space<hbm>> -> memref<8192x128xf32, #tpu.memory_space<hbm>>
    tpu.wait_indirect_dma semaphore(%arg7 : memref<!tpu.dma_semaphore, #tpu.memory_space<semaphore_mem>>) src(%dma_wait3A_120 : memref<8192x128xf32, #tpu.memory_space<hbm>>) dst(%arg6 : memref<256x128xf32, #tpu.memory_space<vmem>>)
    "tpu.region"() ({
      %run_scoped3A = tpu.sem_alloc : memref<!tpu.dma_semaphore, #tpu.memory_space<semaphore_mem>>
      %dma_start3A_161 = arith.constant 0 : i32
      %dma_start3A_162 = tpu.memref_slice %arg4[%add3A_114, %dma_start3A_161] : memref<163840x128xf32, #tpu.memory_space<hbm>> -> memref<256x128xf32, #tpu.memory_space<hbm>>
      %dma_start3A_163 = arith.constant 0 : i32
      %dma_start3A_164 = tpu.memref_slice %arg4[%add3A_114, %dma_start3A_163] : memref<163840x128xf32, #tpu.memory_space<hbm>> -> memref<256x128xf32, #tpu.memory_space<hbm>>
      tpu.enqueue_dma source(%arg6 : memref<256x128xf32, #tpu.memory_space<vmem>>) target(%dma_start3A_164 : memref<256x128xf32, #tpu.memory_space<hbm>>) target_semaphore(%run_scoped3A : memref<!tpu.dma_semaphore, #tpu.memory_space<semaphore_mem>>)
      %dma_wait3A_165 = arith.constant 0 : i32
      %dma_wait3A_166 = tpu.memref_slice %arg4[%add3A_114, %dma_wait3A_165] : memref<163840x128xf32, #tpu.memory_space<hbm>> -> memref<256x128xf32, #tpu.memory_space<hbm>>
      %dma_wait3A_167 = arith.constant 0 : i32
      %dma_wait3A_168 = tpu.memref_slice %arg4[%add3A_114, %dma_wait3A_167] : memref<163840x128xf32, #tpu.memory_space<hbm>> -> memref<256x128xf32, #tpu.memory_space<hbm>>
      tpu.wait_dma2 semaphore(%run_scoped3A : memref<!tpu.dma_semaphore, #tpu.memory_space<semaphore_mem>>) src(%arg6 : memref<256x128xf32, #tpu.memory_space<vmem>>) dst(%dma_wait3A_168 : memref<256x128xf32, #tpu.memory_space<hbm>>)
      tpu.yield
    }) : () -> ()
    %add3A_121 = arith.constant 3840 : i32
    %add3A_122 = arith.addi %mul3A_2, %add3A_121 : i32
    "tpu.region"() ({
      %run_scoped3A = tpu.sem_alloc : memref<!tpu.dma_semaphore, #tpu.memory_space<semaphore_mem>>
      %dma_start3A_161 = tpu.memref_slice %arg3[%add3A_122] : memref<163840xi32, #tpu.memory_space<hbm>> -> memref<256xi32, #tpu.memory_space<hbm>>
      %dma_start3A_162 = tpu.memref_slice %arg3[%add3A_122] : memref<163840xi32, #tpu.memory_space<hbm>> -> memref<256xi32, #tpu.memory_space<hbm>>
      tpu.enqueue_dma source(%dma_start3A_162 : memref<256xi32, #tpu.memory_space<hbm>>) target(%arg5 : memref<256xi32, #tpu.memory_space<vmem>>) target_semaphore(%run_scoped3A : memref<!tpu.dma_semaphore, #tpu.memory_space<semaphore_mem>>)
      %dma_wait3A_163 = tpu.memref_slice %arg3[%add3A_122] : memref<163840xi32, #tpu.memory_space<hbm>> -> memref<256xi32, #tpu.memory_space<hbm>>
      %dma_wait3A_164 = tpu.memref_slice %arg3[%add3A_122] : memref<163840xi32, #tpu.memory_space<hbm>> -> memref<256xi32, #tpu.memory_space<hbm>>
      tpu.wait_dma2 semaphore(%run_scoped3A : memref<!tpu.dma_semaphore, #tpu.memory_space<semaphore_mem>>) src(%dma_wait3A_164 : memref<256xi32, #tpu.memory_space<hbm>>) dst(%arg5 : memref<256xi32, #tpu.memory_space<vmem>>)
      tpu.yield
    }) : () -> ()
    %dma_start3A_123 = arith.constant 0 : i32
    %dma_start3A_124 = arith.constant 0 : i32
    %dma_start3A_125 = tpu.memref_slice %arg2[%dma_start3A_123, %dma_start3A_124] : memref<8192x128xf32, #tpu.memory_space<hbm>> -> memref<8192x128xf32, #tpu.memory_space<hbm>>
    tpu.enqueue_indirect_dma source(%dma_start3A_125 : memref<8192x128xf32, #tpu.memory_space<hbm>>) target(%arg6 : memref<256x128xf32, #tpu.memory_space<vmem>>) offsets(%arg5 : memref<256xi32, #tpu.memory_space<vmem>>) semaphore(%arg7 : memref<!tpu.dma_semaphore, #tpu.memory_space<semaphore_mem>>)
    %dma_wait3A_126 = arith.constant 0 : i32
    %dma_wait3A_127 = arith.constant 0 : i32
    %dma_wait3A_128 = tpu.memref_slice %arg2[%dma_wait3A_126, %dma_wait3A_127] : memref<8192x128xf32, #tpu.memory_space<hbm>> -> memref<8192x128xf32, #tpu.memory_space<hbm>>
    tpu.wait_indirect_dma semaphore(%arg7 : memref<!tpu.dma_semaphore, #tpu.memory_space<semaphore_mem>>) src(%dma_wait3A_128 : memref<8192x128xf32, #tpu.memory_space<hbm>>) dst(%arg6 : memref<256x128xf32, #tpu.memory_space<vmem>>)
    "tpu.region"() ({
      %run_scoped3A = tpu.sem_alloc : memref<!tpu.dma_semaphore, #tpu.memory_space<semaphore_mem>>
      %dma_start3A_161 = arith.constant 0 : i32
      %dma_start3A_162 = tpu.memref_slice %arg4[%add3A_122, %dma_start3A_161] : memref<163840x128xf32, #tpu.memory_space<hbm>> -> memref<256x128xf32, #tpu.memory_space<hbm>>
      %dma_start3A_163 = arith.constant 0 : i32
      %dma_start3A_164 = tpu.memref_slice %arg4[%add3A_122, %dma_start3A_163] : memref<163840x128xf32, #tpu.memory_space<hbm>> -> memref<256x128xf32, #tpu.memory_space<hbm>>
      tpu.enqueue_dma source(%arg6 : memref<256x128xf32, #tpu.memory_space<vmem>>) target(%dma_start3A_164 : memref<256x128xf32, #tpu.memory_space<hbm>>) target_semaphore(%run_scoped3A : memref<!tpu.dma_semaphore, #tpu.memory_space<semaphore_mem>>)
      %dma_wait3A_165 = arith.constant 0 : i32
      %dma_wait3A_166 = tpu.memref_slice %arg4[%add3A_122, %dma_wait3A_165] : memref<163840x128xf32, #tpu.memory_space<hbm>> -> memref<256x128xf32, #tpu.memory_space<hbm>>
      %dma_wait3A_167 = arith.constant 0 : i32
      %dma_wait3A_168 = tpu.memref_slice %arg4[%add3A_122, %dma_wait3A_167] : memref<163840x128xf32, #tpu.memory_space<hbm>> -> memref<256x128xf32, #tpu.memory_space<hbm>>
      tpu.wait_dma2 semaphore(%run_scoped3A : memref<!tpu.dma_semaphore, #tpu.memory_space<semaphore_mem>>) src(%arg6 : memref<256x128xf32, #tpu.memory_space<vmem>>) dst(%dma_wait3A_168 : memref<256x128xf32, #tpu.memory_space<hbm>>)
      tpu.yield
    }) : () -> ()
    %add3A_129 = arith.constant 4096 : i32
    %add3A_130 = arith.addi %mul3A_2, %add3A_129 : i32
    "tpu.region"() ({
      %run_scoped3A = tpu.sem_alloc : memref<!tpu.dma_semaphore, #tpu.memory_space<semaphore_mem>>
      %dma_start3A_161 = tpu.memref_slice %arg3[%add3A_130] : memref<163840xi32, #tpu.memory_space<hbm>> -> memref<256xi32, #tpu.memory_space<hbm>>
      %dma_start3A_162 = tpu.memref_slice %arg3[%add3A_130] : memref<163840xi32, #tpu.memory_space<hbm>> -> memref<256xi32, #tpu.memory_space<hbm>>
      tpu.enqueue_dma source(%dma_start3A_162 : memref<256xi32, #tpu.memory_space<hbm>>) target(%arg5 : memref<256xi32, #tpu.memory_space<vmem>>) target_semaphore(%run_scoped3A : memref<!tpu.dma_semaphore, #tpu.memory_space<semaphore_mem>>)
      %dma_wait3A_163 = tpu.memref_slice %arg3[%add3A_130] : memref<163840xi32, #tpu.memory_space<hbm>> -> memref<256xi32, #tpu.memory_space<hbm>>
      %dma_wait3A_164 = tpu.memref_slice %arg3[%add3A_130] : memref<163840xi32, #tpu.memory_space<hbm>> -> memref<256xi32, #tpu.memory_space<hbm>>
      tpu.wait_dma2 semaphore(%run_scoped3A : memref<!tpu.dma_semaphore, #tpu.memory_space<semaphore_mem>>) src(%dma_wait3A_164 : memref<256xi32, #tpu.memory_space<hbm>>) dst(%arg5 : memref<256xi32, #tpu.memory_space<vmem>>)
      tpu.yield
    }) : () -> ()
    %dma_start3A_131 = arith.constant 0 : i32
    %dma_start3A_132 = arith.constant 0 : i32
    %dma_start3A_133 = tpu.memref_slice %arg2[%dma_start3A_131, %dma_start3A_132] : memref<8192x128xf32, #tpu.memory_space<hbm>> -> memref<8192x128xf32, #tpu.memory_space<hbm>>
    tpu.enqueue_indirect_dma source(%dma_start3A_133 : memref<8192x128xf32, #tpu.memory_space<hbm>>) target(%arg6 : memref<256x128xf32, #tpu.memory_space<vmem>>) offsets(%arg5 : memref<256xi32, #tpu.memory_space<vmem>>) semaphore(%arg7 : memref<!tpu.dma_semaphore, #tpu.memory_space<semaphore_mem>>)
    %dma_wait3A_134 = arith.constant 0 : i32
    %dma_wait3A_135 = arith.constant 0 : i32
    %dma_wait3A_136 = tpu.memref_slice %arg2[%dma_wait3A_134, %dma_wait3A_135] : memref<8192x128xf32, #tpu.memory_space<hbm>> -> memref<8192x128xf32, #tpu.memory_space<hbm>>
    tpu.wait_indirect_dma semaphore(%arg7 : memref<!tpu.dma_semaphore, #tpu.memory_space<semaphore_mem>>) src(%dma_wait3A_136 : memref<8192x128xf32, #tpu.memory_space<hbm>>) dst(%arg6 : memref<256x128xf32, #tpu.memory_space<vmem>>)
    "tpu.region"() ({
      %run_scoped3A = tpu.sem_alloc : memref<!tpu.dma_semaphore, #tpu.memory_space<semaphore_mem>>
      %dma_start3A_161 = arith.constant 0 : i32
      %dma_start3A_162 = tpu.memref_slice %arg4[%add3A_130, %dma_start3A_161] : memref<163840x128xf32, #tpu.memory_space<hbm>> -> memref<256x128xf32, #tpu.memory_space<hbm>>
      %dma_start3A_163 = arith.constant 0 : i32
      %dma_start3A_164 = tpu.memref_slice %arg4[%add3A_130, %dma_start3A_163] : memref<163840x128xf32, #tpu.memory_space<hbm>> -> memref<256x128xf32, #tpu.memory_space<hbm>>
      tpu.enqueue_dma source(%arg6 : memref<256x128xf32, #tpu.memory_space<vmem>>) target(%dma_start3A_164 : memref<256x128xf32, #tpu.memory_space<hbm>>) target_semaphore(%run_scoped3A : memref<!tpu.dma_semaphore, #tpu.memory_space<semaphore_mem>>)
      %dma_wait3A_165 = arith.constant 0 : i32
      %dma_wait3A_166 = tpu.memref_slice %arg4[%add3A_130, %dma_wait3A_165] : memref<163840x128xf32, #tpu.memory_space<hbm>> -> memref<256x128xf32, #tpu.memory_space<hbm>>
      %dma_wait3A_167 = arith.constant 0 : i32
      %dma_wait3A_168 = tpu.memref_slice %arg4[%add3A_130, %dma_wait3A_167] : memref<163840x128xf32, #tpu.memory_space<hbm>> -> memref<256x128xf32, #tpu.memory_space<hbm>>
      tpu.wait_dma2 semaphore(%run_scoped3A : memref<!tpu.dma_semaphore, #tpu.memory_space<semaphore_mem>>) src(%arg6 : memref<256x128xf32, #tpu.memory_space<vmem>>) dst(%dma_wait3A_168 : memref<256x128xf32, #tpu.memory_space<hbm>>)
      tpu.yield
    }) : () -> ()
    %add3A_137 = arith.constant 4352 : i32
    %add3A_138 = arith.addi %mul3A_2, %add3A_137 : i32
    "tpu.region"() ({
      %run_scoped3A = tpu.sem_alloc : memref<!tpu.dma_semaphore, #tpu.memory_space<semaphore_mem>>
      %dma_start3A_161 = tpu.memref_slice %arg3[%add3A_138] : memref<163840xi32, #tpu.memory_space<hbm>> -> memref<256xi32, #tpu.memory_space<hbm>>
      %dma_start3A_162 = tpu.memref_slice %arg3[%add3A_138] : memref<163840xi32, #tpu.memory_space<hbm>> -> memref<256xi32, #tpu.memory_space<hbm>>
      tpu.enqueue_dma source(%dma_start3A_162 : memref<256xi32, #tpu.memory_space<hbm>>) target(%arg5 : memref<256xi32, #tpu.memory_space<vmem>>) target_semaphore(%run_scoped3A : memref<!tpu.dma_semaphore, #tpu.memory_space<semaphore_mem>>)
      %dma_wait3A_163 = tpu.memref_slice %arg3[%add3A_138] : memref<163840xi32, #tpu.memory_space<hbm>> -> memref<256xi32, #tpu.memory_space<hbm>>
      %dma_wait3A_164 = tpu.memref_slice %arg3[%add3A_138] : memref<163840xi32, #tpu.memory_space<hbm>> -> memref<256xi32, #tpu.memory_space<hbm>>
      tpu.wait_dma2 semaphore(%run_scoped3A : memref<!tpu.dma_semaphore, #tpu.memory_space<semaphore_mem>>) src(%dma_wait3A_164 : memref<256xi32, #tpu.memory_space<hbm>>) dst(%arg5 : memref<256xi32, #tpu.memory_space<vmem>>)
      tpu.yield
    }) : () -> ()
    %dma_start3A_139 = arith.constant 0 : i32
    %dma_start3A_140 = arith.constant 0 : i32
    %dma_start3A_141 = tpu.memref_slice %arg2[%dma_start3A_139, %dma_start3A_140] : memref<8192x128xf32, #tpu.memory_space<hbm>> -> memref<8192x128xf32, #tpu.memory_space<hbm>>
    tpu.enqueue_indirect_dma source(%dma_start3A_141 : memref<8192x128xf32, #tpu.memory_space<hbm>>) target(%arg6 : memref<256x128xf32, #tpu.memory_space<vmem>>) offsets(%arg5 : memref<256xi32, #tpu.memory_space<vmem>>) semaphore(%arg7 : memref<!tpu.dma_semaphore, #tpu.memory_space<semaphore_mem>>)
    %dma_wait3A_142 = arith.constant 0 : i32
    %dma_wait3A_143 = arith.constant 0 : i32
    %dma_wait3A_144 = tpu.memref_slice %arg2[%dma_wait3A_142, %dma_wait3A_143] : memref<8192x128xf32, #tpu.memory_space<hbm>> -> memref<8192x128xf32, #tpu.memory_space<hbm>>
    tpu.wait_indirect_dma semaphore(%arg7 : memref<!tpu.dma_semaphore, #tpu.memory_space<semaphore_mem>>) src(%dma_wait3A_144 : memref<8192x128xf32, #tpu.memory_space<hbm>>) dst(%arg6 : memref<256x128xf32, #tpu.memory_space<vmem>>)
    "tpu.region"() ({
      %run_scoped3A = tpu.sem_alloc : memref<!tpu.dma_semaphore, #tpu.memory_space<semaphore_mem>>
      %dma_start3A_161 = arith.constant 0 : i32
      %dma_start3A_162 = tpu.memref_slice %arg4[%add3A_138, %dma_start3A_161] : memref<163840x128xf32, #tpu.memory_space<hbm>> -> memref<256x128xf32, #tpu.memory_space<hbm>>
      %dma_start3A_163 = arith.constant 0 : i32
      %dma_start3A_164 = tpu.memref_slice %arg4[%add3A_138, %dma_start3A_163] : memref<163840x128xf32, #tpu.memory_space<hbm>> -> memref<256x128xf32, #tpu.memory_space<hbm>>
      tpu.enqueue_dma source(%arg6 : memref<256x128xf32, #tpu.memory_space<vmem>>) target(%dma_start3A_164 : memref<256x128xf32, #tpu.memory_space<hbm>>) target_semaphore(%run_scoped3A : memref<!tpu.dma_semaphore, #tpu.memory_space<semaphore_mem>>)
      %dma_wait3A_165 = arith.constant 0 : i32
      %dma_wait3A_166 = tpu.memref_slice %arg4[%add3A_138, %dma_wait3A_165] : memref<163840x128xf32, #tpu.memory_space<hbm>> -> memref<256x128xf32, #tpu.memory_space<hbm>>
      %dma_wait3A_167 = arith.constant 0 : i32
      %dma_wait3A_168 = tpu.memref_slice %arg4[%add3A_138, %dma_wait3A_167] : memref<163840x128xf32, #tpu.memory_space<hbm>> -> memref<256x128xf32, #tpu.memory_space<hbm>>
      tpu.wait_dma2 semaphore(%run_scoped3A : memref<!tpu.dma_semaphore, #tpu.memory_space<semaphore_mem>>) src(%arg6 : memref<256x128xf32, #tpu.memory_space<vmem>>) dst(%dma_wait3A_168 : memref<256x128xf32, #tpu.memory_space<hbm>>)
      tpu.yield
    }) : () -> ()
    %add3A_145 = arith.constant 4608 : i32
    %add3A_146 = arith.addi %mul3A_2, %add3A_145 : i32
    "tpu.region"() ({
      %run_scoped3A = tpu.sem_alloc : memref<!tpu.dma_semaphore, #tpu.memory_space<semaphore_mem>>
      %dma_start3A_161 = tpu.memref_slice %arg3[%add3A_146] : memref<163840xi32, #tpu.memory_space<hbm>> -> memref<256xi32, #tpu.memory_space<hbm>>
      %dma_start3A_162 = tpu.memref_slice %arg3[%add3A_146] : memref<163840xi32, #tpu.memory_space<hbm>> -> memref<256xi32, #tpu.memory_space<hbm>>
      tpu.enqueue_dma source(%dma_start3A_162 : memref<256xi32, #tpu.memory_space<hbm>>) target(%arg5 : memref<256xi32, #tpu.memory_space<vmem>>) target_semaphore(%run_scoped3A : memref<!tpu.dma_semaphore, #tpu.memory_space<semaphore_mem>>)
      %dma_wait3A_163 = tpu.memref_slice %arg3[%add3A_146] : memref<163840xi32, #tpu.memory_space<hbm>> -> memref<256xi32, #tpu.memory_space<hbm>>
      %dma_wait3A_164 = tpu.memref_slice %arg3[%add3A_146] : memref<163840xi32, #tpu.memory_space<hbm>> -> memref<256xi32, #tpu.memory_space<hbm>>
      tpu.wait_dma2 semaphore(%run_scoped3A : memref<!tpu.dma_semaphore, #tpu.memory_space<semaphore_mem>>) src(%dma_wait3A_164 : memref<256xi32, #tpu.memory_space<hbm>>) dst(%arg5 : memref<256xi32, #tpu.memory_space<vmem>>)
      tpu.yield
    }) : () -> ()
    %dma_start3A_147 = arith.constant 0 : i32
    %dma_start3A_148 = arith.constant 0 : i32
    %dma_start3A_149 = tpu.memref_slice %arg2[%dma_start3A_147, %dma_start3A_148] : memref<8192x128xf32, #tpu.memory_space<hbm>> -> memref<8192x128xf32, #tpu.memory_space<hbm>>
    tpu.enqueue_indirect_dma source(%dma_start3A_149 : memref<8192x128xf32, #tpu.memory_space<hbm>>) target(%arg6 : memref<256x128xf32, #tpu.memory_space<vmem>>) offsets(%arg5 : memref<256xi32, #tpu.memory_space<vmem>>) semaphore(%arg7 : memref<!tpu.dma_semaphore, #tpu.memory_space<semaphore_mem>>)
    %dma_wait3A_150 = arith.constant 0 : i32
    %dma_wait3A_151 = arith.constant 0 : i32
    %dma_wait3A_152 = tpu.memref_slice %arg2[%dma_wait3A_150, %dma_wait3A_151] : memref<8192x128xf32, #tpu.memory_space<hbm>> -> memref<8192x128xf32, #tpu.memory_space<hbm>>
    tpu.wait_indirect_dma semaphore(%arg7 : memref<!tpu.dma_semaphore, #tpu.memory_space<semaphore_mem>>) src(%dma_wait3A_152 : memref<8192x128xf32, #tpu.memory_space<hbm>>) dst(%arg6 : memref<256x128xf32, #tpu.memory_space<vmem>>)
    "tpu.region"() ({
      %run_scoped3A = tpu.sem_alloc : memref<!tpu.dma_semaphore, #tpu.memory_space<semaphore_mem>>
      %dma_start3A_161 = arith.constant 0 : i32
      %dma_start3A_162 = tpu.memref_slice %arg4[%add3A_146, %dma_start3A_161] : memref<163840x128xf32, #tpu.memory_space<hbm>> -> memref<256x128xf32, #tpu.memory_space<hbm>>
      %dma_start3A_163 = arith.constant 0 : i32
      %dma_start3A_164 = tpu.memref_slice %arg4[%add3A_146, %dma_start3A_163] : memref<163840x128xf32, #tpu.memory_space<hbm>> -> memref<256x128xf32, #tpu.memory_space<hbm>>
      tpu.enqueue_dma source(%arg6 : memref<256x128xf32, #tpu.memory_space<vmem>>) target(%dma_start3A_164 : memref<256x128xf32, #tpu.memory_space<hbm>>) target_semaphore(%run_scoped3A : memref<!tpu.dma_semaphore, #tpu.memory_space<semaphore_mem>>)
      %dma_wait3A_165 = arith.constant 0 : i32
      %dma_wait3A_166 = tpu.memref_slice %arg4[%add3A_146, %dma_wait3A_165] : memref<163840x128xf32, #tpu.memory_space<hbm>> -> memref<256x128xf32, #tpu.memory_space<hbm>>
      %dma_wait3A_167 = arith.constant 0 : i32
      %dma_wait3A_168 = tpu.memref_slice %arg4[%add3A_146, %dma_wait3A_167] : memref<163840x128xf32, #tpu.memory_space<hbm>> -> memref<256x128xf32, #tpu.memory_space<hbm>>
      tpu.wait_dma2 semaphore(%run_scoped3A : memref<!tpu.dma_semaphore, #tpu.memory_space<semaphore_mem>>) src(%arg6 : memref<256x128xf32, #tpu.memory_space<vmem>>) dst(%dma_wait3A_168 : memref<256x128xf32, #tpu.memory_space<hbm>>)
      tpu.yield
    }) : () -> ()
    %add3A_153 = arith.constant 4864 : i32
    %add3A_154 = arith.addi %mul3A_2, %add3A_153 : i32
    "tpu.region"() ({
      %run_scoped3A = tpu.sem_alloc : memref<!tpu.dma_semaphore, #tpu.memory_space<semaphore_mem>>
      %dma_start3A_161 = tpu.memref_slice %arg3[%add3A_154] : memref<163840xi32, #tpu.memory_space<hbm>> -> memref<256xi32, #tpu.memory_space<hbm>>
      %dma_start3A_162 = tpu.memref_slice %arg3[%add3A_154] : memref<163840xi32, #tpu.memory_space<hbm>> -> memref<256xi32, #tpu.memory_space<hbm>>
      tpu.enqueue_dma source(%dma_start3A_162 : memref<256xi32, #tpu.memory_space<hbm>>) target(%arg5 : memref<256xi32, #tpu.memory_space<vmem>>) target_semaphore(%run_scoped3A : memref<!tpu.dma_semaphore, #tpu.memory_space<semaphore_mem>>)
      %dma_wait3A_163 = tpu.memref_slice %arg3[%add3A_154] : memref<163840xi32, #tpu.memory_space<hbm>> -> memref<256xi32, #tpu.memory_space<hbm>>
      %dma_wait3A_164 = tpu.memref_slice %arg3[%add3A_154] : memref<163840xi32, #tpu.memory_space<hbm>> -> memref<256xi32, #tpu.memory_space<hbm>>
      tpu.wait_dma2 semaphore(%run_scoped3A : memref<!tpu.dma_semaphore, #tpu.memory_space<semaphore_mem>>) src(%dma_wait3A_164 : memref<256xi32, #tpu.memory_space<hbm>>) dst(%arg5 : memref<256xi32, #tpu.memory_space<vmem>>)
      tpu.yield
    }) : () -> ()
    %dma_start3A_155 = arith.constant 0 : i32
    %dma_start3A_156 = arith.constant 0 : i32
    %dma_start3A_157 = tpu.memref_slice %arg2[%dma_start3A_155, %dma_start3A_156] : memref<8192x128xf32, #tpu.memory_space<hbm>> -> memref<8192x128xf32, #tpu.memory_space<hbm>>
    tpu.enqueue_indirect_dma source(%dma_start3A_157 : memref<8192x128xf32, #tpu.memory_space<hbm>>) target(%arg6 : memref<256x128xf32, #tpu.memory_space<vmem>>) offsets(%arg5 : memref<256xi32, #tpu.memory_space<vmem>>) semaphore(%arg7 : memref<!tpu.dma_semaphore, #tpu.memory_space<semaphore_mem>>)
    %dma_wait3A_158 = arith.constant 0 : i32
    %dma_wait3A_159 = arith.constant 0 : i32
    %dma_wait3A_160 = tpu.memref_slice %arg2[%dma_wait3A_158, %dma_wait3A_159] : memref<8192x128xf32, #tpu.memory_space<hbm>> -> memref<8192x128xf32, #tpu.memory_space<hbm>>
    tpu.wait_indirect_dma semaphore(%arg7 : memref<!tpu.dma_semaphore, #tpu.memory_space<semaphore_mem>>) src(%dma_wait3A_160 : memref<8192x128xf32, #tpu.memory_space<hbm>>) dst(%arg6 : memref<256x128xf32, #tpu.memory_space<vmem>>)
    "tpu.region"() ({
      %run_scoped3A = tpu.sem_alloc : memref<!tpu.dma_semaphore, #tpu.memory_space<semaphore_mem>>
      %dma_start3A_161 = arith.constant 0 : i32
      %dma_start3A_162 = tpu.memref_slice %arg4[%add3A_154, %dma_start3A_161] : memref<163840x128xf32, #tpu.memory_space<hbm>> -> memref<256x128xf32, #tpu.memory_space<hbm>>
      %dma_start3A_163 = arith.constant 0 : i32
      %dma_start3A_164 = tpu.memref_slice %arg4[%add3A_154, %dma_start3A_163] : memref<163840x128xf32, #tpu.memory_space<hbm>> -> memref<256x128xf32, #tpu.memory_space<hbm>>
      tpu.enqueue_dma source(%arg6 : memref<256x128xf32, #tpu.memory_space<vmem>>) target(%dma_start3A_164 : memref<256x128xf32, #tpu.memory_space<hbm>>) target_semaphore(%run_scoped3A : memref<!tpu.dma_semaphore, #tpu.memory_space<semaphore_mem>>)
      %dma_wait3A_165 = arith.constant 0 : i32
      %dma_wait3A_166 = tpu.memref_slice %arg4[%add3A_154, %dma_wait3A_165] : memref<163840x128xf32, #tpu.memory_space<hbm>> -> memref<256x128xf32, #tpu.memory_space<hbm>>
      %dma_wait3A_167 = arith.constant 0 : i32
      %dma_wait3A_168 = tpu.memref_slice %arg4[%add3A_154, %dma_wait3A_167] : memref<163840x128xf32, #tpu.memory_space<hbm>> -> memref<256x128xf32, #tpu.memory_space<hbm>>
      tpu.wait_dma2 semaphore(%run_scoped3A : memref<!tpu.dma_semaphore, #tpu.memory_space<semaphore_mem>>) src(%arg6 : memref<256x128xf32, #tpu.memory_space<vmem>>) dst(%dma_wait3A_168 : memref<256x128xf32, #tpu.memory_space<hbm>>)
      tpu.yield
    }) : () -> ()
    return
  }
}

#map = affine_map<(d0, d1) -> (0, 0)>
#map1 = affine_map<(d0, d1) -> (0)>
module attributes {stable_mosaic.version = 14 : i64} {
  func.func @k(%arg0: i32, %arg1: i32, %arg2: memref<8192x128xf32, #tpu.memory_space<hbm>>, %arg3: memref<163840xi32, #tpu.memory_space<hbm>>, %arg4: memref<163840x128xf32, #tpu.memory_space<hbm>>, %arg5: memref<256xi32, #tpu.memory_space<vmem>>, %arg6: memref<256x128xf32, #tpu.memory_space<vmem>>, %arg7: memref<!tpu.dma_semaphore, #tpu.memory_space<semaphore_mem>>) attributes {dimension_semantics = [#tpu.dimension_semantics<core_parallel>, #tpu.dimension_semantics<subcore_parallel>], iteration_bounds = array<i64: 2, 16>, scalar_prefetch = 0 : i64, scratch_operands = 3 : i64, tpu.core_type = #tpu.core_type<sc_vector_subcore>, window_params = [{transform_indices = #map}, {transform_indices = #map1}, {transform_indices = #map}]} {
    %mul3A = arith.constant 2 : i32
    %mul3A_0 = arith.muli %arg1, %mul3A : i32
    %add3A = arith.addi %mul3A_0, %arg0 : i32
    %mul3A_1 = arith.constant 5120 : i32
    %mul3A_2 = arith.muli %add3A, %mul3A_1 : i32
    %add3A_3 = arith.constant 0 : i32
    %add3A_4 = arith.addi %mul3A_2, %add3A_3 : i32
    "tpu.region"() ({
      %run_scoped3A = tpu.sem_alloc : memref<!tpu.dma_semaphore, #tpu.memory_space<semaphore_mem>>
      %dma_start3A_161 = tpu.memref_slice %arg3[%add3A_4] : memref<163840xi32, #tpu.memory_space<hbm>> -> memref<256xi32, #tpu.memory_space<hbm>>
      %dma_start3A_162 = tpu.memref_slice %arg3[%add3A_4] : memref<163840xi32, #tpu.memory_space<hbm>> -> memref<256xi32, #tpu.memory_space<hbm>>
      tpu.enqueue_dma source(%dma_start3A_162 : memref<256xi32, #tpu.memory_space<hbm>>) target(%arg5 : memref<256xi32, #tpu.memory_space<vmem>>) target_semaphore(%run_scoped3A : memref<!tpu.dma_semaphore, #tpu.memory_space<semaphore_mem>>)
      %dma_wait3A_163 = tpu.memref_slice %arg3[%add3A_4] : memref<163840xi32, #tpu.memory_space<hbm>> -> memref<256xi32, #tpu.memory_space<hbm>>
      %dma_wait3A_164 = tpu.memref_slice %arg3[%add3A_4] : memref<163840xi32, #tpu.memory_space<hbm>> -> memref<256xi32, #tpu.memory_space<hbm>>
      tpu.wait_dma2 semaphore(%run_scoped3A : memref<!tpu.dma_semaphore, #tpu.memory_space<semaphore_mem>>) src(%dma_wait3A_164 : memref<256xi32, #tpu.memory_space<hbm>>) dst(%arg5 : memref<256xi32, #tpu.memory_space<vmem>>)
      tpu.yield
    }) : () -> ()
    %dma_start3A = arith.constant 0 : i32
    %dma_start3A_5 = arith.constant 0 : i32
    %dma_start3A_6 = tpu.memref_slice %arg2[%dma_start3A, %dma_start3A_5] : memref<8192x128xf32, #tpu.memory_space<hbm>> -> memref<8192x128xf32, #tpu.memory_space<hbm>>
    tpu.enqueue_indirect_dma source(%dma_start3A_6 : memref<8192x128xf32, #tpu.memory_space<hbm>>) target(%arg6 : memref<256x128xf32, #tpu.memory_space<vmem>>) offsets(%arg5 : memref<256xi32, #tpu.memory_space<vmem>>) semaphore(%arg7 : memref<!tpu.dma_semaphore, #tpu.memory_space<semaphore_mem>>)
    %dma_wait3A = arith.constant 0 : i32
    %dma_wait3A_7 = arith.constant 0 : i32
    %dma_wait3A_8 = tpu.memref_slice %arg2[%dma_wait3A, %dma_wait3A_7] : memref<8192x128xf32, #tpu.memory_space<hbm>> -> memref<8192x128xf32, #tpu.memory_space<hbm>>
    tpu.wait_indirect_dma semaphore(%arg7 : memref<!tpu.dma_semaphore, #tpu.memory_space<semaphore_mem>>) src(%dma_wait3A_8 : memref<8192x128xf32, #tpu.memory_space<hbm>>) dst(%arg6 : memref<256x128xf32, #tpu.memory_space<vmem>>)
    "tpu.region"() ({
      %run_scoped3A = tpu.sem_alloc : memref<!tpu.dma_semaphore, #tpu.memory_space<semaphore_mem>>
      %dma_start3A_161 = arith.constant 0 : i32
      %dma_start3A_162 = tpu.memref_slice %arg4[%add3A_4, %dma_start3A_161] : memref<163840x128xf32, #tpu.memory_space<hbm>> -> memref<256x128xf32, #tpu.memory_space<hbm>>
      %dma_start3A_163 = arith.constant 0 : i32
      %dma_start3A_164 = tpu.memref_slice %arg4[%add3A_4, %dma_start3A_163] : memref<163840x128xf32, #tpu.memory_space<hbm>> -> memref<256x128xf32, #tpu.memory_space<hbm>>
      tpu.enqueue_dma source(%arg6 : memref<256x128xf32, #tpu.memory_space<vmem>>) target(%dma_start3A_164 : memref<256x128xf32, #tpu.memory_space<hbm>>) target_semaphore(%run_scoped3A : memref<!tpu.dma_semaphore, #tpu.memory_space<semaphore_mem>>)
      %dma_wait3A_165 = arith.constant 0 : i32
      %dma_wait3A_166 = tpu.memref_slice %arg4[%add3A_4, %dma_wait3A_165] : memref<163840x128xf32, #tpu.memory_space<hbm>> -> memref<256x128xf32, #tpu.memory_space<hbm>>
      %dma_wait3A_167 = arith.constant 0 : i32
      %dma_wait3A_168 = tpu.memref_slice %arg4[%add3A_4, %dma_wait3A_167] : memref<163840x128xf32, #tpu.memory_space<hbm>> -> memref<256x128xf32, #tpu.memory_space<hbm>>
      tpu.wait_dma2 semaphore(%run_scoped3A : memref<!tpu.dma_semaphore, #tpu.memory_space<semaphore_mem>>) src(%arg6 : memref<256x128xf32, #tpu.memory_space<vmem>>) dst(%dma_wait3A_168 : memref<256x128xf32, #tpu.memory_space<hbm>>)
      tpu.yield
    }) : () -> ()
    %add3A_9 = arith.constant 256 : i32
    %add3A_10 = arith.addi %mul3A_2, %add3A_9 : i32
    "tpu.region"() ({
      %run_scoped3A = tpu.sem_alloc : memref<!tpu.dma_semaphore, #tpu.memory_space<semaphore_mem>>
      %dma_start3A_161 = tpu.memref_slice %arg3[%add3A_10] : memref<163840xi32, #tpu.memory_space<hbm>> -> memref<256xi32, #tpu.memory_space<hbm>>
      %dma_start3A_162 = tpu.memref_slice %arg3[%add3A_10] : memref<163840xi32, #tpu.memory_space<hbm>> -> memref<256xi32, #tpu.memory_space<hbm>>
      tpu.enqueue_dma source(%dma_start3A_162 : memref<256xi32, #tpu.memory_space<hbm>>) target(%arg5 : memref<256xi32, #tpu.memory_space<vmem>>) target_semaphore(%run_scoped3A : memref<!tpu.dma_semaphore, #tpu.memory_space<semaphore_mem>>)
      %dma_wait3A_163 = tpu.memref_slice %arg3[%add3A_10] : memref<163840xi32, #tpu.memory_space<hbm>> -> memref<256xi32, #tpu.memory_space<hbm>>
      %dma_wait3A_164 = tpu.memref_slice %arg3[%add3A_10] : memref<163840xi32, #tpu.memory_space<hbm>> -> memref<256xi32, #tpu.memory_space<hbm>>
      tpu.wait_dma2 semaphore(%run_scoped3A : memref<!tpu.dma_semaphore, #tpu.memory_space<semaphore_mem>>) src(%dma_wait3A_164 : memref<256xi32, #tpu.memory_space<hbm>>) dst(%arg5 : memref<256xi32, #tpu.memory_space<vmem>>)
      tpu.yield
    }) : () -> ()
    %dma_start3A_11 = arith.constant 0 : i32
    %dma_start3A_12 = arith.constant 0 : i32
    %dma_start3A_13 = tpu.memref_slice %arg2[%dma_start3A_11, %dma_start3A_12] : memref<8192x128xf32, #tpu.memory_space<hbm>> -> memref<8192x128xf32, #tpu.memory_space<hbm>>
    tpu.enqueue_indirect_dma source(%dma_start3A_13 : memref<8192x128xf32, #tpu.memory_space<hbm>>) target(%arg6 : memref<256x128xf32, #tpu.memory_space<vmem>>) offsets(%arg5 : memref<256xi32, #tpu.memory_space<vmem>>) semaphore(%arg7 : memref<!tpu.dma_semaphore, #tpu.memory_space<semaphore_mem>>)
    %dma_wait3A_14 = arith.constant 0 : i32
    %dma_wait3A_15 = arith.constant 0 : i32
    %dma_wait3A_16 = tpu.memref_slice %arg2[%dma_wait3A_14, %dma_wait3A_15] : memref<8192x128xf32, #tpu.memory_space<hbm>> -> memref<8192x128xf32, #tpu.memory_space<hbm>>
    tpu.wait_indirect_dma semaphore(%arg7 : memref<!tpu.dma_semaphore, #tpu.memory_space<semaphore_mem>>) src(%dma_wait3A_16 : memref<8192x128xf32, #tpu.memory_space<hbm>>) dst(%arg6 : memref<256x128xf32, #tpu.memory_space<vmem>>)
    "tpu.region"() ({
      %run_scoped3A = tpu.sem_alloc : memref<!tpu.dma_semaphore, #tpu.memory_space<semaphore_mem>>
      %dma_start3A_161 = arith.constant 0 : i32
      %dma_start3A_162 = tpu.memref_slice %arg4[%add3A_10, %dma_start3A_161] : memref<163840x128xf32, #tpu.memory_space<hbm>> -> memref<256x128xf32, #tpu.memory_space<hbm>>
      %dma_start3A_163 = arith.constant 0 : i32
      %dma_start3A_164 = tpu.memref_slice %arg4[%add3A_10, %dma_start3A_163] : memref<163840x128xf32, #tpu.memory_space<hbm>> -> memref<256x128xf32, #tpu.memory_space<hbm>>
      tpu.enqueue_dma source(%arg6 : memref<256x128xf32, #tpu.memory_space<vmem>>) target(%dma_start3A_164 : memref<256x128xf32, #tpu.memory_space<hbm>>) target_semaphore(%run_scoped3A : memref<!tpu.dma_semaphore, #tpu.memory_space<semaphore_mem>>)
      %dma_wait3A_165 = arith.constant 0 : i32
      %dma_wait3A_166 = tpu.memref_slice %arg4[%add3A_10, %dma_wait3A_165] : memref<163840x128xf32, #tpu.memory_space<hbm>> -> memref<256x128xf32, #tpu.memory_space<hbm>>
      %dma_wait3A_167 = arith.constant 0 : i32
      %dma_wait3A_168 = tpu.memref_slice %arg4[%add3A_10, %dma_wait3A_167] : memref<163840x128xf32, #tpu.memory_space<hbm>> -> memref<256x128xf32, #tpu.memory_space<hbm>>
      tpu.wait_dma2 semaphore(%run_scoped3A : memref<!tpu.dma_semaphore, #tpu.memory_space<semaphore_mem>>) src(%arg6 : memref<256x128xf32, #tpu.memory_space<vmem>>) dst(%dma_wait3A_168 : memref<256x128xf32, #tpu.memory_space<hbm>>)
      tpu.yield
    }) : () -> ()
    %add3A_17 = arith.constant 512 : i32
    %add3A_18 = arith.addi %mul3A_2, %add3A_17 : i32
    "tpu.region"() ({
      %run_scoped3A = tpu.sem_alloc : memref<!tpu.dma_semaphore, #tpu.memory_space<semaphore_mem>>
      %dma_start3A_161 = tpu.memref_slice %arg3[%add3A_18] : memref<163840xi32, #tpu.memory_space<hbm>> -> memref<256xi32, #tpu.memory_space<hbm>>
      %dma_start3A_162 = tpu.memref_slice %arg3[%add3A_18] : memref<163840xi32, #tpu.memory_space<hbm>> -> memref<256xi32, #tpu.memory_space<hbm>>
      tpu.enqueue_dma source(%dma_start3A_162 : memref<256xi32, #tpu.memory_space<hbm>>) target(%arg5 : memref<256xi32, #tpu.memory_space<vmem>>) target_semaphore(%run_scoped3A : memref<!tpu.dma_semaphore, #tpu.memory_space<semaphore_mem>>)
      %dma_wait3A_163 = tpu.memref_slice %arg3[%add3A_18] : memref<163840xi32, #tpu.memory_space<hbm>> -> memref<256xi32, #tpu.memory_space<hbm>>
      %dma_wait3A_164 = tpu.memref_slice %arg3[%add3A_18] : memref<163840xi32, #tpu.memory_space<hbm>> -> memref<256xi32, #tpu.memory_space<hbm>>
      tpu.wait_dma2 semaphore(%run_scoped3A : memref<!tpu.dma_semaphore, #tpu.memory_space<semaphore_mem>>) src(%dma_wait3A_164 : memref<256xi32, #tpu.memory_space<hbm>>) dst(%arg5 : memref<256xi32, #tpu.memory_space<vmem>>)
      tpu.yield
    }) : () -> ()
    %dma_start3A_19 = arith.constant 0 : i32
    %dma_start3A_20 = arith.constant 0 : i32
    %dma_start3A_21 = tpu.memref_slice %arg2[%dma_start3A_19, %dma_start3A_20] : memref<8192x128xf32, #tpu.memory_space<hbm>> -> memref<8192x128xf32, #tpu.memory_space<hbm>>
    tpu.enqueue_indirect_dma source(%dma_start3A_21 : memref<8192x128xf32, #tpu.memory_space<hbm>>) target(%arg6 : memref<256x128xf32, #tpu.memory_space<vmem>>) offsets(%arg5 : memref<256xi32, #tpu.memory_space<vmem>>) semaphore(%arg7 : memref<!tpu.dma_semaphore, #tpu.memory_space<semaphore_mem>>)
    %dma_wait3A_22 = arith.constant 0 : i32
    %dma_wait3A_23 = arith.constant 0 : i32
    %dma_wait3A_24 = tpu.memref_slice %arg2[%dma_wait3A_22, %dma_wait3A_23] : memref<8192x128xf32, #tpu.memory_space<hbm>> -> memref<8192x128xf32, #tpu.memory_space<hbm>>
    tpu.wait_indirect_dma semaphore(%arg7 : memref<!tpu.dma_semaphore, #tpu.memory_space<semaphore_mem>>) src(%dma_wait3A_24 : memref<8192x128xf32, #tpu.memory_space<hbm>>) dst(%arg6 : memref<256x128xf32, #tpu.memory_space<vmem>>)
    "tpu.region"() ({
      %run_scoped3A = tpu.sem_alloc : memref<!tpu.dma_semaphore, #tpu.memory_space<semaphore_mem>>
      %dma_start3A_161 = arith.constant 0 : i32
      %dma_start3A_162 = tpu.memref_slice %arg4[%add3A_18, %dma_start3A_161] : memref<163840x128xf32, #tpu.memory_space<hbm>> -> memref<256x128xf32, #tpu.memory_space<hbm>>
      %dma_start3A_163 = arith.constant 0 : i32
      %dma_start3A_164 = tpu.memref_slice %arg4[%add3A_18, %dma_start3A_163] : memref<163840x128xf32, #tpu.memory_space<hbm>> -> memref<256x128xf32, #tpu.memory_space<hbm>>
      tpu.enqueue_dma source(%arg6 : memref<256x128xf32, #tpu.memory_space<vmem>>) target(%dma_start3A_164 : memref<256x128xf32, #tpu.memory_space<hbm>>) target_semaphore(%run_scoped3A : memref<!tpu.dma_semaphore, #tpu.memory_space<semaphore_mem>>)
      %dma_wait3A_165 = arith.constant 0 : i32
      %dma_wait3A_166 = tpu.memref_slice %arg4[%add3A_18, %dma_wait3A_165] : memref<163840x128xf32, #tpu.memory_space<hbm>> -> memref<256x128xf32, #tpu.memory_space<hbm>>
      %dma_wait3A_167 = arith.constant 0 : i32
      %dma_wait3A_168 = tpu.memref_slice %arg4[%add3A_18, %dma_wait3A_167] : memref<163840x128xf32, #tpu.memory_space<hbm>> -> memref<256x128xf32, #tpu.memory_space<hbm>>
      tpu.wait_dma2 semaphore(%run_scoped3A : memref<!tpu.dma_semaphore, #tpu.memory_space<semaphore_mem>>) src(%arg6 : memref<256x128xf32, #tpu.memory_space<vmem>>) dst(%dma_wait3A_168 : memref<256x128xf32, #tpu.memory_space<hbm>>)
      tpu.yield
    }) : () -> ()
    %add3A_25 = arith.constant 768 : i32
    %add3A_26 = arith.addi %mul3A_2, %add3A_25 : i32
    "tpu.region"() ({
      %run_scoped3A = tpu.sem_alloc : memref<!tpu.dma_semaphore, #tpu.memory_space<semaphore_mem>>
      %dma_start3A_161 = tpu.memref_slice %arg3[%add3A_26] : memref<163840xi32, #tpu.memory_space<hbm>> -> memref<256xi32, #tpu.memory_space<hbm>>
      %dma_start3A_162 = tpu.memref_slice %arg3[%add3A_26] : memref<163840xi32, #tpu.memory_space<hbm>> -> memref<256xi32, #tpu.memory_space<hbm>>
      tpu.enqueue_dma source(%dma_start3A_162 : memref<256xi32, #tpu.memory_space<hbm>>) target(%arg5 : memref<256xi32, #tpu.memory_space<vmem>>) target_semaphore(%run_scoped3A : memref<!tpu.dma_semaphore, #tpu.memory_space<semaphore_mem>>)
      %dma_wait3A_163 = tpu.memref_slice %arg3[%add3A_26] : memref<163840xi32, #tpu.memory_space<hbm>> -> memref<256xi32, #tpu.memory_space<hbm>>
      %dma_wait3A_164 = tpu.memref_slice %arg3[%add3A_26] : memref<163840xi32, #tpu.memory_space<hbm>> -> memref<256xi32, #tpu.memory_space<hbm>>
      tpu.wait_dma2 semaphore(%run_scoped3A : memref<!tpu.dma_semaphore, #tpu.memory_space<semaphore_mem>>) src(%dma_wait3A_164 : memref<256xi32, #tpu.memory_space<hbm>>) dst(%arg5 : memref<256xi32, #tpu.memory_space<vmem>>)
      tpu.yield
    }) : () -> ()
    %dma_start3A_27 = arith.constant 0 : i32
    %dma_start3A_28 = arith.constant 0 : i32
    %dma_start3A_29 = tpu.memref_slice %arg2[%dma_start3A_27, %dma_start3A_28] : memref<8192x128xf32, #tpu.memory_space<hbm>> -> memref<8192x128xf32, #tpu.memory_space<hbm>>
    tpu.enqueue_indirect_dma source(%dma_start3A_29 : memref<8192x128xf32, #tpu.memory_space<hbm>>) target(%arg6 : memref<256x128xf32, #tpu.memory_space<vmem>>) offsets(%arg5 : memref<256xi32, #tpu.memory_space<vmem>>) semaphore(%arg7 : memref<!tpu.dma_semaphore, #tpu.memory_space<semaphore_mem>>)
    %dma_wait3A_30 = arith.constant 0 : i32
    %dma_wait3A_31 = arith.constant 0 : i32
    %dma_wait3A_32 = tpu.memref_slice %arg2[%dma_wait3A_30, %dma_wait3A_31] : memref<8192x128xf32, #tpu.memory_space<hbm>> -> memref<8192x128xf32, #tpu.memory_space<hbm>>
    tpu.wait_indirect_dma semaphore(%arg7 : memref<!tpu.dma_semaphore, #tpu.memory_space<semaphore_mem>>) src(%dma_wait3A_32 : memref<8192x128xf32, #tpu.memory_space<hbm>>) dst(%arg6 : memref<256x128xf32, #tpu.memory_space<vmem>>)
    "tpu.region"() ({
      %run_scoped3A = tpu.sem_alloc : memref<!tpu.dma_semaphore, #tpu.memory_space<semaphore_mem>>
      %dma_start3A_161 = arith.constant 0 : i32
      %dma_start3A_162 = tpu.memref_slice %arg4[%add3A_26, %dma_start3A_161] : memref<163840x128xf32, #tpu.memory_space<hbm>> -> memref<256x128xf32, #tpu.memory_space<hbm>>
      %dma_start3A_163 = arith.constant 0 : i32
      %dma_start3A_164 = tpu.memref_slice %arg4[%add3A_26, %dma_start3A_163] : memref<163840x128xf32, #tpu.memory_space<hbm>> -> memref<256x128xf32, #tpu.memory_space<hbm>>
      tpu.enqueue_dma source(%arg6 : memref<256x128xf32, #tpu.memory_space<vmem>>) target(%dma_start3A_164 : memref<256x128xf32, #tpu.memory_space<hbm>>) target_semaphore(%run_scoped3A : memref<!tpu.dma_semaphore, #tpu.memory_space<semaphore_mem>>)
      %dma_wait3A_165 = arith.constant 0 : i32
      %dma_wait3A_166 = tpu.memref_slice %arg4[%add3A_26, %dma_wait3A_165] : memref<163840x128xf32, #tpu.memory_space<hbm>> -> memref<256x128xf32, #tpu.memory_space<hbm>>
      %dma_wait3A_167 = arith.constant 0 : i32
      %dma_wait3A_168 = tpu.memref_slice %arg4[%add3A_26, %dma_wait3A_167] : memref<163840x128xf32, #tpu.memory_space<hbm>> -> memref<256x128xf32, #tpu.memory_space<hbm>>
      tpu.wait_dma2 semaphore(%run_scoped3A : memref<!tpu.dma_semaphore, #tpu.memory_space<semaphore_mem>>) src(%arg6 : memref<256x128xf32, #tpu.memory_space<vmem>>) dst(%dma_wait3A_168 : memref<256x128xf32, #tpu.memory_space<hbm>>)
      tpu.yield
    }) : () -> ()
    %add3A_33 = arith.constant 1024 : i32
    %add3A_34 = arith.addi %mul3A_2, %add3A_33 : i32
    "tpu.region"() ({
      %run_scoped3A = tpu.sem_alloc : memref<!tpu.dma_semaphore, #tpu.memory_space<semaphore_mem>>
      %dma_start3A_161 = tpu.memref_slice %arg3[%add3A_34] : memref<163840xi32, #tpu.memory_space<hbm>> -> memref<256xi32, #tpu.memory_space<hbm>>
      %dma_start3A_162 = tpu.memref_slice %arg3[%add3A_34] : memref<163840xi32, #tpu.memory_space<hbm>> -> memref<256xi32, #tpu.memory_space<hbm>>
      tpu.enqueue_dma source(%dma_start3A_162 : memref<256xi32, #tpu.memory_space<hbm>>) target(%arg5 : memref<256xi32, #tpu.memory_space<vmem>>) target_semaphore(%run_scoped3A : memref<!tpu.dma_semaphore, #tpu.memory_space<semaphore_mem>>)
      %dma_wait3A_163 = tpu.memref_slice %arg3[%add3A_34] : memref<163840xi32, #tpu.memory_space<hbm>> -> memref<256xi32, #tpu.memory_space<hbm>>
      %dma_wait3A_164 = tpu.memref_slice %arg3[%add3A_34] : memref<163840xi32, #tpu.memory_space<hbm>> -> memref<256xi32, #tpu.memory_space<hbm>>
      tpu.wait_dma2 semaphore(%run_scoped3A : memref<!tpu.dma_semaphore, #tpu.memory_space<semaphore_mem>>) src(%dma_wait3A_164 : memref<256xi32, #tpu.memory_space<hbm>>) dst(%arg5 : memref<256xi32, #tpu.memory_space<vmem>>)
      tpu.yield
    }) : () -> ()
    %dma_start3A_35 = arith.constant 0 : i32
    %dma_start3A_36 = arith.constant 0 : i32
    %dma_start3A_37 = tpu.memref_slice %arg2[%dma_start3A_35, %dma_start3A_36] : memref<8192x128xf32, #tpu.memory_space<hbm>> -> memref<8192x128xf32, #tpu.memory_space<hbm>>
    tpu.enqueue_indirect_dma source(%dma_start3A_37 : memref<8192x128xf32, #tpu.memory_space<hbm>>) target(%arg6 : memref<256x128xf32, #tpu.memory_space<vmem>>) offsets(%arg5 : memref<256xi32, #tpu.memory_space<vmem>>) semaphore(%arg7 : memref<!tpu.dma_semaphore, #tpu.memory_space<semaphore_mem>>)
    %dma_wait3A_38 = arith.constant 0 : i32
    %dma_wait3A_39 = arith.constant 0 : i32
    %dma_wait3A_40 = tpu.memref_slice %arg2[%dma_wait3A_38, %dma_wait3A_39] : memref<8192x128xf32, #tpu.memory_space<hbm>> -> memref<8192x128xf32, #tpu.memory_space<hbm>>
    tpu.wait_indirect_dma semaphore(%arg7 : memref<!tpu.dma_semaphore, #tpu.memory_space<semaphore_mem>>) src(%dma_wait3A_40 : memref<8192x128xf32, #tpu.memory_space<hbm>>) dst(%arg6 : memref<256x128xf32, #tpu.memory_space<vmem>>)
    "tpu.region"() ({
      %run_scoped3A = tpu.sem_alloc : memref<!tpu.dma_semaphore, #tpu.memory_space<semaphore_mem>>
      %dma_start3A_161 = arith.constant 0 : i32
      %dma_start3A_162 = tpu.memref_slice %arg4[%add3A_34, %dma_start3A_161] : memref<163840x128xf32, #tpu.memory_space<hbm>> -> memref<256x128xf32, #tpu.memory_space<hbm>>
      %dma_start3A_163 = arith.constant 0 : i32
      %dma_start3A_164 = tpu.memref_slice %arg4[%add3A_34, %dma_start3A_163] : memref<163840x128xf32, #tpu.memory_space<hbm>> -> memref<256x128xf32, #tpu.memory_space<hbm>>
      tpu.enqueue_dma source(%arg6 : memref<256x128xf32, #tpu.memory_space<vmem>>) target(%dma_start3A_164 : memref<256x128xf32, #tpu.memory_space<hbm>>) target_semaphore(%run_scoped3A : memref<!tpu.dma_semaphore, #tpu.memory_space<semaphore_mem>>)
      %dma_wait3A_165 = arith.constant 0 : i32
      %dma_wait3A_166 = tpu.memref_slice %arg4[%add3A_34, %dma_wait3A_165] : memref<163840x128xf32, #tpu.memory_space<hbm>> -> memref<256x128xf32, #tpu.memory_space<hbm>>
      %dma_wait3A_167 = arith.constant 0 : i32
      %dma_wait3A_168 = tpu.memref_slice %arg4[%add3A_34, %dma_wait3A_167] : memref<163840x128xf32, #tpu.memory_space<hbm>> -> memref<256x128xf32, #tpu.memory_space<hbm>>
      tpu.wait_dma2 semaphore(%run_scoped3A : memref<!tpu.dma_semaphore, #tpu.memory_space<semaphore_mem>>) src(%arg6 : memref<256x128xf32, #tpu.memory_space<vmem>>) dst(%dma_wait3A_168 : memref<256x128xf32, #tpu.memory_space<hbm>>)
      tpu.yield
    }) : () -> ()
    %add3A_41 = arith.constant 1280 : i32
    %add3A_42 = arith.addi %mul3A_2, %add3A_41 : i32
    "tpu.region"() ({
      %run_scoped3A = tpu.sem_alloc : memref<!tpu.dma_semaphore, #tpu.memory_space<semaphore_mem>>
      %dma_start3A_161 = tpu.memref_slice %arg3[%add3A_42] : memref<163840xi32, #tpu.memory_space<hbm>> -> memref<256xi32, #tpu.memory_space<hbm>>
      %dma_start3A_162 = tpu.memref_slice %arg3[%add3A_42] : memref<163840xi32, #tpu.memory_space<hbm>> -> memref<256xi32, #tpu.memory_space<hbm>>
      tpu.enqueue_dma source(%dma_start3A_162 : memref<256xi32, #tpu.memory_space<hbm>>) target(%arg5 : memref<256xi32, #tpu.memory_space<vmem>>) target_semaphore(%run_scoped3A : memref<!tpu.dma_semaphore, #tpu.memory_space<semaphore_mem>>)
      %dma_wait3A_163 = tpu.memref_slice %arg3[%add3A_42] : memref<163840xi32, #tpu.memory_space<hbm>> -> memref<256xi32, #tpu.memory_space<hbm>>
      %dma_wait3A_164 = tpu.memref_slice %arg3[%add3A_42] : memref<163840xi32, #tpu.memory_space<hbm>> -> memref<256xi32, #tpu.memory_space<hbm>>
      tpu.wait_dma2 semaphore(%run_scoped3A : memref<!tpu.dma_semaphore, #tpu.memory_space<semaphore_mem>>) src(%dma_wait3A_164 : memref<256xi32, #tpu.memory_space<hbm>>) dst(%arg5 : memref<256xi32, #tpu.memory_space<vmem>>)
      tpu.yield
    }) : () -> ()
    %dma_start3A_43 = arith.constant 0 : i32
    %dma_start3A_44 = arith.constant 0 : i32
    %dma_start3A_45 = tpu.memref_slice %arg2[%dma_start3A_43, %dma_start3A_44] : memref<8192x128xf32, #tpu.memory_space<hbm>> -> memref<8192x128xf32, #tpu.memory_space<hbm>>
    tpu.enqueue_indirect_dma source(%dma_start3A_45 : memref<8192x128xf32, #tpu.memory_space<hbm>>) target(%arg6 : memref<256x128xf32, #tpu.memory_space<vmem>>) offsets(%arg5 : memref<256xi32, #tpu.memory_space<vmem>>) semaphore(%arg7 : memref<!tpu.dma_semaphore, #tpu.memory_space<semaphore_mem>>)
    %dma_wait3A_46 = arith.constant 0 : i32
    %dma_wait3A_47 = arith.constant 0 : i32
    %dma_wait3A_48 = tpu.memref_slice %arg2[%dma_wait3A_46, %dma_wait3A_47] : memref<8192x128xf32, #tpu.memory_space<hbm>> -> memref<8192x128xf32, #tpu.memory_space<hbm>>
    tpu.wait_indirect_dma semaphore(%arg7 : memref<!tpu.dma_semaphore, #tpu.memory_space<semaphore_mem>>) src(%dma_wait3A_48 : memref<8192x128xf32, #tpu.memory_space<hbm>>) dst(%arg6 : memref<256x128xf32, #tpu.memory_space<vmem>>)
    "tpu.region"() ({
      %run_scoped3A = tpu.sem_alloc : memref<!tpu.dma_semaphore, #tpu.memory_space<semaphore_mem>>
      %dma_start3A_161 = arith.constant 0 : i32
      %dma_start3A_162 = tpu.memref_slice %arg4[%add3A_42, %dma_start3A_161] : memref<163840x128xf32, #tpu.memory_space<hbm>> -> memref<256x128xf32, #tpu.memory_space<hbm>>
      %dma_start3A_163 = arith.constant 0 : i32
      %dma_start3A_164 = tpu.memref_slice %arg4[%add3A_42, %dma_start3A_163] : memref<163840x128xf32, #tpu.memory_space<hbm>> -> memref<256x128xf32, #tpu.memory_space<hbm>>
      tpu.enqueue_dma source(%arg6 : memref<256x128xf32, #tpu.memory_space<vmem>>) target(%dma_start3A_164 : memref<256x128xf32, #tpu.memory_space<hbm>>) target_semaphore(%run_scoped3A : memref<!tpu.dma_semaphore, #tpu.memory_space<semaphore_mem>>)
      %dma_wait3A_165 = arith.constant 0 : i32
      %dma_wait3A_166 = tpu.memref_slice %arg4[%add3A_42, %dma_wait3A_165] : memref<163840x128xf32, #tpu.memory_space<hbm>> -> memref<256x128xf32, #tpu.memory_space<hbm>>
      %dma_wait3A_167 = arith.constant 0 : i32
      %dma_wait3A_168 = tpu.memref_slice %arg4[%add3A_42, %dma_wait3A_167] : memref<163840x128xf32, #tpu.memory_space<hbm>> -> memref<256x128xf32, #tpu.memory_space<hbm>>
      tpu.wait_dma2 semaphore(%run_scoped3A : memref<!tpu.dma_semaphore, #tpu.memory_space<semaphore_mem>>) src(%arg6 : memref<256x128xf32, #tpu.memory_space<vmem>>) dst(%dma_wait3A_168 : memref<256x128xf32, #tpu.memory_space<hbm>>)
      tpu.yield
    }) : () -> ()
    %add3A_49 = arith.constant 1536 : i32
    %add3A_50 = arith.addi %mul3A_2, %add3A_49 : i32
    "tpu.region"() ({
      %run_scoped3A = tpu.sem_alloc : memref<!tpu.dma_semaphore, #tpu.memory_space<semaphore_mem>>
      %dma_start3A_161 = tpu.memref_slice %arg3[%add3A_50] : memref<163840xi32, #tpu.memory_space<hbm>> -> memref<256xi32, #tpu.memory_space<hbm>>
      %dma_start3A_162 = tpu.memref_slice %arg3[%add3A_50] : memref<163840xi32, #tpu.memory_space<hbm>> -> memref<256xi32, #tpu.memory_space<hbm>>
      tpu.enqueue_dma source(%dma_start3A_162 : memref<256xi32, #tpu.memory_space<hbm>>) target(%arg5 : memref<256xi32, #tpu.memory_space<vmem>>) target_semaphore(%run_scoped3A : memref<!tpu.dma_semaphore, #tpu.memory_space<semaphore_mem>>)
      %dma_wait3A_163 = tpu.memref_slice %arg3[%add3A_50] : memref<163840xi32, #tpu.memory_space<hbm>> -> memref<256xi32, #tpu.memory_space<hbm>>
      %dma_wait3A_164 = tpu.memref_slice %arg3[%add3A_50] : memref<163840xi32, #tpu.memory_space<hbm>> -> memref<256xi32, #tpu.memory_space<hbm>>
      tpu.wait_dma2 semaphore(%run_scoped3A : memref<!tpu.dma_semaphore, #tpu.memory_space<semaphore_mem>>) src(%dma_wait3A_164 : memref<256xi32, #tpu.memory_space<hbm>>) dst(%arg5 : memref<256xi32, #tpu.memory_space<vmem>>)
      tpu.yield
    }) : () -> ()
    %dma_start3A_51 = arith.constant 0 : i32
    %dma_start3A_52 = arith.constant 0 : i32
    %dma_start3A_53 = tpu.memref_slice %arg2[%dma_start3A_51, %dma_start3A_52] : memref<8192x128xf32, #tpu.memory_space<hbm>> -> memref<8192x128xf32, #tpu.memory_space<hbm>>
    tpu.enqueue_indirect_dma source(%dma_start3A_53 : memref<8192x128xf32, #tpu.memory_space<hbm>>) target(%arg6 : memref<256x128xf32, #tpu.memory_space<vmem>>) offsets(%arg5 : memref<256xi32, #tpu.memory_space<vmem>>) semaphore(%arg7 : memref<!tpu.dma_semaphore, #tpu.memory_space<semaphore_mem>>)
    %dma_wait3A_54 = arith.constant 0 : i32
    %dma_wait3A_55 = arith.constant 0 : i32
    %dma_wait3A_56 = tpu.memref_slice %arg2[%dma_wait3A_54, %dma_wait3A_55] : memref<8192x128xf32, #tpu.memory_space<hbm>> -> memref<8192x128xf32, #tpu.memory_space<hbm>>
    tpu.wait_indirect_dma semaphore(%arg7 : memref<!tpu.dma_semaphore, #tpu.memory_space<semaphore_mem>>) src(%dma_wait3A_56 : memref<8192x128xf32, #tpu.memory_space<hbm>>) dst(%arg6 : memref<256x128xf32, #tpu.memory_space<vmem>>)
    "tpu.region"() ({
      %run_scoped3A = tpu.sem_alloc : memref<!tpu.dma_semaphore, #tpu.memory_space<semaphore_mem>>
      %dma_start3A_161 = arith.constant 0 : i32
      %dma_start3A_162 = tpu.memref_slice %arg4[%add3A_50, %dma_start3A_161] : memref<163840x128xf32, #tpu.memory_space<hbm>> -> memref<256x128xf32, #tpu.memory_space<hbm>>
      %dma_start3A_163 = arith.constant 0 : i32
      %dma_start3A_164 = tpu.memref_slice %arg4[%add3A_50, %dma_start3A_163] : memref<163840x128xf32, #tpu.memory_space<hbm>> -> memref<256x128xf32, #tpu.memory_space<hbm>>
      tpu.enqueue_dma source(%arg6 : memref<256x128xf32, #tpu.memory_space<vmem>>) target(%dma_start3A_164 : memref<256x128xf32, #tpu.memory_space<hbm>>) target_semaphore(%run_scoped3A : memref<!tpu.dma_semaphore, #tpu.memory_space<semaphore_mem>>)
      %dma_wait3A_165 = arith.constant 0 : i32
      %dma_wait3A_166 = tpu.memref_slice %arg4[%add3A_50, %dma_wait3A_165] : memref<163840x128xf32, #tpu.memory_space<hbm>> -> memref<256x128xf32, #tpu.memory_space<hbm>>
      %dma_wait3A_167 = arith.constant 0 : i32
      %dma_wait3A_168 = tpu.memref_slice %arg4[%add3A_50, %dma_wait3A_167] : memref<163840x128xf32, #tpu.memory_space<hbm>> -> memref<256x128xf32, #tpu.memory_space<hbm>>
      tpu.wait_dma2 semaphore(%run_scoped3A : memref<!tpu.dma_semaphore, #tpu.memory_space<semaphore_mem>>) src(%arg6 : memref<256x128xf32, #tpu.memory_space<vmem>>) dst(%dma_wait3A_168 : memref<256x128xf32, #tpu.memory_space<hbm>>)
      tpu.yield
    }) : () -> ()
    %add3A_57 = arith.constant 1792 : i32
    %add3A_58 = arith.addi %mul3A_2, %add3A_57 : i32
    "tpu.region"() ({
      %run_scoped3A = tpu.sem_alloc : memref<!tpu.dma_semaphore, #tpu.memory_space<semaphore_mem>>
      %dma_start3A_161 = tpu.memref_slice %arg3[%add3A_58] : memref<163840xi32, #tpu.memory_space<hbm>> -> memref<256xi32, #tpu.memory_space<hbm>>
      %dma_start3A_162 = tpu.memref_slice %arg3[%add3A_58] : memref<163840xi32, #tpu.memory_space<hbm>> -> memref<256xi32, #tpu.memory_space<hbm>>
      tpu.enqueue_dma source(%dma_start3A_162 : memref<256xi32, #tpu.memory_space<hbm>>) target(%arg5 : memref<256xi32, #tpu.memory_space<vmem>>) target_semaphore(%run_scoped3A : memref<!tpu.dma_semaphore, #tpu.memory_space<semaphore_mem>>)
      %dma_wait3A_163 = tpu.memref_slice %arg3[%add3A_58] : memref<163840xi32, #tpu.memory_space<hbm>> -> memref<256xi32, #tpu.memory_space<hbm>>
      %dma_wait3A_164 = tpu.memref_slice %arg3[%add3A_58] : memref<163840xi32, #tpu.memory_space<hbm>> -> memref<256xi32, #tpu.memory_space<hbm>>
      tpu.wait_dma2 semaphore(%run_scoped3A : memref<!tpu.dma_semaphore, #tpu.memory_space<semaphore_mem>>) src(%dma_wait3A_164 : memref<256xi32, #tpu.memory_space<hbm>>) dst(%arg5 : memref<256xi32, #tpu.memory_space<vmem>>)
      tpu.yield
    }) : () -> ()
    %dma_start3A_59 = arith.constant 0 : i32
    %dma_start3A_60 = arith.constant 0 : i32
    %dma_start3A_61 = tpu.memref_slice %arg2[%dma_start3A_59, %dma_start3A_60] : memref<8192x128xf32, #tpu.memory_space<hbm>> -> memref<8192x128xf32, #tpu.memory_space<hbm>>
    tpu.enqueue_indirect_dma source(%dma_start3A_61 : memref<8192x128xf32, #tpu.memory_space<hbm>>) target(%arg6 : memref<256x128xf32, #tpu.memory_space<vmem>>) offsets(%arg5 : memref<256xi32, #tpu.memory_space<vmem>>) semaphore(%arg7 : memref<!tpu.dma_semaphore, #tpu.memory_space<semaphore_mem>>)
    %dma_wait3A_62 = arith.constant 0 : i32
    %dma_wait3A_63 = arith.constant 0 : i32
    %dma_wait3A_64 = tpu.memref_slice %arg2[%dma_wait3A_62, %dma_wait3A_63] : memref<8192x128xf32, #tpu.memory_space<hbm>> -> memref<8192x128xf32, #tpu.memory_space<hbm>>
    tpu.wait_indirect_dma semaphore(%arg7 : memref<!tpu.dma_semaphore, #tpu.memory_space<semaphore_mem>>) src(%dma_wait3A_64 : memref<8192x128xf32, #tpu.memory_space<hbm>>) dst(%arg6 : memref<256x128xf32, #tpu.memory_space<vmem>>)
    "tpu.region"() ({
      %run_scoped3A = tpu.sem_alloc : memref<!tpu.dma_semaphore, #tpu.memory_space<semaphore_mem>>
      %dma_start3A_161 = arith.constant 0 : i32
      %dma_start3A_162 = tpu.memref_slice %arg4[%add3A_58, %dma_start3A_161] : memref<163840x128xf32, #tpu.memory_space<hbm>> -> memref<256x128xf32, #tpu.memory_space<hbm>>
      %dma_start3A_163 = arith.constant 0 : i32
      %dma_start3A_164 = tpu.memref_slice %arg4[%add3A_58, %dma_start3A_163] : memref<163840x128xf32, #tpu.memory_space<hbm>> -> memref<256x128xf32, #tpu.memory_space<hbm>>
      tpu.enqueue_dma source(%arg6 : memref<256x128xf32, #tpu.memory_space<vmem>>) target(%dma_start3A_164 : memref<256x128xf32, #tpu.memory_space<hbm>>) target_semaphore(%run_scoped3A : memref<!tpu.dma_semaphore, #tpu.memory_space<semaphore_mem>>)
      %dma_wait3A_165 = arith.constant 0 : i32
      %dma_wait3A_166 = tpu.memref_slice %arg4[%add3A_58, %dma_wait3A_165] : memref<163840x128xf32, #tpu.memory_space<hbm>> -> memref<256x128xf32, #tpu.memory_space<hbm>>
      %dma_wait3A_167 = arith.constant 0 : i32
      %dma_wait3A_168 = tpu.memref_slice %arg4[%add3A_58, %dma_wait3A_167] : memref<163840x128xf32, #tpu.memory_space<hbm>> -> memref<256x128xf32, #tpu.memory_space<hbm>>
      tpu.wait_dma2 semaphore(%run_scoped3A : memref<!tpu.dma_semaphore, #tpu.memory_space<semaphore_mem>>) src(%arg6 : memref<256x128xf32, #tpu.memory_space<vmem>>) dst(%dma_wait3A_168 : memref<256x128xf32, #tpu.memory_space<hbm>>)
      tpu.yield
    }) : () -> ()
    %add3A_65 = arith.constant 2048 : i32
    %add3A_66 = arith.addi %mul3A_2, %add3A_65 : i32
    "tpu.region"() ({
      %run_scoped3A = tpu.sem_alloc : memref<!tpu.dma_semaphore, #tpu.memory_space<semaphore_mem>>
      %dma_start3A_161 = tpu.memref_slice %arg3[%add3A_66] : memref<163840xi32, #tpu.memory_space<hbm>> -> memref<256xi32, #tpu.memory_space<hbm>>
      %dma_start3A_162 = tpu.memref_slice %arg3[%add3A_66] : memref<163840xi32, #tpu.memory_space<hbm>> -> memref<256xi32, #tpu.memory_space<hbm>>
      tpu.enqueue_dma source(%dma_start3A_162 : memref<256xi32, #tpu.memory_space<hbm>>) target(%arg5 : memref<256xi32, #tpu.memory_space<vmem>>) target_semaphore(%run_scoped3A : memref<!tpu.dma_semaphore, #tpu.memory_space<semaphore_mem>>)
      %dma_wait3A_163 = tpu.memref_slice %arg3[%add3A_66] : memref<163840xi32, #tpu.memory_space<hbm>> -> memref<256xi32, #tpu.memory_space<hbm>>
      %dma_wait3A_164 = tpu.memref_slice %arg3[%add3A_66] : memref<163840xi32, #tpu.memory_space<hbm>> -> memref<256xi32, #tpu.memory_space<hbm>>
      tpu.wait_dma2 semaphore(%run_scoped3A : memref<!tpu.dma_semaphore, #tpu.memory_space<semaphore_mem>>) src(%dma_wait3A_164 : memref<256xi32, #tpu.memory_space<hbm>>) dst(%arg5 : memref<256xi32, #tpu.memory_space<vmem>>)
      tpu.yield
    }) : () -> ()
    %dma_start3A_67 = arith.constant 0 : i32
    %dma_start3A_68 = arith.constant 0 : i32
    %dma_start3A_69 = tpu.memref_slice %arg2[%dma_start3A_67, %dma_start3A_68] : memref<8192x128xf32, #tpu.memory_space<hbm>> -> memref<8192x128xf32, #tpu.memory_space<hbm>>
    tpu.enqueue_indirect_dma source(%dma_start3A_69 : memref<8192x128xf32, #tpu.memory_space<hbm>>) target(%arg6 : memref<256x128xf32, #tpu.memory_space<vmem>>) offsets(%arg5 : memref<256xi32, #tpu.memory_space<vmem>>) semaphore(%arg7 : memref<!tpu.dma_semaphore, #tpu.memory_space<semaphore_mem>>)
    %dma_wait3A_70 = arith.constant 0 : i32
    %dma_wait3A_71 = arith.constant 0 : i32
    %dma_wait3A_72 = tpu.memref_slice %arg2[%dma_wait3A_70, %dma_wait3A_71] : memref<8192x128xf32, #tpu.memory_space<hbm>> -> memref<8192x128xf32, #tpu.memory_space<hbm>>
    tpu.wait_indirect_dma semaphore(%arg7 : memref<!tpu.dma_semaphore, #tpu.memory_space<semaphore_mem>>) src(%dma_wait3A_72 : memref<8192x128xf32, #tpu.memory_space<hbm>>) dst(%arg6 : memref<256x128xf32, #tpu.memory_space<vmem>>)
    "tpu.region"() ({
      %run_scoped3A = tpu.sem_alloc : memref<!tpu.dma_semaphore, #tpu.memory_space<semaphore_mem>>
      %dma_start3A_161 = arith.constant 0 : i32
      %dma_start3A_162 = tpu.memref_slice %arg4[%add3A_66, %dma_start3A_161] : memref<163840x128xf32, #tpu.memory_space<hbm>> -> memref<256x128xf32, #tpu.memory_space<hbm>>
      %dma_start3A_163 = arith.constant 0 : i32
      %dma_start3A_164 = tpu.memref_slice %arg4[%add3A_66, %dma_start3A_163] : memref<163840x128xf32, #tpu.memory_space<hbm>> -> memref<256x128xf32, #tpu.memory_space<hbm>>
      tpu.enqueue_dma source(%arg6 : memref<256x128xf32, #tpu.memory_space<vmem>>) target(%dma_start3A_164 : memref<256x128xf32, #tpu.memory_space<hbm>>) target_semaphore(%run_scoped3A : memref<!tpu.dma_semaphore, #tpu.memory_space<semaphore_mem>>)
      %dma_wait3A_165 = arith.constant 0 : i32
      %dma_wait3A_166 = tpu.memref_slice %arg4[%add3A_66, %dma_wait3A_165] : memref<163840x128xf32, #tpu.memory_space<hbm>> -> memref<256x128xf32, #tpu.memory_space<hbm>>
      %dma_wait3A_167 = arith.constant 0 : i32
      %dma_wait3A_168 = tpu.memref_slice %arg4[%add3A_66, %dma_wait3A_167] : memref<163840x128xf32, #tpu.memory_space<hbm>> -> memref<256x128xf32, #tpu.memory_space<hbm>>
      tpu.wait_dma2 semaphore(%run_scoped3A : memref<!tpu.dma_semaphore, #tpu.memory_space<semaphore_mem>>) src(%arg6 : memref<256x128xf32, #tpu.memory_space<vmem>>) dst(%dma_wait3A_168 : memref<256x128xf32, #tpu.memory_space<hbm>>)
      tpu.yield
    }) : () -> ()
    %add3A_73 = arith.constant 2304 : i32
    %add3A_74 = arith.addi %mul3A_2, %add3A_73 : i32
    "tpu.region"() ({
      %run_scoped3A = tpu.sem_alloc : memref<!tpu.dma_semaphore, #tpu.memory_space<semaphore_mem>>
      %dma_start3A_161 = tpu.memref_slice %arg3[%add3A_74] : memref<163840xi32, #tpu.memory_space<hbm>> -> memref<256xi32, #tpu.memory_space<hbm>>
      %dma_start3A_162 = tpu.memref_slice %arg3[%add3A_74] : memref<163840xi32, #tpu.memory_space<hbm>> -> memref<256xi32, #tpu.memory_space<hbm>>
      tpu.enqueue_dma source(%dma_start3A_162 : memref<256xi32, #tpu.memory_space<hbm>>) target(%arg5 : memref<256xi32, #tpu.memory_space<vmem>>) target_semaphore(%run_scoped3A : memref<!tpu.dma_semaphore, #tpu.memory_space<semaphore_mem>>)
      %dma_wait3A_163 = tpu.memref_slice %arg3[%add3A_74] : memref<163840xi32, #tpu.memory_space<hbm>> -> memref<256xi32, #tpu.memory_space<hbm>>
      %dma_wait3A_164 = tpu.memref_slice %arg3[%add3A_74] : memref<163840xi32, #tpu.memory_space<hbm>> -> memref<256xi32, #tpu.memory_space<hbm>>
      tpu.wait_dma2 semaphore(%run_scoped3A : memref<!tpu.dma_semaphore, #tpu.memory_space<semaphore_mem>>) src(%dma_wait3A_164 : memref<256xi32, #tpu.memory_space<hbm>>) dst(%arg5 : memref<256xi32, #tpu.memory_space<vmem>>)
      tpu.yield
    }) : () -> ()
    %dma_start3A_75 = arith.constant 0 : i32
    %dma_start3A_76 = arith.constant 0 : i32
    %dma_start3A_77 = tpu.memref_slice %arg2[%dma_start3A_75, %dma_start3A_76] : memref<8192x128xf32, #tpu.memory_space<hbm>> -> memref<8192x128xf32, #tpu.memory_space<hbm>>
    tpu.enqueue_indirect_dma source(%dma_start3A_77 : memref<8192x128xf32, #tpu.memory_space<hbm>>) target(%arg6 : memref<256x128xf32, #tpu.memory_space<vmem>>) offsets(%arg5 : memref<256xi32, #tpu.memory_space<vmem>>) semaphore(%arg7 : memref<!tpu.dma_semaphore, #tpu.memory_space<semaphore_mem>>)
    %dma_wait3A_78 = arith.constant 0 : i32
    %dma_wait3A_79 = arith.constant 0 : i32
    %dma_wait3A_80 = tpu.memref_slice %arg2[%dma_wait3A_78, %dma_wait3A_79] : memref<8192x128xf32, #tpu.memory_space<hbm>> -> memref<8192x128xf32, #tpu.memory_space<hbm>>
    tpu.wait_indirect_dma semaphore(%arg7 : memref<!tpu.dma_semaphore, #tpu.memory_space<semaphore_mem>>) src(%dma_wait3A_80 : memref<8192x128xf32, #tpu.memory_space<hbm>>) dst(%arg6 : memref<256x128xf32, #tpu.memory_space<vmem>>)
    "tpu.region"() ({
      %run_scoped3A = tpu.sem_alloc : memref<!tpu.dma_semaphore, #tpu.memory_space<semaphore_mem>>
      %dma_start3A_161 = arith.constant 0 : i32
      %dma_start3A_162 = tpu.memref_slice %arg4[%add3A_74, %dma_start3A_161] : memref<163840x128xf32, #tpu.memory_space<hbm>> -> memref<256x128xf32, #tpu.memory_space<hbm>>
      %dma_start3A_163 = arith.constant 0 : i32
      %dma_start3A_164 = tpu.memref_slice %arg4[%add3A_74, %dma_start3A_163] : memref<163840x128xf32, #tpu.memory_space<hbm>> -> memref<256x128xf32, #tpu.memory_space<hbm>>
      tpu.enqueue_dma source(%arg6 : memref<256x128xf32, #tpu.memory_space<vmem>>) target(%dma_start3A_164 : memref<256x128xf32, #tpu.memory_space<hbm>>) target_semaphore(%run_scoped3A : memref<!tpu.dma_semaphore, #tpu.memory_space<semaphore_mem>>)
      %dma_wait3A_165 = arith.constant 0 : i32
      %dma_wait3A_166 = tpu.memref_slice %arg4[%add3A_74, %dma_wait3A_165] : memref<163840x128xf32, #tpu.memory_space<hbm>> -> memref<256x128xf32, #tpu.memory_space<hbm>>
      %dma_wait3A_167 = arith.constant 0 : i32
      %dma_wait3A_168 = tpu.memref_slice %arg4[%add3A_74, %dma_wait3A_167] : memref<163840x128xf32, #tpu.memory_space<hbm>> -> memref<256x128xf32, #tpu.memory_space<hbm>>
      tpu.wait_dma2 semaphore(%run_scoped3A : memref<!tpu.dma_semaphore, #tpu.memory_space<semaphore_mem>>) src(%arg6 : memref<256x128xf32, #tpu.memory_space<vmem>>) dst(%dma_wait3A_168 : memref<256x128xf32, #tpu.memory_space<hbm>>)
      tpu.yield
    }) : () -> ()
    %add3A_81 = arith.constant 2560 : i32
    %add3A_82 = arith.addi %mul3A_2, %add3A_81 : i32
    "tpu.region"() ({
      %run_scoped3A = tpu.sem_alloc : memref<!tpu.dma_semaphore, #tpu.memory_space<semaphore_mem>>
      %dma_start3A_161 = tpu.memref_slice %arg3[%add3A_82] : memref<163840xi32, #tpu.memory_space<hbm>> -> memref<256xi32, #tpu.memory_space<hbm>>
      %dma_start3A_162 = tpu.memref_slice %arg3[%add3A_82] : memref<163840xi32, #tpu.memory_space<hbm>> -> memref<256xi32, #tpu.memory_space<hbm>>
      tpu.enqueue_dma source(%dma_start3A_162 : memref<256xi32, #tpu.memory_space<hbm>>) target(%arg5 : memref<256xi32, #tpu.memory_space<vmem>>) target_semaphore(%run_scoped3A : memref<!tpu.dma_semaphore, #tpu.memory_space<semaphore_mem>>)
      %dma_wait3A_163 = tpu.memref_slice %arg3[%add3A_82] : memref<163840xi32, #tpu.memory_space<hbm>> -> memref<256xi32, #tpu.memory_space<hbm>>
      %dma_wait3A_164 = tpu.memref_slice %arg3[%add3A_82] : memref<163840xi32, #tpu.memory_space<hbm>> -> memref<256xi32, #tpu.memory_space<hbm>>
      tpu.wait_dma2 semaphore(%run_scoped3A : memref<!tpu.dma_semaphore, #tpu.memory_space<semaphore_mem>>) src(%dma_wait3A_164 : memref<256xi32, #tpu.memory_space<hbm>>) dst(%arg5 : memref<256xi32, #tpu.memory_space<vmem>>)
      tpu.yield
    }) : () -> ()
    %dma_start3A_83 = arith.constant 0 : i32
    %dma_start3A_84 = arith.constant 0 : i32
    %dma_start3A_85 = tpu.memref_slice %arg2[%dma_start3A_83, %dma_start3A_84] : memref<8192x128xf32, #tpu.memory_space<hbm>> -> memref<8192x128xf32, #tpu.memory_space<hbm>>
    tpu.enqueue_indirect_dma source(%dma_start3A_85 : memref<8192x128xf32, #tpu.memory_space<hbm>>) target(%arg6 : memref<256x128xf32, #tpu.memory_space<vmem>>) offsets(%arg5 : memref<256xi32, #tpu.memory_space<vmem>>) semaphore(%arg7 : memref<!tpu.dma_semaphore, #tpu.memory_space<semaphore_mem>>)
    %dma_wait3A_86 = arith.constant 0 : i32
    %dma_wait3A_87 = arith.constant 0 : i32
    %dma_wait3A_88 = tpu.memref_slice %arg2[%dma_wait3A_86, %dma_wait3A_87] : memref<8192x128xf32, #tpu.memory_space<hbm>> -> memref<8192x128xf32, #tpu.memory_space<hbm>>
    tpu.wait_indirect_dma semaphore(%arg7 : memref<!tpu.dma_semaphore, #tpu.memory_space<semaphore_mem>>) src(%dma_wait3A_88 : memref<8192x128xf32, #tpu.memory_space<hbm>>) dst(%arg6 : memref<256x128xf32, #tpu.memory_space<vmem>>)
    "tpu.region"() ({
      %run_scoped3A = tpu.sem_alloc : memref<!tpu.dma_semaphore, #tpu.memory_space<semaphore_mem>>
      %dma_start3A_161 = arith.constant 0 : i32
      %dma_start3A_162 = tpu.memref_slice %arg4[%add3A_82, %dma_start3A_161] : memref<163840x128xf32, #tpu.memory_space<hbm>> -> memref<256x128xf32, #tpu.memory_space<hbm>>
      %dma_start3A_163 = arith.constant 0 : i32
      %dma_start3A_164 = tpu.memref_slice %arg4[%add3A_82, %dma_start3A_163] : memref<163840x128xf32, #tpu.memory_space<hbm>> -> memref<256x128xf32, #tpu.memory_space<hbm>>
      tpu.enqueue_dma source(%arg6 : memref<256x128xf32, #tpu.memory_space<vmem>>) target(%dma_start3A_164 : memref<256x128xf32, #tpu.memory_space<hbm>>) target_semaphore(%run_scoped3A : memref<!tpu.dma_semaphore, #tpu.memory_space<semaphore_mem>>)
      %dma_wait3A_165 = arith.constant 0 : i32
      %dma_wait3A_166 = tpu.memref_slice %arg4[%add3A_82, %dma_wait3A_165] : memref<163840x128xf32, #tpu.memory_space<hbm>> -> memref<256x128xf32, #tpu.memory_space<hbm>>
      %dma_wait3A_167 = arith.constant 0 : i32
      %dma_wait3A_168 = tpu.memref_slice %arg4[%add3A_82, %dma_wait3A_167] : memref<163840x128xf32, #tpu.memory_space<hbm>> -> memref<256x128xf32, #tpu.memory_space<hbm>>
      tpu.wait_dma2 semaphore(%run_scoped3A : memref<!tpu.dma_semaphore, #tpu.memory_space<semaphore_mem>>) src(%arg6 : memref<256x128xf32, #tpu.memory_space<vmem>>) dst(%dma_wait3A_168 : memref<256x128xf32, #tpu.memory_space<hbm>>)
      tpu.yield
    }) : () -> ()
    %add3A_89 = arith.constant 2816 : i32
    %add3A_90 = arith.addi %mul3A_2, %add3A_89 : i32
    "tpu.region"() ({
      %run_scoped3A = tpu.sem_alloc : memref<!tpu.dma_semaphore, #tpu.memory_space<semaphore_mem>>
      %dma_start3A_161 = tpu.memref_slice %arg3[%add3A_90] : memref<163840xi32, #tpu.memory_space<hbm>> -> memref<256xi32, #tpu.memory_space<hbm>>
      %dma_start3A_162 = tpu.memref_slice %arg3[%add3A_90] : memref<163840xi32, #tpu.memory_space<hbm>> -> memref<256xi32, #tpu.memory_space<hbm>>
      tpu.enqueue_dma source(%dma_start3A_162 : memref<256xi32, #tpu.memory_space<hbm>>) target(%arg5 : memref<256xi32, #tpu.memory_space<vmem>>) target_semaphore(%run_scoped3A : memref<!tpu.dma_semaphore, #tpu.memory_space<semaphore_mem>>)
      %dma_wait3A_163 = tpu.memref_slice %arg3[%add3A_90] : memref<163840xi32, #tpu.memory_space<hbm>> -> memref<256xi32, #tpu.memory_space<hbm>>
      %dma_wait3A_164 = tpu.memref_slice %arg3[%add3A_90] : memref<163840xi32, #tpu.memory_space<hbm>> -> memref<256xi32, #tpu.memory_space<hbm>>
      tpu.wait_dma2 semaphore(%run_scoped3A : memref<!tpu.dma_semaphore, #tpu.memory_space<semaphore_mem>>) src(%dma_wait3A_164 : memref<256xi32, #tpu.memory_space<hbm>>) dst(%arg5 : memref<256xi32, #tpu.memory_space<vmem>>)
      tpu.yield
    }) : () -> ()
    %dma_start3A_91 = arith.constant 0 : i32
    %dma_start3A_92 = arith.constant 0 : i32
    %dma_start3A_93 = tpu.memref_slice %arg2[%dma_start3A_91, %dma_start3A_92] : memref<8192x128xf32, #tpu.memory_space<hbm>> -> memref<8192x128xf32, #tpu.memory_space<hbm>>
    tpu.enqueue_indirect_dma source(%dma_start3A_93 : memref<8192x128xf32, #tpu.memory_space<hbm>>) target(%arg6 : memref<256x128xf32, #tpu.memory_space<vmem>>) offsets(%arg5 : memref<256xi32, #tpu.memory_space<vmem>>) semaphore(%arg7 : memref<!tpu.dma_semaphore, #tpu.memory_space<semaphore_mem>>)
    %dma_wait3A_94 = arith.constant 0 : i32
    %dma_wait3A_95 = arith.constant 0 : i32
    %dma_wait3A_96 = tpu.memref_slice %arg2[%dma_wait3A_94, %dma_wait3A_95] : memref<8192x128xf32, #tpu.memory_space<hbm>> -> memref<8192x128xf32, #tpu.memory_space<hbm>>
    tpu.wait_indirect_dma semaphore(%arg7 : memref<!tpu.dma_semaphore, #tpu.memory_space<semaphore_mem>>) src(%dma_wait3A_96 : memref<8192x128xf32, #tpu.memory_space<hbm>>) dst(%arg6 : memref<256x128xf32, #tpu.memory_space<vmem>>)
    "tpu.region"() ({
      %run_scoped3A = tpu.sem_alloc : memref<!tpu.dma_semaphore, #tpu.memory_space<semaphore_mem>>
      %dma_start3A_161 = arith.constant 0 : i32
      %dma_start3A_162 = tpu.memref_slice %arg4[%add3A_90, %dma_start3A_161] : memref<163840x128xf32, #tpu.memory_space<hbm>> -> memref<256x128xf32, #tpu.memory_space<hbm>>
      %dma_start3A_163 = arith.constant 0 : i32
      %dma_start3A_164 = tpu.memref_slice %arg4[%add3A_90, %dma_start3A_163] : memref<163840x128xf32, #tpu.memory_space<hbm>> -> memref<256x128xf32, #tpu.memory_space<hbm>>
      tpu.enqueue_dma source(%arg6 : memref<256x128xf32, #tpu.memory_space<vmem>>) target(%dma_start3A_164 : memref<256x128xf32, #tpu.memory_space<hbm>>) target_semaphore(%run_scoped3A : memref<!tpu.dma_semaphore, #tpu.memory_space<semaphore_mem>>)
      %dma_wait3A_165 = arith.constant 0 : i32
      %dma_wait3A_166 = tpu.memref_slice %arg4[%add3A_90, %dma_wait3A_165] : memref<163840x128xf32, #tpu.memory_space<hbm>> -> memref<256x128xf32, #tpu.memory_space<hbm>>
      %dma_wait3A_167 = arith.constant 0 : i32
      %dma_wait3A_168 = tpu.memref_slice %arg4[%add3A_90, %dma_wait3A_167] : memref<163840x128xf32, #tpu.memory_space<hbm>> -> memref<256x128xf32, #tpu.memory_space<hbm>>
      tpu.wait_dma2 semaphore(%run_scoped3A : memref<!tpu.dma_semaphore, #tpu.memory_space<semaphore_mem>>) src(%arg6 : memref<256x128xf32, #tpu.memory_space<vmem>>) dst(%dma_wait3A_168 : memref<256x128xf32, #tpu.memory_space<hbm>>)
      tpu.yield
    }) : () -> ()
    %add3A_97 = arith.constant 3072 : i32
    %add3A_98 = arith.addi %mul3A_2, %add3A_97 : i32
    "tpu.region"() ({
      %run_scoped3A = tpu.sem_alloc : memref<!tpu.dma_semaphore, #tpu.memory_space<semaphore_mem>>
      %dma_start3A_161 = tpu.memref_slice %arg3[%add3A_98] : memref<163840xi32, #tpu.memory_space<hbm>> -> memref<256xi32, #tpu.memory_space<hbm>>
      %dma_start3A_162 = tpu.memref_slice %arg3[%add3A_98] : memref<163840xi32, #tpu.memory_space<hbm>> -> memref<256xi32, #tpu.memory_space<hbm>>
      tpu.enqueue_dma source(%dma_start3A_162 : memref<256xi32, #tpu.memory_space<hbm>>) target(%arg5 : memref<256xi32, #tpu.memory_space<vmem>>) target_semaphore(%run_scoped3A : memref<!tpu.dma_semaphore, #tpu.memory_space<semaphore_mem>>)
      %dma_wait3A_163 = tpu.memref_slice %arg3[%add3A_98] : memref<163840xi32, #tpu.memory_space<hbm>> -> memref<256xi32, #tpu.memory_space<hbm>>
      %dma_wait3A_164 = tpu.memref_slice %arg3[%add3A_98] : memref<163840xi32, #tpu.memory_space<hbm>> -> memref<256xi32, #tpu.memory_space<hbm>>
      tpu.wait_dma2 semaphore(%run_scoped3A : memref<!tpu.dma_semaphore, #tpu.memory_space<semaphore_mem>>) src(%dma_wait3A_164 : memref<256xi32, #tpu.memory_space<hbm>>) dst(%arg5 : memref<256xi32, #tpu.memory_space<vmem>>)
      tpu.yield
    }) : () -> ()
    %dma_start3A_99 = arith.constant 0 : i32
    %dma_start3A_100 = arith.constant 0 : i32
    %dma_start3A_101 = tpu.memref_slice %arg2[%dma_start3A_99, %dma_start3A_100] : memref<8192x128xf32, #tpu.memory_space<hbm>> -> memref<8192x128xf32, #tpu.memory_space<hbm>>
    tpu.enqueue_indirect_dma source(%dma_start3A_101 : memref<8192x128xf32, #tpu.memory_space<hbm>>) target(%arg6 : memref<256x128xf32, #tpu.memory_space<vmem>>) offsets(%arg5 : memref<256xi32, #tpu.memory_space<vmem>>) semaphore(%arg7 : memref<!tpu.dma_semaphore, #tpu.memory_space<semaphore_mem>>)
    %dma_wait3A_102 = arith.constant 0 : i32
    %dma_wait3A_103 = arith.constant 0 : i32
    %dma_wait3A_104 = tpu.memref_slice %arg2[%dma_wait3A_102, %dma_wait3A_103] : memref<8192x128xf32, #tpu.memory_space<hbm>> -> memref<8192x128xf32, #tpu.memory_space<hbm>>
    tpu.wait_indirect_dma semaphore(%arg7 : memref<!tpu.dma_semaphore, #tpu.memory_space<semaphore_mem>>) src(%dma_wait3A_104 : memref<8192x128xf32, #tpu.memory_space<hbm>>) dst(%arg6 : memref<256x128xf32, #tpu.memory_space<vmem>>)
    "tpu.region"() ({
      %run_scoped3A = tpu.sem_alloc : memref<!tpu.dma_semaphore, #tpu.memory_space<semaphore_mem>>
      %dma_start3A_161 = arith.constant 0 : i32
      %dma_start3A_162 = tpu.memref_slice %arg4[%add3A_98, %dma_start3A_161] : memref<163840x128xf32, #tpu.memory_space<hbm>> -> memref<256x128xf32, #tpu.memory_space<hbm>>
      %dma_start3A_163 = arith.constant 0 : i32
      %dma_start3A_164 = tpu.memref_slice %arg4[%add3A_98, %dma_start3A_163] : memref<163840x128xf32, #tpu.memory_space<hbm>> -> memref<256x128xf32, #tpu.memory_space<hbm>>
      tpu.enqueue_dma source(%arg6 : memref<256x128xf32, #tpu.memory_space<vmem>>) target(%dma_start3A_164 : memref<256x128xf32, #tpu.memory_space<hbm>>) target_semaphore(%run_scoped3A : memref<!tpu.dma_semaphore, #tpu.memory_space<semaphore_mem>>)
      %dma_wait3A_165 = arith.constant 0 : i32
      %dma_wait3A_166 = tpu.memref_slice %arg4[%add3A_98, %dma_wait3A_165] : memref<163840x128xf32, #tpu.memory_space<hbm>> -> memref<256x128xf32, #tpu.memory_space<hbm>>
      %dma_wait3A_167 = arith.constant 0 : i32
      %dma_wait3A_168 = tpu.memref_slice %arg4[%add3A_98, %dma_wait3A_167] : memref<163840x128xf32, #tpu.memory_space<hbm>> -> memref<256x128xf32, #tpu.memory_space<hbm>>
      tpu.wait_dma2 semaphore(%run_scoped3A : memref<!tpu.dma_semaphore, #tpu.memory_space<semaphore_mem>>) src(%arg6 : memref<256x128xf32, #tpu.memory_space<vmem>>) dst(%dma_wait3A_168 : memref<256x128xf32, #tpu.memory_space<hbm>>)
      tpu.yield
    }) : () -> ()
    %add3A_105 = arith.constant 3328 : i32
    %add3A_106 = arith.addi %mul3A_2, %add3A_105 : i32
    "tpu.region"() ({
      %run_scoped3A = tpu.sem_alloc : memref<!tpu.dma_semaphore, #tpu.memory_space<semaphore_mem>>
      %dma_start3A_161 = tpu.memref_slice %arg3[%add3A_106] : memref<163840xi32, #tpu.memory_space<hbm>> -> memref<256xi32, #tpu.memory_space<hbm>>
      %dma_start3A_162 = tpu.memref_slice %arg3[%add3A_106] : memref<163840xi32, #tpu.memory_space<hbm>> -> memref<256xi32, #tpu.memory_space<hbm>>
      tpu.enqueue_dma source(%dma_start3A_162 : memref<256xi32, #tpu.memory_space<hbm>>) target(%arg5 : memref<256xi32, #tpu.memory_space<vmem>>) target_semaphore(%run_scoped3A : memref<!tpu.dma_semaphore, #tpu.memory_space<semaphore_mem>>)
      %dma_wait3A_163 = tpu.memref_slice %arg3[%add3A_106] : memref<163840xi32, #tpu.memory_space<hbm>> -> memref<256xi32, #tpu.memory_space<hbm>>
      %dma_wait3A_164 = tpu.memref_slice %arg3[%add3A_106] : memref<163840xi32, #tpu.memory_space<hbm>> -> memref<256xi32, #tpu.memory_space<hbm>>
      tpu.wait_dma2 semaphore(%run_scoped3A : memref<!tpu.dma_semaphore, #tpu.memory_space<semaphore_mem>>) src(%dma_wait3A_164 : memref<256xi32, #tpu.memory_space<hbm>>) dst(%arg5 : memref<256xi32, #tpu.memory_space<vmem>>)
      tpu.yield
    }) : () -> ()
    %dma_start3A_107 = arith.constant 0 : i32
    %dma_start3A_108 = arith.constant 0 : i32
    %dma_start3A_109 = tpu.memref_slice %arg2[%dma_start3A_107, %dma_start3A_108] : memref<8192x128xf32, #tpu.memory_space<hbm>> -> memref<8192x128xf32, #tpu.memory_space<hbm>>
    tpu.enqueue_indirect_dma source(%dma_start3A_109 : memref<8192x128xf32, #tpu.memory_space<hbm>>) target(%arg6 : memref<256x128xf32, #tpu.memory_space<vmem>>) offsets(%arg5 : memref<256xi32, #tpu.memory_space<vmem>>) semaphore(%arg7 : memref<!tpu.dma_semaphore, #tpu.memory_space<semaphore_mem>>)
    %dma_wait3A_110 = arith.constant 0 : i32
    %dma_wait3A_111 = arith.constant 0 : i32
    %dma_wait3A_112 = tpu.memref_slice %arg2[%dma_wait3A_110, %dma_wait3A_111] : memref<8192x128xf32, #tpu.memory_space<hbm>> -> memref<8192x128xf32, #tpu.memory_space<hbm>>
    tpu.wait_indirect_dma semaphore(%arg7 : memref<!tpu.dma_semaphore, #tpu.memory_space<semaphore_mem>>) src(%dma_wait3A_112 : memref<8192x128xf32, #tpu.memory_space<hbm>>) dst(%arg6 : memref<256x128xf32, #tpu.memory_space<vmem>>)
    "tpu.region"() ({
      %run_scoped3A = tpu.sem_alloc : memref<!tpu.dma_semaphore, #tpu.memory_space<semaphore_mem>>
      %dma_start3A_161 = arith.constant 0 : i32
      %dma_start3A_162 = tpu.memref_slice %arg4[%add3A_106, %dma_start3A_161] : memref<163840x128xf32, #tpu.memory_space<hbm>> -> memref<256x128xf32, #tpu.memory_space<hbm>>
      %dma_start3A_163 = arith.constant 0 : i32
      %dma_start3A_164 = tpu.memref_slice %arg4[%add3A_106, %dma_start3A_163] : memref<163840x128xf32, #tpu.memory_space<hbm>> -> memref<256x128xf32, #tpu.memory_space<hbm>>
      tpu.enqueue_dma source(%arg6 : memref<256x128xf32, #tpu.memory_space<vmem>>) target(%dma_start3A_164 : memref<256x128xf32, #tpu.memory_space<hbm>>) target_semaphore(%run_scoped3A : memref<!tpu.dma_semaphore, #tpu.memory_space<semaphore_mem>>)
      %dma_wait3A_165 = arith.constant 0 : i32
      %dma_wait3A_166 = tpu.memref_slice %arg4[%add3A_106, %dma_wait3A_165] : memref<163840x128xf32, #tpu.memory_space<hbm>> -> memref<256x128xf32, #tpu.memory_space<hbm>>
      %dma_wait3A_167 = arith.constant 0 : i32
      %dma_wait3A_168 = tpu.memref_slice %arg4[%add3A_106, %dma_wait3A_167] : memref<163840x128xf32, #tpu.memory_space<hbm>> -> memref<256x128xf32, #tpu.memory_space<hbm>>
      tpu.wait_dma2 semaphore(%run_scoped3A : memref<!tpu.dma_semaphore, #tpu.memory_space<semaphore_mem>>) src(%arg6 : memref<256x128xf32, #tpu.memory_space<vmem>>) dst(%dma_wait3A_168 : memref<256x128xf32, #tpu.memory_space<hbm>>)
      tpu.yield
    }) : () -> ()
    %add3A_113 = arith.constant 3584 : i32
    %add3A_114 = arith.addi %mul3A_2, %add3A_113 : i32
    "tpu.region"() ({
      %run_scoped3A = tpu.sem_alloc : memref<!tpu.dma_semaphore, #tpu.memory_space<semaphore_mem>>
      %dma_start3A_161 = tpu.memref_slice %arg3[%add3A_114] : memref<163840xi32, #tpu.memory_space<hbm>> -> memref<256xi32, #tpu.memory_space<hbm>>
      %dma_start3A_162 = tpu.memref_slice %arg3[%add3A_114] : memref<163840xi32, #tpu.memory_space<hbm>> -> memref<256xi32, #tpu.memory_space<hbm>>
      tpu.enqueue_dma source(%dma_start3A_162 : memref<256xi32, #tpu.memory_space<hbm>>) target(%arg5 : memref<256xi32, #tpu.memory_space<vmem>>) target_semaphore(%run_scoped3A : memref<!tpu.dma_semaphore, #tpu.memory_space<semaphore_mem>>)
      %dma_wait3A_163 = tpu.memref_slice %arg3[%add3A_114] : memref<163840xi32, #tpu.memory_space<hbm>> -> memref<256xi32, #tpu.memory_space<hbm>>
      %dma_wait3A_164 = tpu.memref_slice %arg3[%add3A_114] : memref<163840xi32, #tpu.memory_space<hbm>> -> memref<256xi32, #tpu.memory_space<hbm>>
      tpu.wait_dma2 semaphore(%run_scoped3A : memref<!tpu.dma_semaphore, #tpu.memory_space<semaphore_mem>>) src(%dma_wait3A_164 : memref<256xi32, #tpu.memory_space<hbm>>) dst(%arg5 : memref<256xi32, #tpu.memory_space<vmem>>)
      tpu.yield
    }) : () -> ()
    %dma_start3A_115 = arith.constant 0 : i32
    %dma_start3A_116 = arith.constant 0 : i32
    %dma_start3A_117 = tpu.memref_slice %arg2[%dma_start3A_115, %dma_start3A_116] : memref<8192x128xf32, #tpu.memory_space<hbm>> -> memref<8192x128xf32, #tpu.memory_space<hbm>>
    tpu.enqueue_indirect_dma source(%dma_start3A_117 : memref<8192x128xf32, #tpu.memory_space<hbm>>) target(%arg6 : memref<256x128xf32, #tpu.memory_space<vmem>>) offsets(%arg5 : memref<256xi32, #tpu.memory_space<vmem>>) semaphore(%arg7 : memref<!tpu.dma_semaphore, #tpu.memory_space<semaphore_mem>>)
    %dma_wait3A_118 = arith.constant 0 : i32
    %dma_wait3A_119 = arith.constant 0 : i32
    %dma_wait3A_120 = tpu.memref_slice %arg2[%dma_wait3A_118, %dma_wait3A_119] : memref<8192x128xf32, #tpu.memory_space<hbm>> -> memref<8192x128xf32, #tpu.memory_space<hbm>>
    tpu.wait_indirect_dma semaphore(%arg7 : memref<!tpu.dma_semaphore, #tpu.memory_space<semaphore_mem>>) src(%dma_wait3A_120 : memref<8192x128xf32, #tpu.memory_space<hbm>>) dst(%arg6 : memref<256x128xf32, #tpu.memory_space<vmem>>)
    "tpu.region"() ({
      %run_scoped3A = tpu.sem_alloc : memref<!tpu.dma_semaphore, #tpu.memory_space<semaphore_mem>>
      %dma_start3A_161 = arith.constant 0 : i32
      %dma_start3A_162 = tpu.memref_slice %arg4[%add3A_114, %dma_start3A_161] : memref<163840x128xf32, #tpu.memory_space<hbm>> -> memref<256x128xf32, #tpu.memory_space<hbm>>
      %dma_start3A_163 = arith.constant 0 : i32
      %dma_start3A_164 = tpu.memref_slice %arg4[%add3A_114, %dma_start3A_163] : memref<163840x128xf32, #tpu.memory_space<hbm>> -> memref<256x128xf32, #tpu.memory_space<hbm>>
      tpu.enqueue_dma source(%arg6 : memref<256x128xf32, #tpu.memory_space<vmem>>) target(%dma_start3A_164 : memref<256x128xf32, #tpu.memory_space<hbm>>) target_semaphore(%run_scoped3A : memref<!tpu.dma_semaphore, #tpu.memory_space<semaphore_mem>>)
      %dma_wait3A_165 = arith.constant 0 : i32
      %dma_wait3A_166 = tpu.memref_slice %arg4[%add3A_114, %dma_wait3A_165] : memref<163840x128xf32, #tpu.memory_space<hbm>> -> memref<256x128xf32, #tpu.memory_space<hbm>>
      %dma_wait3A_167 = arith.constant 0 : i32
      %dma_wait3A_168 = tpu.memref_slice %arg4[%add3A_114, %dma_wait3A_167] : memref<163840x128xf32, #tpu.memory_space<hbm>> -> memref<256x128xf32, #tpu.memory_space<hbm>>
      tpu.wait_dma2 semaphore(%run_scoped3A : memref<!tpu.dma_semaphore, #tpu.memory_space<semaphore_mem>>) src(%arg6 : memref<256x128xf32, #tpu.memory_space<vmem>>) dst(%dma_wait3A_168 : memref<256x128xf32, #tpu.memory_space<hbm>>)
      tpu.yield
    }) : () -> ()
    %add3A_121 = arith.constant 3840 : i32
    %add3A_122 = arith.addi %mul3A_2, %add3A_121 : i32
    "tpu.region"() ({
      %run_scoped3A = tpu.sem_alloc : memref<!tpu.dma_semaphore, #tpu.memory_space<semaphore_mem>>
      %dma_start3A_161 = tpu.memref_slice %arg3[%add3A_122] : memref<163840xi32, #tpu.memory_space<hbm>> -> memref<256xi32, #tpu.memory_space<hbm>>
      %dma_start3A_162 = tpu.memref_slice %arg3[%add3A_122] : memref<163840xi32, #tpu.memory_space<hbm>> -> memref<256xi32, #tpu.memory_space<hbm>>
      tpu.enqueue_dma source(%dma_start3A_162 : memref<256xi32, #tpu.memory_space<hbm>>) target(%arg5 : memref<256xi32, #tpu.memory_space<vmem>>) target_semaphore(%run_scoped3A : memref<!tpu.dma_semaphore, #tpu.memory_space<semaphore_mem>>)
      %dma_wait3A_163 = tpu.memref_slice %arg3[%add3A_122] : memref<163840xi32, #tpu.memory_space<hbm>> -> memref<256xi32, #tpu.memory_space<hbm>>
      %dma_wait3A_164 = tpu.memref_slice %arg3[%add3A_122] : memref<163840xi32, #tpu.memory_space<hbm>> -> memref<256xi32, #tpu.memory_space<hbm>>
      tpu.wait_dma2 semaphore(%run_scoped3A : memref<!tpu.dma_semaphore, #tpu.memory_space<semaphore_mem>>) src(%dma_wait3A_164 : memref<256xi32, #tpu.memory_space<hbm>>) dst(%arg5 : memref<256xi32, #tpu.memory_space<vmem>>)
      tpu.yield
    }) : () -> ()
    %dma_start3A_123 = arith.constant 0 : i32
    %dma_start3A_124 = arith.constant 0 : i32
    %dma_start3A_125 = tpu.memref_slice %arg2[%dma_start3A_123, %dma_start3A_124] : memref<8192x128xf32, #tpu.memory_space<hbm>> -> memref<8192x128xf32, #tpu.memory_space<hbm>>
    tpu.enqueue_indirect_dma source(%dma_start3A_125 : memref<8192x128xf32, #tpu.memory_space<hbm>>) target(%arg6 : memref<256x128xf32, #tpu.memory_space<vmem>>) offsets(%arg5 : memref<256xi32, #tpu.memory_space<vmem>>) semaphore(%arg7 : memref<!tpu.dma_semaphore, #tpu.memory_space<semaphore_mem>>)
    %dma_wait3A_126 = arith.constant 0 : i32
    %dma_wait3A_127 = arith.constant 0 : i32
    %dma_wait3A_128 = tpu.memref_slice %arg2[%dma_wait3A_126, %dma_wait3A_127] : memref<8192x128xf32, #tpu.memory_space<hbm>> -> memref<8192x128xf32, #tpu.memory_space<hbm>>
    tpu.wait_indirect_dma semaphore(%arg7 : memref<!tpu.dma_semaphore, #tpu.memory_space<semaphore_mem>>) src(%dma_wait3A_128 : memref<8192x128xf32, #tpu.memory_space<hbm>>) dst(%arg6 : memref<256x128xf32, #tpu.memory_space<vmem>>)
    "tpu.region"() ({
      %run_scoped3A = tpu.sem_alloc : memref<!tpu.dma_semaphore, #tpu.memory_space<semaphore_mem>>
      %dma_start3A_161 = arith.constant 0 : i32
      %dma_start3A_162 = tpu.memref_slice %arg4[%add3A_122, %dma_start3A_161] : memref<163840x128xf32, #tpu.memory_space<hbm>> -> memref<256x128xf32, #tpu.memory_space<hbm>>
      %dma_start3A_163 = arith.constant 0 : i32
      %dma_start3A_164 = tpu.memref_slice %arg4[%add3A_122, %dma_start3A_163] : memref<163840x128xf32, #tpu.memory_space<hbm>> -> memref<256x128xf32, #tpu.memory_space<hbm>>
      tpu.enqueue_dma source(%arg6 : memref<256x128xf32, #tpu.memory_space<vmem>>) target(%dma_start3A_164 : memref<256x128xf32, #tpu.memory_space<hbm>>) target_semaphore(%run_scoped3A : memref<!tpu.dma_semaphore, #tpu.memory_space<semaphore_mem>>)
      %dma_wait3A_165 = arith.constant 0 : i32
      %dma_wait3A_166 = tpu.memref_slice %arg4[%add3A_122, %dma_wait3A_165] : memref<163840x128xf32, #tpu.memory_space<hbm>> -> memref<256x128xf32, #tpu.memory_space<hbm>>
      %dma_wait3A_167 = arith.constant 0 : i32
      %dma_wait3A_168 = tpu.memref_slice %arg4[%add3A_122, %dma_wait3A_167] : memref<163840x128xf32, #tpu.memory_space<hbm>> -> memref<256x128xf32, #tpu.memory_space<hbm>>
      tpu.wait_dma2 semaphore(%run_scoped3A : memref<!tpu.dma_semaphore, #tpu.memory_space<semaphore_mem>>) src(%arg6 : memref<256x128xf32, #tpu.memory_space<vmem>>) dst(%dma_wait3A_168 : memref<256x128xf32, #tpu.memory_space<hbm>>)
      tpu.yield
    }) : () -> ()
    %add3A_129 = arith.constant 4096 : i32
    %add3A_130 = arith.addi %mul3A_2, %add3A_129 : i32
    "tpu.region"() ({
      %run_scoped3A = tpu.sem_alloc : memref<!tpu.dma_semaphore, #tpu.memory_space<semaphore_mem>>
      %dma_start3A_161 = tpu.memref_slice %arg3[%add3A_130] : memref<163840xi32, #tpu.memory_space<hbm>> -> memref<256xi32, #tpu.memory_space<hbm>>
      %dma_start3A_162 = tpu.memref_slice %arg3[%add3A_130] : memref<163840xi32, #tpu.memory_space<hbm>> -> memref<256xi32, #tpu.memory_space<hbm>>
      tpu.enqueue_dma source(%dma_start3A_162 : memref<256xi32, #tpu.memory_space<hbm>>) target(%arg5 : memref<256xi32, #tpu.memory_space<vmem>>) target_semaphore(%run_scoped3A : memref<!tpu.dma_semaphore, #tpu.memory_space<semaphore_mem>>)
      %dma_wait3A_163 = tpu.memref_slice %arg3[%add3A_130] : memref<163840xi32, #tpu.memory_space<hbm>> -> memref<256xi32, #tpu.memory_space<hbm>>
      %dma_wait3A_164 = tpu.memref_slice %arg3[%add3A_130] : memref<163840xi32, #tpu.memory_space<hbm>> -> memref<256xi32, #tpu.memory_space<hbm>>
      tpu.wait_dma2 semaphore(%run_scoped3A : memref<!tpu.dma_semaphore, #tpu.memory_space<semaphore_mem>>) src(%dma_wait3A_164 : memref<256xi32, #tpu.memory_space<hbm>>) dst(%arg5 : memref<256xi32, #tpu.memory_space<vmem>>)
      tpu.yield
    }) : () -> ()
    %dma_start3A_131 = arith.constant 0 : i32
    %dma_start3A_132 = arith.constant 0 : i32
    %dma_start3A_133 = tpu.memref_slice %arg2[%dma_start3A_131, %dma_start3A_132] : memref<8192x128xf32, #tpu.memory_space<hbm>> -> memref<8192x128xf32, #tpu.memory_space<hbm>>
    tpu.enqueue_indirect_dma source(%dma_start3A_133 : memref<8192x128xf32, #tpu.memory_space<hbm>>) target(%arg6 : memref<256x128xf32, #tpu.memory_space<vmem>>) offsets(%arg5 : memref<256xi32, #tpu.memory_space<vmem>>) semaphore(%arg7 : memref<!tpu.dma_semaphore, #tpu.memory_space<semaphore_mem>>)
    %dma_wait3A_134 = arith.constant 0 : i32
    %dma_wait3A_135 = arith.constant 0 : i32
    %dma_wait3A_136 = tpu.memref_slice %arg2[%dma_wait3A_134, %dma_wait3A_135] : memref<8192x128xf32, #tpu.memory_space<hbm>> -> memref<8192x128xf32, #tpu.memory_space<hbm>>
    tpu.wait_indirect_dma semaphore(%arg7 : memref<!tpu.dma_semaphore, #tpu.memory_space<semaphore_mem>>) src(%dma_wait3A_136 : memref<8192x128xf32, #tpu.memory_space<hbm>>) dst(%arg6 : memref<256x128xf32, #tpu.memory_space<vmem>>)
    "tpu.region"() ({
      %run_scoped3A = tpu.sem_alloc : memref<!tpu.dma_semaphore, #tpu.memory_space<semaphore_mem>>
      %dma_start3A_161 = arith.constant 0 : i32
      %dma_start3A_162 = tpu.memref_slice %arg4[%add3A_130, %dma_start3A_161] : memref<163840x128xf32, #tpu.memory_space<hbm>> -> memref<256x128xf32, #tpu.memory_space<hbm>>
      %dma_start3A_163 = arith.constant 0 : i32
      %dma_start3A_164 = tpu.memref_slice %arg4[%add3A_130, %dma_start3A_163] : memref<163840x128xf32, #tpu.memory_space<hbm>> -> memref<256x128xf32, #tpu.memory_space<hbm>>
      tpu.enqueue_dma source(%arg6 : memref<256x128xf32, #tpu.memory_space<vmem>>) target(%dma_start3A_164 : memref<256x128xf32, #tpu.memory_space<hbm>>) target_semaphore(%run_scoped3A : memref<!tpu.dma_semaphore, #tpu.memory_space<semaphore_mem>>)
      %dma_wait3A_165 = arith.constant 0 : i32
      %dma_wait3A_166 = tpu.memref_slice %arg4[%add3A_130, %dma_wait3A_165] : memref<163840x128xf32, #tpu.memory_space<hbm>> -> memref<256x128xf32, #tpu.memory_space<hbm>>
      %dma_wait3A_167 = arith.constant 0 : i32
      %dma_wait3A_168 = tpu.memref_slice %arg4[%add3A_130, %dma_wait3A_167] : memref<163840x128xf32, #tpu.memory_space<hbm>> -> memref<256x128xf32, #tpu.memory_space<hbm>>
      tpu.wait_dma2 semaphore(%run_scoped3A : memref<!tpu.dma_semaphore, #tpu.memory_space<semaphore_mem>>) src(%arg6 : memref<256x128xf32, #tpu.memory_space<vmem>>) dst(%dma_wait3A_168 : memref<256x128xf32, #tpu.memory_space<hbm>>)
      tpu.yield
    }) : () -> ()
    %add3A_137 = arith.constant 4352 : i32
    %add3A_138 = arith.addi %mul3A_2, %add3A_137 : i32
    "tpu.region"() ({
      %run_scoped3A = tpu.sem_alloc : memref<!tpu.dma_semaphore, #tpu.memory_space<semaphore_mem>>
      %dma_start3A_161 = tpu.memref_slice %arg3[%add3A_138] : memref<163840xi32, #tpu.memory_space<hbm>> -> memref<256xi32, #tpu.memory_space<hbm>>
      %dma_start3A_162 = tpu.memref_slice %arg3[%add3A_138] : memref<163840xi32, #tpu.memory_space<hbm>> -> memref<256xi32, #tpu.memory_space<hbm>>
      tpu.enqueue_dma source(%dma_start3A_162 : memref<256xi32, #tpu.memory_space<hbm>>) target(%arg5 : memref<256xi32, #tpu.memory_space<vmem>>) target_semaphore(%run_scoped3A : memref<!tpu.dma_semaphore, #tpu.memory_space<semaphore_mem>>)
      %dma_wait3A_163 = tpu.memref_slice %arg3[%add3A_138] : memref<163840xi32, #tpu.memory_space<hbm>> -> memref<256xi32, #tpu.memory_space<hbm>>
      %dma_wait3A_164 = tpu.memref_slice %arg3[%add3A_138] : memref<163840xi32, #tpu.memory_space<hbm>> -> memref<256xi32, #tpu.memory_space<hbm>>
      tpu.wait_dma2 semaphore(%run_scoped3A : memref<!tpu.dma_semaphore, #tpu.memory_space<semaphore_mem>>) src(%dma_wait3A_164 : memref<256xi32, #tpu.memory_space<hbm>>) dst(%arg5 : memref<256xi32, #tpu.memory_space<vmem>>)
      tpu.yield
    }) : () -> ()
    %dma_start3A_139 = arith.constant 0 : i32
    %dma_start3A_140 = arith.constant 0 : i32
    %dma_start3A_141 = tpu.memref_slice %arg2[%dma_start3A_139, %dma_start3A_140] : memref<8192x128xf32, #tpu.memory_space<hbm>> -> memref<8192x128xf32, #tpu.memory_space<hbm>>
    tpu.enqueue_indirect_dma source(%dma_start3A_141 : memref<8192x128xf32, #tpu.memory_space<hbm>>) target(%arg6 : memref<256x128xf32, #tpu.memory_space<vmem>>) offsets(%arg5 : memref<256xi32, #tpu.memory_space<vmem>>) semaphore(%arg7 : memref<!tpu.dma_semaphore, #tpu.memory_space<semaphore_mem>>)
    %dma_wait3A_142 = arith.constant 0 : i32
    %dma_wait3A_143 = arith.constant 0 : i32
    %dma_wait3A_144 = tpu.memref_slice %arg2[%dma_wait3A_142, %dma_wait3A_143] : memref<8192x128xf32, #tpu.memory_space<hbm>> -> memref<8192x128xf32, #tpu.memory_space<hbm>>
    tpu.wait_indirect_dma semaphore(%arg7 : memref<!tpu.dma_semaphore, #tpu.memory_space<semaphore_mem>>) src(%dma_wait3A_144 : memref<8192x128xf32, #tpu.memory_space<hbm>>) dst(%arg6 : memref<256x128xf32, #tpu.memory_space<vmem>>)
    "tpu.region"() ({
      %run_scoped3A = tpu.sem_alloc : memref<!tpu.dma_semaphore, #tpu.memory_space<semaphore_mem>>
      %dma_start3A_161 = arith.constant 0 : i32
      %dma_start3A_162 = tpu.memref_slice %arg4[%add3A_138, %dma_start3A_161] : memref<163840x128xf32, #tpu.memory_space<hbm>> -> memref<256x128xf32, #tpu.memory_space<hbm>>
      %dma_start3A_163 = arith.constant 0 : i32
      %dma_start3A_164 = tpu.memref_slice %arg4[%add3A_138, %dma_start3A_163] : memref<163840x128xf32, #tpu.memory_space<hbm>> -> memref<256x128xf32, #tpu.memory_space<hbm>>
      tpu.enqueue_dma source(%arg6 : memref<256x128xf32, #tpu.memory_space<vmem>>) target(%dma_start3A_164 : memref<256x128xf32, #tpu.memory_space<hbm>>) target_semaphore(%run_scoped3A : memref<!tpu.dma_semaphore, #tpu.memory_space<semaphore_mem>>)
      %dma_wait3A_165 = arith.constant 0 : i32
      %dma_wait3A_166 = tpu.memref_slice %arg4[%add3A_138, %dma_wait3A_165] : memref<163840x128xf32, #tpu.memory_space<hbm>> -> memref<256x128xf32, #tpu.memory_space<hbm>>
      %dma_wait3A_167 = arith.constant 0 : i32
      %dma_wait3A_168 = tpu.memref_slice %arg4[%add3A_138, %dma_wait3A_167] : memref<163840x128xf32, #tpu.memory_space<hbm>> -> memref<256x128xf32, #tpu.memory_space<hbm>>
      tpu.wait_dma2 semaphore(%run_scoped3A : memref<!tpu.dma_semaphore, #tpu.memory_space<semaphore_mem>>) src(%arg6 : memref<256x128xf32, #tpu.memory_space<vmem>>) dst(%dma_wait3A_168 : memref<256x128xf32, #tpu.memory_space<hbm>>)
      tpu.yield
    }) : () -> ()
    %add3A_145 = arith.constant 4608 : i32
    %add3A_146 = arith.addi %mul3A_2, %add3A_145 : i32
    "tpu.region"() ({
      %run_scoped3A = tpu.sem_alloc : memref<!tpu.dma_semaphore, #tpu.memory_space<semaphore_mem>>
      %dma_start3A_161 = tpu.memref_slice %arg3[%add3A_146] : memref<163840xi32, #tpu.memory_space<hbm>> -> memref<256xi32, #tpu.memory_space<hbm>>
      %dma_start3A_162 = tpu.memref_slice %arg3[%add3A_146] : memref<163840xi32, #tpu.memory_space<hbm>> -> memref<256xi32, #tpu.memory_space<hbm>>
      tpu.enqueue_dma source(%dma_start3A_162 : memref<256xi32, #tpu.memory_space<hbm>>) target(%arg5 : memref<256xi32, #tpu.memory_space<vmem>>) target_semaphore(%run_scoped3A : memref<!tpu.dma_semaphore, #tpu.memory_space<semaphore_mem>>)
      %dma_wait3A_163 = tpu.memref_slice %arg3[%add3A_146] : memref<163840xi32, #tpu.memory_space<hbm>> -> memref<256xi32, #tpu.memory_space<hbm>>
      %dma_wait3A_164 = tpu.memref_slice %arg3[%add3A_146] : memref<163840xi32, #tpu.memory_space<hbm>> -> memref<256xi32, #tpu.memory_space<hbm>>
      tpu.wait_dma2 semaphore(%run_scoped3A : memref<!tpu.dma_semaphore, #tpu.memory_space<semaphore_mem>>) src(%dma_wait3A_164 : memref<256xi32, #tpu.memory_space<hbm>>) dst(%arg5 : memref<256xi32, #tpu.memory_space<vmem>>)
      tpu.yield
    }) : () -> ()
    %dma_start3A_147 = arith.constant 0 : i32
    %dma_start3A_148 = arith.constant 0 : i32
    %dma_start3A_149 = tpu.memref_slice %arg2[%dma_start3A_147, %dma_start3A_148] : memref<8192x128xf32, #tpu.memory_space<hbm>> -> memref<8192x128xf32, #tpu.memory_space<hbm>>
    tpu.enqueue_indirect_dma source(%dma_start3A_149 : memref<8192x128xf32, #tpu.memory_space<hbm>>) target(%arg6 : memref<256x128xf32, #tpu.memory_space<vmem>>) offsets(%arg5 : memref<256xi32, #tpu.memory_space<vmem>>) semaphore(%arg7 : memref<!tpu.dma_semaphore, #tpu.memory_space<semaphore_mem>>)
    %dma_wait3A_150 = arith.constant 0 : i32
    %dma_wait3A_151 = arith.constant 0 : i32
    %dma_wait3A_152 = tpu.memref_slice %arg2[%dma_wait3A_150, %dma_wait3A_151] : memref<8192x128xf32, #tpu.memory_space<hbm>> -> memref<8192x128xf32, #tpu.memory_space<hbm>>
    tpu.wait_indirect_dma semaphore(%arg7 : memref<!tpu.dma_semaphore, #tpu.memory_space<semaphore_mem>>) src(%dma_wait3A_152 : memref<8192x128xf32, #tpu.memory_space<hbm>>) dst(%arg6 : memref<256x128xf32, #tpu.memory_space<vmem>>)
    "tpu.region"() ({
      %run_scoped3A = tpu.sem_alloc : memref<!tpu.dma_semaphore, #tpu.memory_space<semaphore_mem>>
      %dma_start3A_161 = arith.constant 0 : i32
      %dma_start3A_162 = tpu.memref_slice %arg4[%add3A_146, %dma_start3A_161] : memref<163840x128xf32, #tpu.memory_space<hbm>> -> memref<256x128xf32, #tpu.memory_space<hbm>>
      %dma_start3A_163 = arith.constant 0 : i32
      %dma_start3A_164 = tpu.memref_slice %arg4[%add3A_146, %dma_start3A_163] : memref<163840x128xf32, #tpu.memory_space<hbm>> -> memref<256x128xf32, #tpu.memory_space<hbm>>
      tpu.enqueue_dma source(%arg6 : memref<256x128xf32, #tpu.memory_space<vmem>>) target(%dma_start3A_164 : memref<256x128xf32, #tpu.memory_space<hbm>>) target_semaphore(%run_scoped3A : memref<!tpu.dma_semaphore, #tpu.memory_space<semaphore_mem>>)
      %dma_wait3A_165 = arith.constant 0 : i32
      %dma_wait3A_166 = tpu.memref_slice %arg4[%add3A_146, %dma_wait3A_165] : memref<163840x128xf32, #tpu.memory_space<hbm>> -> memref<256x128xf32, #tpu.memory_space<hbm>>
      %dma_wait3A_167 = arith.constant 0 : i32
      %dma_wait3A_168 = tpu.memref_slice %arg4[%add3A_146, %dma_wait3A_167] : memref<163840x128xf32, #tpu.memory_space<hbm>> -> memref<256x128xf32, #tpu.memory_space<hbm>>
      tpu.wait_dma2 semaphore(%run_scoped3A : memref<!tpu.dma_semaphore, #tpu.memory_space<semaphore_mem>>) src(%arg6 : memref<256x128xf32, #tpu.memory_space<vmem>>) dst(%dma_wait3A_168 : memref<256x128xf32, #tpu.memory_space<hbm>>)
      tpu.yield
    }) : () -> ()
    %add3A_153 = arith.constant 4864 : i32
    %add3A_154 = arith.addi %mul3A_2, %add3A_153 : i32
    "tpu.region"() ({
      %run_scoped3A = tpu.sem_alloc : memref<!tpu.dma_semaphore, #tpu.memory_space<semaphore_mem>>
      %dma_start3A_161 = tpu.memref_slice %arg3[%add3A_154] : memref<163840xi32, #tpu.memory_space<hbm>> -> memref<256xi32, #tpu.memory_space<hbm>>
      %dma_start3A_162 = tpu.memref_slice %arg3[%add3A_154] : memref<163840xi32, #tpu.memory_space<hbm>> -> memref<256xi32, #tpu.memory_space<hbm>>
      tpu.enqueue_dma source(%dma_start3A_162 : memref<256xi32, #tpu.memory_space<hbm>>) target(%arg5 : memref<256xi32, #tpu.memory_space<vmem>>) target_semaphore(%run_scoped3A : memref<!tpu.dma_semaphore, #tpu.memory_space<semaphore_mem>>)
      %dma_wait3A_163 = tpu.memref_slice %arg3[%add3A_154] : memref<163840xi32, #tpu.memory_space<hbm>> -> memref<256xi32, #tpu.memory_space<hbm>>
      %dma_wait3A_164 = tpu.memref_slice %arg3[%add3A_154] : memref<163840xi32, #tpu.memory_space<hbm>> -> memref<256xi32, #tpu.memory_space<hbm>>
      tpu.wait_dma2 semaphore(%run_scoped3A : memref<!tpu.dma_semaphore, #tpu.memory_space<semaphore_mem>>) src(%dma_wait3A_164 : memref<256xi32, #tpu.memory_space<hbm>>) dst(%arg5 : memref<256xi32, #tpu.memory_space<vmem>>)
      tpu.yield
    }) : () -> ()
    %dma_start3A_155 = arith.constant 0 : i32
    %dma_start3A_156 = arith.constant 0 : i32
    %dma_start3A_157 = tpu.memref_slice %arg2[%dma_start3A_155, %dma_start3A_156] : memref<8192x128xf32, #tpu.memory_space<hbm>> -> memref<8192x128xf32, #tpu.memory_space<hbm>>
    tpu.enqueue_indirect_dma source(%dma_start3A_157 : memref<8192x128xf32, #tpu.memory_space<hbm>>) target(%arg6 : memref<256x128xf32, #tpu.memory_space<vmem>>) offsets(%arg5 : memref<256xi32, #tpu.memory_space<vmem>>) semaphore(%arg7 : memref<!tpu.dma_semaphore, #tpu.memory_space<semaphore_mem>>)
    %dma_wait3A_158 = arith.constant 0 : i32
    %dma_wait3A_159 = arith.constant 0 : i32
    %dma_wait3A_160 = tpu.memref_slice %arg2[%dma_wait3A_158, %dma_wait3A_159] : memref<8192x128xf32, #tpu.memory_space<hbm>> -> memref<8192x128xf32, #tpu.memory_space<hbm>>
    tpu.wait_indirect_dma semaphore(%arg7 : memref<!tpu.dma_semaphore, #tpu.memory_space<semaphore_mem>>) src(%dma_wait3A_160 : memref<8192x128xf32, #tpu.memory_space<hbm>>) dst(%arg6 : memref<256x128xf32, #tpu.memory_space<vmem>>)
    "tpu.region"() ({
      %run_scoped3A = tpu.sem_alloc : memref<!tpu.dma_semaphore, #tpu.memory_space<semaphore_mem>>
      %dma_start3A_161 = arith.constant 0 : i32
      %dma_start3A_162 = tpu.memref_slice %arg4[%add3A_154, %dma_start3A_161] : memref<163840x128xf32, #tpu.memory_space<hbm>> -> memref<256x128xf32, #tpu.memory_space<hbm>>
      %dma_start3A_163 = arith.constant 0 : i32
      %dma_start3A_164 = tpu.memref_slice %arg4[%add3A_154, %dma_start3A_163] : memref<163840x128xf32, #tpu.memory_space<hbm>> -> memref<256x128xf32, #tpu.memory_space<hbm>>
      tpu.enqueue_dma source(%arg6 : memref<256x128xf32, #tpu.memory_space<vmem>>) target(%dma_start3A_164 : memref<256x128xf32, #tpu.memory_space<hbm>>) target_semaphore(%run_scoped3A : memref<!tpu.dma_semaphore, #tpu.memory_space<semaphore_mem>>)
      %dma_wait3A_165 = arith.constant 0 : i32
      %dma_wait3A_166 = tpu.memref_slice %arg4[%add3A_154, %dma_wait3A_165] : memref<163840x128xf32, #tpu.memory_space<hbm>> -> memref<256x128xf32, #tpu.memory_space<hbm>>
      %dma_wait3A_167 = arith.constant 0 : i32
      %dma_wait3A_168 = tpu.memref_slice %arg4[%add3A_154, %dma_wait3A_167] : memref<163840x128xf32, #tpu.memory_space<hbm>> -> memref<256x128xf32, #tpu.memory_space<hbm>>
      tpu.wait_dma2 semaphore(%run_scoped3A : memref<!tpu.dma_semaphore, #tpu.memory_space<semaphore_mem>>) src(%arg6 : memref<256x128xf32, #tpu.memory_space<vmem>>) dst(%dma_wait3A_168 : memref<256x128xf32, #tpu.memory_space<hbm>>)
      tpu.yield
    }) : () -> ()
    return
  }
}

module attributes {stable_mosaic.version = 14 : i64} {
  func.func @_sq_body(%arg0: i32, %arg1: memref<256x8xf32, #tpu.memory_space<vmem>>, %arg2: memref<256x1xf32, #tpu.memory_space<vmem>>) attributes {dimension_semantics = [#tpu.dimension_semantics<arbitrary>], iteration_bounds = array<i64: 32>, scalar_prefetch = 0 : i64, scratch_operands = 0 : i64, tpu.core_type = #tpu.core_type<tc>, window_params = [{transform_indices = @transform_0, window_bounds = array<i64: 256, 8>}, {transform_indices = @transform_1, window_bounds = array<i64: 256, 1>}]} {
    %get3A = arith.constant 0 : index
    %get3A_0 = arith.constant 0 : index
    %get3A_1 = vector.load %arg1[%get3A, %get3A_0] : memref<256x8xf32, #tpu.memory_space<vmem>>, vector<256x8xf32>
    %mul3A = arith.mulf %get3A_1, %get3A_1 : vector<256x8xf32>
    %reduce_sum3A = arith.constant dense<0.000000e+00> : vector<256xf32>
    %reduce_sum3A_2 = vector.multi_reduction <add>, %mul3A, %reduce_sum3A [1] : vector<256x8xf32> to vector<256xf32>
    %broadcast_in_dim3A = vector.shape_cast %reduce_sum3A_2 : vector<256xf32> to vector<256x1xf32>
    %swap3A = arith.constant 0 : index
    %swap3A_3 = arith.constant 0 : index
    %swap3A_4 = vector.load %arg2[%swap3A, %swap3A_3] : memref<256x1xf32, #tpu.memory_space<vmem>>, vector<256x1xf32>
    tpu.vector_store %arg2[%swap3A, %swap3A_3], %broadcast_in_dim3A {strides = array<i32>} : memref<256x1xf32, #tpu.memory_space<vmem>>, vector<256x1xf32>,
    return
  }
  func.func @transform_0(%arg0: i32) -> (i32, i32) {
    %c0_i32 = arith.constant 0 : i32
    %c0_i32_0 = arith.constant 0 : i32
    return %arg0, %c0_i32 : i32, i32
  }
  func.func @transform_1(%arg0: i32) -> (i32, i32) {
    %c0_i32 = arith.constant 0 : i32
    %c0_i32_0 = arith.constant 0 : i32
    return %arg0, %c0_i32 : i32, i32
  }
}

module attributes {stable_mosaic.version = 14 : i64} {
  func.func @_knn_body(%arg0: i32, %arg1: memref<256x8xf32, #tpu.memory_space<vmem>>, %arg2: memref<256x1xf32, #tpu.memory_space<vmem>>, %arg3: memref<256x1xi32, #tpu.memory_space<vmem>>, %arg4: memref<8192x8xf32, #tpu.memory_space<vmem>>, %arg5: memref<1x8192xi32, #tpu.memory_space<vmem>>, %arg6: memref<16x1x512xf32, #tpu.memory_space<vmem>>, %arg7: memref<16x1x512xi32, #tpu.memory_space<vmem>>, %arg8: memref<256x32xi32, #tpu.memory_space<vmem>>) attributes {dimension_semantics = [#tpu.dimension_semantics<parallel>], iteration_bounds = array<i64: 32>, scalar_prefetch = 0 : i64, scratch_operands = 0 : i64, tpu.core_type = #tpu.core_type<tc>, window_params = [{transform_indices = @transform_0, window_bounds = array<i64: 256, 8>}, {transform_indices = @transform_1, window_bounds = array<i64: 256, 1>}, {transform_indices = @transform_2, window_bounds = array<i64: 256, 1>}, {pipeline_mode = #tpu.pipeline_mode<synchronous>, transform_indices = @transform_3, window_bounds = array<i64: 8192, 8>}, {pipeline_mode = #tpu.pipeline_mode<synchronous>, transform_indices = @transform_4, window_bounds = array<i64: 1, 8192>}, {pipeline_mode = #tpu.pipeline_mode<synchronous>, transform_indices = @transform_5, window_bounds = array<i64: 16, 1, 512>}, {pipeline_mode = #tpu.pipeline_mode<synchronous>, transform_indices = @transform_6, window_bounds = array<i64: 16, 1, 512>}, {transform_indices = @transform_7, window_bounds = array<i64: 256, 32>}]} {
    %mul3A = arith.constant 256 : i32
    %mul3A_0 = arith.muli %arg0, %mul3A : i32
    %get3A = arith.constant 0 : index
    %get3A_1 = arith.constant 0 : index
    %get3A_2 = vector.load %arg1[%get3A, %get3A_1] : memref<256x8xf32, #tpu.memory_space<vmem>>, vector<256x8xf32>
    %convert_element_type3A = arith.truncf %get3A_2 : vector<256x8xf32> to vector<256x8xbf16>
    %get3A_3 = arith.constant 0 : index
    %get3A_4 = arith.constant 0 : index
    %get3A_5 = vector.load %arg2[%get3A_3, %get3A_4] : memref<256x1xf32, #tpu.memory_space<vmem>>, vector<256x1xf32>
    %get3A_6 = arith.constant 0 : index
    %get3A_7 = arith.constant 0 : index
    %get3A_8 = vector.load %arg3[%get3A_6, %get3A_7] : memref<256x1xi32, #tpu.memory_space<vmem>>, vector<256x1xi32>
    %get3A_9 = arith.constant 0 : index
    %get3A_10 = arith.constant 0 : index
    %get3A_11 = vector.load %arg5[%get3A_9, %get3A_10] : memref<1x8192xi32, #tpu.memory_space<vmem>>, vector<1x8192xi32>
    %reduce_min3A = vector.shape_cast %get3A_8 : vector<256x1xi32> to vector<1x256x1xi32>
    %reduce_min3A_12 = arith.constant dense<2147483647> : vector<1xi32>
    %reduce_min3A_13 = vector.multi_reduction <minsi>, %reduce_min3A, %reduce_min3A_12 [1, 2] : vector<1x256x1xi32> to vector<1xi32>
    %reduce_min3A_14 = vector.shape_cast %reduce_min3A_13 : vector<1xi32> to vector<1x1x1xi32>
    %reduce_min3A_15 = vector.extract %reduce_min3A_14[0, 0, 0] : i32 from vector<1x1x1xi32>
    %reduce_max3A = vector.shape_cast %get3A_8 : vector<256x1xi32> to vector<1x256x1xi32>
    %reduce_max3A_16 = arith.constant dense<-2147483648> : vector<1xi32>
    %reduce_max3A_17 = vector.multi_reduction <maxsi>, %reduce_max3A, %reduce_max3A_16 [1, 2] : vector<1x256x1xi32> to vector<1xi32>
    %reduce_max3A_18 = vector.shape_cast %reduce_max3A_17 : vector<1xi32> to vector<1x1x1xi32>
    %reduce_max3A_19 = vector.extract %reduce_max3A_18[0, 0, 0] : i32 from vector<1x1x1xi32>
    %iota3A = tpu.iota {dimensions = array<i32: 1>} : vector<1x8192xi32>
    %eq3A = vector.broadcast %reduce_min3A_15 : i32 to vector<1x8192xi32>
    %eq3A_20 = arith.cmpi eq, %get3A_11, %eq3A : vector<1x8192xi32>
    %jit3A = arith.constant 8192 : i32
    %broadcast_in_dim3A = vector.broadcast %jit3A : i32 to vector<1x8192xi32>
    %select_n3A = arith.select %eq3A_20, %iota3A, %broadcast_in_dim3A : vector<1x8192xi1>, vector<1x8192xi32>
    %reduce_min3A_21 = vector.shape_cast %select_n3A : vector<1x8192xi32> to vector<1x1x8192xi32>
    %reduce_min3A_22 = arith.constant dense<2147483647> : vector<1xi32>
    %reduce_min3A_23 = vector.multi_reduction <minsi>, %reduce_min3A_21, %reduce_min3A_22 [1, 2] : vector<1x1x8192xi32> to vector<1xi32>
    %reduce_min3A_24 = vector.shape_cast %reduce_min3A_23 : vector<1xi32> to vector<1x1x1xi32>
    %reduce_min3A_25 = vector.extract %reduce_min3A_24[0, 0, 0] : i32 from vector<1x1x1xi32>
    %eq3A_26 = vector.broadcast %reduce_max3A_19 : i32 to vector<1x8192xi32>
    %eq3A_27 = arith.cmpi eq, %get3A_11, %eq3A_26 : vector<1x8192xi32>
    %jit3A_28 = arith.constant 0 : i32
    %broadcast_in_dim3A_29 = vector.broadcast %jit3A_28 : i32 to vector<1x8192xi32>
    %select_n3A_30 = arith.select %eq3A_27, %iota3A, %broadcast_in_dim3A_29 : vector<1x8192xi1>, vector<1x8192xi32>
    %reduce_max3A_31 = vector.shape_cast %select_n3A_30 : vector<1x8192xi32> to vector<1x1x8192xi32>
    %reduce_max3A_32 = arith.constant dense<-2147483648> : vector<1xi32>
    %reduce_max3A_33 = vector.multi_reduction <maxsi>, %reduce_max3A_31, %reduce_max3A_32 [1, 2] : vector<1x1x8192xi32> to vector<1xi32>
    %reduce_max3A_34 = vector.shape_cast %reduce_max3A_33 : vector<1xi32> to vector<1x1x1xi32>
    %reduce_max3A_35 = vector.extract %reduce_max3A_34[0, 0, 0] : i32 from vector<1x1x1xi32>
    %jit3A_36 = arith.constant 512 : i32
    %div3A = arith.divsi %reduce_min3A_25, %jit3A_36 : i32
    %sign3A = arith.constant 0 : i32
    %sign3A_37 = arith.cmpi sgt, %reduce_min3A_25, %sign3A : i32
    %sign3A_38 = arith.extui %sign3A_37 : i1 to i32
    %sign3A_39 = arith.constant 0 : i32
    %sign3A_40 = arith.cmpi slt, %reduce_min3A_25, %sign3A_39 : i32
    %sign3A_41 = arith.extui %sign3A_40 : i1 to i32
    %sign3A_42 = arith.subi %sign3A_38, %sign3A_41 : i32
    %sign3A_43 = arith.constant 0 : i32
    %sign3A_44 = arith.cmpi sgt, %jit3A_36, %sign3A_43 : i32
    %sign3A_45 = arith.extui %sign3A_44 : i1 to i32
    %sign3A_46 = arith.constant 0 : i32
    %sign3A_47 = arith.cmpi slt, %jit3A_36, %sign3A_46 : i32
    %sign3A_48 = arith.extui %sign3A_47 : i1 to i32
    %sign3A_49 = arith.subi %sign3A_45, %sign3A_48 : i32
    %ne3A = arith.cmpi ne, %sign3A_42, %sign3A_49 : i32
    %rem3A = arith.remsi %reduce_min3A_25, %jit3A_36 : i32
    %ne3A_50 = arith.constant 0 : i32
    %ne3A_51 = arith.cmpi ne, %rem3A, %ne3A_50 : i32
    %and3A = arith.andi %ne3A, %ne3A_51 : i1
    %sub3A = arith.constant 1 : i32
    %sub3A_52 = arith.subi %div3A, %sub3A : i32
    %select_n3A_53 = arith.select %and3A, %sub3A_52, %div3A : i32
    %jit3A_54 = arith.constant 512 : i32
    %div3A_55 = arith.divsi %reduce_max3A_35, %jit3A_54 : i32
    %sign3A_56 = arith.constant 0 : i32
    %sign3A_57 = arith.cmpi sgt, %reduce_max3A_35, %sign3A_56 : i32
    %sign3A_58 = arith.extui %sign3A_57 : i1 to i32
    %sign3A_59 = arith.constant 0 : i32
    %sign3A_60 = arith.cmpi slt, %reduce_max3A_35, %sign3A_59 : i32
    %sign3A_61 = arith.extui %sign3A_60 : i1 to i32
    %sign3A_62 = arith.subi %sign3A_58, %sign3A_61 : i32
    %sign3A_63 = arith.constant 0 : i32
    %sign3A_64 = arith.cmpi sgt, %jit3A_54, %sign3A_63 : i32
    %sign3A_65 = arith.extui %sign3A_64 : i1 to i32
    %sign3A_66 = arith.constant 0 : i32
    %sign3A_67 = arith.cmpi slt, %jit3A_54, %sign3A_66 : i32
    %sign3A_68 = arith.extui %sign3A_67 : i1 to i32
    %sign3A_69 = arith.subi %sign3A_65, %sign3A_68 : i32
    %ne3A_70 = arith.cmpi ne, %sign3A_62, %sign3A_69 : i32
    %rem3A_71 = arith.remsi %reduce_max3A_35, %jit3A_54 : i32
    %ne3A_72 = arith.constant 0 : i32
    %ne3A_73 = arith.cmpi ne, %rem3A_71, %ne3A_72 : i32
    %and3A_74 = arith.andi %ne3A_70, %ne3A_73 : i1
    %sub3A_75 = arith.constant 1 : i32
    %sub3A_76 = arith.subi %div3A_55, %sub3A_75 : i32
    %select_n3A_77 = arith.select %and3A_74, %sub3A_76, %div3A_55 : i32
    %add3A = arith.constant 1 : i32
    %add3A_78 = arith.addi %select_n3A_77, %add3A : i32
    %iota3A_79 = tpu.iota {dimensions = array<i32: 0>} : vector<256x512xi32>
    %add3A_80 = vector.broadcast %mul3A_0 : i32 to vector<256x512xi32>
    %add3A_81 = arith.addi %add3A_80, %iota3A_79 : vector<256x512xi32>
    %iota3A_82 = tpu.iota {dimensions = array<i32: 1>} : vector<256x512xi32>
    %broadcast_in_dim3A_83 = arith.constant 2.000000e+38 : f32
    %broadcast_in_dim3A_84 = vector.broadcast %broadcast_in_dim3A_83 : f32 to vector<256x20xf32>
    %broadcast_in_dim3A_85 = arith.constant 8192 : i32
    %broadcast_in_dim3A_86 = vector.broadcast %broadcast_in_dim3A_85 : i32 to vector<256x20xi32>
    %while3A = arith.constant 8192 : i32
    %while3A_87 = arith.subi %add3A_78, %select_n3A_53 : i32
    %while3A_88 = arith.addi %select_n3A_53, %while3A_87 : i32
    %while3A_89 = arith.constant 1 : i32
    %while3A_90 = arith.divsi %while3A_87, %while3A_89 : i32
    %while3A_91 = arith.muli %while3A_90, %while3A_89 : i32
    %while3A_92 = arith.addi %select_n3A_53, %while3A_91 : i32
    %while3A_93 = arith.constant 1 : i32
    %while3A_94:2 = scf.for %while3A_101 = %select_n3A_53 to %while3A_92 step %while3A_93 iter_args(%while3A_102 = %broadcast_in_dim3A_84, %while3A_103 = %broadcast_in_dim3A_86) -> (vector<256x20xf32>, vector<256x20xi32>)  : i32 {
      %mul3A_104 = arith.constant 512 : i32
      %mul3A_105 = arith.muli %while3A_101, %mul3A_104 : i32
      %get3A_106 = arith.index_cast %mul3A_105 : i32 to index
      %get3A_107 = arith.constant 0 : index
      %get3A_108 = vector.load %arg4[%get3A_106, %get3A_107] : memref<8192x8xf32, #tpu.memory_space<vmem>>, vector<512x8xf32>
      %convert_element_type3A_109 = arith.truncf %get3A_108 : vector<512x8xf32> to vector<512x8xbf16>
      %get3A_110 = arith.index_cast %while3A_101 : i32 to index
      %get3A_111 = arith.constant 0 : index
      %get3A_112 = arith.constant 0 : index
      %get3A_113 = vector.load %arg6[%get3A_110, %get3A_111, %get3A_112] : memref<16x1x512xf32, #tpu.memory_space<vmem>>, vector<1x1x512xf32>
      %get3A_114 = vector.shape_cast %get3A_113 : vector<1x1x512xf32> to vector<1x512xf32>
      %get3A_115 = arith.index_cast %while3A_101 : i32 to index
      %get3A_116 = arith.constant 0 : index
      %get3A_117 = arith.constant 0 : index
      %get3A_118 = vector.load %arg7[%get3A_115, %get3A_116, %get3A_117] : memref<16x1x512xi32, #tpu.memory_space<vmem>>, vector<1x1x512xi32>
      %get3A_119 = vector.shape_cast %get3A_118 : vector<1x1x512xi32> to vector<1x512xi32>
      %add3A_120 = vector.broadcast %get3A_114 : vector<1x512xf32> to vector<256x512xf32>
      %add3A_121 = vector.broadcast %get3A_5 : vector<256x1xf32> to vector<256x512xf32>
      %add3A_122 = arith.addf %add3A_120, %add3A_121 : vector<256x512xf32>
      %dot_general3A = arith.constant dense<0.000000e+00> : vector<256x512xf32>
      %dot_general3A_123 = tpu.matmul %convert_element_type3A, %convert_element_type3A_109, %dot_general3A {dimension_numbers = #tpu.dot_dimension_numbers<[1], [1], [0], [0], [0, 0, 1, 0], [], []>, transpose_lhs_hint = false} : vector<256x8xbf16>, vector<512x8xbf16>, vector<256x512xf32> -> vector<256x512xf32>
      %mul3A_124 = arith.constant 2.000000e+00 : f32
      %mul3A_125 = vector.broadcast %mul3A_124 : f32 to vector<256x512xf32>
      %mul3A_126 = arith.mulf %mul3A_125, %dot_general3A_123 : vector<256x512xf32>
      %sub3A_127 = arith.subf %add3A_122, %mul3A_126 : vector<256x512xf32>
      %add3A_128 = vector.broadcast %mul3A_105 : i32 to vector<256x512xi32>
      %add3A_129 = arith.addi %add3A_128, %iota3A_82 : vector<256x512xi32>
      %eq3A_130 = vector.broadcast %get3A_8 : vector<256x1xi32> to vector<256x512xi32>
      %eq3A_131 = vector.broadcast %get3A_119 : vector<1x512xi32> to vector<256x512xi32>
      %eq3A_132 = arith.cmpi eq, %eq3A_130, %eq3A_131 : vector<256x512xi32>
      %ne3A_133 = arith.cmpi ne, %add3A_129, %add3A_81 : vector<256x512xi32>
      %and3A_134 = arith.andi %eq3A_132, %ne3A_133 : vector<256x512xi1>
      %jit3A_135 = arith.constant 9.99999993E+36 : f32
      %broadcast_in_dim3A_136 = vector.broadcast %jit3A_135 : f32 to vector<256x512xf32>
      %select_n3A_137 = arith.select %and3A_134, %sub3A_127, %broadcast_in_dim3A_136 : vector<256x512xi1>, vector<256x512xf32>
      %concatenate3A_138 = tpu.concatenate %while3A_102, %select_n3A_137 in 1 : vector<256x20xf32>, vector<256x512xf32> -> vector<256x532xf32>
      %concatenate3A_139 = tpu.concatenate %while3A_103, %add3A_129 in 1 : vector<256x20xi32>, vector<256x512xi32> -> vector<256x532xi32>
      %reduce_min3A_140 = arith.constant dense<0x7F800000> : vector<256xf32>
      %reduce_min3A_141 = vector.multi_reduction <minimumf>, %concatenate3A_138, %reduce_min3A_140 [1] : vector<256x532xf32> to vector<256xf32>
      %broadcast_in_dim3A_142 = vector.shape_cast %reduce_min3A_141 : vector<256xf32> to vector<256x1xf32>
      %le3A = vector.broadcast %broadcast_in_dim3A_142 : vector<256x1xf32> to vector<256x532xf32>
      %le3A_143 = arith.cmpf ole, %concatenate3A_138, %le3A : vector<256x532xf32>
      %broadcast_in_dim3A_144 = vector.broadcast %while3A : i32 to vector<256x532xi32>
      %select_n3A_145 = arith.select %le3A_143, %concatenate3A_139, %broadcast_in_dim3A_144 : vector<256x532xi1>, vector<256x532xi32>
      %reduce_min3A_146 = arith.constant dense<2147483647> : vector<256xi32>
      %reduce_min3A_147 = vector.multi_reduction <minsi>, %select_n3A_145, %reduce_min3A_146 [1] : vector<256x532xi32> to vector<256xi32>
      %broadcast_in_dim3A_148 = vector.shape_cast %reduce_min3A_147 : vector<256xi32> to vector<256x1xi32>
      %eq3A_149 = vector.broadcast %broadcast_in_dim3A_148 : vector<256x1xi32> to vector<256x532xi32>
      %eq3A_150 = arith.cmpi eq, %concatenate3A_139, %eq3A_149 : vector<256x532xi32>
      %jit3A_151 = arith.constant 2.000000e+38 : f32
      %broadcast_in_dim3A_152 = vector.broadcast %jit3A_151 : f32 to vector<256x532xf32>
      %select_n3A_153 = arith.select %eq3A_150, %broadcast_in_dim3A_152, %concatenate3A_138 : vector<256x532xi1>, vector<256x532xf32>
      %reduce_min3A_154 = arith.constant dense<0x7F800000> : vector<256xf32>
      %reduce_min3A_155 = vector.multi_reduction <minimumf>, %select_n3A_153, %reduce_min3A_154 [1] : vector<256x532xf32> to vector<256xf32>
      %broadcast_in_dim3A_156 = vector.shape_cast %reduce_min3A_155 : vector<256xf32> to vector<256x1xf32>
      %le3A_157 = vector.broadcast %broadcast_in_dim3A_156 : vector<256x1xf32> to vector<256x532xf32>
      %le3A_158 = arith.cmpf ole, %select_n3A_153, %le3A_157 : vector<256x532xf32>
      %broadcast_in_dim3A_159 = vector.broadcast %while3A : i32 to vector<256x532xi32>
      %select_n3A_160 = arith.select %le3A_158, %concatenate3A_139, %broadcast_in_dim3A_159 : vector<256x532xi1>, vector<256x532xi32>
      %reduce_min3A_161 = arith.constant dense<2147483647> : vector<256xi32>
      %reduce_min3A_162 = vector.multi_reduction <minsi>, %select_n3A_160, %reduce_min3A_161 [1] : vector<256x532xi32> to vector<256xi32>
      %broadcast_in_dim3A_163 = vector.shape_cast %reduce_min3A_162 : vector<256xi32> to vector<256x1xi32>
      %eq3A_164 = vector.broadcast %broadcast_in_dim3A_163 : vector<256x1xi32> to vector<256x532xi32>
      %eq3A_165 = arith.cmpi eq, %concatenate3A_139, %eq3A_164 : vector<256x532xi32>
      %jit3A_166 = arith.constant 2.000000e+38 : f32
      %broadcast_in_dim3A_167 = vector.broadcast %jit3A_166 : f32 to vector<256x532xf32>
      %select_n3A_168 = arith.select %eq3A_165, %broadcast_in_dim3A_167, %select_n3A_153 : vector<256x532xi1>, vector<256x532xf32>
      %reduce_min3A_169 = arith.constant dense<0x7F800000> : vector<256xf32>
      %reduce_min3A_170 = vector.multi_reduction <minimumf>, %select_n3A_168, %reduce_min3A_169 [1] : vector<256x532xf32> to vector<256xf32>
      %broadcast_in_dim3A_171 = vector.shape_cast %reduce_min3A_170 : vector<256xf32> to vector<256x1xf32>
      %le3A_172 = vector.broadcast %broadcast_in_dim3A_171 : vector<256x1xf32> to vector<256x532xf32>
      %le3A_173 = arith.cmpf ole, %select_n3A_168, %le3A_172 : vector<256x532xf32>
      %broadcast_in_dim3A_174 = vector.broadcast %while3A : i32 to vector<256x532xi32>
      %select_n3A_175 = arith.select %le3A_173, %concatenate3A_139, %broadcast_in_dim3A_174 : vector<256x532xi1>, vector<256x532xi32>
      %reduce_min3A_176 = arith.constant dense<2147483647> : vector<256xi32>
      %reduce_min3A_177 = vector.multi_reduction <minsi>, %select_n3A_175, %reduce_min3A_176 [1] : vector<256x532xi32> to vector<256xi32>
      %broadcast_in_dim3A_178 = vector.shape_cast %reduce_min3A_177 : vector<256xi32> to vector<256x1xi32>
      %eq3A_179 = vector.broadcast %broadcast_in_dim3A_178 : vector<256x1xi32> to vector<256x532xi32>
      %eq3A_180 = arith.cmpi eq, %concatenate3A_139, %eq3A_179 : vector<256x532xi32>
      %jit3A_181 = arith.constant 2.000000e+38 : f32
      %broadcast_in_dim3A_182 = vector.broadcast %jit3A_181 : f32 to vector<256x532xf32>
      %select_n3A_183 = arith.select %eq3A_180, %broadcast_in_dim3A_182, %select_n3A_168 : vector<256x532xi1>, vector<256x532xf32>
      %reduce_min3A_184 = arith.constant dense<0x7F800000> : vector<256xf32>
      %reduce_min3A_185 = vector.multi_reduction <minimumf>, %select_n3A_183, %reduce_min3A_184 [1] : vector<256x532xf32> to vector<256xf32>
      %broadcast_in_dim3A_186 = vector.shape_cast %reduce_min3A_185 : vector<256xf32> to vector<256x1xf32>
      %le3A_187 = vector.broadcast %broadcast_in_dim3A_186 : vector<256x1xf32> to vector<256x532xf32>
      %le3A_188 = arith.cmpf ole, %select_n3A_183, %le3A_187 : vector<256x532xf32>
      %broadcast_in_dim3A_189 = vector.broadcast %while3A : i32 to vector<256x532xi32>
      %select_n3A_190 = arith.select %le3A_188, %concatenate3A_139, %broadcast_in_dim3A_189 : vector<256x532xi1>, vector<256x532xi32>
      %reduce_min3A_191 = arith.constant dense<2147483647> : vector<256xi32>
      %reduce_min3A_192 = vector.multi_reduction <minsi>, %select_n3A_190, %reduce_min3A_191 [1] : vector<256x532xi32> to vector<256xi32>
      %broadcast_in_dim3A_193 = vector.shape_cast %reduce_min3A_192 : vector<256xi32> to vector<256x1xi32>
      %eq3A_194 = vector.broadcast %broadcast_in_dim3A_193 : vector<256x1xi32> to vector<256x532xi32>
      %eq3A_195 = arith.cmpi eq, %concatenate3A_139, %eq3A_194 : vector<256x532xi32>
      %jit3A_196 = arith.constant 2.000000e+38 : f32
      %broadcast_in_dim3A_197 = vector.broadcast %jit3A_196 : f32 to vector<256x532xf32>
      %select_n3A_198 = arith.select %eq3A_195, %broadcast_in_dim3A_197, %select_n3A_183 : vector<256x532xi1>, vector<256x532xf32>
      %reduce_min3A_199 = arith.constant dense<0x7F800000> : vector<256xf32>
      %reduce_min3A_200 = vector.multi_reduction <minimumf>, %select_n3A_198, %reduce_min3A_199 [1] : vector<256x532xf32> to vector<256xf32>
      %broadcast_in_dim3A_201 = vector.shape_cast %reduce_min3A_200 : vector<256xf32> to vector<256x1xf32>
      %le3A_202 = vector.broadcast %broadcast_in_dim3A_201 : vector<256x1xf32> to vector<256x532xf32>
      %le3A_203 = arith.cmpf ole, %select_n3A_198, %le3A_202 : vector<256x532xf32>
      %broadcast_in_dim3A_204 = vector.broadcast %while3A : i32 to vector<256x532xi32>
      %select_n3A_205 = arith.select %le3A_203, %concatenate3A_139, %broadcast_in_dim3A_204 : vector<256x532xi1>, vector<256x532xi32>
      %reduce_min3A_206 = arith.constant dense<2147483647> : vector<256xi32>
      %reduce_min3A_207 = vector.multi_reduction <minsi>, %select_n3A_205, %reduce_min3A_206 [1] : vector<256x532xi32> to vector<256xi32>
      %broadcast_in_dim3A_208 = vector.shape_cast %reduce_min3A_207 : vector<256xi32> to vector<256x1xi32>
      %eq3A_209 = vector.broadcast %broadcast_in_dim3A_208 : vector<256x1xi32> to vector<256x532xi32>
      %eq3A_210 = arith.cmpi eq, %concatenate3A_139, %eq3A_209 : vector<256x532xi32>
      %jit3A_211 = arith.constant 2.000000e+38 : f32
      %broadcast_in_dim3A_212 = vector.broadcast %jit3A_211 : f32 to vector<256x532xf32>
      %select_n3A_213 = arith.select %eq3A_210, %broadcast_in_dim3A_212, %select_n3A_198 : vector<256x532xi1>, vector<256x532xf32>
      %reduce_min3A_214 = arith.constant dense<0x7F800000> : vector<256xf32>
      %reduce_min3A_215 = vector.multi_reduction <minimumf>, %select_n3A_213, %reduce_min3A_214 [1] : vector<256x532xf32> to vector<256xf32>
      %broadcast_in_dim3A_216 = vector.shape_cast %reduce_min3A_215 : vector<256xf32> to vector<256x1xf32>
      %le3A_217 = vector.broadcast %broadcast_in_dim3A_216 : vector<256x1xf32> to vector<256x532xf32>
      %le3A_218 = arith.cmpf ole, %select_n3A_213, %le3A_217 : vector<256x532xf32>
      %broadcast_in_dim3A_219 = vector.broadcast %while3A : i32 to vector<256x532xi32>
      %select_n3A_220 = arith.select %le3A_218, %concatenate3A_139, %broadcast_in_dim3A_219 : vector<256x532xi1>, vector<256x532xi32>
      %reduce_min3A_221 = arith.constant dense<2147483647> : vector<256xi32>
      %reduce_min3A_222 = vector.multi_reduction <minsi>, %select_n3A_220, %reduce_min3A_221 [1] : vector<256x532xi32> to vector<256xi32>
      %broadcast_in_dim3A_223 = vector.shape_cast %reduce_min3A_222 : vector<256xi32> to vector<256x1xi32>
      %eq3A_224 = vector.broadcast %broadcast_in_dim3A_223 : vector<256x1xi32> to vector<256x532xi32>
      %eq3A_225 = arith.cmpi eq, %concatenate3A_139, %eq3A_224 : vector<256x532xi32>
      %jit3A_226 = arith.constant 2.000000e+38 : f32
      %broadcast_in_dim3A_227 = vector.broadcast %jit3A_226 : f32 to vector<256x532xf32>
      %select_n3A_228 = arith.select %eq3A_225, %broadcast_in_dim3A_227, %select_n3A_213 : vector<256x532xi1>, vector<256x532xf32>
      %reduce_min3A_229 = arith.constant dense<0x7F800000> : vector<256xf32>
      %reduce_min3A_230 = vector.multi_reduction <minimumf>, %select_n3A_228, %reduce_min3A_229 [1] : vector<256x532xf32> to vector<256xf32>
      %broadcast_in_dim3A_231 = vector.shape_cast %reduce_min3A_230 : vector<256xf32> to vector<256x1xf32>
      %le3A_232 = vector.broadcast %broadcast_in_dim3A_231 : vector<256x1xf32> to vector<256x532xf32>
      %le3A_233 = arith.cmpf ole, %select_n3A_228, %le3A_232 : vector<256x532xf32>
      %broadcast_in_dim3A_234 = vector.broadcast %while3A : i32 to vector<256x532xi32>
      %select_n3A_235 = arith.select %le3A_233, %concatenate3A_139, %broadcast_in_dim3A_234 : vector<256x532xi1>, vector<256x532xi32>
      %reduce_min3A_236 = arith.constant dense<2147483647> : vector<256xi32>
      %reduce_min3A_237 = vector.multi_reduction <minsi>, %select_n3A_235, %reduce_min3A_236 [1] : vector<256x532xi32> to vector<256xi32>
      %broadcast_in_dim3A_238 = vector.shape_cast %reduce_min3A_237 : vector<256xi32> to vector<256x1xi32>
      %eq3A_239 = vector.broadcast %broadcast_in_dim3A_238 : vector<256x1xi32> to vector<256x532xi32>
      %eq3A_240 = arith.cmpi eq, %concatenate3A_139, %eq3A_239 : vector<256x532xi32>
      %jit3A_241 = arith.constant 2.000000e+38 : f32
      %broadcast_in_dim3A_242 = vector.broadcast %jit3A_241 : f32 to vector<256x532xf32>
      %select_n3A_243 = arith.select %eq3A_240, %broadcast_in_dim3A_242, %select_n3A_228 : vector<256x532xi1>, vector<256x532xf32>
      %reduce_min3A_244 = arith.constant dense<0x7F800000> : vector<256xf32>
      %reduce_min3A_245 = vector.multi_reduction <minimumf>, %select_n3A_243, %reduce_min3A_244 [1] : vector<256x532xf32> to vector<256xf32>
      %broadcast_in_dim3A_246 = vector.shape_cast %reduce_min3A_245 : vector<256xf32> to vector<256x1xf32>
      %le3A_247 = vector.broadcast %broadcast_in_dim3A_246 : vector<256x1xf32> to vector<256x532xf32>
      %le3A_248 = arith.cmpf ole, %select_n3A_243, %le3A_247 : vector<256x532xf32>
      %broadcast_in_dim3A_249 = vector.broadcast %while3A : i32 to vector<256x532xi32>
      %select_n3A_250 = arith.select %le3A_248, %concatenate3A_139, %broadcast_in_dim3A_249 : vector<256x532xi1>, vector<256x532xi32>
      %reduce_min3A_251 = arith.constant dense<2147483647> : vector<256xi32>
      %reduce_min3A_252 = vector.multi_reduction <minsi>, %select_n3A_250, %reduce_min3A_251 [1] : vector<256x532xi32> to vector<256xi32>
      %broadcast_in_dim3A_253 = vector.shape_cast %reduce_min3A_252 : vector<256xi32> to vector<256x1xi32>
      %eq3A_254 = vector.broadcast %broadcast_in_dim3A_253 : vector<256x1xi32> to vector<256x532xi32>
      %eq3A_255 = arith.cmpi eq, %concatenate3A_139, %eq3A_254 : vector<256x532xi32>
      %jit3A_256 = arith.constant 2.000000e+38 : f32
      %broadcast_in_dim3A_257 = vector.broadcast %jit3A_256 : f32 to vector<256x532xf32>
      %select_n3A_258 = arith.select %eq3A_255, %broadcast_in_dim3A_257, %select_n3A_243 : vector<256x532xi1>, vector<256x532xf32>
      %reduce_min3A_259 = arith.constant dense<0x7F800000> : vector<256xf32>
      %reduce_min3A_260 = vector.multi_reduction <minimumf>, %select_n3A_258, %reduce_min3A_259 [1] : vector<256x532xf32> to vector<256xf32>
      %broadcast_in_dim3A_261 = vector.shape_cast %reduce_min3A_260 : vector<256xf32> to vector<256x1xf32>
      %le3A_262 = vector.broadcast %broadcast_in_dim3A_261 : vector<256x1xf32> to vector<256x532xf32>
      %le3A_263 = arith.cmpf ole, %select_n3A_258, %le3A_262 : vector<256x532xf32>
      %broadcast_in_dim3A_264 = vector.broadcast %while3A : i32 to vector<256x532xi32>
      %select_n3A_265 = arith.select %le3A_263, %concatenate3A_139, %broadcast_in_dim3A_264 : vector<256x532xi1>, vector<256x532xi32>
      %reduce_min3A_266 = arith.constant dense<2147483647> : vector<256xi32>
      %reduce_min3A_267 = vector.multi_reduction <minsi>, %select_n3A_265, %reduce_min3A_266 [1] : vector<256x532xi32> to vector<256xi32>
      %broadcast_in_dim3A_268 = vector.shape_cast %reduce_min3A_267 : vector<256xi32> to vector<256x1xi32>
      %eq3A_269 = vector.broadcast %broadcast_in_dim3A_268 : vector<256x1xi32> to vector<256x532xi32>
      %eq3A_270 = arith.cmpi eq, %concatenate3A_139, %eq3A_269 : vector<256x532xi32>
      %jit3A_271 = arith.constant 2.000000e+38 : f32
      %broadcast_in_dim3A_272 = vector.broadcast %jit3A_271 : f32 to vector<256x532xf32>
      %select_n3A_273 = arith.select %eq3A_270, %broadcast_in_dim3A_272, %select_n3A_258 : vector<256x532xi1>, vector<256x532xf32>
      %reduce_min3A_274 = arith.constant dense<0x7F800000> : vector<256xf32>
      %reduce_min3A_275 = vector.multi_reduction <minimumf>, %select_n3A_273, %reduce_min3A_274 [1] : vector<256x532xf32> to vector<256xf32>
      %broadcast_in_dim3A_276 = vector.shape_cast %reduce_min3A_275 : vector<256xf32> to vector<256x1xf32>
      %le3A_277 = vector.broadcast %broadcast_in_dim3A_276 : vector<256x1xf32> to vector<256x532xf32>
      %le3A_278 = arith.cmpf ole, %select_n3A_273, %le3A_277 : vector<256x532xf32>
      %broadcast_in_dim3A_279 = vector.broadcast %while3A : i32 to vector<256x532xi32>
      %select_n3A_280 = arith.select %le3A_278, %concatenate3A_139, %broadcast_in_dim3A_279 : vector<256x532xi1>, vector<256x532xi32>
      %reduce_min3A_281 = arith.constant dense<2147483647> : vector<256xi32>
      %reduce_min3A_282 = vector.multi_reduction <minsi>, %select_n3A_280, %reduce_min3A_281 [1] : vector<256x532xi32> to vector<256xi32>
      %broadcast_in_dim3A_283 = vector.shape_cast %reduce_min3A_282 : vector<256xi32> to vector<256x1xi32>
      %eq3A_284 = vector.broadcast %broadcast_in_dim3A_283 : vector<256x1xi32> to vector<256x532xi32>
      %eq3A_285 = arith.cmpi eq, %concatenate3A_139, %eq3A_284 : vector<256x532xi32>
      %jit3A_286 = arith.constant 2.000000e+38 : f32
      %broadcast_in_dim3A_287 = vector.broadcast %jit3A_286 : f32 to vector<256x532xf32>
      %select_n3A_288 = arith.select %eq3A_285, %broadcast_in_dim3A_287, %select_n3A_273 : vector<256x532xi1>, vector<256x532xf32>
      %reduce_min3A_289 = arith.constant dense<0x7F800000> : vector<256xf32>
      %reduce_min3A_290 = vector.multi_reduction <minimumf>, %select_n3A_288, %reduce_min3A_289 [1] : vector<256x532xf32> to vector<256xf32>
      %broadcast_in_dim3A_291 = vector.shape_cast %reduce_min3A_290 : vector<256xf32> to vector<256x1xf32>
      %le3A_292 = vector.broadcast %broadcast_in_dim3A_291 : vector<256x1xf32> to vector<256x532xf32>
      %le3A_293 = arith.cmpf ole, %select_n3A_288, %le3A_292 : vector<256x532xf32>
      %broadcast_in_dim3A_294 = vector.broadcast %while3A : i32 to vector<256x532xi32>
      %select_n3A_295 = arith.select %le3A_293, %concatenate3A_139, %broadcast_in_dim3A_294 : vector<256x532xi1>, vector<256x532xi32>
      %reduce_min3A_296 = arith.constant dense<2147483647> : vector<256xi32>
      %reduce_min3A_297 = vector.multi_reduction <minsi>, %select_n3A_295, %reduce_min3A_296 [1] : vector<256x532xi32> to vector<256xi32>
      %broadcast_in_dim3A_298 = vector.shape_cast %reduce_min3A_297 : vector<256xi32> to vector<256x1xi32>
      %eq3A_299 = vector.broadcast %broadcast_in_dim3A_298 : vector<256x1xi32> to vector<256x532xi32>
      %eq3A_300 = arith.cmpi eq, %concatenate3A_139, %eq3A_299 : vector<256x532xi32>
      %jit3A_301 = arith.constant 2.000000e+38 : f32
      %broadcast_in_dim3A_302 = vector.broadcast %jit3A_301 : f32 to vector<256x532xf32>
      %select_n3A_303 = arith.select %eq3A_300, %broadcast_in_dim3A_302, %select_n3A_288 : vector<256x532xi1>, vector<256x532xf32>
      %reduce_min3A_304 = arith.constant dense<0x7F800000> : vector<256xf32>
      %reduce_min3A_305 = vector.multi_reduction <minimumf>, %select_n3A_303, %reduce_min3A_304 [1] : vector<256x532xf32> to vector<256xf32>
      %broadcast_in_dim3A_306 = vector.shape_cast %reduce_min3A_305 : vector<256xf32> to vector<256x1xf32>
      %le3A_307 = vector.broadcast %broadcast_in_dim3A_306 : vector<256x1xf32> to vector<256x532xf32>
      %le3A_308 = arith.cmpf ole, %select_n3A_303, %le3A_307 : vector<256x532xf32>
      %broadcast_in_dim3A_309 = vector.broadcast %while3A : i32 to vector<256x532xi32>
      %select_n3A_310 = arith.select %le3A_308, %concatenate3A_139, %broadcast_in_dim3A_309 : vector<256x532xi1>, vector<256x532xi32>
      %reduce_min3A_311 = arith.constant dense<2147483647> : vector<256xi32>
      %reduce_min3A_312 = vector.multi_reduction <minsi>, %select_n3A_310, %reduce_min3A_311 [1] : vector<256x532xi32> to vector<256xi32>
      %broadcast_in_dim3A_313 = vector.shape_cast %reduce_min3A_312 : vector<256xi32> to vector<256x1xi32>
      %eq3A_314 = vector.broadcast %broadcast_in_dim3A_313 : vector<256x1xi32> to vector<256x532xi32>
      %eq3A_315 = arith.cmpi eq, %concatenate3A_139, %eq3A_314 : vector<256x532xi32>
      %jit3A_316 = arith.constant 2.000000e+38 : f32
      %broadcast_in_dim3A_317 = vector.broadcast %jit3A_316 : f32 to vector<256x532xf32>
      %select_n3A_318 = arith.select %eq3A_315, %broadcast_in_dim3A_317, %select_n3A_303 : vector<256x532xi1>, vector<256x532xf32>
      %reduce_min3A_319 = arith.constant dense<0x7F800000> : vector<256xf32>
      %reduce_min3A_320 = vector.multi_reduction <minimumf>, %select_n3A_318, %reduce_min3A_319 [1] : vector<256x532xf32> to vector<256xf32>
      %broadcast_in_dim3A_321 = vector.shape_cast %reduce_min3A_320 : vector<256xf32> to vector<256x1xf32>
      %le3A_322 = vector.broadcast %broadcast_in_dim3A_321 : vector<256x1xf32> to vector<256x532xf32>
      %le3A_323 = arith.cmpf ole, %select_n3A_318, %le3A_322 : vector<256x532xf32>
      %broadcast_in_dim3A_324 = vector.broadcast %while3A : i32 to vector<256x532xi32>
      %select_n3A_325 = arith.select %le3A_323, %concatenate3A_139, %broadcast_in_dim3A_324 : vector<256x532xi1>, vector<256x532xi32>
      %reduce_min3A_326 = arith.constant dense<2147483647> : vector<256xi32>
      %reduce_min3A_327 = vector.multi_reduction <minsi>, %select_n3A_325, %reduce_min3A_326 [1] : vector<256x532xi32> to vector<256xi32>
      %broadcast_in_dim3A_328 = vector.shape_cast %reduce_min3A_327 : vector<256xi32> to vector<256x1xi32>
      %eq3A_329 = vector.broadcast %broadcast_in_dim3A_328 : vector<256x1xi32> to vector<256x532xi32>
      %eq3A_330 = arith.cmpi eq, %concatenate3A_139, %eq3A_329 : vector<256x532xi32>
      %jit3A_331 = arith.constant 2.000000e+38 : f32
      %broadcast_in_dim3A_332 = vector.broadcast %jit3A_331 : f32 to vector<256x532xf32>
      %select_n3A_333 = arith.select %eq3A_330, %broadcast_in_dim3A_332, %select_n3A_318 : vector<256x532xi1>, vector<256x532xf32>
      %reduce_min3A_334 = arith.constant dense<0x7F800000> : vector<256xf32>
      %reduce_min3A_335 = vector.multi_reduction <minimumf>, %select_n3A_333, %reduce_min3A_334 [1] : vector<256x532xf32> to vector<256xf32>
      %broadcast_in_dim3A_336 = vector.shape_cast %reduce_min3A_335 : vector<256xf32> to vector<256x1xf32>
      %le3A_337 = vector.broadcast %broadcast_in_dim3A_336 : vector<256x1xf32> to vector<256x532xf32>
      %le3A_338 = arith.cmpf ole, %select_n3A_333, %le3A_337 : vector<256x532xf32>
      %broadcast_in_dim3A_339 = vector.broadcast %while3A : i32 to vector<256x532xi32>
      %select_n3A_340 = arith.select %le3A_338, %concatenate3A_139, %broadcast_in_dim3A_339 : vector<256x532xi1>, vector<256x532xi32>
      %reduce_min3A_341 = arith.constant dense<2147483647> : vector<256xi32>
      %reduce_min3A_342 = vector.multi_reduction <minsi>, %select_n3A_340, %reduce_min3A_341 [1] : vector<256x532xi32> to vector<256xi32>
      %broadcast_in_dim3A_343 = vector.shape_cast %reduce_min3A_342 : vector<256xi32> to vector<256x1xi32>
      %eq3A_344 = vector.broadcast %broadcast_in_dim3A_343 : vector<256x1xi32> to vector<256x532xi32>
      %eq3A_345 = arith.cmpi eq, %concatenate3A_139, %eq3A_344 : vector<256x532xi32>
      %jit3A_346 = arith.constant 2.000000e+38 : f32
      %broadcast_in_dim3A_347 = vector.broadcast %jit3A_346 : f32 to vector<256x532xf32>
      %select_n3A_348 = arith.select %eq3A_345, %broadcast_in_dim3A_347, %select_n3A_333 : vector<256x532xi1>, vector<256x532xf32>
      %reduce_min3A_349 = arith.constant dense<0x7F800000> : vector<256xf32>
      %reduce_min3A_350 = vector.multi_reduction <minimumf>, %select_n3A_348, %reduce_min3A_349 [1] : vector<256x532xf32> to vector<256xf32>
      %broadcast_in_dim3A_351 = vector.shape_cast %reduce_min3A_350 : vector<256xf32> to vector<256x1xf32>
      %le3A_352 = vector.broadcast %broadcast_in_dim3A_351 : vector<256x1xf32> to vector<256x532xf32>
      %le3A_353 = arith.cmpf ole, %select_n3A_348, %le3A_352 : vector<256x532xf32>
      %broadcast_in_dim3A_354 = vector.broadcast %while3A : i32 to vector<256x532xi32>
      %select_n3A_355 = arith.select %le3A_353, %concatenate3A_139, %broadcast_in_dim3A_354 : vector<256x532xi1>, vector<256x532xi32>
      %reduce_min3A_356 = arith.constant dense<2147483647> : vector<256xi32>
      %reduce_min3A_357 = vector.multi_reduction <minsi>, %select_n3A_355, %reduce_min3A_356 [1] : vector<256x532xi32> to vector<256xi32>
      %broadcast_in_dim3A_358 = vector.shape_cast %reduce_min3A_357 : vector<256xi32> to vector<256x1xi32>
      %eq3A_359 = vector.broadcast %broadcast_in_dim3A_358 : vector<256x1xi32> to vector<256x532xi32>
      %eq3A_360 = arith.cmpi eq, %concatenate3A_139, %eq3A_359 : vector<256x532xi32>
      %jit3A_361 = arith.constant 2.000000e+38 : f32
      %broadcast_in_dim3A_362 = vector.broadcast %jit3A_361 : f32 to vector<256x532xf32>
      %select_n3A_363 = arith.select %eq3A_360, %broadcast_in_dim3A_362, %select_n3A_348 : vector<256x532xi1>, vector<256x532xf32>
      %reduce_min3A_364 = arith.constant dense<0x7F800000> : vector<256xf32>
      %reduce_min3A_365 = vector.multi_reduction <minimumf>, %select_n3A_363, %reduce_min3A_364 [1] : vector<256x532xf32> to vector<256xf32>
      %broadcast_in_dim3A_366 = vector.shape_cast %reduce_min3A_365 : vector<256xf32> to vector<256x1xf32>
      %le3A_367 = vector.broadcast %broadcast_in_dim3A_366 : vector<256x1xf32> to vector<256x532xf32>
      %le3A_368 = arith.cmpf ole, %select_n3A_363, %le3A_367 : vector<256x532xf32>
      %broadcast_in_dim3A_369 = vector.broadcast %while3A : i32 to vector<256x532xi32>
      %select_n3A_370 = arith.select %le3A_368, %concatenate3A_139, %broadcast_in_dim3A_369 : vector<256x532xi1>, vector<256x532xi32>
      %reduce_min3A_371 = arith.constant dense<2147483647> : vector<256xi32>
      %reduce_min3A_372 = vector.multi_reduction <minsi>, %select_n3A_370, %reduce_min3A_371 [1] : vector<256x532xi32> to vector<256xi32>
      %broadcast_in_dim3A_373 = vector.shape_cast %reduce_min3A_372 : vector<256xi32> to vector<256x1xi32>
      %eq3A_374 = vector.broadcast %broadcast_in_dim3A_373 : vector<256x1xi32> to vector<256x532xi32>
      %eq3A_375 = arith.cmpi eq, %concatenate3A_139, %eq3A_374 : vector<256x532xi32>
      %jit3A_376 = arith.constant 2.000000e+38 : f32
      %broadcast_in_dim3A_377 = vector.broadcast %jit3A_376 : f32 to vector<256x532xf32>
      %select_n3A_378 = arith.select %eq3A_375, %broadcast_in_dim3A_377, %select_n3A_363 : vector<256x532xi1>, vector<256x532xf32>
      %reduce_min3A_379 = arith.constant dense<0x7F800000> : vector<256xf32>
      %reduce_min3A_380 = vector.multi_reduction <minimumf>, %select_n3A_378, %reduce_min3A_379 [1] : vector<256x532xf32> to vector<256xf32>
      %broadcast_in_dim3A_381 = vector.shape_cast %reduce_min3A_380 : vector<256xf32> to vector<256x1xf32>
      %le3A_382 = vector.broadcast %broadcast_in_dim3A_381 : vector<256x1xf32> to vector<256x532xf32>
      %le3A_383 = arith.cmpf ole, %select_n3A_378, %le3A_382 : vector<256x532xf32>
      %broadcast_in_dim3A_384 = vector.broadcast %while3A : i32 to vector<256x532xi32>
      %select_n3A_385 = arith.select %le3A_383, %concatenate3A_139, %broadcast_in_dim3A_384 : vector<256x532xi1>, vector<256x532xi32>
      %reduce_min3A_386 = arith.constant dense<2147483647> : vector<256xi32>
      %reduce_min3A_387 = vector.multi_reduction <minsi>, %select_n3A_385, %reduce_min3A_386 [1] : vector<256x532xi32> to vector<256xi32>
      %broadcast_in_dim3A_388 = vector.shape_cast %reduce_min3A_387 : vector<256xi32> to vector<256x1xi32>
      %eq3A_389 = vector.broadcast %broadcast_in_dim3A_388 : vector<256x1xi32> to vector<256x532xi32>
      %eq3A_390 = arith.cmpi eq, %concatenate3A_139, %eq3A_389 : vector<256x532xi32>
      %jit3A_391 = arith.constant 2.000000e+38 : f32
      %broadcast_in_dim3A_392 = vector.broadcast %jit3A_391 : f32 to vector<256x532xf32>
      %select_n3A_393 = arith.select %eq3A_390, %broadcast_in_dim3A_392, %select_n3A_378 : vector<256x532xi1>, vector<256x532xf32>
      %reduce_min3A_394 = arith.constant dense<0x7F800000> : vector<256xf32>
      %reduce_min3A_395 = vector.multi_reduction <minimumf>, %select_n3A_393, %reduce_min3A_394 [1] : vector<256x532xf32> to vector<256xf32>
      %broadcast_in_dim3A_396 = vector.shape_cast %reduce_min3A_395 : vector<256xf32> to vector<256x1xf32>
      %le3A_397 = vector.broadcast %broadcast_in_dim3A_396 : vector<256x1xf32> to vector<256x532xf32>
      %le3A_398 = arith.cmpf ole, %select_n3A_393, %le3A_397 : vector<256x532xf32>
      %broadcast_in_dim3A_399 = vector.broadcast %while3A : i32 to vector<256x532xi32>
      %select_n3A_400 = arith.select %le3A_398, %concatenate3A_139, %broadcast_in_dim3A_399 : vector<256x532xi1>, vector<256x532xi32>
      %reduce_min3A_401 = arith.constant dense<2147483647> : vector<256xi32>
      %reduce_min3A_402 = vector.multi_reduction <minsi>, %select_n3A_400, %reduce_min3A_401 [1] : vector<256x532xi32> to vector<256xi32>
      %broadcast_in_dim3A_403 = vector.shape_cast %reduce_min3A_402 : vector<256xi32> to vector<256x1xi32>
      %eq3A_404 = vector.broadcast %broadcast_in_dim3A_403 : vector<256x1xi32> to vector<256x532xi32>
      %eq3A_405 = arith.cmpi eq, %concatenate3A_139, %eq3A_404 : vector<256x532xi32>
      %jit3A_406 = arith.constant 2.000000e+38 : f32
      %broadcast_in_dim3A_407 = vector.broadcast %jit3A_406 : f32 to vector<256x532xf32>
      %select_n3A_408 = arith.select %eq3A_405, %broadcast_in_dim3A_407, %select_n3A_393 : vector<256x532xi1>, vector<256x532xf32>
      %reduce_min3A_409 = arith.constant dense<0x7F800000> : vector<256xf32>
      %reduce_min3A_410 = vector.multi_reduction <minimumf>, %select_n3A_408, %reduce_min3A_409 [1] : vector<256x532xf32> to vector<256xf32>
      %broadcast_in_dim3A_411 = vector.shape_cast %reduce_min3A_410 : vector<256xf32> to vector<256x1xf32>
      %le3A_412 = vector.broadcast %broadcast_in_dim3A_411 : vector<256x1xf32> to vector<256x532xf32>
      %le3A_413 = arith.cmpf ole, %select_n3A_408, %le3A_412 : vector<256x532xf32>
      %broadcast_in_dim3A_414 = vector.broadcast %while3A : i32 to vector<256x532xi32>
      %select_n3A_415 = arith.select %le3A_413, %concatenate3A_139, %broadcast_in_dim3A_414 : vector<256x532xi1>, vector<256x532xi32>
      %reduce_min3A_416 = arith.constant dense<2147483647> : vector<256xi32>
      %reduce_min3A_417 = vector.multi_reduction <minsi>, %select_n3A_415, %reduce_min3A_416 [1] : vector<256x532xi32> to vector<256xi32>
      %broadcast_in_dim3A_418 = vector.shape_cast %reduce_min3A_417 : vector<256xi32> to vector<256x1xi32>
      %eq3A_419 = vector.broadcast %broadcast_in_dim3A_418 : vector<256x1xi32> to vector<256x532xi32>
      %eq3A_420 = arith.cmpi eq, %concatenate3A_139, %eq3A_419 : vector<256x532xi32>
      %jit3A_421 = arith.constant 2.000000e+38 : f32
      %broadcast_in_dim3A_422 = vector.broadcast %jit3A_421 : f32 to vector<256x532xf32>
      %select_n3A_423 = arith.select %eq3A_420, %broadcast_in_dim3A_422, %select_n3A_408 : vector<256x532xi1>, vector<256x532xf32>
      %reduce_min3A_424 = arith.constant dense<0x7F800000> : vector<256xf32>
      %reduce_min3A_425 = vector.multi_reduction <minimumf>, %select_n3A_423, %reduce_min3A_424 [1] : vector<256x532xf32> to vector<256xf32>
      %broadcast_in_dim3A_426 = vector.shape_cast %reduce_min3A_425 : vector<256xf32> to vector<256x1xf32>
      %le3A_427 = vector.broadcast %broadcast_in_dim3A_426 : vector<256x1xf32> to vector<256x532xf32>
      %le3A_428 = arith.cmpf ole, %select_n3A_423, %le3A_427 : vector<256x532xf32>
      %broadcast_in_dim3A_429 = vector.broadcast %while3A : i32 to vector<256x532xi32>
      %select_n3A_430 = arith.select %le3A_428, %concatenate3A_139, %broadcast_in_dim3A_429 : vector<256x532xi1>, vector<256x532xi32>
      %reduce_min3A_431 = arith.constant dense<2147483647> : vector<256xi32>
      %reduce_min3A_432 = vector.multi_reduction <minsi>, %select_n3A_430, %reduce_min3A_431 [1] : vector<256x532xi32> to vector<256xi32>
      %broadcast_in_dim3A_433 = vector.shape_cast %reduce_min3A_432 : vector<256xi32> to vector<256x1xi32>
      %eq3A_434 = vector.broadcast %broadcast_in_dim3A_433 : vector<256x1xi32> to vector<256x532xi32>
      %eq3A_435 = arith.cmpi eq, %concatenate3A_139, %eq3A_434 : vector<256x532xi32>
      %jit3A_436 = arith.constant 2.000000e+38 : f32
      %broadcast_in_dim3A_437 = vector.broadcast %jit3A_436 : f32 to vector<256x532xf32>
      %select_n3A_438 = arith.select %eq3A_435, %broadcast_in_dim3A_437, %select_n3A_423 : vector<256x532xi1>, vector<256x532xf32>
      %concatenate3A_439 = tpu.concatenate %broadcast_in_dim3A_142, %broadcast_in_dim3A_156, %broadcast_in_dim3A_171, %broadcast_in_dim3A_186, %broadcast_in_dim3A_201, %broadcast_in_dim3A_216, %broadcast_in_dim3A_231, %broadcast_in_dim3A_246, %broadcast_in_dim3A_261, %broadcast_in_dim3A_276, %broadcast_in_dim3A_291, %broadcast_in_dim3A_306, %broadcast_in_dim3A_321, %broadcast_in_dim3A_336, %broadcast_in_dim3A_351, %broadcast_in_dim3A_366, %broadcast_in_dim3A_381, %broadcast_in_dim3A_396, %broadcast_in_dim3A_411, %broadcast_in_dim3A_426 in 1 : vector<256x1xf32>, vector<256x1xf32>, vector<256x1xf32>, vector<256x1xf32>, vector<256x1xf32>, vector<256x1xf32>, vector<256x1xf32>, vector<256x1xf32>, vector<256x1xf32>, vector<256x1xf32>, vector<256x1xf32>, vector<256x1xf32>, vector<256x1xf32>, vector<256x1xf32>, vector<256x1xf32>, vector<256x1xf32>, vector<256x1xf32>, vector<256x1xf32>, vector<256x1xf32>, vector<256x1xf32> -> vector<256x20xf32>
      %concatenate3A_440 = tpu.concatenate %broadcast_in_dim3A_148, %broadcast_in_dim3A_163, %broadcast_in_dim3A_178, %broadcast_in_dim3A_193, %broadcast_in_dim3A_208, %broadcast_in_dim3A_223, %broadcast_in_dim3A_238, %broadcast_in_dim3A_253, %broadcast_in_dim3A_268, %broadcast_in_dim3A_283, %broadcast_in_dim3A_298, %broadcast_in_dim3A_313, %broadcast_in_dim3A_328, %broadcast_in_dim3A_343, %broadcast_in_dim3A_358, %broadcast_in_dim3A_373, %broadcast_in_dim3A_388, %broadcast_in_dim3A_403, %broadcast_in_dim3A_418, %broadcast_in_dim3A_433 in 1 : vector<256x1xi32>, vector<256x1xi32>, vector<256x1xi32>, vector<256x1xi32>, vector<256x1xi32>, vector<256x1xi32>, vector<256x1xi32>, vector<256x1xi32>, vector<256x1xi32>, vector<256x1xi32>, vector<256x1xi32>, vector<256x1xi32>, vector<256x1xi32>, vector<256x1xi32>, vector<256x1xi32>, vector<256x1xi32>, vector<256x1xi32>, vector<256x1xi32>, vector<256x1xi32>, vector<256x1xi32> -> vector<256x20xi32>
      scf.yield %concatenate3A_439, %concatenate3A_440 : vector<256x20xf32>, vector<256x20xi32>
    }
    %while3A_95 = arith.constant 1 : i32
    %while3A_96:2 = scf.for %while3A_101 = %while3A_92 to %while3A_88 step %while3A_95 iter_args(%while3A_102 = %while3A_94#0, %while3A_103 = %while3A_94#1) -> (vector<256x20xf32>, vector<256x20xi32>)  : i32 {
      %mul3A_104 = arith.constant 512 : i32
      %mul3A_105 = arith.muli %while3A_101, %mul3A_104 : i32
      %get3A_106 = arith.index_cast %mul3A_105 : i32 to index
      %get3A_107 = arith.constant 0 : index
      %get3A_108 = vector.load %arg4[%get3A_106, %get3A_107] : memref<8192x8xf32, #tpu.memory_space<vmem>>, vector<512x8xf32>
      %convert_element_type3A_109 = arith.truncf %get3A_108 : vector<512x8xf32> to vector<512x8xbf16>
      %get3A_110 = arith.index_cast %while3A_101 : i32 to index
      %get3A_111 = arith.constant 0 : index
      %get3A_112 = arith.constant 0 : index
      %get3A_113 = vector.load %arg6[%get3A_110, %get3A_111, %get3A_112] : memref<16x1x512xf32, #tpu.memory_space<vmem>>, vector<1x1x512xf32>
      %get3A_114 = vector.shape_cast %get3A_113 : vector<1x1x512xf32> to vector<1x512xf32>
      %get3A_115 = arith.index_cast %while3A_101 : i32 to index
      %get3A_116 = arith.constant 0 : index
      %get3A_117 = arith.constant 0 : index
      %get3A_118 = vector.load %arg7[%get3A_115, %get3A_116, %get3A_117] : memref<16x1x512xi32, #tpu.memory_space<vmem>>, vector<1x1x512xi32>
      %get3A_119 = vector.shape_cast %get3A_118 : vector<1x1x512xi32> to vector<1x512xi32>
      %add3A_120 = vector.broadcast %get3A_114 : vector<1x512xf32> to vector<256x512xf32>
      %add3A_121 = vector.broadcast %get3A_5 : vector<256x1xf32> to vector<256x512xf32>
      %add3A_122 = arith.addf %add3A_120, %add3A_121 : vector<256x512xf32>
      %dot_general3A = arith.constant dense<0.000000e+00> : vector<256x512xf32>
      %dot_general3A_123 = tpu.matmul %convert_element_type3A, %convert_element_type3A_109, %dot_general3A {dimension_numbers = #tpu.dot_dimension_numbers<[1], [1], [0], [0], [0, 0, 1, 0], [], []>, transpose_lhs_hint = false} : vector<256x8xbf16>, vector<512x8xbf16>, vector<256x512xf32> -> vector<256x512xf32>
      %mul3A_124 = arith.constant 2.000000e+00 : f32
      %mul3A_125 = vector.broadcast %mul3A_124 : f32 to vector<256x512xf32>
      %mul3A_126 = arith.mulf %mul3A_125, %dot_general3A_123 : vector<256x512xf32>
      %sub3A_127 = arith.subf %add3A_122, %mul3A_126 : vector<256x512xf32>
      %add3A_128 = vector.broadcast %mul3A_105 : i32 to vector<256x512xi32>
      %add3A_129 = arith.addi %add3A_128, %iota3A_82 : vector<256x512xi32>
      %eq3A_130 = vector.broadcast %get3A_8 : vector<256x1xi32> to vector<256x512xi32>
      %eq3A_131 = vector.broadcast %get3A_119 : vector<1x512xi32> to vector<256x512xi32>
      %eq3A_132 = arith.cmpi eq, %eq3A_130, %eq3A_131 : vector<256x512xi32>
      %ne3A_133 = arith.cmpi ne, %add3A_129, %add3A_81 : vector<256x512xi32>
      %and3A_134 = arith.andi %eq3A_132, %ne3A_133 : vector<256x512xi1>
      %jit3A_135 = arith.constant 9.99999993E+36 : f32
      %broadcast_in_dim3A_136 = vector.broadcast %jit3A_135 : f32 to vector<256x512xf32>
      %select_n3A_137 = arith.select %and3A_134, %sub3A_127, %broadcast_in_dim3A_136 : vector<256x512xi1>, vector<256x512xf32>
      %concatenate3A_138 = tpu.concatenate %while3A_102, %select_n3A_137 in 1 : vector<256x20xf32>, vector<256x512xf32> -> vector<256x532xf32>
      %concatenate3A_139 = tpu.concatenate %while3A_103, %add3A_129 in 1 : vector<256x20xi32>, vector<256x512xi32> -> vector<256x532xi32>
      %reduce_min3A_140 = arith.constant dense<0x7F800000> : vector<256xf32>
      %reduce_min3A_141 = vector.multi_reduction <minimumf>, %concatenate3A_138, %reduce_min3A_140 [1] : vector<256x532xf32> to vector<256xf32>
      %broadcast_in_dim3A_142 = vector.shape_cast %reduce_min3A_141 : vector<256xf32> to vector<256x1xf32>
      %le3A = vector.broadcast %broadcast_in_dim3A_142 : vector<256x1xf32> to vector<256x532xf32>
      %le3A_143 = arith.cmpf ole, %concatenate3A_138, %le3A : vector<256x532xf32>
      %broadcast_in_dim3A_144 = vector.broadcast %while3A : i32 to vector<256x532xi32>
      %select_n3A_145 = arith.select %le3A_143, %concatenate3A_139, %broadcast_in_dim3A_144 : vector<256x532xi1>, vector<256x532xi32>
      %reduce_min3A_146 = arith.constant dense<2147483647> : vector<256xi32>
      %reduce_min3A_147 = vector.multi_reduction <minsi>, %select_n3A_145, %reduce_min3A_146 [1] : vector<256x532xi32> to vector<256xi32>
      %broadcast_in_dim3A_148 = vector.shape_cast %reduce_min3A_147 : vector<256xi32> to vector<256x1xi32>
      %eq3A_149 = vector.broadcast %broadcast_in_dim3A_148 : vector<256x1xi32> to vector<256x532xi32>
      %eq3A_150 = arith.cmpi eq, %concatenate3A_139, %eq3A_149 : vector<256x532xi32>
      %jit3A_151 = arith.constant 2.000000e+38 : f32
      %broadcast_in_dim3A_152 = vector.broadcast %jit3A_151 : f32 to vector<256x532xf32>
      %select_n3A_153 = arith.select %eq3A_150, %broadcast_in_dim3A_152, %concatenate3A_138 : vector<256x532xi1>, vector<256x532xf32>
      %reduce_min3A_154 = arith.constant dense<0x7F800000> : vector<256xf32>
      %reduce_min3A_155 = vector.multi_reduction <minimumf>, %select_n3A_153, %reduce_min3A_154 [1] : vector<256x532xf32> to vector<256xf32>
      %broadcast_in_dim3A_156 = vector.shape_cast %reduce_min3A_155 : vector<256xf32> to vector<256x1xf32>
      %le3A_157 = vector.broadcast %broadcast_in_dim3A_156 : vector<256x1xf32> to vector<256x532xf32>
      %le3A_158 = arith.cmpf ole, %select_n3A_153, %le3A_157 : vector<256x532xf32>
      %broadcast_in_dim3A_159 = vector.broadcast %while3A : i32 to vector<256x532xi32>
      %select_n3A_160 = arith.select %le3A_158, %concatenate3A_139, %broadcast_in_dim3A_159 : vector<256x532xi1>, vector<256x532xi32>
      %reduce_min3A_161 = arith.constant dense<2147483647> : vector<256xi32>
      %reduce_min3A_162 = vector.multi_reduction <minsi>, %select_n3A_160, %reduce_min3A_161 [1] : vector<256x532xi32> to vector<256xi32>
      %broadcast_in_dim3A_163 = vector.shape_cast %reduce_min3A_162 : vector<256xi32> to vector<256x1xi32>
      %eq3A_164 = vector.broadcast %broadcast_in_dim3A_163 : vector<256x1xi32> to vector<256x532xi32>
      %eq3A_165 = arith.cmpi eq, %concatenate3A_139, %eq3A_164 : vector<256x532xi32>
      %jit3A_166 = arith.constant 2.000000e+38 : f32
      %broadcast_in_dim3A_167 = vector.broadcast %jit3A_166 : f32 to vector<256x532xf32>
      %select_n3A_168 = arith.select %eq3A_165, %broadcast_in_dim3A_167, %select_n3A_153 : vector<256x532xi1>, vector<256x532xf32>
      %reduce_min3A_169 = arith.constant dense<0x7F800000> : vector<256xf32>
      %reduce_min3A_170 = vector.multi_reduction <minimumf>, %select_n3A_168, %reduce_min3A_169 [1] : vector<256x532xf32> to vector<256xf32>
      %broadcast_in_dim3A_171 = vector.shape_cast %reduce_min3A_170 : vector<256xf32> to vector<256x1xf32>
      %le3A_172 = vector.broadcast %broadcast_in_dim3A_171 : vector<256x1xf32> to vector<256x532xf32>
      %le3A_173 = arith.cmpf ole, %select_n3A_168, %le3A_172 : vector<256x532xf32>
      %broadcast_in_dim3A_174 = vector.broadcast %while3A : i32 to vector<256x532xi32>
      %select_n3A_175 = arith.select %le3A_173, %concatenate3A_139, %broadcast_in_dim3A_174 : vector<256x532xi1>, vector<256x532xi32>
      %reduce_min3A_176 = arith.constant dense<2147483647> : vector<256xi32>
      %reduce_min3A_177 = vector.multi_reduction <minsi>, %select_n3A_175, %reduce_min3A_176 [1] : vector<256x532xi32> to vector<256xi32>
      %broadcast_in_dim3A_178 = vector.shape_cast %reduce_min3A_177 : vector<256xi32> to vector<256x1xi32>
      %eq3A_179 = vector.broadcast %broadcast_in_dim3A_178 : vector<256x1xi32> to vector<256x532xi32>
      %eq3A_180 = arith.cmpi eq, %concatenate3A_139, %eq3A_179 : vector<256x532xi32>
      %jit3A_181 = arith.constant 2.000000e+38 : f32
      %broadcast_in_dim3A_182 = vector.broadcast %jit3A_181 : f32 to vector<256x532xf32>
      %select_n3A_183 = arith.select %eq3A_180, %broadcast_in_dim3A_182, %select_n3A_168 : vector<256x532xi1>, vector<256x532xf32>
      %reduce_min3A_184 = arith.constant dense<0x7F800000> : vector<256xf32>
      %reduce_min3A_185 = vector.multi_reduction <minimumf>, %select_n3A_183, %reduce_min3A_184 [1] : vector<256x532xf32> to vector<256xf32>
      %broadcast_in_dim3A_186 = vector.shape_cast %reduce_min3A_185 : vector<256xf32> to vector<256x1xf32>
      %le3A_187 = vector.broadcast %broadcast_in_dim3A_186 : vector<256x1xf32> to vector<256x532xf32>
      %le3A_188 = arith.cmpf ole, %select_n3A_183, %le3A_187 : vector<256x532xf32>
      %broadcast_in_dim3A_189 = vector.broadcast %while3A : i32 to vector<256x532xi32>
      %select_n3A_190 = arith.select %le3A_188, %concatenate3A_139, %broadcast_in_dim3A_189 : vector<256x532xi1>, vector<256x532xi32>
      %reduce_min3A_191 = arith.constant dense<2147483647> : vector<256xi32>
      %reduce_min3A_192 = vector.multi_reduction <minsi>, %select_n3A_190, %reduce_min3A_191 [1] : vector<256x532xi32> to vector<256xi32>
      %broadcast_in_dim3A_193 = vector.shape_cast %reduce_min3A_192 : vector<256xi32> to vector<256x1xi32>
      %eq3A_194 = vector.broadcast %broadcast_in_dim3A_193 : vector<256x1xi32> to vector<256x532xi32>
      %eq3A_195 = arith.cmpi eq, %concatenate3A_139, %eq3A_194 : vector<256x532xi32>
      %jit3A_196 = arith.constant 2.000000e+38 : f32
      %broadcast_in_dim3A_197 = vector.broadcast %jit3A_196 : f32 to vector<256x532xf32>
      %select_n3A_198 = arith.select %eq3A_195, %broadcast_in_dim3A_197, %select_n3A_183 : vector<256x532xi1>, vector<256x532xf32>
      %reduce_min3A_199 = arith.constant dense<0x7F800000> : vector<256xf32>
      %reduce_min3A_200 = vector.multi_reduction <minimumf>, %select_n3A_198, %reduce_min3A_199 [1] : vector<256x532xf32> to vector<256xf32>
      %broadcast_in_dim3A_201 = vector.shape_cast %reduce_min3A_200 : vector<256xf32> to vector<256x1xf32>
      %le3A_202 = vector.broadcast %broadcast_in_dim3A_201 : vector<256x1xf32> to vector<256x532xf32>
      %le3A_203 = arith.cmpf ole, %select_n3A_198, %le3A_202 : vector<256x532xf32>
      %broadcast_in_dim3A_204 = vector.broadcast %while3A : i32 to vector<256x532xi32>
      %select_n3A_205 = arith.select %le3A_203, %concatenate3A_139, %broadcast_in_dim3A_204 : vector<256x532xi1>, vector<256x532xi32>
      %reduce_min3A_206 = arith.constant dense<2147483647> : vector<256xi32>
      %reduce_min3A_207 = vector.multi_reduction <minsi>, %select_n3A_205, %reduce_min3A_206 [1] : vector<256x532xi32> to vector<256xi32>
      %broadcast_in_dim3A_208 = vector.shape_cast %reduce_min3A_207 : vector<256xi32> to vector<256x1xi32>
      %eq3A_209 = vector.broadcast %broadcast_in_dim3A_208 : vector<256x1xi32> to vector<256x532xi32>
      %eq3A_210 = arith.cmpi eq, %concatenate3A_139, %eq3A_209 : vector<256x532xi32>
      %jit3A_211 = arith.constant 2.000000e+38 : f32
      %broadcast_in_dim3A_212 = vector.broadcast %jit3A_211 : f32 to vector<256x532xf32>
      %select_n3A_213 = arith.select %eq3A_210, %broadcast_in_dim3A_212, %select_n3A_198 : vector<256x532xi1>, vector<256x532xf32>
      %reduce_min3A_214 = arith.constant dense<0x7F800000> : vector<256xf32>
      %reduce_min3A_215 = vector.multi_reduction <minimumf>, %select_n3A_213, %reduce_min3A_214 [1] : vector<256x532xf32> to vector<256xf32>
      %broadcast_in_dim3A_216 = vector.shape_cast %reduce_min3A_215 : vector<256xf32> to vector<256x1xf32>
      %le3A_217 = vector.broadcast %broadcast_in_dim3A_216 : vector<256x1xf32> to vector<256x532xf32>
      %le3A_218 = arith.cmpf ole, %select_n3A_213, %le3A_217 : vector<256x532xf32>
      %broadcast_in_dim3A_219 = vector.broadcast %while3A : i32 to vector<256x532xi32>
      %select_n3A_220 = arith.select %le3A_218, %concatenate3A_139, %broadcast_in_dim3A_219 : vector<256x532xi1>, vector<256x532xi32>
      %reduce_min3A_221 = arith.constant dense<2147483647> : vector<256xi32>
      %reduce_min3A_222 = vector.multi_reduction <minsi>, %select_n3A_220, %reduce_min3A_221 [1] : vector<256x532xi32> to vector<256xi32>
      %broadcast_in_dim3A_223 = vector.shape_cast %reduce_min3A_222 : vector<256xi32> to vector<256x1xi32>
      %eq3A_224 = vector.broadcast %broadcast_in_dim3A_223 : vector<256x1xi32> to vector<256x532xi32>
      %eq3A_225 = arith.cmpi eq, %concatenate3A_139, %eq3A_224 : vector<256x532xi32>
      %jit3A_226 = arith.constant 2.000000e+38 : f32
      %broadcast_in_dim3A_227 = vector.broadcast %jit3A_226 : f32 to vector<256x532xf32>
      %select_n3A_228 = arith.select %eq3A_225, %broadcast_in_dim3A_227, %select_n3A_213 : vector<256x532xi1>, vector<256x532xf32>
      %reduce_min3A_229 = arith.constant dense<0x7F800000> : vector<256xf32>
      %reduce_min3A_230 = vector.multi_reduction <minimumf>, %select_n3A_228, %reduce_min3A_229 [1] : vector<256x532xf32> to vector<256xf32>
      %broadcast_in_dim3A_231 = vector.shape_cast %reduce_min3A_230 : vector<256xf32> to vector<256x1xf32>
      %le3A_232 = vector.broadcast %broadcast_in_dim3A_231 : vector<256x1xf32> to vector<256x532xf32>
      %le3A_233 = arith.cmpf ole, %select_n3A_228, %le3A_232 : vector<256x532xf32>
      %broadcast_in_dim3A_234 = vector.broadcast %while3A : i32 to vector<256x532xi32>
      %select_n3A_235 = arith.select %le3A_233, %concatenate3A_139, %broadcast_in_dim3A_234 : vector<256x532xi1>, vector<256x532xi32>
      %reduce_min3A_236 = arith.constant dense<2147483647> : vector<256xi32>
      %reduce_min3A_237 = vector.multi_reduction <minsi>, %select_n3A_235, %reduce_min3A_236 [1] : vector<256x532xi32> to vector<256xi32>
      %broadcast_in_dim3A_238 = vector.shape_cast %reduce_min3A_237 : vector<256xi32> to vector<256x1xi32>
      %eq3A_239 = vector.broadcast %broadcast_in_dim3A_238 : vector<256x1xi32> to vector<256x532xi32>
      %eq3A_240 = arith.cmpi eq, %concatenate3A_139, %eq3A_239 : vector<256x532xi32>
      %jit3A_241 = arith.constant 2.000000e+38 : f32
      %broadcast_in_dim3A_242 = vector.broadcast %jit3A_241 : f32 to vector<256x532xf32>
      %select_n3A_243 = arith.select %eq3A_240, %broadcast_in_dim3A_242, %select_n3A_228 : vector<256x532xi1>, vector<256x532xf32>
      %reduce_min3A_244 = arith.constant dense<0x7F800000> : vector<256xf32>
      %reduce_min3A_245 = vector.multi_reduction <minimumf>, %select_n3A_243, %reduce_min3A_244 [1] : vector<256x532xf32> to vector<256xf32>
      %broadcast_in_dim3A_246 = vector.shape_cast %reduce_min3A_245 : vector<256xf32> to vector<256x1xf32>
      %le3A_247 = vector.broadcast %broadcast_in_dim3A_246 : vector<256x1xf32> to vector<256x532xf32>
      %le3A_248 = arith.cmpf ole, %select_n3A_243, %le3A_247 : vector<256x532xf32>
      %broadcast_in_dim3A_249 = vector.broadcast %while3A : i32 to vector<256x532xi32>
      %select_n3A_250 = arith.select %le3A_248, %concatenate3A_139, %broadcast_in_dim3A_249 : vector<256x532xi1>, vector<256x532xi32>
      %reduce_min3A_251 = arith.constant dense<2147483647> : vector<256xi32>
      %reduce_min3A_252 = vector.multi_reduction <minsi>, %select_n3A_250, %reduce_min3A_251 [1] : vector<256x532xi32> to vector<256xi32>
      %broadcast_in_dim3A_253 = vector.shape_cast %reduce_min3A_252 : vector<256xi32> to vector<256x1xi32>
      %eq3A_254 = vector.broadcast %broadcast_in_dim3A_253 : vector<256x1xi32> to vector<256x532xi32>
      %eq3A_255 = arith.cmpi eq, %concatenate3A_139, %eq3A_254 : vector<256x532xi32>
      %jit3A_256 = arith.constant 2.000000e+38 : f32
      %broadcast_in_dim3A_257 = vector.broadcast %jit3A_256 : f32 to vector<256x532xf32>
      %select_n3A_258 = arith.select %eq3A_255, %broadcast_in_dim3A_257, %select_n3A_243 : vector<256x532xi1>, vector<256x532xf32>
      %reduce_min3A_259 = arith.constant dense<0x7F800000> : vector<256xf32>
      %reduce_min3A_260 = vector.multi_reduction <minimumf>, %select_n3A_258, %reduce_min3A_259 [1] : vector<256x532xf32> to vector<256xf32>
      %broadcast_in_dim3A_261 = vector.shape_cast %reduce_min3A_260 : vector<256xf32> to vector<256x1xf32>
      %le3A_262 = vector.broadcast %broadcast_in_dim3A_261 : vector<256x1xf32> to vector<256x532xf32>
      %le3A_263 = arith.cmpf ole, %select_n3A_258, %le3A_262 : vector<256x532xf32>
      %broadcast_in_dim3A_264 = vector.broadcast %while3A : i32 to vector<256x532xi32>
      %select_n3A_265 = arith.select %le3A_263, %concatenate3A_139, %broadcast_in_dim3A_264 : vector<256x532xi1>, vector<256x532xi32>
      %reduce_min3A_266 = arith.constant dense<2147483647> : vector<256xi32>
      %reduce_min3A_267 = vector.multi_reduction <minsi>, %select_n3A_265, %reduce_min3A_266 [1] : vector<256x532xi32> to vector<256xi32>
      %broadcast_in_dim3A_268 = vector.shape_cast %reduce_min3A_267 : vector<256xi32> to vector<256x1xi32>
      %eq3A_269 = vector.broadcast %broadcast_in_dim3A_268 : vector<256x1xi32> to vector<256x532xi32>
      %eq3A_270 = arith.cmpi eq, %concatenate3A_139, %eq3A_269 : vector<256x532xi32>
      %jit3A_271 = arith.constant 2.000000e+38 : f32
      %broadcast_in_dim3A_272 = vector.broadcast %jit3A_271 : f32 to vector<256x532xf32>
      %select_n3A_273 = arith.select %eq3A_270, %broadcast_in_dim3A_272, %select_n3A_258 : vector<256x532xi1>, vector<256x532xf32>
      %reduce_min3A_274 = arith.constant dense<0x7F800000> : vector<256xf32>
      %reduce_min3A_275 = vector.multi_reduction <minimumf>, %select_n3A_273, %reduce_min3A_274 [1] : vector<256x532xf32> to vector<256xf32>
      %broadcast_in_dim3A_276 = vector.shape_cast %reduce_min3A_275 : vector<256xf32> to vector<256x1xf32>
      %le3A_277 = vector.broadcast %broadcast_in_dim3A_276 : vector<256x1xf32> to vector<256x532xf32>
      %le3A_278 = arith.cmpf ole, %select_n3A_273, %le3A_277 : vector<256x532xf32>
      %broadcast_in_dim3A_279 = vector.broadcast %while3A : i32 to vector<256x532xi32>
      %select_n3A_280 = arith.select %le3A_278, %concatenate3A_139, %broadcast_in_dim3A_279 : vector<256x532xi1>, vector<256x532xi32>
      %reduce_min3A_281 = arith.constant dense<2147483647> : vector<256xi32>
      %reduce_min3A_282 = vector.multi_reduction <minsi>, %select_n3A_280, %reduce_min3A_281 [1] : vector<256x532xi32> to vector<256xi32>
      %broadcast_in_dim3A_283 = vector.shape_cast %reduce_min3A_282 : vector<256xi32> to vector<256x1xi32>
      %eq3A_284 = vector.broadcast %broadcast_in_dim3A_283 : vector<256x1xi32> to vector<256x532xi32>
      %eq3A_285 = arith.cmpi eq, %concatenate3A_139, %eq3A_284 : vector<256x532xi32>
      %jit3A_286 = arith.constant 2.000000e+38 : f32
      %broadcast_in_dim3A_287 = vector.broadcast %jit3A_286 : f32 to vector<256x532xf32>
      %select_n3A_288 = arith.select %eq3A_285, %broadcast_in_dim3A_287, %select_n3A_273 : vector<256x532xi1>, vector<256x532xf32>
      %reduce_min3A_289 = arith.constant dense<0x7F800000> : vector<256xf32>
      %reduce_min3A_290 = vector.multi_reduction <minimumf>, %select_n3A_288, %reduce_min3A_289 [1] : vector<256x532xf32> to vector<256xf32>
      %broadcast_in_dim3A_291 = vector.shape_cast %reduce_min3A_290 : vector<256xf32> to vector<256x1xf32>
      %le3A_292 = vector.broadcast %broadcast_in_dim3A_291 : vector<256x1xf32> to vector<256x532xf32>
      %le3A_293 = arith.cmpf ole, %select_n3A_288, %le3A_292 : vector<256x532xf32>
      %broadcast_in_dim3A_294 = vector.broadcast %while3A : i32 to vector<256x532xi32>
      %select_n3A_295 = arith.select %le3A_293, %concatenate3A_139, %broadcast_in_dim3A_294 : vector<256x532xi1>, vector<256x532xi32>
      %reduce_min3A_296 = arith.constant dense<2147483647> : vector<256xi32>
      %reduce_min3A_297 = vector.multi_reduction <minsi>, %select_n3A_295, %reduce_min3A_296 [1] : vector<256x532xi32> to vector<256xi32>
      %broadcast_in_dim3A_298 = vector.shape_cast %reduce_min3A_297 : vector<256xi32> to vector<256x1xi32>
      %eq3A_299 = vector.broadcast %broadcast_in_dim3A_298 : vector<256x1xi32> to vector<256x532xi32>
      %eq3A_300 = arith.cmpi eq, %concatenate3A_139, %eq3A_299 : vector<256x532xi32>
      %jit3A_301 = arith.constant 2.000000e+38 : f32
      %broadcast_in_dim3A_302 = vector.broadcast %jit3A_301 : f32 to vector<256x532xf32>
      %select_n3A_303 = arith.select %eq3A_300, %broadcast_in_dim3A_302, %select_n3A_288 : vector<256x532xi1>, vector<256x532xf32>
      %reduce_min3A_304 = arith.constant dense<0x7F800000> : vector<256xf32>
      %reduce_min3A_305 = vector.multi_reduction <minimumf>, %select_n3A_303, %reduce_min3A_304 [1] : vector<256x532xf32> to vector<256xf32>
      %broadcast_in_dim3A_306 = vector.shape_cast %reduce_min3A_305 : vector<256xf32> to vector<256x1xf32>
      %le3A_307 = vector.broadcast %broadcast_in_dim3A_306 : vector<256x1xf32> to vector<256x532xf32>
      %le3A_308 = arith.cmpf ole, %select_n3A_303, %le3A_307 : vector<256x532xf32>
      %broadcast_in_dim3A_309 = vector.broadcast %while3A : i32 to vector<256x532xi32>
      %select_n3A_310 = arith.select %le3A_308, %concatenate3A_139, %broadcast_in_dim3A_309 : vector<256x532xi1>, vector<256x532xi32>
      %reduce_min3A_311 = arith.constant dense<2147483647> : vector<256xi32>
      %reduce_min3A_312 = vector.multi_reduction <minsi>, %select_n3A_310, %reduce_min3A_311 [1] : vector<256x532xi32> to vector<256xi32>
      %broadcast_in_dim3A_313 = vector.shape_cast %reduce_min3A_312 : vector<256xi32> to vector<256x1xi32>
      %eq3A_314 = vector.broadcast %broadcast_in_dim3A_313 : vector<256x1xi32> to vector<256x532xi32>
      %eq3A_315 = arith.cmpi eq, %concatenate3A_139, %eq3A_314 : vector<256x532xi32>
      %jit3A_316 = arith.constant 2.000000e+38 : f32
      %broadcast_in_dim3A_317 = vector.broadcast %jit3A_316 : f32 to vector<256x532xf32>
      %select_n3A_318 = arith.select %eq3A_315, %broadcast_in_dim3A_317, %select_n3A_303 : vector<256x532xi1>, vector<256x532xf32>
      %reduce_min3A_319 = arith.constant dense<0x7F800000> : vector<256xf32>
      %reduce_min3A_320 = vector.multi_reduction <minimumf>, %select_n3A_318, %reduce_min3A_319 [1] : vector<256x532xf32> to vector<256xf32>
      %broadcast_in_dim3A_321 = vector.shape_cast %reduce_min3A_320 : vector<256xf32> to vector<256x1xf32>
      %le3A_322 = vector.broadcast %broadcast_in_dim3A_321 : vector<256x1xf32> to vector<256x532xf32>
      %le3A_323 = arith.cmpf ole, %select_n3A_318, %le3A_322 : vector<256x532xf32>
      %broadcast_in_dim3A_324 = vector.broadcast %while3A : i32 to vector<256x532xi32>
      %select_n3A_325 = arith.select %le3A_323, %concatenate3A_139, %broadcast_in_dim3A_324 : vector<256x532xi1>, vector<256x532xi32>
      %reduce_min3A_326 = arith.constant dense<2147483647> : vector<256xi32>
      %reduce_min3A_327 = vector.multi_reduction <minsi>, %select_n3A_325, %reduce_min3A_326 [1] : vector<256x532xi32> to vector<256xi32>
      %broadcast_in_dim3A_328 = vector.shape_cast %reduce_min3A_327 : vector<256xi32> to vector<256x1xi32>
      %eq3A_329 = vector.broadcast %broadcast_in_dim3A_328 : vector<256x1xi32> to vector<256x532xi32>
      %eq3A_330 = arith.cmpi eq, %concatenate3A_139, %eq3A_329 : vector<256x532xi32>
      %jit3A_331 = arith.constant 2.000000e+38 : f32
      %broadcast_in_dim3A_332 = vector.broadcast %jit3A_331 : f32 to vector<256x532xf32>
      %select_n3A_333 = arith.select %eq3A_330, %broadcast_in_dim3A_332, %select_n3A_318 : vector<256x532xi1>, vector<256x532xf32>
      %reduce_min3A_334 = arith.constant dense<0x7F800000> : vector<256xf32>
      %reduce_min3A_335 = vector.multi_reduction <minimumf>, %select_n3A_333, %reduce_min3A_334 [1] : vector<256x532xf32> to vector<256xf32>
      %broadcast_in_dim3A_336 = vector.shape_cast %reduce_min3A_335 : vector<256xf32> to vector<256x1xf32>
      %le3A_337 = vector.broadcast %broadcast_in_dim3A_336 : vector<256x1xf32> to vector<256x532xf32>
      %le3A_338 = arith.cmpf ole, %select_n3A_333, %le3A_337 : vector<256x532xf32>
      %broadcast_in_dim3A_339 = vector.broadcast %while3A : i32 to vector<256x532xi32>
      %select_n3A_340 = arith.select %le3A_338, %concatenate3A_139, %broadcast_in_dim3A_339 : vector<256x532xi1>, vector<256x532xi32>
      %reduce_min3A_341 = arith.constant dense<2147483647> : vector<256xi32>
      %reduce_min3A_342 = vector.multi_reduction <minsi>, %select_n3A_340, %reduce_min3A_341 [1] : vector<256x532xi32> to vector<256xi32>
      %broadcast_in_dim3A_343 = vector.shape_cast %reduce_min3A_342 : vector<256xi32> to vector<256x1xi32>
      %eq3A_344 = vector.broadcast %broadcast_in_dim3A_343 : vector<256x1xi32> to vector<256x532xi32>
      %eq3A_345 = arith.cmpi eq, %concatenate3A_139, %eq3A_344 : vector<256x532xi32>
      %jit3A_346 = arith.constant 2.000000e+38 : f32
      %broadcast_in_dim3A_347 = vector.broadcast %jit3A_346 : f32 to vector<256x532xf32>
      %select_n3A_348 = arith.select %eq3A_345, %broadcast_in_dim3A_347, %select_n3A_333 : vector<256x532xi1>, vector<256x532xf32>
      %reduce_min3A_349 = arith.constant dense<0x7F800000> : vector<256xf32>
      %reduce_min3A_350 = vector.multi_reduction <minimumf>, %select_n3A_348, %reduce_min3A_349 [1] : vector<256x532xf32> to vector<256xf32>
      %broadcast_in_dim3A_351 = vector.shape_cast %reduce_min3A_350 : vector<256xf32> to vector<256x1xf32>
      %le3A_352 = vector.broadcast %broadcast_in_dim3A_351 : vector<256x1xf32> to vector<256x532xf32>
      %le3A_353 = arith.cmpf ole, %select_n3A_348, %le3A_352 : vector<256x532xf32>
      %broadcast_in_dim3A_354 = vector.broadcast %while3A : i32 to vector<256x532xi32>
      %select_n3A_355 = arith.select %le3A_353, %concatenate3A_139, %broadcast_in_dim3A_354 : vector<256x532xi1>, vector<256x532xi32>
      %reduce_min3A_356 = arith.constant dense<2147483647> : vector<256xi32>
      %reduce_min3A_357 = vector.multi_reduction <minsi>, %select_n3A_355, %reduce_min3A_356 [1] : vector<256x532xi32> to vector<256xi32>
      %broadcast_in_dim3A_358 = vector.shape_cast %reduce_min3A_357 : vector<256xi32> to vector<256x1xi32>
      %eq3A_359 = vector.broadcast %broadcast_in_dim3A_358 : vector<256x1xi32> to vector<256x532xi32>
      %eq3A_360 = arith.cmpi eq, %concatenate3A_139, %eq3A_359 : vector<256x532xi32>
      %jit3A_361 = arith.constant 2.000000e+38 : f32
      %broadcast_in_dim3A_362 = vector.broadcast %jit3A_361 : f32 to vector<256x532xf32>
      %select_n3A_363 = arith.select %eq3A_360, %broadcast_in_dim3A_362, %select_n3A_348 : vector<256x532xi1>, vector<256x532xf32>
      %reduce_min3A_364 = arith.constant dense<0x7F800000> : vector<256xf32>
      %reduce_min3A_365 = vector.multi_reduction <minimumf>, %select_n3A_363, %reduce_min3A_364 [1] : vector<256x532xf32> to vector<256xf32>
      %broadcast_in_dim3A_366 = vector.shape_cast %reduce_min3A_365 : vector<256xf32> to vector<256x1xf32>
      %le3A_367 = vector.broadcast %broadcast_in_dim3A_366 : vector<256x1xf32> to vector<256x532xf32>
      %le3A_368 = arith.cmpf ole, %select_n3A_363, %le3A_367 : vector<256x532xf32>
      %broadcast_in_dim3A_369 = vector.broadcast %while3A : i32 to vector<256x532xi32>
      %select_n3A_370 = arith.select %le3A_368, %concatenate3A_139, %broadcast_in_dim3A_369 : vector<256x532xi1>, vector<256x532xi32>
      %reduce_min3A_371 = arith.constant dense<2147483647> : vector<256xi32>
      %reduce_min3A_372 = vector.multi_reduction <minsi>, %select_n3A_370, %reduce_min3A_371 [1] : vector<256x532xi32> to vector<256xi32>
      %broadcast_in_dim3A_373 = vector.shape_cast %reduce_min3A_372 : vector<256xi32> to vector<256x1xi32>
      %eq3A_374 = vector.broadcast %broadcast_in_dim3A_373 : vector<256x1xi32> to vector<256x532xi32>
      %eq3A_375 = arith.cmpi eq, %concatenate3A_139, %eq3A_374 : vector<256x532xi32>
      %jit3A_376 = arith.constant 2.000000e+38 : f32
      %broadcast_in_dim3A_377 = vector.broadcast %jit3A_376 : f32 to vector<256x532xf32>
      %select_n3A_378 = arith.select %eq3A_375, %broadcast_in_dim3A_377, %select_n3A_363 : vector<256x532xi1>, vector<256x532xf32>
      %reduce_min3A_379 = arith.constant dense<0x7F800000> : vector<256xf32>
      %reduce_min3A_380 = vector.multi_reduction <minimumf>, %select_n3A_378, %reduce_min3A_379 [1] : vector<256x532xf32> to vector<256xf32>
      %broadcast_in_dim3A_381 = vector.shape_cast %reduce_min3A_380 : vector<256xf32> to vector<256x1xf32>
      %le3A_382 = vector.broadcast %broadcast_in_dim3A_381 : vector<256x1xf32> to vector<256x532xf32>
      %le3A_383 = arith.cmpf ole, %select_n3A_378, %le3A_382 : vector<256x532xf32>
      %broadcast_in_dim3A_384 = vector.broadcast %while3A : i32 to vector<256x532xi32>
      %select_n3A_385 = arith.select %le3A_383, %concatenate3A_139, %broadcast_in_dim3A_384 : vector<256x532xi1>, vector<256x532xi32>
      %reduce_min3A_386 = arith.constant dense<2147483647> : vector<256xi32>
      %reduce_min3A_387 = vector.multi_reduction <minsi>, %select_n3A_385, %reduce_min3A_386 [1] : vector<256x532xi32> to vector<256xi32>
      %broadcast_in_dim3A_388 = vector.shape_cast %reduce_min3A_387 : vector<256xi32> to vector<256x1xi32>
      %eq3A_389 = vector.broadcast %broadcast_in_dim3A_388 : vector<256x1xi32> to vector<256x532xi32>
      %eq3A_390 = arith.cmpi eq, %concatenate3A_139, %eq3A_389 : vector<256x532xi32>
      %jit3A_391 = arith.constant 2.000000e+38 : f32
      %broadcast_in_dim3A_392 = vector.broadcast %jit3A_391 : f32 to vector<256x532xf32>
      %select_n3A_393 = arith.select %eq3A_390, %broadcast_in_dim3A_392, %select_n3A_378 : vector<256x532xi1>, vector<256x532xf32>
      %reduce_min3A_394 = arith.constant dense<0x7F800000> : vector<256xf32>
      %reduce_min3A_395 = vector.multi_reduction <minimumf>, %select_n3A_393, %reduce_min3A_394 [1] : vector<256x532xf32> to vector<256xf32>
      %broadcast_in_dim3A_396 = vector.shape_cast %reduce_min3A_395 : vector<256xf32> to vector<256x1xf32>
      %le3A_397 = vector.broadcast %broadcast_in_dim3A_396 : vector<256x1xf32> to vector<256x532xf32>
      %le3A_398 = arith.cmpf ole, %select_n3A_393, %le3A_397 : vector<256x532xf32>
      %broadcast_in_dim3A_399 = vector.broadcast %while3A : i32 to vector<256x532xi32>
      %select_n3A_400 = arith.select %le3A_398, %concatenate3A_139, %broadcast_in_dim3A_399 : vector<256x532xi1>, vector<256x532xi32>
      %reduce_min3A_401 = arith.constant dense<2147483647> : vector<256xi32>
      %reduce_min3A_402 = vector.multi_reduction <minsi>, %select_n3A_400, %reduce_min3A_401 [1] : vector<256x532xi32> to vector<256xi32>
      %broadcast_in_dim3A_403 = vector.shape_cast %reduce_min3A_402 : vector<256xi32> to vector<256x1xi32>
      %eq3A_404 = vector.broadcast %broadcast_in_dim3A_403 : vector<256x1xi32> to vector<256x532xi32>
      %eq3A_405 = arith.cmpi eq, %concatenate3A_139, %eq3A_404 : vector<256x532xi32>
      %jit3A_406 = arith.constant 2.000000e+38 : f32
      %broadcast_in_dim3A_407 = vector.broadcast %jit3A_406 : f32 to vector<256x532xf32>
      %select_n3A_408 = arith.select %eq3A_405, %broadcast_in_dim3A_407, %select_n3A_393 : vector<256x532xi1>, vector<256x532xf32>
      %reduce_min3A_409 = arith.constant dense<0x7F800000> : vector<256xf32>
      %reduce_min3A_410 = vector.multi_reduction <minimumf>, %select_n3A_408, %reduce_min3A_409 [1] : vector<256x532xf32> to vector<256xf32>
      %broadcast_in_dim3A_411 = vector.shape_cast %reduce_min3A_410 : vector<256xf32> to vector<256x1xf32>
      %le3A_412 = vector.broadcast %broadcast_in_dim3A_411 : vector<256x1xf32> to vector<256x532xf32>
      %le3A_413 = arith.cmpf ole, %select_n3A_408, %le3A_412 : vector<256x532xf32>
      %broadcast_in_dim3A_414 = vector.broadcast %while3A : i32 to vector<256x532xi32>
      %select_n3A_415 = arith.select %le3A_413, %concatenate3A_139, %broadcast_in_dim3A_414 : vector<256x532xi1>, vector<256x532xi32>
      %reduce_min3A_416 = arith.constant dense<2147483647> : vector<256xi32>
      %reduce_min3A_417 = vector.multi_reduction <minsi>, %select_n3A_415, %reduce_min3A_416 [1] : vector<256x532xi32> to vector<256xi32>
      %broadcast_in_dim3A_418 = vector.shape_cast %reduce_min3A_417 : vector<256xi32> to vector<256x1xi32>
      %eq3A_419 = vector.broadcast %broadcast_in_dim3A_418 : vector<256x1xi32> to vector<256x532xi32>
      %eq3A_420 = arith.cmpi eq, %concatenate3A_139, %eq3A_419 : vector<256x532xi32>
      %jit3A_421 = arith.constant 2.000000e+38 : f32
      %broadcast_in_dim3A_422 = vector.broadcast %jit3A_421 : f32 to vector<256x532xf32>
      %select_n3A_423 = arith.select %eq3A_420, %broadcast_in_dim3A_422, %select_n3A_408 : vector<256x532xi1>, vector<256x532xf32>
      %reduce_min3A_424 = arith.constant dense<0x7F800000> : vector<256xf32>
      %reduce_min3A_425 = vector.multi_reduction <minimumf>, %select_n3A_423, %reduce_min3A_424 [1] : vector<256x532xf32> to vector<256xf32>
      %broadcast_in_dim3A_426 = vector.shape_cast %reduce_min3A_425 : vector<256xf32> to vector<256x1xf32>
      %le3A_427 = vector.broadcast %broadcast_in_dim3A_426 : vector<256x1xf32> to vector<256x532xf32>
      %le3A_428 = arith.cmpf ole, %select_n3A_423, %le3A_427 : vector<256x532xf32>
      %broadcast_in_dim3A_429 = vector.broadcast %while3A : i32 to vector<256x532xi32>
      %select_n3A_430 = arith.select %le3A_428, %concatenate3A_139, %broadcast_in_dim3A_429 : vector<256x532xi1>, vector<256x532xi32>
      %reduce_min3A_431 = arith.constant dense<2147483647> : vector<256xi32>
      %reduce_min3A_432 = vector.multi_reduction <minsi>, %select_n3A_430, %reduce_min3A_431 [1] : vector<256x532xi32> to vector<256xi32>
      %broadcast_in_dim3A_433 = vector.shape_cast %reduce_min3A_432 : vector<256xi32> to vector<256x1xi32>
      %eq3A_434 = vector.broadcast %broadcast_in_dim3A_433 : vector<256x1xi32> to vector<256x532xi32>
      %eq3A_435 = arith.cmpi eq, %concatenate3A_139, %eq3A_434 : vector<256x532xi32>
      %jit3A_436 = arith.constant 2.000000e+38 : f32
      %broadcast_in_dim3A_437 = vector.broadcast %jit3A_436 : f32 to vector<256x532xf32>
      %select_n3A_438 = arith.select %eq3A_435, %broadcast_in_dim3A_437, %select_n3A_423 : vector<256x532xi1>, vector<256x532xf32>
      %concatenate3A_439 = tpu.concatenate %broadcast_in_dim3A_142, %broadcast_in_dim3A_156, %broadcast_in_dim3A_171, %broadcast_in_dim3A_186, %broadcast_in_dim3A_201, %broadcast_in_dim3A_216, %broadcast_in_dim3A_231, %broadcast_in_dim3A_246, %broadcast_in_dim3A_261, %broadcast_in_dim3A_276, %broadcast_in_dim3A_291, %broadcast_in_dim3A_306, %broadcast_in_dim3A_321, %broadcast_in_dim3A_336, %broadcast_in_dim3A_351, %broadcast_in_dim3A_366, %broadcast_in_dim3A_381, %broadcast_in_dim3A_396, %broadcast_in_dim3A_411, %broadcast_in_dim3A_426 in 1 : vector<256x1xf32>, vector<256x1xf32>, vector<256x1xf32>, vector<256x1xf32>, vector<256x1xf32>, vector<256x1xf32>, vector<256x1xf32>, vector<256x1xf32>, vector<256x1xf32>, vector<256x1xf32>, vector<256x1xf32>, vector<256x1xf32>, vector<256x1xf32>, vector<256x1xf32>, vector<256x1xf32>, vector<256x1xf32>, vector<256x1xf32>, vector<256x1xf32>, vector<256x1xf32>, vector<256x1xf32> -> vector<256x20xf32>
      %concatenate3A_440 = tpu.concatenate %broadcast_in_dim3A_148, %broadcast_in_dim3A_163, %broadcast_in_dim3A_178, %broadcast_in_dim3A_193, %broadcast_in_dim3A_208, %broadcast_in_dim3A_223, %broadcast_in_dim3A_238, %broadcast_in_dim3A_253, %broadcast_in_dim3A_268, %broadcast_in_dim3A_283, %broadcast_in_dim3A_298, %broadcast_in_dim3A_313, %broadcast_in_dim3A_328, %broadcast_in_dim3A_343, %broadcast_in_dim3A_358, %broadcast_in_dim3A_373, %broadcast_in_dim3A_388, %broadcast_in_dim3A_403, %broadcast_in_dim3A_418, %broadcast_in_dim3A_433 in 1 : vector<256x1xi32>, vector<256x1xi32>, vector<256x1xi32>, vector<256x1xi32>, vector<256x1xi32>, vector<256x1xi32>, vector<256x1xi32>, vector<256x1xi32>, vector<256x1xi32>, vector<256x1xi32>, vector<256x1xi32>, vector<256x1xi32>, vector<256x1xi32>, vector<256x1xi32>, vector<256x1xi32>, vector<256x1xi32>, vector<256x1xi32>, vector<256x1xi32>, vector<256x1xi32>, vector<256x1xi32> -> vector<256x20xi32>
      scf.yield %concatenate3A_439, %concatenate3A_440 : vector<256x20xf32>, vector<256x20xi32>
    }
    %min3A = arith.constant 8191 : i32
    %min3A_97 = vector.broadcast %min3A : i32 to vector<256x20xi32>
    %min3A_98 = arith.minsi %while3A_96#1, %min3A_97 : vector<256x20xi32>
    %slice3A = vector.extract_strided_slice %min3A_98 {offsets = [0, 0], sizes = [256, 12], strides = [1, 1]} : vector<256x20xi32> to vector<256x12xi32>
    %concatenate3A = tpu.concatenate %min3A_98, %slice3A in 1 : vector<256x20xi32>, vector<256x12xi32> -> vector<256x32xi32>
    %swap3A = arith.constant 0 : index
    %swap3A_99 = arith.constant 0 : index
    %swap3A_100 = vector.load %arg8[%swap3A, %swap3A_99] : memref<256x32xi32, #tpu.memory_space<vmem>>, vector<256x32xi32>
    tpu.vector_store %arg8[%swap3A, %swap3A_99], %concatenate3A {strides = array<i32>} : memref<256x32xi32, #tpu.memory_space<vmem>>, vector<256x32xi32>,
    return
  }
  func.func @transform_0(%arg0: i32) -> (i32, i32) {
    %c0_i32 = arith.constant 0 : i32
    %c0_i32_0 = arith.constant 0 : i32
    return %arg0, %c0_i32 : i32, i32
  }
  func.func @transform_1(%arg0: i32) -> (i32, i32) {
    %c0_i32 = arith.constant 0 : i32
    %c0_i32_0 = arith.constant 0 : i32
    return %arg0, %c0_i32 : i32, i32
  }
  func.func @transform_2(%arg0: i32) -> (i32, i32) {
    %c0_i32 = arith.constant 0 : i32
    %c0_i32_0 = arith.constant 0 : i32
    return %arg0, %c0_i32 : i32, i32
  }
  func.func @transform_3(%arg0: i32) -> (i32, i32) {
    %c0_i32 = arith.constant 0 : i32
    %c0_i32_0 = arith.constant 0 : i32
    %c0_i32_1 = arith.constant 0 : i32
    return %c0_i32, %c0_i32_0 : i32, i32
  }
  func.func @transform_4(%arg0: i32) -> (i32, i32) {
    %c0_i32 = arith.constant 0 : i32
    %c0_i32_0 = arith.constant 0 : i32
    %c0_i32_1 = arith.constant 0 : i32
    return %c0_i32, %c0_i32_0 : i32, i32
  }
  func.func @transform_5(%arg0: i32) -> (i32, i32, i32) {
    %c0_i32 = arith.constant 0 : i32
    %c0_i32_0 = arith.constant 0 : i32
    %c0_i32_1 = arith.constant 0 : i32
    %c0_i32_2 = arith.constant 0 : i32
    return %c0_i32, %c0_i32_0, %c0_i32_1 : i32, i32, i32
  }
  func.func @transform_6(%arg0: i32) -> (i32, i32, i32) {
    %c0_i32 = arith.constant 0 : i32
    %c0_i32_0 = arith.constant 0 : i32
    %c0_i32_1 = arith.constant 0 : i32
    %c0_i32_2 = arith.constant 0 : i32
    return %c0_i32, %c0_i32_0, %c0_i32_1 : i32, i32, i32
  }
  func.func @transform_7(%arg0: i32) -> (i32, i32) {
    %c0_i32 = arith.constant 0 : i32
    %c0_i32_0 = arith.constant 0 : i32
    return %arg0, %c0_i32 : i32, i32
  }
}

module attributes {stable_mosaic.version = 14 : i64} {
  func.func @_e1_body(%arg0: i32, %arg1: memref<256x8xf32, #tpu.memory_space<vmem>>, %arg2: memref<256x20x128xf32, #tpu.memory_space<vmem>>, %arg3: memref<8x64xf32, #tpu.memory_space<vmem>>, %arg4: memref<8x64xf32, #tpu.memory_space<vmem>>, %arg5: memref<1x64xf32, #tpu.memory_space<vmem>>, %arg6: memref<2x64xf32, #tpu.memory_space<vmem>>, %arg7: memref<5120x64xf32, #tpu.memory_space<vmem>>) attributes {dimension_semantics = [#tpu.dimension_semantics<arbitrary>], iteration_bounds = array<i64: 32>, scalar_prefetch = 0 : i64, scratch_operands = 0 : i64, tpu.core_type = #tpu.core_type<tc>, window_params = [{transform_indices = @transform_0, window_bounds = array<i64: 256, 8>}, {transform_indices = @transform_1, window_bounds = array<i64: 256, 20, 128>}, {pipeline_mode = #tpu.pipeline_mode<synchronous>, transform_indices = @transform_2, window_bounds = array<i64: 8, 64>}, {pipeline_mode = #tpu.pipeline_mode<synchronous>, transform_indices = @transform_3, window_bounds = array<i64: 8, 64>}, {pipeline_mode = #tpu.pipeline_mode<synchronous>, transform_indices = @transform_4, window_bounds = array<i64: 1, 64>}, {pipeline_mode = #tpu.pipeline_mode<synchronous>, transform_indices = @transform_5, window_bounds = array<i64: 2, 64>}, {transform_indices = @transform_6, window_bounds = array<i64: 5120, 64>}]} {
    %get3A = arith.constant 0 : index
    %get3A_0 = arith.constant 0 : index
    %get3A_1 = arith.constant 0 : index
    %get3A_2 = vector.load %arg2[%get3A, %get3A_0, %get3A_1] : memref<256x20x128xf32, #tpu.memory_space<vmem>>, vector<256x20x128xf32>
    %slice3A = vector.extract_strided_slice %get3A_2 {offsets = [0, 0, 0], sizes = [256, 20, 8], strides = [1, 1, 1]} : vector<256x20x128xf32> to vector<256x20x8xf32>
    %get3A_3 = arith.constant 0 : index
    %get3A_4 = arith.constant 0 : index
    %get3A_5 = vector.load %arg1[%get3A_3, %get3A_4] : memref<256x8xf32, #tpu.memory_space<vmem>>, vector<256x8xf32>
    %broadcast_in_dim3A = vector.shape_cast %get3A_5 : vector<256x8xf32> to vector<256x1x8xf32>
    %sub3A = vector.broadcast %broadcast_in_dim3A : vector<256x1x8xf32> to vector<256x20x8xf32>
    %sub3A_6 = arith.subf %slice3A, %sub3A : vector<256x20x8xf32>
    %get3A_7 = arith.constant 0 : index
    %get3A_8 = arith.constant 0 : index
    %get3A_9 = vector.load %arg1[%get3A_7, %get3A_8] : memref<256x8xf32, #tpu.memory_space<vmem>>, vector<256x8xf32>
    %get3A_10 = arith.constant 0 : index
    %get3A_11 = arith.constant 0 : index
    %get3A_12 = vector.load %arg3[%get3A_10, %get3A_11] : memref<8x64xf32, #tpu.memory_space<vmem>>, vector<8x64xf32>
    %convert_element_type3A = arith.truncf %get3A_9 : vector<256x8xf32> to vector<256x8xbf16>
    %convert_element_type3A_13 = arith.truncf %get3A_12 : vector<8x64xf32> to vector<8x64xbf16>
    %dot_general3A = arith.constant dense<0.000000e+00> : vector<256x64xf32>
    %dot_general3A_14 = tpu.matmul %convert_element_type3A, %convert_element_type3A_13, %dot_general3A {dimension_numbers = #tpu.dot_dimension_numbers<[1], [0], [0], [1], [0, 0, 1, 1], [], []>, transpose_lhs_hint = false} : vector<256x8xbf16>, vector<8x64xbf16>, vector<256x64xf32> -> vector<256x64xf32>
    %get3A_15 = arith.constant 0 : index
    %get3A_16 = arith.constant 0 : index
    %get3A_17 = vector.load %arg5[%get3A_15, %get3A_16] : memref<1x64xf32, #tpu.memory_space<vmem>>, vector<1x64xf32>
    %add3A = vector.broadcast %get3A_17 : vector<1x64xf32> to vector<256x64xf32>
    %add3A_18 = arith.addf %dot_general3A_14, %add3A : vector<256x64xf32>
    %reshape3A = vector.shape_cast %sub3A_6 : vector<256x20x8xf32> to vector<5120x8xf32>
    %get3A_19 = arith.constant 0 : index
    %get3A_20 = arith.constant 0 : index
    %get3A_21 = vector.load %arg4[%get3A_19, %get3A_20] : memref<8x64xf32, #tpu.memory_space<vmem>>, vector<8x64xf32>
    %convert_element_type3A_22 = arith.truncf %reshape3A : vector<5120x8xf32> to vector<5120x8xbf16>
    %convert_element_type3A_23 = arith.truncf %get3A_21 : vector<8x64xf32> to vector<8x64xbf16>
    %dot_general3A_24 = arith.constant dense<0.000000e+00> : vector<5120x64xf32>
    %dot_general3A_25 = tpu.matmul %convert_element_type3A_22, %convert_element_type3A_23, %dot_general3A_24 {dimension_numbers = #tpu.dot_dimension_numbers<[1], [0], [0], [1], [0, 0, 1, 1], [], []>, transpose_lhs_hint = false} : vector<5120x8xbf16>, vector<8x64xbf16>, vector<5120x64xf32> -> vector<5120x64xf32>
    %broadcast_in_dim3A_26 = vector.shape_cast %add3A_18 : vector<256x64xf32> to vector<256x1x64xf32>
    %reshape3A_27 = vector.shape_cast %dot_general3A_25 : vector<5120x64xf32> to vector<256x20x64xf32>
    %add3A_28 = vector.broadcast %broadcast_in_dim3A_26 : vector<256x1x64xf32> to vector<256x20x64xf32>
    %add3A_29 = arith.addf %add3A_28, %reshape3A_27 : vector<256x20x64xf32>
    %reshape3A_30 = vector.shape_cast %add3A_29 : vector<256x20x64xf32> to vector<5120x64xf32>
    %swap3A = arith.constant 0 : index
    %swap3A_31 = arith.constant 0 : index
    %swap3A_32 = vector.load %arg7[%swap3A, %swap3A_31] : memref<5120x64xf32, #tpu.memory_space<vmem>>, vector<5120x64xf32>
    tpu.vector_store %arg7[%swap3A, %swap3A_31], %reshape3A_30 {strides = array<i32>} : memref<5120x64xf32, #tpu.memory_space<vmem>>, vector<5120x64xf32>,
    %reduce_sum3A = arith.constant dense<0.000000e+00> : vector<64xf32>
    %reduce_sum3A_33 = vector.multi_reduction <add>, %reshape3A_30, %reduce_sum3A [0] : vector<5120x64xf32> to vector<64xf32>
    %broadcast_in_dim3A_34 = vector.shape_cast %reduce_sum3A_33 : vector<64xf32> to vector<1x64xf32>
    %mul3A = arith.mulf %reshape3A_30, %reshape3A_30 : vector<5120x64xf32>
    %reduce_sum3A_35 = arith.constant dense<0.000000e+00> : vector<64xf32>
    %reduce_sum3A_36 = vector.multi_reduction <add>, %mul3A, %reduce_sum3A_35 [0] : vector<5120x64xf32> to vector<64xf32>
    %broadcast_in_dim3A_37 = vector.shape_cast %reduce_sum3A_36 : vector<64xf32> to vector<1x64xf32>
    %eq3A = arith.constant 0 : i32
    %eq3A_38 = arith.cmpi eq, %arg0, %eq3A : i32
    %convert_element_type3A_39 = arith.extui %eq3A_38 : i1 to i32
    %cond3A = arith.constant 0 : i32
    %cond3A_40 = arith.cmpi ne, %convert_element_type3A_39, %cond3A : i32
    scf.if %cond3A_40 {
      %broadcast_in_dim3A_48 = arith.constant 0.000000e+00 : f32
      %broadcast_in_dim3A_49 = vector.broadcast %broadcast_in_dim3A_48 : f32 to vector<2x64xf32>
      %swap3A_50 = arith.constant 0 : index
      %swap3A_51 = arith.constant 0 : index
      %swap3A_52 = vector.load %arg6[%swap3A_50, %swap3A_51] : memref<2x64xf32, #tpu.memory_space<vmem>>, vector<2x64xf32>
      tpu.vector_store %arg6[%swap3A_50, %swap3A_51], %broadcast_in_dim3A_49 {strides = array<i32>} : memref<2x64xf32, #tpu.memory_space<vmem>>, vector<2x64xf32>,
    } else {
    }
    %get3A_41 = arith.constant 0 : index
    %get3A_42 = arith.constant 0 : index
    %get3A_43 = vector.load %arg6[%get3A_41, %get3A_42] : memref<2x64xf32, #tpu.memory_space<vmem>>, vector<2x64xf32>
    %concatenate3A = tpu.concatenate %broadcast_in_dim3A_34, %broadcast_in_dim3A_37 in 0 : vector<1x64xf32>, vector<1x64xf32> -> vector<2x64xf32>
    %add3A_44 = arith.addf %get3A_43, %concatenate3A : vector<2x64xf32>
    %swap3A_45 = arith.constant 0 : index
    %swap3A_46 = arith.constant 0 : index
    %swap3A_47 = vector.load %arg6[%swap3A_45, %swap3A_46] : memref<2x64xf32, #tpu.memory_space<vmem>>, vector<2x64xf32>
    tpu.vector_store %arg6[%swap3A_45, %swap3A_46], %add3A_44 {strides = array<i32>} : memref<2x64xf32, #tpu.memory_space<vmem>>, vector<2x64xf32>,
    return
  }
  func.func @transform_0(%arg0: i32) -> (i32, i32) {
    %c0_i32 = arith.constant 0 : i32
    %c0_i32_0 = arith.constant 0 : i32
    return %arg0, %c0_i32 : i32, i32
  }
  func.func @transform_1(%arg0: i32) -> (i32, i32, i32) {
    %c0_i32 = arith.constant 0 : i32
    %c0_i32_0 = arith.constant 0 : i32
    %c0_i32_1 = arith.constant 0 : i32
    return %arg0, %c0_i32, %c0_i32_0 : i32, i32, i32
  }
  func.func @transform_2(%arg0: i32) -> (i32, i32) {
    %c0_i32 = arith.constant 0 : i32
    %c0_i32_0 = arith.constant 0 : i32
    %c0_i32_1 = arith.constant 0 : i32
    return %c0_i32, %c0_i32_0 : i32, i32
  }
  func.func @transform_3(%arg0: i32) -> (i32, i32) {
    %c0_i32 = arith.constant 0 : i32
    %c0_i32_0 = arith.constant 0 : i32
    %c0_i32_1 = arith.constant 0 : i32
    return %c0_i32, %c0_i32_0 : i32, i32
  }
  func.func @transform_4(%arg0: i32) -> (i32, i32) {
    %c0_i32 = arith.constant 0 : i32
    %c0_i32_0 = arith.constant 0 : i32
    %c0_i32_1 = arith.constant 0 : i32
    return %c0_i32, %c0_i32_0 : i32, i32
  }
  func.func @transform_5(%arg0: i32) -> (i32, i32) {
    %c0_i32 = arith.constant 0 : i32
    %c0_i32_0 = arith.constant 0 : i32
    %c0_i32_1 = arith.constant 0 : i32
    return %c0_i32, %c0_i32_0 : i32, i32
  }
  func.func @transform_6(%arg0: i32) -> (i32, i32) {
    %c0_i32 = arith.constant 0 : i32
    %c0_i32_0 = arith.constant 0 : i32
    return %arg0, %c0_i32 : i32, i32
  }
}

module attributes {stable_mosaic.version = 14 : i64} {
  func.func @_e2_body(%arg0: i32, %arg1: memref<5120x64xf32, #tpu.memory_space<vmem>>, %arg2: memref<2x64xf32, #tpu.memory_space<vmem>>, %arg3: memref<1x64xf32, #tpu.memory_space<vmem>>, %arg4: memref<1x64xf32, #tpu.memory_space<vmem>>, %arg5: memref<64x64xf32, #tpu.memory_space<vmem>>, %arg6: memref<1x64xf32, #tpu.memory_space<vmem>>, %arg7: memref<2x64xf32, #tpu.memory_space<vmem>>, %arg8: memref<5120x64xf32, #tpu.memory_space<vmem>>) attributes {dimension_semantics = [#tpu.dimension_semantics<arbitrary>], iteration_bounds = array<i64: 32>, scalar_prefetch = 0 : i64, scratch_operands = 0 : i64, tpu.core_type = #tpu.core_type<tc>, window_params = [{transform_indices = @transform_0, window_bounds = array<i64: 5120, 64>}, {pipeline_mode = #tpu.pipeline_mode<synchronous>, transform_indices = @transform_1, window_bounds = array<i64: 2, 64>}, {pipeline_mode = #tpu.pipeline_mode<synchronous>, transform_indices = @transform_2, window_bounds = array<i64: 1, 64>}, {pipeline_mode = #tpu.pipeline_mode<synchronous>, transform_indices = @transform_3, window_bounds = array<i64: 1, 64>}, {pipeline_mode = #tpu.pipeline_mode<synchronous>, transform_indices = @transform_4, window_bounds = array<i64: 64, 64>}, {pipeline_mode = #tpu.pipeline_mode<synchronous>, transform_indices = @transform_5, window_bounds = array<i64: 1, 64>}, {pipeline_mode = #tpu.pipeline_mode<synchronous>, transform_indices = @transform_6, window_bounds = array<i64: 2, 64>}, {transform_indices = @transform_7, window_bounds = array<i64: 5120, 64>}]} {
    %get3A = arith.constant 0 : index
    %get3A_0 = arith.constant 0 : index
    %get3A_1 = vector.load %arg1[%get3A, %get3A_0] : memref<5120x64xf32, #tpu.memory_space<vmem>>, vector<5120x64xf32>
    %get3A_2 = arith.constant 0 : index
    %get3A_3 = arith.constant 0 : index
    %get3A_4 = vector.load %arg2[%get3A_2, %get3A_3] : memref<2x64xf32, #tpu.memory_space<vmem>>, vector<2x64xf32>
    %slice3A = vector.extract_strided_slice %get3A_4 {offsets = [0, 0], sizes = [1, 64], strides = [1, 1]} : vector<2x64xf32> to vector<1x64xf32>
    %div3A = arith.constant 1.638400e+05 : f32
    %div3A_5 = vector.broadcast %div3A : f32 to vector<1x64xf32>
    %div3A_6 = arith.divf %slice3A, %div3A_5 : vector<1x64xf32>
    %slice3A_7 = vector.extract_strided_slice %get3A_4 {offsets = [1, 0], sizes = [1, 64], strides = [1, 1]} : vector<2x64xf32> to vector<1x64xf32>
    %div3A_8 = arith.constant 1.638400e+05 : f32
    %div3A_9 = vector.broadcast %div3A_8 : f32 to vector<1x64xf32>
    %div3A_10 = arith.divf %slice3A_7, %div3A_9 : vector<1x64xf32>
    %mul3A = arith.mulf %div3A_6, %div3A_6 : vector<1x64xf32>
    %sub3A = arith.subf %div3A_10, %mul3A : vector<1x64xf32>
    %add3A = arith.constant 9.99999974E-6 : f32
    %add3A_11 = vector.broadcast %add3A : f32 to vector<1x64xf32>
    %add3A_12 = arith.addf %sub3A, %add3A_11 : vector<1x64xf32>
    %rsqrt3A = math.rsqrt %add3A_12 : vector<1x64xf32>
    %sub3A_13 = vector.broadcast %div3A_6 : vector<1x64xf32> to vector<5120x64xf32>
    %sub3A_14 = arith.subf %get3A_1, %sub3A_13 : vector<5120x64xf32>
    %mul3A_15 = vector.broadcast %rsqrt3A : vector<1x64xf32> to vector<5120x64xf32>
    %mul3A_16 = arith.mulf %sub3A_14, %mul3A_15 : vector<5120x64xf32>
    %get3A_17 = arith.constant 0 : index
    %get3A_18 = arith.constant 0 : index
    %get3A_19 = vector.load %arg3[%get3A_17, %get3A_18] : memref<1x64xf32, #tpu.memory_space<vmem>>, vector<1x64xf32>
    %mul3A_20 = vector.broadcast %get3A_19 : vector<1x64xf32> to vector<5120x64xf32>
    %mul3A_21 = arith.mulf %mul3A_16, %mul3A_20 : vector<5120x64xf32>
    %get3A_22 = arith.constant 0 : index
    %get3A_23 = arith.constant 0 : index
    %get3A_24 = vector.load %arg4[%get3A_22, %get3A_23] : memref<1x64xf32, #tpu.memory_space<vmem>>, vector<1x64xf32>
    %add3A_25 = vector.broadcast %get3A_24 : vector<1x64xf32> to vector<5120x64xf32>
    %add3A_26 = arith.addf %mul3A_21, %add3A_25 : vector<5120x64xf32>
    %max3A = arith.constant 0.000000e+00 : f32
    %max3A_27 = vector.broadcast %max3A : f32 to vector<5120x64xf32>
    %max3A_28 = arith.maximumf %add3A_26, %max3A_27 : vector<5120x64xf32>
    %get3A_29 = arith.constant 0 : index
    %get3A_30 = arith.constant 0 : index
    %get3A_31 = vector.load %arg5[%get3A_29, %get3A_30] : memref<64x64xf32, #tpu.memory_space<vmem>>, vector<64x64xf32>
    %convert_element_type3A = arith.truncf %max3A_28 : vector<5120x64xf32> to vector<5120x64xbf16>
    %convert_element_type3A_32 = arith.truncf %get3A_31 : vector<64x64xf32> to vector<64x64xbf16>
    %dot_general3A = arith.constant dense<0.000000e+00> : vector<5120x64xf32>
    %dot_general3A_33 = tpu.matmul %convert_element_type3A, %convert_element_type3A_32, %dot_general3A {dimension_numbers = #tpu.dot_dimension_numbers<[1], [0], [0], [1], [0, 0, 1, 1], [], []>, transpose_lhs_hint = false} : vector<5120x64xbf16>, vector<64x64xbf16>, vector<5120x64xf32> -> vector<5120x64xf32>
    %get3A_34 = arith.constant 0 : index
    %get3A_35 = arith.constant 0 : index
    %get3A_36 = vector.load %arg6[%get3A_34, %get3A_35] : memref<1x64xf32, #tpu.memory_space<vmem>>, vector<1x64xf32>
    %add3A_37 = vector.broadcast %get3A_36 : vector<1x64xf32> to vector<5120x64xf32>
    %add3A_38 = arith.addf %dot_general3A_33, %add3A_37 : vector<5120x64xf32>
    %swap3A = arith.constant 0 : index
    %swap3A_39 = arith.constant 0 : index
    %swap3A_40 = vector.load %arg8[%swap3A, %swap3A_39] : memref<5120x64xf32, #tpu.memory_space<vmem>>, vector<5120x64xf32>
    tpu.vector_store %arg8[%swap3A, %swap3A_39], %add3A_38 {strides = array<i32>} : memref<5120x64xf32, #tpu.memory_space<vmem>>, vector<5120x64xf32>,
    %reduce_sum3A = arith.constant dense<0.000000e+00> : vector<64xf32>
    %reduce_sum3A_41 = vector.multi_reduction <add>, %add3A_38, %reduce_sum3A [0] : vector<5120x64xf32> to vector<64xf32>
    %broadcast_in_dim3A = vector.shape_cast %reduce_sum3A_41 : vector<64xf32> to vector<1x64xf32>
    %mul3A_42 = arith.mulf %add3A_38, %add3A_38 : vector<5120x64xf32>
    %reduce_sum3A_43 = arith.constant dense<0.000000e+00> : vector<64xf32>
    %reduce_sum3A_44 = vector.multi_reduction <add>, %mul3A_42, %reduce_sum3A_43 [0] : vector<5120x64xf32> to vector<64xf32>
    %broadcast_in_dim3A_45 = vector.shape_cast %reduce_sum3A_44 : vector<64xf32> to vector<1x64xf32>
    %eq3A = arith.constant 0 : i32
    %eq3A_46 = arith.cmpi eq, %arg0, %eq3A : i32
    %convert_element_type3A_47 = arith.extui %eq3A_46 : i1 to i32
    %cond3A = arith.constant 0 : i32
    %cond3A_48 = arith.cmpi ne, %convert_element_type3A_47, %cond3A : i32
    scf.if %cond3A_48 {
      %broadcast_in_dim3A_56 = arith.constant 0.000000e+00 : f32
      %broadcast_in_dim3A_57 = vector.broadcast %broadcast_in_dim3A_56 : f32 to vector<2x64xf32>
      %swap3A_58 = arith.constant 0 : index
      %swap3A_59 = arith.constant 0 : index
      %swap3A_60 = vector.load %arg7[%swap3A_58, %swap3A_59] : memref<2x64xf32, #tpu.memory_space<vmem>>, vector<2x64xf32>
      tpu.vector_store %arg7[%swap3A_58, %swap3A_59], %broadcast_in_dim3A_57 {strides = array<i32>} : memref<2x64xf32, #tpu.memory_space<vmem>>, vector<2x64xf32>,
    } else {
    }
    %get3A_49 = arith.constant 0 : index
    %get3A_50 = arith.constant 0 : index
    %get3A_51 = vector.load %arg7[%get3A_49, %get3A_50] : memref<2x64xf32, #tpu.memory_space<vmem>>, vector<2x64xf32>
    %concatenate3A = tpu.concatenate %broadcast_in_dim3A, %broadcast_in_dim3A_45 in 0 : vector<1x64xf32>, vector<1x64xf32> -> vector<2x64xf32>
    %add3A_52 = arith.addf %get3A_51, %concatenate3A : vector<2x64xf32>
    %swap3A_53 = arith.constant 0 : index
    %swap3A_54 = arith.constant 0 : index
    %swap3A_55 = vector.load %arg7[%swap3A_53, %swap3A_54] : memref<2x64xf32, #tpu.memory_space<vmem>>, vector<2x64xf32>
    tpu.vector_store %arg7[%swap3A_53, %swap3A_54], %add3A_52 {strides = array<i32>} : memref<2x64xf32, #tpu.memory_space<vmem>>, vector<2x64xf32>,
    return
  }
  func.func @transform_0(%arg0: i32) -> (i32, i32) {
    %c0_i32 = arith.constant 0 : i32
    %c0_i32_0 = arith.constant 0 : i32
    return %arg0, %c0_i32 : i32, i32
  }
  func.func @transform_1(%arg0: i32) -> (i32, i32) {
    %c0_i32 = arith.constant 0 : i32
    %c0_i32_0 = arith.constant 0 : i32
    %c0_i32_1 = arith.constant 0 : i32
    return %c0_i32, %c0_i32_0 : i32, i32
  }
  func.func @transform_2(%arg0: i32) -> (i32, i32) {
    %c0_i32 = arith.constant 0 : i32
    %c0_i32_0 = arith.constant 0 : i32
    %c0_i32_1 = arith.constant 0 : i32
    return %c0_i32, %c0_i32_0 : i32, i32
  }
  func.func @transform_3(%arg0: i32) -> (i32, i32) {
    %c0_i32 = arith.constant 0 : i32
    %c0_i32_0 = arith.constant 0 : i32
    %c0_i32_1 = arith.constant 0 : i32
    return %c0_i32, %c0_i32_0 : i32, i32
  }
  func.func @transform_4(%arg0: i32) -> (i32, i32) {
    %c0_i32 = arith.constant 0 : i32
    %c0_i32_0 = arith.constant 0 : i32
    %c0_i32_1 = arith.constant 0 : i32
    return %c0_i32, %c0_i32_0 : i32, i32
  }
  func.func @transform_5(%arg0: i32) -> (i32, i32) {
    %c0_i32 = arith.constant 0 : i32
    %c0_i32_0 = arith.constant 0 : i32
    %c0_i32_1 = arith.constant 0 : i32
    return %c0_i32, %c0_i32_0 : i32, i32
  }
  func.func @transform_6(%arg0: i32) -> (i32, i32) {
    %c0_i32 = arith.constant 0 : i32
    %c0_i32_0 = arith.constant 0 : i32
    %c0_i32_1 = arith.constant 0 : i32
    return %c0_i32, %c0_i32_0 : i32, i32
  }
  func.func @transform_7(%arg0: i32) -> (i32, i32) {
    %c0_i32 = arith.constant 0 : i32
    %c0_i32_0 = arith.constant 0 : i32
    return %arg0, %c0_i32 : i32, i32
  }
}

module attributes {stable_mosaic.version = 14 : i64} {
  func.func @_e3_body(%arg0: i32, %arg1: memref<5120x64xf32, #tpu.memory_space<vmem>>, %arg2: memref<2x64xf32, #tpu.memory_space<vmem>>, %arg3: memref<1x64xf32, #tpu.memory_space<vmem>>, %arg4: memref<1x64xf32, #tpu.memory_space<vmem>>, %arg5: memref<64x64xf32, #tpu.memory_space<vmem>>, %arg6: memref<1x64xf32, #tpu.memory_space<vmem>>, %arg7: memref<256x64xf32, #tpu.memory_space<vmem>>, %arg8: memref<256x1xf32, #tpu.memory_space<vmem>>) attributes {dimension_semantics = [#tpu.dimension_semantics<arbitrary>], iteration_bounds = array<i64: 32>, scalar_prefetch = 0 : i64, scratch_operands = 0 : i64, tpu.core_type = #tpu.core_type<tc>, window_params = [{transform_indices = @transform_0, window_bounds = array<i64: 5120, 64>}, {pipeline_mode = #tpu.pipeline_mode<synchronous>, transform_indices = @transform_1, window_bounds = array<i64: 2, 64>}, {pipeline_mode = #tpu.pipeline_mode<synchronous>, transform_indices = @transform_2, window_bounds = array<i64: 1, 64>}, {pipeline_mode = #tpu.pipeline_mode<synchronous>, transform_indices = @transform_3, window_bounds = array<i64: 1, 64>}, {pipeline_mode = #tpu.pipeline_mode<synchronous>, transform_indices = @transform_4, window_bounds = array<i64: 64, 64>}, {pipeline_mode = #tpu.pipeline_mode<synchronous>, transform_indices = @transform_5, window_bounds = array<i64: 1, 64>}, {transform_indices = @transform_6, window_bounds = array<i64: 256, 64>}, {transform_indices = @transform_7, window_bounds = array<i64: 256, 1>}]} {
    %get3A = arith.constant 0 : index
    %get3A_0 = arith.constant 0 : index
    %get3A_1 = vector.load %arg1[%get3A, %get3A_0] : memref<5120x64xf32, #tpu.memory_space<vmem>>, vector<5120x64xf32>
    %get3A_2 = arith.constant 0 : index
    %get3A_3 = arith.constant 0 : index
    %get3A_4 = vector.load %arg2[%get3A_2, %get3A_3] : memref<2x64xf32, #tpu.memory_space<vmem>>, vector<2x64xf32>
    %slice3A = vector.extract_strided_slice %get3A_4 {offsets = [0, 0], sizes = [1, 64], strides = [1, 1]} : vector<2x64xf32> to vector<1x64xf32>
    %div3A = arith.constant 1.638400e+05 : f32
    %div3A_5 = vector.broadcast %div3A : f32 to vector<1x64xf32>
    %div3A_6 = arith.divf %slice3A, %div3A_5 : vector<1x64xf32>
    %slice3A_7 = vector.extract_strided_slice %get3A_4 {offsets = [1, 0], sizes = [1, 64], strides = [1, 1]} : vector<2x64xf32> to vector<1x64xf32>
    %div3A_8 = arith.constant 1.638400e+05 : f32
    %div3A_9 = vector.broadcast %div3A_8 : f32 to vector<1x64xf32>
    %div3A_10 = arith.divf %slice3A_7, %div3A_9 : vector<1x64xf32>
    %mul3A = arith.mulf %div3A_6, %div3A_6 : vector<1x64xf32>
    %sub3A = arith.subf %div3A_10, %mul3A : vector<1x64xf32>
    %add3A = arith.constant 9.99999974E-6 : f32
    %add3A_11 = vector.broadcast %add3A : f32 to vector<1x64xf32>
    %add3A_12 = arith.addf %sub3A, %add3A_11 : vector<1x64xf32>
    %rsqrt3A = math.rsqrt %add3A_12 : vector<1x64xf32>
    %sub3A_13 = vector.broadcast %div3A_6 : vector<1x64xf32> to vector<5120x64xf32>
    %sub3A_14 = arith.subf %get3A_1, %sub3A_13 : vector<5120x64xf32>
    %mul3A_15 = vector.broadcast %rsqrt3A : vector<1x64xf32> to vector<5120x64xf32>
    %mul3A_16 = arith.mulf %sub3A_14, %mul3A_15 : vector<5120x64xf32>
    %get3A_17 = arith.constant 0 : index
    %get3A_18 = arith.constant 0 : index
    %get3A_19 = vector.load %arg3[%get3A_17, %get3A_18] : memref<1x64xf32, #tpu.memory_space<vmem>>, vector<1x64xf32>
    %mul3A_20 = vector.broadcast %get3A_19 : vector<1x64xf32> to vector<5120x64xf32>
    %mul3A_21 = arith.mulf %mul3A_16, %mul3A_20 : vector<5120x64xf32>
    %get3A_22 = arith.constant 0 : index
    %get3A_23 = arith.constant 0 : index
    %get3A_24 = vector.load %arg4[%get3A_22, %get3A_23] : memref<1x64xf32, #tpu.memory_space<vmem>>, vector<1x64xf32>
    %add3A_25 = vector.broadcast %get3A_24 : vector<1x64xf32> to vector<5120x64xf32>
    %add3A_26 = arith.addf %mul3A_21, %add3A_25 : vector<5120x64xf32>
    %max3A = arith.constant 0.000000e+00 : f32
    %max3A_27 = vector.broadcast %max3A : f32 to vector<5120x64xf32>
    %max3A_28 = arith.maximumf %add3A_26, %max3A_27 : vector<5120x64xf32>
    %get3A_29 = arith.constant 0 : index
    %get3A_30 = arith.constant 0 : index
    %get3A_31 = vector.load %arg5[%get3A_29, %get3A_30] : memref<64x64xf32, #tpu.memory_space<vmem>>, vector<64x64xf32>
    %convert_element_type3A = arith.truncf %max3A_28 : vector<5120x64xf32> to vector<5120x64xbf16>
    %convert_element_type3A_32 = arith.truncf %get3A_31 : vector<64x64xf32> to vector<64x64xbf16>
    %dot_general3A = arith.constant dense<0.000000e+00> : vector<5120x64xf32>
    %dot_general3A_33 = tpu.matmul %convert_element_type3A, %convert_element_type3A_32, %dot_general3A {dimension_numbers = #tpu.dot_dimension_numbers<[1], [0], [0], [1], [0, 0, 1, 1], [], []>, transpose_lhs_hint = false} : vector<5120x64xbf16>, vector<64x64xbf16>, vector<5120x64xf32> -> vector<5120x64xf32>
    %get3A_34 = arith.constant 0 : index
    %get3A_35 = arith.constant 0 : index
    %get3A_36 = vector.load %arg6[%get3A_34, %get3A_35] : memref<1x64xf32, #tpu.memory_space<vmem>>, vector<1x64xf32>
    %add3A_37 = vector.broadcast %get3A_36 : vector<1x64xf32> to vector<5120x64xf32>
    %add3A_38 = arith.addf %dot_general3A_33, %add3A_37 : vector<5120x64xf32>
    %reshape3A = vector.shape_cast %add3A_38 : vector<5120x64xf32> to vector<256x20x64xf32>
    %reduce_max3A = arith.constant dense<0xFF800000> : vector<256x64xf32>
    %reduce_max3A_39 = vector.multi_reduction <maximumf>, %reshape3A, %reduce_max3A [1] : vector<256x20x64xf32> to vector<256x64xf32>
    %swap3A = arith.constant 0 : index
    %swap3A_40 = arith.constant 0 : index
    %swap3A_41 = vector.load %arg7[%swap3A, %swap3A_40] : memref<256x64xf32, #tpu.memory_space<vmem>>, vector<256x64xf32>
    tpu.vector_store %arg7[%swap3A, %swap3A_40], %reduce_max3A_39 {strides = array<i32>} : memref<256x64xf32, #tpu.memory_space<vmem>>, vector<256x64xf32>,
    %mul3A_42 = arith.mulf %reduce_max3A_39, %reduce_max3A_39 : vector<256x64xf32>
    %reduce_sum3A = arith.constant dense<0.000000e+00> : vector<256xf32>
    %reduce_sum3A_43 = vector.multi_reduction <add>, %mul3A_42, %reduce_sum3A [1] : vector<256x64xf32> to vector<256xf32>
    %broadcast_in_dim3A = vector.shape_cast %reduce_sum3A_43 : vector<256xf32> to vector<256x1xf32>
    %swap3A_44 = arith.constant 0 : index
    %swap3A_45 = arith.constant 0 : index
    %swap3A_46 = vector.load %arg8[%swap3A_44, %swap3A_45] : memref<256x1xf32, #tpu.memory_space<vmem>>, vector<256x1xf32>
    tpu.vector_store %arg8[%swap3A_44, %swap3A_45], %broadcast_in_dim3A {strides = array<i32>} : memref<256x1xf32, #tpu.memory_space<vmem>>, vector<256x1xf32>,
    return
  }
  func.func @transform_0(%arg0: i32) -> (i32, i32) {
    %c0_i32 = arith.constant 0 : i32
    %c0_i32_0 = arith.constant 0 : i32
    return %arg0, %c0_i32 : i32, i32
  }
  func.func @transform_1(%arg0: i32) -> (i32, i32) {
    %c0_i32 = arith.constant 0 : i32
    %c0_i32_0 = arith.constant 0 : i32
    %c0_i32_1 = arith.constant 0 : i32
    return %c0_i32, %c0_i32_0 : i32, i32
  }
  func.func @transform_2(%arg0: i32) -> (i32, i32) {
    %c0_i32 = arith.constant 0 : i32
    %c0_i32_0 = arith.constant 0 : i32
    %c0_i32_1 = arith.constant 0 : i32
    return %c0_i32, %c0_i32_0 : i32, i32
  }
  func.func @transform_3(%arg0: i32) -> (i32, i32) {
    %c0_i32 = arith.constant 0 : i32
    %c0_i32_0 = arith.constant 0 : i32
    %c0_i32_1 = arith.constant 0 : i32
    return %c0_i32, %c0_i32_0 : i32, i32
  }
  func.func @transform_4(%arg0: i32) -> (i32, i32) {
    %c0_i32 = arith.constant 0 : i32
    %c0_i32_0 = arith.constant 0 : i32
    %c0_i32_1 = arith.constant 0 : i32
    return %c0_i32, %c0_i32_0 : i32, i32
  }
  func.func @transform_5(%arg0: i32) -> (i32, i32) {
    %c0_i32 = arith.constant 0 : i32
    %c0_i32_0 = arith.constant 0 : i32
    %c0_i32_1 = arith.constant 0 : i32
    return %c0_i32, %c0_i32_0 : i32, i32
  }
  func.func @transform_6(%arg0: i32) -> (i32, i32) {
    %c0_i32 = arith.constant 0 : i32
    %c0_i32_0 = arith.constant 0 : i32
    return %arg0, %c0_i32 : i32, i32
  }
  func.func @transform_7(%arg0: i32) -> (i32, i32) {
    %c0_i32 = arith.constant 0 : i32
    %c0_i32_0 = arith.constant 0 : i32
    return %arg0, %c0_i32 : i32, i32
  }
}

module attributes {stable_mosaic.version = 14 : i64} {
  func.func @_knn_body(%arg0: i32, %arg1: memref<256x64xf32, #tpu.memory_space<vmem>>, %arg2: memref<256x1xf32, #tpu.memory_space<vmem>>, %arg3: memref<256x1xi32, #tpu.memory_space<vmem>>, %arg4: memref<8192x64xf32, #tpu.memory_space<vmem>>, %arg5: memref<1x8192xi32, #tpu.memory_space<vmem>>, %arg6: memref<16x1x512xf32, #tpu.memory_space<vmem>>, %arg7: memref<16x1x512xi32, #tpu.memory_space<vmem>>, %arg8: memref<256x32xi32, #tpu.memory_space<vmem>>) attributes {dimension_semantics = [#tpu.dimension_semantics<parallel>], iteration_bounds = array<i64: 32>, scalar_prefetch = 0 : i64, scratch_operands = 0 : i64, tpu.core_type = #tpu.core_type<tc>, window_params = [{transform_indices = @transform_0, window_bounds = array<i64: 256, 64>}, {transform_indices = @transform_1, window_bounds = array<i64: 256, 1>}, {transform_indices = @transform_2, window_bounds = array<i64: 256, 1>}, {pipeline_mode = #tpu.pipeline_mode<synchronous>, transform_indices = @transform_3, window_bounds = array<i64: 8192, 64>}, {pipeline_mode = #tpu.pipeline_mode<synchronous>, transform_indices = @transform_4, window_bounds = array<i64: 1, 8192>}, {pipeline_mode = #tpu.pipeline_mode<synchronous>, transform_indices = @transform_5, window_bounds = array<i64: 16, 1, 512>}, {pipeline_mode = #tpu.pipeline_mode<synchronous>, transform_indices = @transform_6, window_bounds = array<i64: 16, 1, 512>}, {transform_indices = @transform_7, window_bounds = array<i64: 256, 32>}]} {
    %mul3A = arith.constant 256 : i32
    %mul3A_0 = arith.muli %arg0, %mul3A : i32
    %get3A = arith.constant 0 : index
    %get3A_1 = arith.constant 0 : index
    %get3A_2 = vector.load %arg1[%get3A, %get3A_1] : memref<256x64xf32, #tpu.memory_space<vmem>>, vector<256x64xf32>
    %convert_element_type3A = arith.truncf %get3A_2 : vector<256x64xf32> to vector<256x64xbf16>
    %get3A_3 = arith.constant 0 : index
    %get3A_4 = arith.constant 0 : index
    %get3A_5 = vector.load %arg2[%get3A_3, %get3A_4] : memref<256x1xf32, #tpu.memory_space<vmem>>, vector<256x1xf32>
    %get3A_6 = arith.constant 0 : index
    %get3A_7 = arith.constant 0 : index
    %get3A_8 = vector.load %arg3[%get3A_6, %get3A_7] : memref<256x1xi32, #tpu.memory_space<vmem>>, vector<256x1xi32>
    %get3A_9 = arith.constant 0 : index
    %get3A_10 = arith.constant 0 : index
    %get3A_11 = vector.load %arg5[%get3A_9, %get3A_10] : memref<1x8192xi32, #tpu.memory_space<vmem>>, vector<1x8192xi32>
    %reduce_min3A = vector.shape_cast %get3A_8 : vector<256x1xi32> to vector<1x256x1xi32>
    %reduce_min3A_12 = arith.constant dense<2147483647> : vector<1xi32>
    %reduce_min3A_13 = vector.multi_reduction <minsi>, %reduce_min3A, %reduce_min3A_12 [1, 2] : vector<1x256x1xi32> to vector<1xi32>
    %reduce_min3A_14 = vector.shape_cast %reduce_min3A_13 : vector<1xi32> to vector<1x1x1xi32>
    %reduce_min3A_15 = vector.extract %reduce_min3A_14[0, 0, 0] : i32 from vector<1x1x1xi32>
    %reduce_max3A = vector.shape_cast %get3A_8 : vector<256x1xi32> to vector<1x256x1xi32>
    %reduce_max3A_16 = arith.constant dense<-2147483648> : vector<1xi32>
    %reduce_max3A_17 = vector.multi_reduction <maxsi>, %reduce_max3A, %reduce_max3A_16 [1, 2] : vector<1x256x1xi32> to vector<1xi32>
    %reduce_max3A_18 = vector.shape_cast %reduce_max3A_17 : vector<1xi32> to vector<1x1x1xi32>
    %reduce_max3A_19 = vector.extract %reduce_max3A_18[0, 0, 0] : i32 from vector<1x1x1xi32>
    %iota3A = tpu.iota {dimensions = array<i32: 1>} : vector<1x8192xi32>
    %eq3A = vector.broadcast %reduce_min3A_15 : i32 to vector<1x8192xi32>
    %eq3A_20 = arith.cmpi eq, %get3A_11, %eq3A : vector<1x8192xi32>
    %jit3A = arith.constant 8192 : i32
    %broadcast_in_dim3A = vector.broadcast %jit3A : i32 to vector<1x8192xi32>
    %select_n3A = arith.select %eq3A_20, %iota3A, %broadcast_in_dim3A : vector<1x8192xi1>, vector<1x8192xi32>
    %reduce_min3A_21 = vector.shape_cast %select_n3A : vector<1x8192xi32> to vector<1x1x8192xi32>
    %reduce_min3A_22 = arith.constant dense<2147483647> : vector<1xi32>
    %reduce_min3A_23 = vector.multi_reduction <minsi>, %reduce_min3A_21, %reduce_min3A_22 [1, 2] : vector<1x1x8192xi32> to vector<1xi32>
    %reduce_min3A_24 = vector.shape_cast %reduce_min3A_23 : vector<1xi32> to vector<1x1x1xi32>
    %reduce_min3A_25 = vector.extract %reduce_min3A_24[0, 0, 0] : i32 from vector<1x1x1xi32>
    %eq3A_26 = vector.broadcast %reduce_max3A_19 : i32 to vector<1x8192xi32>
    %eq3A_27 = arith.cmpi eq, %get3A_11, %eq3A_26 : vector<1x8192xi32>
    %jit3A_28 = arith.constant 0 : i32
    %broadcast_in_dim3A_29 = vector.broadcast %jit3A_28 : i32 to vector<1x8192xi32>
    %select_n3A_30 = arith.select %eq3A_27, %iota3A, %broadcast_in_dim3A_29 : vector<1x8192xi1>, vector<1x8192xi32>
    %reduce_max3A_31 = vector.shape_cast %select_n3A_30 : vector<1x8192xi32> to vector<1x1x8192xi32>
    %reduce_max3A_32 = arith.constant dense<-2147483648> : vector<1xi32>
    %reduce_max3A_33 = vector.multi_reduction <maxsi>, %reduce_max3A_31, %reduce_max3A_32 [1, 2] : vector<1x1x8192xi32> to vector<1xi32>
    %reduce_max3A_34 = vector.shape_cast %reduce_max3A_33 : vector<1xi32> to vector<1x1x1xi32>
    %reduce_max3A_35 = vector.extract %reduce_max3A_34[0, 0, 0] : i32 from vector<1x1x1xi32>
    %jit3A_36 = arith.constant 512 : i32
    %div3A = arith.divsi %reduce_min3A_25, %jit3A_36 : i32
    %sign3A = arith.constant 0 : i32
    %sign3A_37 = arith.cmpi sgt, %reduce_min3A_25, %sign3A : i32
    %sign3A_38 = arith.extui %sign3A_37 : i1 to i32
    %sign3A_39 = arith.constant 0 : i32
    %sign3A_40 = arith.cmpi slt, %reduce_min3A_25, %sign3A_39 : i32
    %sign3A_41 = arith.extui %sign3A_40 : i1 to i32
    %sign3A_42 = arith.subi %sign3A_38, %sign3A_41 : i32
    %sign3A_43 = arith.constant 0 : i32
    %sign3A_44 = arith.cmpi sgt, %jit3A_36, %sign3A_43 : i32
    %sign3A_45 = arith.extui %sign3A_44 : i1 to i32
    %sign3A_46 = arith.constant 0 : i32
    %sign3A_47 = arith.cmpi slt, %jit3A_36, %sign3A_46 : i32
    %sign3A_48 = arith.extui %sign3A_47 : i1 to i32
    %sign3A_49 = arith.subi %sign3A_45, %sign3A_48 : i32
    %ne3A = arith.cmpi ne, %sign3A_42, %sign3A_49 : i32
    %rem3A = arith.remsi %reduce_min3A_25, %jit3A_36 : i32
    %ne3A_50 = arith.constant 0 : i32
    %ne3A_51 = arith.cmpi ne, %rem3A, %ne3A_50 : i32
    %and3A = arith.andi %ne3A, %ne3A_51 : i1
    %sub3A = arith.constant 1 : i32
    %sub3A_52 = arith.subi %div3A, %sub3A : i32
    %select_n3A_53 = arith.select %and3A, %sub3A_52, %div3A : i32
    %jit3A_54 = arith.constant 512 : i32
    %div3A_55 = arith.divsi %reduce_max3A_35, %jit3A_54 : i32
    %sign3A_56 = arith.constant 0 : i32
    %sign3A_57 = arith.cmpi sgt, %reduce_max3A_35, %sign3A_56 : i32
    %sign3A_58 = arith.extui %sign3A_57 : i1 to i32
    %sign3A_59 = arith.constant 0 : i32
    %sign3A_60 = arith.cmpi slt, %reduce_max3A_35, %sign3A_59 : i32
    %sign3A_61 = arith.extui %sign3A_60 : i1 to i32
    %sign3A_62 = arith.subi %sign3A_58, %sign3A_61 : i32
    %sign3A_63 = arith.constant 0 : i32
    %sign3A_64 = arith.cmpi sgt, %jit3A_54, %sign3A_63 : i32
    %sign3A_65 = arith.extui %sign3A_64 : i1 to i32
    %sign3A_66 = arith.constant 0 : i32
    %sign3A_67 = arith.cmpi slt, %jit3A_54, %sign3A_66 : i32
    %sign3A_68 = arith.extui %sign3A_67 : i1 to i32
    %sign3A_69 = arith.subi %sign3A_65, %sign3A_68 : i32
    %ne3A_70 = arith.cmpi ne, %sign3A_62, %sign3A_69 : i32
    %rem3A_71 = arith.remsi %reduce_max3A_35, %jit3A_54 : i32
    %ne3A_72 = arith.constant 0 : i32
    %ne3A_73 = arith.cmpi ne, %rem3A_71, %ne3A_72 : i32
    %and3A_74 = arith.andi %ne3A_70, %ne3A_73 : i1
    %sub3A_75 = arith.constant 1 : i32
    %sub3A_76 = arith.subi %div3A_55, %sub3A_75 : i32
    %select_n3A_77 = arith.select %and3A_74, %sub3A_76, %div3A_55 : i32
    %add3A = arith.constant 1 : i32
    %add3A_78 = arith.addi %select_n3A_77, %add3A : i32
    %iota3A_79 = tpu.iota {dimensions = array<i32: 0>} : vector<256x512xi32>
    %add3A_80 = vector.broadcast %mul3A_0 : i32 to vector<256x512xi32>
    %add3A_81 = arith.addi %add3A_80, %iota3A_79 : vector<256x512xi32>
    %iota3A_82 = tpu.iota {dimensions = array<i32: 1>} : vector<256x512xi32>
    %broadcast_in_dim3A_83 = arith.constant 2.000000e+38 : f32
    %broadcast_in_dim3A_84 = vector.broadcast %broadcast_in_dim3A_83 : f32 to vector<256x20xf32>
    %broadcast_in_dim3A_85 = arith.constant 8192 : i32
    %broadcast_in_dim3A_86 = vector.broadcast %broadcast_in_dim3A_85 : i32 to vector<256x20xi32>
    %while3A = arith.constant 8192 : i32
    %while3A_87 = arith.subi %add3A_78, %select_n3A_53 : i32
    %while3A_88 = arith.addi %select_n3A_53, %while3A_87 : i32
    %while3A_89 = arith.constant 1 : i32
    %while3A_90 = arith.divsi %while3A_87, %while3A_89 : i32
    %while3A_91 = arith.muli %while3A_90, %while3A_89 : i32
    %while3A_92 = arith.addi %select_n3A_53, %while3A_91 : i32
    %while3A_93 = arith.constant 1 : i32
    %while3A_94:2 = scf.for %while3A_101 = %select_n3A_53 to %while3A_92 step %while3A_93 iter_args(%while3A_102 = %broadcast_in_dim3A_84, %while3A_103 = %broadcast_in_dim3A_86) -> (vector<256x20xf32>, vector<256x20xi32>)  : i32 {
      %mul3A_104 = arith.constant 512 : i32
      %mul3A_105 = arith.muli %while3A_101, %mul3A_104 : i32
      %get3A_106 = arith.index_cast %mul3A_105 : i32 to index
      %get3A_107 = arith.constant 0 : index
      %get3A_108 = vector.load %arg4[%get3A_106, %get3A_107] : memref<8192x64xf32, #tpu.memory_space<vmem>>, vector<512x64xf32>
      %convert_element_type3A_109 = arith.truncf %get3A_108 : vector<512x64xf32> to vector<512x64xbf16>
      %get3A_110 = arith.index_cast %while3A_101 : i32 to index
      %get3A_111 = arith.constant 0 : index
      %get3A_112 = arith.constant 0 : index
      %get3A_113 = vector.load %arg6[%get3A_110, %get3A_111, %get3A_112] : memref<16x1x512xf32, #tpu.memory_space<vmem>>, vector<1x1x512xf32>
      %get3A_114 = vector.shape_cast %get3A_113 : vector<1x1x512xf32> to vector<1x512xf32>
      %get3A_115 = arith.index_cast %while3A_101 : i32 to index
      %get3A_116 = arith.constant 0 : index
      %get3A_117 = arith.constant 0 : index
      %get3A_118 = vector.load %arg7[%get3A_115, %get3A_116, %get3A_117] : memref<16x1x512xi32, #tpu.memory_space<vmem>>, vector<1x1x512xi32>
      %get3A_119 = vector.shape_cast %get3A_118 : vector<1x1x512xi32> to vector<1x512xi32>
      %add3A_120 = vector.broadcast %get3A_114 : vector<1x512xf32> to vector<256x512xf32>
      %add3A_121 = vector.broadcast %get3A_5 : vector<256x1xf32> to vector<256x512xf32>
      %add3A_122 = arith.addf %add3A_120, %add3A_121 : vector<256x512xf32>
      %dot_general3A = arith.constant dense<0.000000e+00> : vector<256x512xf32>
      %dot_general3A_123 = tpu.matmul %convert_element_type3A, %convert_element_type3A_109, %dot_general3A {dimension_numbers = #tpu.dot_dimension_numbers<[1], [1], [0], [0], [0, 0, 1, 0], [], []>, transpose_lhs_hint = false} : vector<256x64xbf16>, vector<512x64xbf16>, vector<256x512xf32> -> vector<256x512xf32>
      %mul3A_124 = arith.constant 2.000000e+00 : f32
      %mul3A_125 = vector.broadcast %mul3A_124 : f32 to vector<256x512xf32>
      %mul3A_126 = arith.mulf %mul3A_125, %dot_general3A_123 : vector<256x512xf32>
      %sub3A_127 = arith.subf %add3A_122, %mul3A_126 : vector<256x512xf32>
      %add3A_128 = vector.broadcast %mul3A_105 : i32 to vector<256x512xi32>
      %add3A_129 = arith.addi %add3A_128, %iota3A_82 : vector<256x512xi32>
      %eq3A_130 = vector.broadcast %get3A_8 : vector<256x1xi32> to vector<256x512xi32>
      %eq3A_131 = vector.broadcast %get3A_119 : vector<1x512xi32> to vector<256x512xi32>
      %eq3A_132 = arith.cmpi eq, %eq3A_130, %eq3A_131 : vector<256x512xi32>
      %ne3A_133 = arith.cmpi ne, %add3A_129, %add3A_81 : vector<256x512xi32>
      %and3A_134 = arith.andi %eq3A_132, %ne3A_133 : vector<256x512xi1>
      %jit3A_135 = arith.constant 9.99999993E+36 : f32
      %broadcast_in_dim3A_136 = vector.broadcast %jit3A_135 : f32 to vector<256x512xf32>
      %select_n3A_137 = arith.select %and3A_134, %sub3A_127, %broadcast_in_dim3A_136 : vector<256x512xi1>, vector<256x512xf32>
      %concatenate3A_138 = tpu.concatenate %while3A_102, %select_n3A_137 in 1 : vector<256x20xf32>, vector<256x512xf32> -> vector<256x532xf32>
      %concatenate3A_139 = tpu.concatenate %while3A_103, %add3A_129 in 1 : vector<256x20xi32>, vector<256x512xi32> -> vector<256x532xi32>
      %reduce_min3A_140 = arith.constant dense<0x7F800000> : vector<256xf32>
      %reduce_min3A_141 = vector.multi_reduction <minimumf>, %concatenate3A_138, %reduce_min3A_140 [1] : vector<256x532xf32> to vector<256xf32>
      %broadcast_in_dim3A_142 = vector.shape_cast %reduce_min3A_141 : vector<256xf32> to vector<256x1xf32>
      %le3A = vector.broadcast %broadcast_in_dim3A_142 : vector<256x1xf32> to vector<256x532xf32>
      %le3A_143 = arith.cmpf ole, %concatenate3A_138, %le3A : vector<256x532xf32>
      %broadcast_in_dim3A_144 = vector.broadcast %while3A : i32 to vector<256x532xi32>
      %select_n3A_145 = arith.select %le3A_143, %concatenate3A_139, %broadcast_in_dim3A_144 : vector<256x532xi1>, vector<256x532xi32>
      %reduce_min3A_146 = arith.constant dense<2147483647> : vector<256xi32>
      %reduce_min3A_147 = vector.multi_reduction <minsi>, %select_n3A_145, %reduce_min3A_146 [1] : vector<256x532xi32> to vector<256xi32>
      %broadcast_in_dim3A_148 = vector.shape_cast %reduce_min3A_147 : vector<256xi32> to vector<256x1xi32>
      %eq3A_149 = vector.broadcast %broadcast_in_dim3A_148 : vector<256x1xi32> to vector<256x532xi32>
      %eq3A_150 = arith.cmpi eq, %concatenate3A_139, %eq3A_149 : vector<256x532xi32>
      %jit3A_151 = arith.constant 2.000000e+38 : f32
      %broadcast_in_dim3A_152 = vector.broadcast %jit3A_151 : f32 to vector<256x532xf32>
      %select_n3A_153 = arith.select %eq3A_150, %broadcast_in_dim3A_152, %concatenate3A_138 : vector<256x532xi1>, vector<256x532xf32>
      %reduce_min3A_154 = arith.constant dense<0x7F800000> : vector<256xf32>
      %reduce_min3A_155 = vector.multi_reduction <minimumf>, %select_n3A_153, %reduce_min3A_154 [1] : vector<256x532xf32> to vector<256xf32>
      %broadcast_in_dim3A_156 = vector.shape_cast %reduce_min3A_155 : vector<256xf32> to vector<256x1xf32>
      %le3A_157 = vector.broadcast %broadcast_in_dim3A_156 : vector<256x1xf32> to vector<256x532xf32>
      %le3A_158 = arith.cmpf ole, %select_n3A_153, %le3A_157 : vector<256x532xf32>
      %broadcast_in_dim3A_159 = vector.broadcast %while3A : i32 to vector<256x532xi32>
      %select_n3A_160 = arith.select %le3A_158, %concatenate3A_139, %broadcast_in_dim3A_159 : vector<256x532xi1>, vector<256x532xi32>
      %reduce_min3A_161 = arith.constant dense<2147483647> : vector<256xi32>
      %reduce_min3A_162 = vector.multi_reduction <minsi>, %select_n3A_160, %reduce_min3A_161 [1] : vector<256x532xi32> to vector<256xi32>
      %broadcast_in_dim3A_163 = vector.shape_cast %reduce_min3A_162 : vector<256xi32> to vector<256x1xi32>
      %eq3A_164 = vector.broadcast %broadcast_in_dim3A_163 : vector<256x1xi32> to vector<256x532xi32>
      %eq3A_165 = arith.cmpi eq, %concatenate3A_139, %eq3A_164 : vector<256x532xi32>
      %jit3A_166 = arith.constant 2.000000e+38 : f32
      %broadcast_in_dim3A_167 = vector.broadcast %jit3A_166 : f32 to vector<256x532xf32>
      %select_n3A_168 = arith.select %eq3A_165, %broadcast_in_dim3A_167, %select_n3A_153 : vector<256x532xi1>, vector<256x532xf32>
      %reduce_min3A_169 = arith.constant dense<0x7F800000> : vector<256xf32>
      %reduce_min3A_170 = vector.multi_reduction <minimumf>, %select_n3A_168, %reduce_min3A_169 [1] : vector<256x532xf32> to vector<256xf32>
      %broadcast_in_dim3A_171 = vector.shape_cast %reduce_min3A_170 : vector<256xf32> to vector<256x1xf32>
      %le3A_172 = vector.broadcast %broadcast_in_dim3A_171 : vector<256x1xf32> to vector<256x532xf32>
      %le3A_173 = arith.cmpf ole, %select_n3A_168, %le3A_172 : vector<256x532xf32>
      %broadcast_in_dim3A_174 = vector.broadcast %while3A : i32 to vector<256x532xi32>
      %select_n3A_175 = arith.select %le3A_173, %concatenate3A_139, %broadcast_in_dim3A_174 : vector<256x532xi1>, vector<256x532xi32>
      %reduce_min3A_176 = arith.constant dense<2147483647> : vector<256xi32>
      %reduce_min3A_177 = vector.multi_reduction <minsi>, %select_n3A_175, %reduce_min3A_176 [1] : vector<256x532xi32> to vector<256xi32>
      %broadcast_in_dim3A_178 = vector.shape_cast %reduce_min3A_177 : vector<256xi32> to vector<256x1xi32>
      %eq3A_179 = vector.broadcast %broadcast_in_dim3A_178 : vector<256x1xi32> to vector<256x532xi32>
      %eq3A_180 = arith.cmpi eq, %concatenate3A_139, %eq3A_179 : vector<256x532xi32>
      %jit3A_181 = arith.constant 2.000000e+38 : f32
      %broadcast_in_dim3A_182 = vector.broadcast %jit3A_181 : f32 to vector<256x532xf32>
      %select_n3A_183 = arith.select %eq3A_180, %broadcast_in_dim3A_182, %select_n3A_168 : vector<256x532xi1>, vector<256x532xf32>
      %reduce_min3A_184 = arith.constant dense<0x7F800000> : vector<256xf32>
      %reduce_min3A_185 = vector.multi_reduction <minimumf>, %select_n3A_183, %reduce_min3A_184 [1] : vector<256x532xf32> to vector<256xf32>
      %broadcast_in_dim3A_186 = vector.shape_cast %reduce_min3A_185 : vector<256xf32> to vector<256x1xf32>
      %le3A_187 = vector.broadcast %broadcast_in_dim3A_186 : vector<256x1xf32> to vector<256x532xf32>
      %le3A_188 = arith.cmpf ole, %select_n3A_183, %le3A_187 : vector<256x532xf32>
      %broadcast_in_dim3A_189 = vector.broadcast %while3A : i32 to vector<256x532xi32>
      %select_n3A_190 = arith.select %le3A_188, %concatenate3A_139, %broadcast_in_dim3A_189 : vector<256x532xi1>, vector<256x532xi32>
      %reduce_min3A_191 = arith.constant dense<2147483647> : vector<256xi32>
      %reduce_min3A_192 = vector.multi_reduction <minsi>, %select_n3A_190, %reduce_min3A_191 [1] : vector<256x532xi32> to vector<256xi32>
      %broadcast_in_dim3A_193 = vector.shape_cast %reduce_min3A_192 : vector<256xi32> to vector<256x1xi32>
      %eq3A_194 = vector.broadcast %broadcast_in_dim3A_193 : vector<256x1xi32> to vector<256x532xi32>
      %eq3A_195 = arith.cmpi eq, %concatenate3A_139, %eq3A_194 : vector<256x532xi32>
      %jit3A_196 = arith.constant 2.000000e+38 : f32
      %broadcast_in_dim3A_197 = vector.broadcast %jit3A_196 : f32 to vector<256x532xf32>
      %select_n3A_198 = arith.select %eq3A_195, %broadcast_in_dim3A_197, %select_n3A_183 : vector<256x532xi1>, vector<256x532xf32>
      %reduce_min3A_199 = arith.constant dense<0x7F800000> : vector<256xf32>
      %reduce_min3A_200 = vector.multi_reduction <minimumf>, %select_n3A_198, %reduce_min3A_199 [1] : vector<256x532xf32> to vector<256xf32>
      %broadcast_in_dim3A_201 = vector.shape_cast %reduce_min3A_200 : vector<256xf32> to vector<256x1xf32>
      %le3A_202 = vector.broadcast %broadcast_in_dim3A_201 : vector<256x1xf32> to vector<256x532xf32>
      %le3A_203 = arith.cmpf ole, %select_n3A_198, %le3A_202 : vector<256x532xf32>
      %broadcast_in_dim3A_204 = vector.broadcast %while3A : i32 to vector<256x532xi32>
      %select_n3A_205 = arith.select %le3A_203, %concatenate3A_139, %broadcast_in_dim3A_204 : vector<256x532xi1>, vector<256x532xi32>
      %reduce_min3A_206 = arith.constant dense<2147483647> : vector<256xi32>
      %reduce_min3A_207 = vector.multi_reduction <minsi>, %select_n3A_205, %reduce_min3A_206 [1] : vector<256x532xi32> to vector<256xi32>
      %broadcast_in_dim3A_208 = vector.shape_cast %reduce_min3A_207 : vector<256xi32> to vector<256x1xi32>
      %eq3A_209 = vector.broadcast %broadcast_in_dim3A_208 : vector<256x1xi32> to vector<256x532xi32>
      %eq3A_210 = arith.cmpi eq, %concatenate3A_139, %eq3A_209 : vector<256x532xi32>
      %jit3A_211 = arith.constant 2.000000e+38 : f32
      %broadcast_in_dim3A_212 = vector.broadcast %jit3A_211 : f32 to vector<256x532xf32>
      %select_n3A_213 = arith.select %eq3A_210, %broadcast_in_dim3A_212, %select_n3A_198 : vector<256x532xi1>, vector<256x532xf32>
      %reduce_min3A_214 = arith.constant dense<0x7F800000> : vector<256xf32>
      %reduce_min3A_215 = vector.multi_reduction <minimumf>, %select_n3A_213, %reduce_min3A_214 [1] : vector<256x532xf32> to vector<256xf32>
      %broadcast_in_dim3A_216 = vector.shape_cast %reduce_min3A_215 : vector<256xf32> to vector<256x1xf32>
      %le3A_217 = vector.broadcast %broadcast_in_dim3A_216 : vector<256x1xf32> to vector<256x532xf32>
      %le3A_218 = arith.cmpf ole, %select_n3A_213, %le3A_217 : vector<256x532xf32>
      %broadcast_in_dim3A_219 = vector.broadcast %while3A : i32 to vector<256x532xi32>
      %select_n3A_220 = arith.select %le3A_218, %concatenate3A_139, %broadcast_in_dim3A_219 : vector<256x532xi1>, vector<256x532xi32>
      %reduce_min3A_221 = arith.constant dense<2147483647> : vector<256xi32>
      %reduce_min3A_222 = vector.multi_reduction <minsi>, %select_n3A_220, %reduce_min3A_221 [1] : vector<256x532xi32> to vector<256xi32>
      %broadcast_in_dim3A_223 = vector.shape_cast %reduce_min3A_222 : vector<256xi32> to vector<256x1xi32>
      %eq3A_224 = vector.broadcast %broadcast_in_dim3A_223 : vector<256x1xi32> to vector<256x532xi32>
      %eq3A_225 = arith.cmpi eq, %concatenate3A_139, %eq3A_224 : vector<256x532xi32>
      %jit3A_226 = arith.constant 2.000000e+38 : f32
      %broadcast_in_dim3A_227 = vector.broadcast %jit3A_226 : f32 to vector<256x532xf32>
      %select_n3A_228 = arith.select %eq3A_225, %broadcast_in_dim3A_227, %select_n3A_213 : vector<256x532xi1>, vector<256x532xf32>
      %reduce_min3A_229 = arith.constant dense<0x7F800000> : vector<256xf32>
      %reduce_min3A_230 = vector.multi_reduction <minimumf>, %select_n3A_228, %reduce_min3A_229 [1] : vector<256x532xf32> to vector<256xf32>
      %broadcast_in_dim3A_231 = vector.shape_cast %reduce_min3A_230 : vector<256xf32> to vector<256x1xf32>
      %le3A_232 = vector.broadcast %broadcast_in_dim3A_231 : vector<256x1xf32> to vector<256x532xf32>
      %le3A_233 = arith.cmpf ole, %select_n3A_228, %le3A_232 : vector<256x532xf32>
      %broadcast_in_dim3A_234 = vector.broadcast %while3A : i32 to vector<256x532xi32>
      %select_n3A_235 = arith.select %le3A_233, %concatenate3A_139, %broadcast_in_dim3A_234 : vector<256x532xi1>, vector<256x532xi32>
      %reduce_min3A_236 = arith.constant dense<2147483647> : vector<256xi32>
      %reduce_min3A_237 = vector.multi_reduction <minsi>, %select_n3A_235, %reduce_min3A_236 [1] : vector<256x532xi32> to vector<256xi32>
      %broadcast_in_dim3A_238 = vector.shape_cast %reduce_min3A_237 : vector<256xi32> to vector<256x1xi32>
      %eq3A_239 = vector.broadcast %broadcast_in_dim3A_238 : vector<256x1xi32> to vector<256x532xi32>
      %eq3A_240 = arith.cmpi eq, %concatenate3A_139, %eq3A_239 : vector<256x532xi32>
      %jit3A_241 = arith.constant 2.000000e+38 : f32
      %broadcast_in_dim3A_242 = vector.broadcast %jit3A_241 : f32 to vector<256x532xf32>
      %select_n3A_243 = arith.select %eq3A_240, %broadcast_in_dim3A_242, %select_n3A_228 : vector<256x532xi1>, vector<256x532xf32>
      %reduce_min3A_244 = arith.constant dense<0x7F800000> : vector<256xf32>
      %reduce_min3A_245 = vector.multi_reduction <minimumf>, %select_n3A_243, %reduce_min3A_244 [1] : vector<256x532xf32> to vector<256xf32>
      %broadcast_in_dim3A_246 = vector.shape_cast %reduce_min3A_245 : vector<256xf32> to vector<256x1xf32>
      %le3A_247 = vector.broadcast %broadcast_in_dim3A_246 : vector<256x1xf32> to vector<256x532xf32>
      %le3A_248 = arith.cmpf ole, %select_n3A_243, %le3A_247 : vector<256x532xf32>
      %broadcast_in_dim3A_249 = vector.broadcast %while3A : i32 to vector<256x532xi32>
      %select_n3A_250 = arith.select %le3A_248, %concatenate3A_139, %broadcast_in_dim3A_249 : vector<256x532xi1>, vector<256x532xi32>
      %reduce_min3A_251 = arith.constant dense<2147483647> : vector<256xi32>
      %reduce_min3A_252 = vector.multi_reduction <minsi>, %select_n3A_250, %reduce_min3A_251 [1] : vector<256x532xi32> to vector<256xi32>
      %broadcast_in_dim3A_253 = vector.shape_cast %reduce_min3A_252 : vector<256xi32> to vector<256x1xi32>
      %eq3A_254 = vector.broadcast %broadcast_in_dim3A_253 : vector<256x1xi32> to vector<256x532xi32>
      %eq3A_255 = arith.cmpi eq, %concatenate3A_139, %eq3A_254 : vector<256x532xi32>
      %jit3A_256 = arith.constant 2.000000e+38 : f32
      %broadcast_in_dim3A_257 = vector.broadcast %jit3A_256 : f32 to vector<256x532xf32>
      %select_n3A_258 = arith.select %eq3A_255, %broadcast_in_dim3A_257, %select_n3A_243 : vector<256x532xi1>, vector<256x532xf32>
      %reduce_min3A_259 = arith.constant dense<0x7F800000> : vector<256xf32>
      %reduce_min3A_260 = vector.multi_reduction <minimumf>, %select_n3A_258, %reduce_min3A_259 [1] : vector<256x532xf32> to vector<256xf32>
      %broadcast_in_dim3A_261 = vector.shape_cast %reduce_min3A_260 : vector<256xf32> to vector<256x1xf32>
      %le3A_262 = vector.broadcast %broadcast_in_dim3A_261 : vector<256x1xf32> to vector<256x532xf32>
      %le3A_263 = arith.cmpf ole, %select_n3A_258, %le3A_262 : vector<256x532xf32>
      %broadcast_in_dim3A_264 = vector.broadcast %while3A : i32 to vector<256x532xi32>
      %select_n3A_265 = arith.select %le3A_263, %concatenate3A_139, %broadcast_in_dim3A_264 : vector<256x532xi1>, vector<256x532xi32>
      %reduce_min3A_266 = arith.constant dense<2147483647> : vector<256xi32>
      %reduce_min3A_267 = vector.multi_reduction <minsi>, %select_n3A_265, %reduce_min3A_266 [1] : vector<256x532xi32> to vector<256xi32>
      %broadcast_in_dim3A_268 = vector.shape_cast %reduce_min3A_267 : vector<256xi32> to vector<256x1xi32>
      %eq3A_269 = vector.broadcast %broadcast_in_dim3A_268 : vector<256x1xi32> to vector<256x532xi32>
      %eq3A_270 = arith.cmpi eq, %concatenate3A_139, %eq3A_269 : vector<256x532xi32>
      %jit3A_271 = arith.constant 2.000000e+38 : f32
      %broadcast_in_dim3A_272 = vector.broadcast %jit3A_271 : f32 to vector<256x532xf32>
      %select_n3A_273 = arith.select %eq3A_270, %broadcast_in_dim3A_272, %select_n3A_258 : vector<256x532xi1>, vector<256x532xf32>
      %reduce_min3A_274 = arith.constant dense<0x7F800000> : vector<256xf32>
      %reduce_min3A_275 = vector.multi_reduction <minimumf>, %select_n3A_273, %reduce_min3A_274 [1] : vector<256x532xf32> to vector<256xf32>
      %broadcast_in_dim3A_276 = vector.shape_cast %reduce_min3A_275 : vector<256xf32> to vector<256x1xf32>
      %le3A_277 = vector.broadcast %broadcast_in_dim3A_276 : vector<256x1xf32> to vector<256x532xf32>
      %le3A_278 = arith.cmpf ole, %select_n3A_273, %le3A_277 : vector<256x532xf32>
      %broadcast_in_dim3A_279 = vector.broadcast %while3A : i32 to vector<256x532xi32>
      %select_n3A_280 = arith.select %le3A_278, %concatenate3A_139, %broadcast_in_dim3A_279 : vector<256x532xi1>, vector<256x532xi32>
      %reduce_min3A_281 = arith.constant dense<2147483647> : vector<256xi32>
      %reduce_min3A_282 = vector.multi_reduction <minsi>, %select_n3A_280, %reduce_min3A_281 [1] : vector<256x532xi32> to vector<256xi32>
      %broadcast_in_dim3A_283 = vector.shape_cast %reduce_min3A_282 : vector<256xi32> to vector<256x1xi32>
      %eq3A_284 = vector.broadcast %broadcast_in_dim3A_283 : vector<256x1xi32> to vector<256x532xi32>
      %eq3A_285 = arith.cmpi eq, %concatenate3A_139, %eq3A_284 : vector<256x532xi32>
      %jit3A_286 = arith.constant 2.000000e+38 : f32
      %broadcast_in_dim3A_287 = vector.broadcast %jit3A_286 : f32 to vector<256x532xf32>
      %select_n3A_288 = arith.select %eq3A_285, %broadcast_in_dim3A_287, %select_n3A_273 : vector<256x532xi1>, vector<256x532xf32>
      %reduce_min3A_289 = arith.constant dense<0x7F800000> : vector<256xf32>
      %reduce_min3A_290 = vector.multi_reduction <minimumf>, %select_n3A_288, %reduce_min3A_289 [1] : vector<256x532xf32> to vector<256xf32>
      %broadcast_in_dim3A_291 = vector.shape_cast %reduce_min3A_290 : vector<256xf32> to vector<256x1xf32>
      %le3A_292 = vector.broadcast %broadcast_in_dim3A_291 : vector<256x1xf32> to vector<256x532xf32>
      %le3A_293 = arith.cmpf ole, %select_n3A_288, %le3A_292 : vector<256x532xf32>
      %broadcast_in_dim3A_294 = vector.broadcast %while3A : i32 to vector<256x532xi32>
      %select_n3A_295 = arith.select %le3A_293, %concatenate3A_139, %broadcast_in_dim3A_294 : vector<256x532xi1>, vector<256x532xi32>
      %reduce_min3A_296 = arith.constant dense<2147483647> : vector<256xi32>
      %reduce_min3A_297 = vector.multi_reduction <minsi>, %select_n3A_295, %reduce_min3A_296 [1] : vector<256x532xi32> to vector<256xi32>
      %broadcast_in_dim3A_298 = vector.shape_cast %reduce_min3A_297 : vector<256xi32> to vector<256x1xi32>
      %eq3A_299 = vector.broadcast %broadcast_in_dim3A_298 : vector<256x1xi32> to vector<256x532xi32>
      %eq3A_300 = arith.cmpi eq, %concatenate3A_139, %eq3A_299 : vector<256x532xi32>
      %jit3A_301 = arith.constant 2.000000e+38 : f32
      %broadcast_in_dim3A_302 = vector.broadcast %jit3A_301 : f32 to vector<256x532xf32>
      %select_n3A_303 = arith.select %eq3A_300, %broadcast_in_dim3A_302, %select_n3A_288 : vector<256x532xi1>, vector<256x532xf32>
      %reduce_min3A_304 = arith.constant dense<0x7F800000> : vector<256xf32>
      %reduce_min3A_305 = vector.multi_reduction <minimumf>, %select_n3A_303, %reduce_min3A_304 [1] : vector<256x532xf32> to vector<256xf32>
      %broadcast_in_dim3A_306 = vector.shape_cast %reduce_min3A_305 : vector<256xf32> to vector<256x1xf32>
      %le3A_307 = vector.broadcast %broadcast_in_dim3A_306 : vector<256x1xf32> to vector<256x532xf32>
      %le3A_308 = arith.cmpf ole, %select_n3A_303, %le3A_307 : vector<256x532xf32>
      %broadcast_in_dim3A_309 = vector.broadcast %while3A : i32 to vector<256x532xi32>
      %select_n3A_310 = arith.select %le3A_308, %concatenate3A_139, %broadcast_in_dim3A_309 : vector<256x532xi1>, vector<256x532xi32>
      %reduce_min3A_311 = arith.constant dense<2147483647> : vector<256xi32>
      %reduce_min3A_312 = vector.multi_reduction <minsi>, %select_n3A_310, %reduce_min3A_311 [1] : vector<256x532xi32> to vector<256xi32>
      %broadcast_in_dim3A_313 = vector.shape_cast %reduce_min3A_312 : vector<256xi32> to vector<256x1xi32>
      %eq3A_314 = vector.broadcast %broadcast_in_dim3A_313 : vector<256x1xi32> to vector<256x532xi32>
      %eq3A_315 = arith.cmpi eq, %concatenate3A_139, %eq3A_314 : vector<256x532xi32>
      %jit3A_316 = arith.constant 2.000000e+38 : f32
      %broadcast_in_dim3A_317 = vector.broadcast %jit3A_316 : f32 to vector<256x532xf32>
      %select_n3A_318 = arith.select %eq3A_315, %broadcast_in_dim3A_317, %select_n3A_303 : vector<256x532xi1>, vector<256x532xf32>
      %reduce_min3A_319 = arith.constant dense<0x7F800000> : vector<256xf32>
      %reduce_min3A_320 = vector.multi_reduction <minimumf>, %select_n3A_318, %reduce_min3A_319 [1] : vector<256x532xf32> to vector<256xf32>
      %broadcast_in_dim3A_321 = vector.shape_cast %reduce_min3A_320 : vector<256xf32> to vector<256x1xf32>
      %le3A_322 = vector.broadcast %broadcast_in_dim3A_321 : vector<256x1xf32> to vector<256x532xf32>
      %le3A_323 = arith.cmpf ole, %select_n3A_318, %le3A_322 : vector<256x532xf32>
      %broadcast_in_dim3A_324 = vector.broadcast %while3A : i32 to vector<256x532xi32>
      %select_n3A_325 = arith.select %le3A_323, %concatenate3A_139, %broadcast_in_dim3A_324 : vector<256x532xi1>, vector<256x532xi32>
      %reduce_min3A_326 = arith.constant dense<2147483647> : vector<256xi32>
      %reduce_min3A_327 = vector.multi_reduction <minsi>, %select_n3A_325, %reduce_min3A_326 [1] : vector<256x532xi32> to vector<256xi32>
      %broadcast_in_dim3A_328 = vector.shape_cast %reduce_min3A_327 : vector<256xi32> to vector<256x1xi32>
      %eq3A_329 = vector.broadcast %broadcast_in_dim3A_328 : vector<256x1xi32> to vector<256x532xi32>
      %eq3A_330 = arith.cmpi eq, %concatenate3A_139, %eq3A_329 : vector<256x532xi32>
      %jit3A_331 = arith.constant 2.000000e+38 : f32
      %broadcast_in_dim3A_332 = vector.broadcast %jit3A_331 : f32 to vector<256x532xf32>
      %select_n3A_333 = arith.select %eq3A_330, %broadcast_in_dim3A_332, %select_n3A_318 : vector<256x532xi1>, vector<256x532xf32>
      %reduce_min3A_334 = arith.constant dense<0x7F800000> : vector<256xf32>
      %reduce_min3A_335 = vector.multi_reduction <minimumf>, %select_n3A_333, %reduce_min3A_334 [1] : vector<256x532xf32> to vector<256xf32>
      %broadcast_in_dim3A_336 = vector.shape_cast %reduce_min3A_335 : vector<256xf32> to vector<256x1xf32>
      %le3A_337 = vector.broadcast %broadcast_in_dim3A_336 : vector<256x1xf32> to vector<256x532xf32>
      %le3A_338 = arith.cmpf ole, %select_n3A_333, %le3A_337 : vector<256x532xf32>
      %broadcast_in_dim3A_339 = vector.broadcast %while3A : i32 to vector<256x532xi32>
      %select_n3A_340 = arith.select %le3A_338, %concatenate3A_139, %broadcast_in_dim3A_339 : vector<256x532xi1>, vector<256x532xi32>
      %reduce_min3A_341 = arith.constant dense<2147483647> : vector<256xi32>
      %reduce_min3A_342 = vector.multi_reduction <minsi>, %select_n3A_340, %reduce_min3A_341 [1] : vector<256x532xi32> to vector<256xi32>
      %broadcast_in_dim3A_343 = vector.shape_cast %reduce_min3A_342 : vector<256xi32> to vector<256x1xi32>
      %eq3A_344 = vector.broadcast %broadcast_in_dim3A_343 : vector<256x1xi32> to vector<256x532xi32>
      %eq3A_345 = arith.cmpi eq, %concatenate3A_139, %eq3A_344 : vector<256x532xi32>
      %jit3A_346 = arith.constant 2.000000e+38 : f32
      %broadcast_in_dim3A_347 = vector.broadcast %jit3A_346 : f32 to vector<256x532xf32>
      %select_n3A_348 = arith.select %eq3A_345, %broadcast_in_dim3A_347, %select_n3A_333 : vector<256x532xi1>, vector<256x532xf32>
      %reduce_min3A_349 = arith.constant dense<0x7F800000> : vector<256xf32>
      %reduce_min3A_350 = vector.multi_reduction <minimumf>, %select_n3A_348, %reduce_min3A_349 [1] : vector<256x532xf32> to vector<256xf32>
      %broadcast_in_dim3A_351 = vector.shape_cast %reduce_min3A_350 : vector<256xf32> to vector<256x1xf32>
      %le3A_352 = vector.broadcast %broadcast_in_dim3A_351 : vector<256x1xf32> to vector<256x532xf32>
      %le3A_353 = arith.cmpf ole, %select_n3A_348, %le3A_352 : vector<256x532xf32>
      %broadcast_in_dim3A_354 = vector.broadcast %while3A : i32 to vector<256x532xi32>
      %select_n3A_355 = arith.select %le3A_353, %concatenate3A_139, %broadcast_in_dim3A_354 : vector<256x532xi1>, vector<256x532xi32>
      %reduce_min3A_356 = arith.constant dense<2147483647> : vector<256xi32>
      %reduce_min3A_357 = vector.multi_reduction <minsi>, %select_n3A_355, %reduce_min3A_356 [1] : vector<256x532xi32> to vector<256xi32>
      %broadcast_in_dim3A_358 = vector.shape_cast %reduce_min3A_357 : vector<256xi32> to vector<256x1xi32>
      %eq3A_359 = vector.broadcast %broadcast_in_dim3A_358 : vector<256x1xi32> to vector<256x532xi32>
      %eq3A_360 = arith.cmpi eq, %concatenate3A_139, %eq3A_359 : vector<256x532xi32>
      %jit3A_361 = arith.constant 2.000000e+38 : f32
      %broadcast_in_dim3A_362 = vector.broadcast %jit3A_361 : f32 to vector<256x532xf32>
      %select_n3A_363 = arith.select %eq3A_360, %broadcast_in_dim3A_362, %select_n3A_348 : vector<256x532xi1>, vector<256x532xf32>
      %reduce_min3A_364 = arith.constant dense<0x7F800000> : vector<256xf32>
      %reduce_min3A_365 = vector.multi_reduction <minimumf>, %select_n3A_363, %reduce_min3A_364 [1] : vector<256x532xf32> to vector<256xf32>
      %broadcast_in_dim3A_366 = vector.shape_cast %reduce_min3A_365 : vector<256xf32> to vector<256x1xf32>
      %le3A_367 = vector.broadcast %broadcast_in_dim3A_366 : vector<256x1xf32> to vector<256x532xf32>
      %le3A_368 = arith.cmpf ole, %select_n3A_363, %le3A_367 : vector<256x532xf32>
      %broadcast_in_dim3A_369 = vector.broadcast %while3A : i32 to vector<256x532xi32>
      %select_n3A_370 = arith.select %le3A_368, %concatenate3A_139, %broadcast_in_dim3A_369 : vector<256x532xi1>, vector<256x532xi32>
      %reduce_min3A_371 = arith.constant dense<2147483647> : vector<256xi32>
      %reduce_min3A_372 = vector.multi_reduction <minsi>, %select_n3A_370, %reduce_min3A_371 [1] : vector<256x532xi32> to vector<256xi32>
      %broadcast_in_dim3A_373 = vector.shape_cast %reduce_min3A_372 : vector<256xi32> to vector<256x1xi32>
      %eq3A_374 = vector.broadcast %broadcast_in_dim3A_373 : vector<256x1xi32> to vector<256x532xi32>
      %eq3A_375 = arith.cmpi eq, %concatenate3A_139, %eq3A_374 : vector<256x532xi32>
      %jit3A_376 = arith.constant 2.000000e+38 : f32
      %broadcast_in_dim3A_377 = vector.broadcast %jit3A_376 : f32 to vector<256x532xf32>
      %select_n3A_378 = arith.select %eq3A_375, %broadcast_in_dim3A_377, %select_n3A_363 : vector<256x532xi1>, vector<256x532xf32>
      %reduce_min3A_379 = arith.constant dense<0x7F800000> : vector<256xf32>
      %reduce_min3A_380 = vector.multi_reduction <minimumf>, %select_n3A_378, %reduce_min3A_379 [1] : vector<256x532xf32> to vector<256xf32>
      %broadcast_in_dim3A_381 = vector.shape_cast %reduce_min3A_380 : vector<256xf32> to vector<256x1xf32>
      %le3A_382 = vector.broadcast %broadcast_in_dim3A_381 : vector<256x1xf32> to vector<256x532xf32>
      %le3A_383 = arith.cmpf ole, %select_n3A_378, %le3A_382 : vector<256x532xf32>
      %broadcast_in_dim3A_384 = vector.broadcast %while3A : i32 to vector<256x532xi32>
      %select_n3A_385 = arith.select %le3A_383, %concatenate3A_139, %broadcast_in_dim3A_384 : vector<256x532xi1>, vector<256x532xi32>
      %reduce_min3A_386 = arith.constant dense<2147483647> : vector<256xi32>
      %reduce_min3A_387 = vector.multi_reduction <minsi>, %select_n3A_385, %reduce_min3A_386 [1] : vector<256x532xi32> to vector<256xi32>
      %broadcast_in_dim3A_388 = vector.shape_cast %reduce_min3A_387 : vector<256xi32> to vector<256x1xi32>
      %eq3A_389 = vector.broadcast %broadcast_in_dim3A_388 : vector<256x1xi32> to vector<256x532xi32>
      %eq3A_390 = arith.cmpi eq, %concatenate3A_139, %eq3A_389 : vector<256x532xi32>
      %jit3A_391 = arith.constant 2.000000e+38 : f32
      %broadcast_in_dim3A_392 = vector.broadcast %jit3A_391 : f32 to vector<256x532xf32>
      %select_n3A_393 = arith.select %eq3A_390, %broadcast_in_dim3A_392, %select_n3A_378 : vector<256x532xi1>, vector<256x532xf32>
      %reduce_min3A_394 = arith.constant dense<0x7F800000> : vector<256xf32>
      %reduce_min3A_395 = vector.multi_reduction <minimumf>, %select_n3A_393, %reduce_min3A_394 [1] : vector<256x532xf32> to vector<256xf32>
      %broadcast_in_dim3A_396 = vector.shape_cast %reduce_min3A_395 : vector<256xf32> to vector<256x1xf32>
      %le3A_397 = vector.broadcast %broadcast_in_dim3A_396 : vector<256x1xf32> to vector<256x532xf32>
      %le3A_398 = arith.cmpf ole, %select_n3A_393, %le3A_397 : vector<256x532xf32>
      %broadcast_in_dim3A_399 = vector.broadcast %while3A : i32 to vector<256x532xi32>
      %select_n3A_400 = arith.select %le3A_398, %concatenate3A_139, %broadcast_in_dim3A_399 : vector<256x532xi1>, vector<256x532xi32>
      %reduce_min3A_401 = arith.constant dense<2147483647> : vector<256xi32>
      %reduce_min3A_402 = vector.multi_reduction <minsi>, %select_n3A_400, %reduce_min3A_401 [1] : vector<256x532xi32> to vector<256xi32>
      %broadcast_in_dim3A_403 = vector.shape_cast %reduce_min3A_402 : vector<256xi32> to vector<256x1xi32>
      %eq3A_404 = vector.broadcast %broadcast_in_dim3A_403 : vector<256x1xi32> to vector<256x532xi32>
      %eq3A_405 = arith.cmpi eq, %concatenate3A_139, %eq3A_404 : vector<256x532xi32>
      %jit3A_406 = arith.constant 2.000000e+38 : f32
      %broadcast_in_dim3A_407 = vector.broadcast %jit3A_406 : f32 to vector<256x532xf32>
      %select_n3A_408 = arith.select %eq3A_405, %broadcast_in_dim3A_407, %select_n3A_393 : vector<256x532xi1>, vector<256x532xf32>
      %reduce_min3A_409 = arith.constant dense<0x7F800000> : vector<256xf32>
      %reduce_min3A_410 = vector.multi_reduction <minimumf>, %select_n3A_408, %reduce_min3A_409 [1] : vector<256x532xf32> to vector<256xf32>
      %broadcast_in_dim3A_411 = vector.shape_cast %reduce_min3A_410 : vector<256xf32> to vector<256x1xf32>
      %le3A_412 = vector.broadcast %broadcast_in_dim3A_411 : vector<256x1xf32> to vector<256x532xf32>
      %le3A_413 = arith.cmpf ole, %select_n3A_408, %le3A_412 : vector<256x532xf32>
      %broadcast_in_dim3A_414 = vector.broadcast %while3A : i32 to vector<256x532xi32>
      %select_n3A_415 = arith.select %le3A_413, %concatenate3A_139, %broadcast_in_dim3A_414 : vector<256x532xi1>, vector<256x532xi32>
      %reduce_min3A_416 = arith.constant dense<2147483647> : vector<256xi32>
      %reduce_min3A_417 = vector.multi_reduction <minsi>, %select_n3A_415, %reduce_min3A_416 [1] : vector<256x532xi32> to vector<256xi32>
      %broadcast_in_dim3A_418 = vector.shape_cast %reduce_min3A_417 : vector<256xi32> to vector<256x1xi32>
      %eq3A_419 = vector.broadcast %broadcast_in_dim3A_418 : vector<256x1xi32> to vector<256x532xi32>
      %eq3A_420 = arith.cmpi eq, %concatenate3A_139, %eq3A_419 : vector<256x532xi32>
      %jit3A_421 = arith.constant 2.000000e+38 : f32
      %broadcast_in_dim3A_422 = vector.broadcast %jit3A_421 : f32 to vector<256x532xf32>
      %select_n3A_423 = arith.select %eq3A_420, %broadcast_in_dim3A_422, %select_n3A_408 : vector<256x532xi1>, vector<256x532xf32>
      %reduce_min3A_424 = arith.constant dense<0x7F800000> : vector<256xf32>
      %reduce_min3A_425 = vector.multi_reduction <minimumf>, %select_n3A_423, %reduce_min3A_424 [1] : vector<256x532xf32> to vector<256xf32>
      %broadcast_in_dim3A_426 = vector.shape_cast %reduce_min3A_425 : vector<256xf32> to vector<256x1xf32>
      %le3A_427 = vector.broadcast %broadcast_in_dim3A_426 : vector<256x1xf32> to vector<256x532xf32>
      %le3A_428 = arith.cmpf ole, %select_n3A_423, %le3A_427 : vector<256x532xf32>
      %broadcast_in_dim3A_429 = vector.broadcast %while3A : i32 to vector<256x532xi32>
      %select_n3A_430 = arith.select %le3A_428, %concatenate3A_139, %broadcast_in_dim3A_429 : vector<256x532xi1>, vector<256x532xi32>
      %reduce_min3A_431 = arith.constant dense<2147483647> : vector<256xi32>
      %reduce_min3A_432 = vector.multi_reduction <minsi>, %select_n3A_430, %reduce_min3A_431 [1] : vector<256x532xi32> to vector<256xi32>
      %broadcast_in_dim3A_433 = vector.shape_cast %reduce_min3A_432 : vector<256xi32> to vector<256x1xi32>
      %eq3A_434 = vector.broadcast %broadcast_in_dim3A_433 : vector<256x1xi32> to vector<256x532xi32>
      %eq3A_435 = arith.cmpi eq, %concatenate3A_139, %eq3A_434 : vector<256x532xi32>
      %jit3A_436 = arith.constant 2.000000e+38 : f32
      %broadcast_in_dim3A_437 = vector.broadcast %jit3A_436 : f32 to vector<256x532xf32>
      %select_n3A_438 = arith.select %eq3A_435, %broadcast_in_dim3A_437, %select_n3A_423 : vector<256x532xi1>, vector<256x532xf32>
      %concatenate3A_439 = tpu.concatenate %broadcast_in_dim3A_142, %broadcast_in_dim3A_156, %broadcast_in_dim3A_171, %broadcast_in_dim3A_186, %broadcast_in_dim3A_201, %broadcast_in_dim3A_216, %broadcast_in_dim3A_231, %broadcast_in_dim3A_246, %broadcast_in_dim3A_261, %broadcast_in_dim3A_276, %broadcast_in_dim3A_291, %broadcast_in_dim3A_306, %broadcast_in_dim3A_321, %broadcast_in_dim3A_336, %broadcast_in_dim3A_351, %broadcast_in_dim3A_366, %broadcast_in_dim3A_381, %broadcast_in_dim3A_396, %broadcast_in_dim3A_411, %broadcast_in_dim3A_426 in 1 : vector<256x1xf32>, vector<256x1xf32>, vector<256x1xf32>, vector<256x1xf32>, vector<256x1xf32>, vector<256x1xf32>, vector<256x1xf32>, vector<256x1xf32>, vector<256x1xf32>, vector<256x1xf32>, vector<256x1xf32>, vector<256x1xf32>, vector<256x1xf32>, vector<256x1xf32>, vector<256x1xf32>, vector<256x1xf32>, vector<256x1xf32>, vector<256x1xf32>, vector<256x1xf32>, vector<256x1xf32> -> vector<256x20xf32>
      %concatenate3A_440 = tpu.concatenate %broadcast_in_dim3A_148, %broadcast_in_dim3A_163, %broadcast_in_dim3A_178, %broadcast_in_dim3A_193, %broadcast_in_dim3A_208, %broadcast_in_dim3A_223, %broadcast_in_dim3A_238, %broadcast_in_dim3A_253, %broadcast_in_dim3A_268, %broadcast_in_dim3A_283, %broadcast_in_dim3A_298, %broadcast_in_dim3A_313, %broadcast_in_dim3A_328, %broadcast_in_dim3A_343, %broadcast_in_dim3A_358, %broadcast_in_dim3A_373, %broadcast_in_dim3A_388, %broadcast_in_dim3A_403, %broadcast_in_dim3A_418, %broadcast_in_dim3A_433 in 1 : vector<256x1xi32>, vector<256x1xi32>, vector<256x1xi32>, vector<256x1xi32>, vector<256x1xi32>, vector<256x1xi32>, vector<256x1xi32>, vector<256x1xi32>, vector<256x1xi32>, vector<256x1xi32>, vector<256x1xi32>, vector<256x1xi32>, vector<256x1xi32>, vector<256x1xi32>, vector<256x1xi32>, vector<256x1xi32>, vector<256x1xi32>, vector<256x1xi32>, vector<256x1xi32>, vector<256x1xi32> -> vector<256x20xi32>
      scf.yield %concatenate3A_439, %concatenate3A_440 : vector<256x20xf32>, vector<256x20xi32>
    }
    %while3A_95 = arith.constant 1 : i32
    %while3A_96:2 = scf.for %while3A_101 = %while3A_92 to %while3A_88 step %while3A_95 iter_args(%while3A_102 = %while3A_94#0, %while3A_103 = %while3A_94#1) -> (vector<256x20xf32>, vector<256x20xi32>)  : i32 {
      %mul3A_104 = arith.constant 512 : i32
      %mul3A_105 = arith.muli %while3A_101, %mul3A_104 : i32
      %get3A_106 = arith.index_cast %mul3A_105 : i32 to index
      %get3A_107 = arith.constant 0 : index
      %get3A_108 = vector.load %arg4[%get3A_106, %get3A_107] : memref<8192x64xf32, #tpu.memory_space<vmem>>, vector<512x64xf32>
      %convert_element_type3A_109 = arith.truncf %get3A_108 : vector<512x64xf32> to vector<512x64xbf16>
      %get3A_110 = arith.index_cast %while3A_101 : i32 to index
      %get3A_111 = arith.constant 0 : index
      %get3A_112 = arith.constant 0 : index
      %get3A_113 = vector.load %arg6[%get3A_110, %get3A_111, %get3A_112] : memref<16x1x512xf32, #tpu.memory_space<vmem>>, vector<1x1x512xf32>
      %get3A_114 = vector.shape_cast %get3A_113 : vector<1x1x512xf32> to vector<1x512xf32>
      %get3A_115 = arith.index_cast %while3A_101 : i32 to index
      %get3A_116 = arith.constant 0 : index
      %get3A_117 = arith.constant 0 : index
      %get3A_118 = vector.load %arg7[%get3A_115, %get3A_116, %get3A_117] : memref<16x1x512xi32, #tpu.memory_space<vmem>>, vector<1x1x512xi32>
      %get3A_119 = vector.shape_cast %get3A_118 : vector<1x1x512xi32> to vector<1x512xi32>
      %add3A_120 = vector.broadcast %get3A_114 : vector<1x512xf32> to vector<256x512xf32>
      %add3A_121 = vector.broadcast %get3A_5 : vector<256x1xf32> to vector<256x512xf32>
      %add3A_122 = arith.addf %add3A_120, %add3A_121 : vector<256x512xf32>
      %dot_general3A = arith.constant dense<0.000000e+00> : vector<256x512xf32>
      %dot_general3A_123 = tpu.matmul %convert_element_type3A, %convert_element_type3A_109, %dot_general3A {dimension_numbers = #tpu.dot_dimension_numbers<[1], [1], [0], [0], [0, 0, 1, 0], [], []>, transpose_lhs_hint = false} : vector<256x64xbf16>, vector<512x64xbf16>, vector<256x512xf32> -> vector<256x512xf32>
      %mul3A_124 = arith.constant 2.000000e+00 : f32
      %mul3A_125 = vector.broadcast %mul3A_124 : f32 to vector<256x512xf32>
      %mul3A_126 = arith.mulf %mul3A_125, %dot_general3A_123 : vector<256x512xf32>
      %sub3A_127 = arith.subf %add3A_122, %mul3A_126 : vector<256x512xf32>
      %add3A_128 = vector.broadcast %mul3A_105 : i32 to vector<256x512xi32>
      %add3A_129 = arith.addi %add3A_128, %iota3A_82 : vector<256x512xi32>
      %eq3A_130 = vector.broadcast %get3A_8 : vector<256x1xi32> to vector<256x512xi32>
      %eq3A_131 = vector.broadcast %get3A_119 : vector<1x512xi32> to vector<256x512xi32>
      %eq3A_132 = arith.cmpi eq, %eq3A_130, %eq3A_131 : vector<256x512xi32>
      %ne3A_133 = arith.cmpi ne, %add3A_129, %add3A_81 : vector<256x512xi32>
      %and3A_134 = arith.andi %eq3A_132, %ne3A_133 : vector<256x512xi1>
      %jit3A_135 = arith.constant 9.99999993E+36 : f32
      %broadcast_in_dim3A_136 = vector.broadcast %jit3A_135 : f32 to vector<256x512xf32>
      %select_n3A_137 = arith.select %and3A_134, %sub3A_127, %broadcast_in_dim3A_136 : vector<256x512xi1>, vector<256x512xf32>
      %concatenate3A_138 = tpu.concatenate %while3A_102, %select_n3A_137 in 1 : vector<256x20xf32>, vector<256x512xf32> -> vector<256x532xf32>
      %concatenate3A_139 = tpu.concatenate %while3A_103, %add3A_129 in 1 : vector<256x20xi32>, vector<256x512xi32> -> vector<256x532xi32>
      %reduce_min3A_140 = arith.constant dense<0x7F800000> : vector<256xf32>
      %reduce_min3A_141 = vector.multi_reduction <minimumf>, %concatenate3A_138, %reduce_min3A_140 [1] : vector<256x532xf32> to vector<256xf32>
      %broadcast_in_dim3A_142 = vector.shape_cast %reduce_min3A_141 : vector<256xf32> to vector<256x1xf32>
      %le3A = vector.broadcast %broadcast_in_dim3A_142 : vector<256x1xf32> to vector<256x532xf32>
      %le3A_143 = arith.cmpf ole, %concatenate3A_138, %le3A : vector<256x532xf32>
      %broadcast_in_dim3A_144 = vector.broadcast %while3A : i32 to vector<256x532xi32>
      %select_n3A_145 = arith.select %le3A_143, %concatenate3A_139, %broadcast_in_dim3A_144 : vector<256x532xi1>, vector<256x532xi32>
      %reduce_min3A_146 = arith.constant dense<2147483647> : vector<256xi32>
      %reduce_min3A_147 = vector.multi_reduction <minsi>, %select_n3A_145, %reduce_min3A_146 [1] : vector<256x532xi32> to vector<256xi32>
      %broadcast_in_dim3A_148 = vector.shape_cast %reduce_min3A_147 : vector<256xi32> to vector<256x1xi32>
      %eq3A_149 = vector.broadcast %broadcast_in_dim3A_148 : vector<256x1xi32> to vector<256x532xi32>
      %eq3A_150 = arith.cmpi eq, %concatenate3A_139, %eq3A_149 : vector<256x532xi32>
      %jit3A_151 = arith.constant 2.000000e+38 : f32
      %broadcast_in_dim3A_152 = vector.broadcast %jit3A_151 : f32 to vector<256x532xf32>
      %select_n3A_153 = arith.select %eq3A_150, %broadcast_in_dim3A_152, %concatenate3A_138 : vector<256x532xi1>, vector<256x532xf32>
      %reduce_min3A_154 = arith.constant dense<0x7F800000> : vector<256xf32>
      %reduce_min3A_155 = vector.multi_reduction <minimumf>, %select_n3A_153, %reduce_min3A_154 [1] : vector<256x532xf32> to vector<256xf32>
      %broadcast_in_dim3A_156 = vector.shape_cast %reduce_min3A_155 : vector<256xf32> to vector<256x1xf32>
      %le3A_157 = vector.broadcast %broadcast_in_dim3A_156 : vector<256x1xf32> to vector<256x532xf32>
      %le3A_158 = arith.cmpf ole, %select_n3A_153, %le3A_157 : vector<256x532xf32>
      %broadcast_in_dim3A_159 = vector.broadcast %while3A : i32 to vector<256x532xi32>
      %select_n3A_160 = arith.select %le3A_158, %concatenate3A_139, %broadcast_in_dim3A_159 : vector<256x532xi1>, vector<256x532xi32>
      %reduce_min3A_161 = arith.constant dense<2147483647> : vector<256xi32>
      %reduce_min3A_162 = vector.multi_reduction <minsi>, %select_n3A_160, %reduce_min3A_161 [1] : vector<256x532xi32> to vector<256xi32>
      %broadcast_in_dim3A_163 = vector.shape_cast %reduce_min3A_162 : vector<256xi32> to vector<256x1xi32>
      %eq3A_164 = vector.broadcast %broadcast_in_dim3A_163 : vector<256x1xi32> to vector<256x532xi32>
      %eq3A_165 = arith.cmpi eq, %concatenate3A_139, %eq3A_164 : vector<256x532xi32>
      %jit3A_166 = arith.constant 2.000000e+38 : f32
      %broadcast_in_dim3A_167 = vector.broadcast %jit3A_166 : f32 to vector<256x532xf32>
      %select_n3A_168 = arith.select %eq3A_165, %broadcast_in_dim3A_167, %select_n3A_153 : vector<256x532xi1>, vector<256x532xf32>
      %reduce_min3A_169 = arith.constant dense<0x7F800000> : vector<256xf32>
      %reduce_min3A_170 = vector.multi_reduction <minimumf>, %select_n3A_168, %reduce_min3A_169 [1] : vector<256x532xf32> to vector<256xf32>
      %broadcast_in_dim3A_171 = vector.shape_cast %reduce_min3A_170 : vector<256xf32> to vector<256x1xf32>
      %le3A_172 = vector.broadcast %broadcast_in_dim3A_171 : vector<256x1xf32> to vector<256x532xf32>
      %le3A_173 = arith.cmpf ole, %select_n3A_168, %le3A_172 : vector<256x532xf32>
      %broadcast_in_dim3A_174 = vector.broadcast %while3A : i32 to vector<256x532xi32>
      %select_n3A_175 = arith.select %le3A_173, %concatenate3A_139, %broadcast_in_dim3A_174 : vector<256x532xi1>, vector<256x532xi32>
      %reduce_min3A_176 = arith.constant dense<2147483647> : vector<256xi32>
      %reduce_min3A_177 = vector.multi_reduction <minsi>, %select_n3A_175, %reduce_min3A_176 [1] : vector<256x532xi32> to vector<256xi32>
      %broadcast_in_dim3A_178 = vector.shape_cast %reduce_min3A_177 : vector<256xi32> to vector<256x1xi32>
      %eq3A_179 = vector.broadcast %broadcast_in_dim3A_178 : vector<256x1xi32> to vector<256x532xi32>
      %eq3A_180 = arith.cmpi eq, %concatenate3A_139, %eq3A_179 : vector<256x532xi32>
      %jit3A_181 = arith.constant 2.000000e+38 : f32
      %broadcast_in_dim3A_182 = vector.broadcast %jit3A_181 : f32 to vector<256x532xf32>
      %select_n3A_183 = arith.select %eq3A_180, %broadcast_in_dim3A_182, %select_n3A_168 : vector<256x532xi1>, vector<256x532xf32>
      %reduce_min3A_184 = arith.constant dense<0x7F800000> : vector<256xf32>
      %reduce_min3A_185 = vector.multi_reduction <minimumf>, %select_n3A_183, %reduce_min3A_184 [1] : vector<256x532xf32> to vector<256xf32>
      %broadcast_in_dim3A_186 = vector.shape_cast %reduce_min3A_185 : vector<256xf32> to vector<256x1xf32>
      %le3A_187 = vector.broadcast %broadcast_in_dim3A_186 : vector<256x1xf32> to vector<256x532xf32>
      %le3A_188 = arith.cmpf ole, %select_n3A_183, %le3A_187 : vector<256x532xf32>
      %broadcast_in_dim3A_189 = vector.broadcast %while3A : i32 to vector<256x532xi32>
      %select_n3A_190 = arith.select %le3A_188, %concatenate3A_139, %broadcast_in_dim3A_189 : vector<256x532xi1>, vector<256x532xi32>
      %reduce_min3A_191 = arith.constant dense<2147483647> : vector<256xi32>
      %reduce_min3A_192 = vector.multi_reduction <minsi>, %select_n3A_190, %reduce_min3A_191 [1] : vector<256x532xi32> to vector<256xi32>
      %broadcast_in_dim3A_193 = vector.shape_cast %reduce_min3A_192 : vector<256xi32> to vector<256x1xi32>
      %eq3A_194 = vector.broadcast %broadcast_in_dim3A_193 : vector<256x1xi32> to vector<256x532xi32>
      %eq3A_195 = arith.cmpi eq, %concatenate3A_139, %eq3A_194 : vector<256x532xi32>
      %jit3A_196 = arith.constant 2.000000e+38 : f32
      %broadcast_in_dim3A_197 = vector.broadcast %jit3A_196 : f32 to vector<256x532xf32>
      %select_n3A_198 = arith.select %eq3A_195, %broadcast_in_dim3A_197, %select_n3A_183 : vector<256x532xi1>, vector<256x532xf32>
      %reduce_min3A_199 = arith.constant dense<0x7F800000> : vector<256xf32>
      %reduce_min3A_200 = vector.multi_reduction <minimumf>, %select_n3A_198, %reduce_min3A_199 [1] : vector<256x532xf32> to vector<256xf32>
      %broadcast_in_dim3A_201 = vector.shape_cast %reduce_min3A_200 : vector<256xf32> to vector<256x1xf32>
      %le3A_202 = vector.broadcast %broadcast_in_dim3A_201 : vector<256x1xf32> to vector<256x532xf32>
      %le3A_203 = arith.cmpf ole, %select_n3A_198, %le3A_202 : vector<256x532xf32>
      %broadcast_in_dim3A_204 = vector.broadcast %while3A : i32 to vector<256x532xi32>
      %select_n3A_205 = arith.select %le3A_203, %concatenate3A_139, %broadcast_in_dim3A_204 : vector<256x532xi1>, vector<256x532xi32>
      %reduce_min3A_206 = arith.constant dense<2147483647> : vector<256xi32>
      %reduce_min3A_207 = vector.multi_reduction <minsi>, %select_n3A_205, %reduce_min3A_206 [1] : vector<256x532xi32> to vector<256xi32>
      %broadcast_in_dim3A_208 = vector.shape_cast %reduce_min3A_207 : vector<256xi32> to vector<256x1xi32>
      %eq3A_209 = vector.broadcast %broadcast_in_dim3A_208 : vector<256x1xi32> to vector<256x532xi32>
      %eq3A_210 = arith.cmpi eq, %concatenate3A_139, %eq3A_209 : vector<256x532xi32>
      %jit3A_211 = arith.constant 2.000000e+38 : f32
      %broadcast_in_dim3A_212 = vector.broadcast %jit3A_211 : f32 to vector<256x532xf32>
      %select_n3A_213 = arith.select %eq3A_210, %broadcast_in_dim3A_212, %select_n3A_198 : vector<256x532xi1>, vector<256x532xf32>
      %reduce_min3A_214 = arith.constant dense<0x7F800000> : vector<256xf32>
      %reduce_min3A_215 = vector.multi_reduction <minimumf>, %select_n3A_213, %reduce_min3A_214 [1] : vector<256x532xf32> to vector<256xf32>
      %broadcast_in_dim3A_216 = vector.shape_cast %reduce_min3A_215 : vector<256xf32> to vector<256x1xf32>
      %le3A_217 = vector.broadcast %broadcast_in_dim3A_216 : vector<256x1xf32> to vector<256x532xf32>
      %le3A_218 = arith.cmpf ole, %select_n3A_213, %le3A_217 : vector<256x532xf32>
      %broadcast_in_dim3A_219 = vector.broadcast %while3A : i32 to vector<256x532xi32>
      %select_n3A_220 = arith.select %le3A_218, %concatenate3A_139, %broadcast_in_dim3A_219 : vector<256x532xi1>, vector<256x532xi32>
      %reduce_min3A_221 = arith.constant dense<2147483647> : vector<256xi32>
      %reduce_min3A_222 = vector.multi_reduction <minsi>, %select_n3A_220, %reduce_min3A_221 [1] : vector<256x532xi32> to vector<256xi32>
      %broadcast_in_dim3A_223 = vector.shape_cast %reduce_min3A_222 : vector<256xi32> to vector<256x1xi32>
      %eq3A_224 = vector.broadcast %broadcast_in_dim3A_223 : vector<256x1xi32> to vector<256x532xi32>
      %eq3A_225 = arith.cmpi eq, %concatenate3A_139, %eq3A_224 : vector<256x532xi32>
      %jit3A_226 = arith.constant 2.000000e+38 : f32
      %broadcast_in_dim3A_227 = vector.broadcast %jit3A_226 : f32 to vector<256x532xf32>
      %select_n3A_228 = arith.select %eq3A_225, %broadcast_in_dim3A_227, %select_n3A_213 : vector<256x532xi1>, vector<256x532xf32>
      %reduce_min3A_229 = arith.constant dense<0x7F800000> : vector<256xf32>
      %reduce_min3A_230 = vector.multi_reduction <minimumf>, %select_n3A_228, %reduce_min3A_229 [1] : vector<256x532xf32> to vector<256xf32>
      %broadcast_in_dim3A_231 = vector.shape_cast %reduce_min3A_230 : vector<256xf32> to vector<256x1xf32>
      %le3A_232 = vector.broadcast %broadcast_in_dim3A_231 : vector<256x1xf32> to vector<256x532xf32>
      %le3A_233 = arith.cmpf ole, %select_n3A_228, %le3A_232 : vector<256x532xf32>
      %broadcast_in_dim3A_234 = vector.broadcast %while3A : i32 to vector<256x532xi32>
      %select_n3A_235 = arith.select %le3A_233, %concatenate3A_139, %broadcast_in_dim3A_234 : vector<256x532xi1>, vector<256x532xi32>
      %reduce_min3A_236 = arith.constant dense<2147483647> : vector<256xi32>
      %reduce_min3A_237 = vector.multi_reduction <minsi>, %select_n3A_235, %reduce_min3A_236 [1] : vector<256x532xi32> to vector<256xi32>
      %broadcast_in_dim3A_238 = vector.shape_cast %reduce_min3A_237 : vector<256xi32> to vector<256x1xi32>
      %eq3A_239 = vector.broadcast %broadcast_in_dim3A_238 : vector<256x1xi32> to vector<256x532xi32>
      %eq3A_240 = arith.cmpi eq, %concatenate3A_139, %eq3A_239 : vector<256x532xi32>
      %jit3A_241 = arith.constant 2.000000e+38 : f32
      %broadcast_in_dim3A_242 = vector.broadcast %jit3A_241 : f32 to vector<256x532xf32>
      %select_n3A_243 = arith.select %eq3A_240, %broadcast_in_dim3A_242, %select_n3A_228 : vector<256x532xi1>, vector<256x532xf32>
      %reduce_min3A_244 = arith.constant dense<0x7F800000> : vector<256xf32>
      %reduce_min3A_245 = vector.multi_reduction <minimumf>, %select_n3A_243, %reduce_min3A_244 [1] : vector<256x532xf32> to vector<256xf32>
      %broadcast_in_dim3A_246 = vector.shape_cast %reduce_min3A_245 : vector<256xf32> to vector<256x1xf32>
      %le3A_247 = vector.broadcast %broadcast_in_dim3A_246 : vector<256x1xf32> to vector<256x532xf32>
      %le3A_248 = arith.cmpf ole, %select_n3A_243, %le3A_247 : vector<256x532xf32>
      %broadcast_in_dim3A_249 = vector.broadcast %while3A : i32 to vector<256x532xi32>
      %select_n3A_250 = arith.select %le3A_248, %concatenate3A_139, %broadcast_in_dim3A_249 : vector<256x532xi1>, vector<256x532xi32>
      %reduce_min3A_251 = arith.constant dense<2147483647> : vector<256xi32>
      %reduce_min3A_252 = vector.multi_reduction <minsi>, %select_n3A_250, %reduce_min3A_251 [1] : vector<256x532xi32> to vector<256xi32>
      %broadcast_in_dim3A_253 = vector.shape_cast %reduce_min3A_252 : vector<256xi32> to vector<256x1xi32>
      %eq3A_254 = vector.broadcast %broadcast_in_dim3A_253 : vector<256x1xi32> to vector<256x532xi32>
      %eq3A_255 = arith.cmpi eq, %concatenate3A_139, %eq3A_254 : vector<256x532xi32>
      %jit3A_256 = arith.constant 2.000000e+38 : f32
      %broadcast_in_dim3A_257 = vector.broadcast %jit3A_256 : f32 to vector<256x532xf32>
      %select_n3A_258 = arith.select %eq3A_255, %broadcast_in_dim3A_257, %select_n3A_243 : vector<256x532xi1>, vector<256x532xf32>
      %reduce_min3A_259 = arith.constant dense<0x7F800000> : vector<256xf32>
      %reduce_min3A_260 = vector.multi_reduction <minimumf>, %select_n3A_258, %reduce_min3A_259 [1] : vector<256x532xf32> to vector<256xf32>
      %broadcast_in_dim3A_261 = vector.shape_cast %reduce_min3A_260 : vector<256xf32> to vector<256x1xf32>
      %le3A_262 = vector.broadcast %broadcast_in_dim3A_261 : vector<256x1xf32> to vector<256x532xf32>
      %le3A_263 = arith.cmpf ole, %select_n3A_258, %le3A_262 : vector<256x532xf32>
      %broadcast_in_dim3A_264 = vector.broadcast %while3A : i32 to vector<256x532xi32>
      %select_n3A_265 = arith.select %le3A_263, %concatenate3A_139, %broadcast_in_dim3A_264 : vector<256x532xi1>, vector<256x532xi32>
      %reduce_min3A_266 = arith.constant dense<2147483647> : vector<256xi32>
      %reduce_min3A_267 = vector.multi_reduction <minsi>, %select_n3A_265, %reduce_min3A_266 [1] : vector<256x532xi32> to vector<256xi32>
      %broadcast_in_dim3A_268 = vector.shape_cast %reduce_min3A_267 : vector<256xi32> to vector<256x1xi32>
      %eq3A_269 = vector.broadcast %broadcast_in_dim3A_268 : vector<256x1xi32> to vector<256x532xi32>
      %eq3A_270 = arith.cmpi eq, %concatenate3A_139, %eq3A_269 : vector<256x532xi32>
      %jit3A_271 = arith.constant 2.000000e+38 : f32
      %broadcast_in_dim3A_272 = vector.broadcast %jit3A_271 : f32 to vector<256x532xf32>
      %select_n3A_273 = arith.select %eq3A_270, %broadcast_in_dim3A_272, %select_n3A_258 : vector<256x532xi1>, vector<256x532xf32>
      %reduce_min3A_274 = arith.constant dense<0x7F800000> : vector<256xf32>
      %reduce_min3A_275 = vector.multi_reduction <minimumf>, %select_n3A_273, %reduce_min3A_274 [1] : vector<256x532xf32> to vector<256xf32>
      %broadcast_in_dim3A_276 = vector.shape_cast %reduce_min3A_275 : vector<256xf32> to vector<256x1xf32>
      %le3A_277 = vector.broadcast %broadcast_in_dim3A_276 : vector<256x1xf32> to vector<256x532xf32>
      %le3A_278 = arith.cmpf ole, %select_n3A_273, %le3A_277 : vector<256x532xf32>
      %broadcast_in_dim3A_279 = vector.broadcast %while3A : i32 to vector<256x532xi32>
      %select_n3A_280 = arith.select %le3A_278, %concatenate3A_139, %broadcast_in_dim3A_279 : vector<256x532xi1>, vector<256x532xi32>
      %reduce_min3A_281 = arith.constant dense<2147483647> : vector<256xi32>
      %reduce_min3A_282 = vector.multi_reduction <minsi>, %select_n3A_280, %reduce_min3A_281 [1] : vector<256x532xi32> to vector<256xi32>
      %broadcast_in_dim3A_283 = vector.shape_cast %reduce_min3A_282 : vector<256xi32> to vector<256x1xi32>
      %eq3A_284 = vector.broadcast %broadcast_in_dim3A_283 : vector<256x1xi32> to vector<256x532xi32>
      %eq3A_285 = arith.cmpi eq, %concatenate3A_139, %eq3A_284 : vector<256x532xi32>
      %jit3A_286 = arith.constant 2.000000e+38 : f32
      %broadcast_in_dim3A_287 = vector.broadcast %jit3A_286 : f32 to vector<256x532xf32>
      %select_n3A_288 = arith.select %eq3A_285, %broadcast_in_dim3A_287, %select_n3A_273 : vector<256x532xi1>, vector<256x532xf32>
      %reduce_min3A_289 = arith.constant dense<0x7F800000> : vector<256xf32>
      %reduce_min3A_290 = vector.multi_reduction <minimumf>, %select_n3A_288, %reduce_min3A_289 [1] : vector<256x532xf32> to vector<256xf32>
      %broadcast_in_dim3A_291 = vector.shape_cast %reduce_min3A_290 : vector<256xf32> to vector<256x1xf32>
      %le3A_292 = vector.broadcast %broadcast_in_dim3A_291 : vector<256x1xf32> to vector<256x532xf32>
      %le3A_293 = arith.cmpf ole, %select_n3A_288, %le3A_292 : vector<256x532xf32>
      %broadcast_in_dim3A_294 = vector.broadcast %while3A : i32 to vector<256x532xi32>
      %select_n3A_295 = arith.select %le3A_293, %concatenate3A_139, %broadcast_in_dim3A_294 : vector<256x532xi1>, vector<256x532xi32>
      %reduce_min3A_296 = arith.constant dense<2147483647> : vector<256xi32>
      %reduce_min3A_297 = vector.multi_reduction <minsi>, %select_n3A_295, %reduce_min3A_296 [1] : vector<256x532xi32> to vector<256xi32>
      %broadcast_in_dim3A_298 = vector.shape_cast %reduce_min3A_297 : vector<256xi32> to vector<256x1xi32>
      %eq3A_299 = vector.broadcast %broadcast_in_dim3A_298 : vector<256x1xi32> to vector<256x532xi32>
      %eq3A_300 = arith.cmpi eq, %concatenate3A_139, %eq3A_299 : vector<256x532xi32>
      %jit3A_301 = arith.constant 2.000000e+38 : f32
      %broadcast_in_dim3A_302 = vector.broadcast %jit3A_301 : f32 to vector<256x532xf32>
      %select_n3A_303 = arith.select %eq3A_300, %broadcast_in_dim3A_302, %select_n3A_288 : vector<256x532xi1>, vector<256x532xf32>
      %reduce_min3A_304 = arith.constant dense<0x7F800000> : vector<256xf32>
      %reduce_min3A_305 = vector.multi_reduction <minimumf>, %select_n3A_303, %reduce_min3A_304 [1] : vector<256x532xf32> to vector<256xf32>
      %broadcast_in_dim3A_306 = vector.shape_cast %reduce_min3A_305 : vector<256xf32> to vector<256x1xf32>
      %le3A_307 = vector.broadcast %broadcast_in_dim3A_306 : vector<256x1xf32> to vector<256x532xf32>
      %le3A_308 = arith.cmpf ole, %select_n3A_303, %le3A_307 : vector<256x532xf32>
      %broadcast_in_dim3A_309 = vector.broadcast %while3A : i32 to vector<256x532xi32>
      %select_n3A_310 = arith.select %le3A_308, %concatenate3A_139, %broadcast_in_dim3A_309 : vector<256x532xi1>, vector<256x532xi32>
      %reduce_min3A_311 = arith.constant dense<2147483647> : vector<256xi32>
      %reduce_min3A_312 = vector.multi_reduction <minsi>, %select_n3A_310, %reduce_min3A_311 [1] : vector<256x532xi32> to vector<256xi32>
      %broadcast_in_dim3A_313 = vector.shape_cast %reduce_min3A_312 : vector<256xi32> to vector<256x1xi32>
      %eq3A_314 = vector.broadcast %broadcast_in_dim3A_313 : vector<256x1xi32> to vector<256x532xi32>
      %eq3A_315 = arith.cmpi eq, %concatenate3A_139, %eq3A_314 : vector<256x532xi32>
      %jit3A_316 = arith.constant 2.000000e+38 : f32
      %broadcast_in_dim3A_317 = vector.broadcast %jit3A_316 : f32 to vector<256x532xf32>
      %select_n3A_318 = arith.select %eq3A_315, %broadcast_in_dim3A_317, %select_n3A_303 : vector<256x532xi1>, vector<256x532xf32>
      %reduce_min3A_319 = arith.constant dense<0x7F800000> : vector<256xf32>
      %reduce_min3A_320 = vector.multi_reduction <minimumf>, %select_n3A_318, %reduce_min3A_319 [1] : vector<256x532xf32> to vector<256xf32>
      %broadcast_in_dim3A_321 = vector.shape_cast %reduce_min3A_320 : vector<256xf32> to vector<256x1xf32>
      %le3A_322 = vector.broadcast %broadcast_in_dim3A_321 : vector<256x1xf32> to vector<256x532xf32>
      %le3A_323 = arith.cmpf ole, %select_n3A_318, %le3A_322 : vector<256x532xf32>
      %broadcast_in_dim3A_324 = vector.broadcast %while3A : i32 to vector<256x532xi32>
      %select_n3A_325 = arith.select %le3A_323, %concatenate3A_139, %broadcast_in_dim3A_324 : vector<256x532xi1>, vector<256x532xi32>
      %reduce_min3A_326 = arith.constant dense<2147483647> : vector<256xi32>
      %reduce_min3A_327 = vector.multi_reduction <minsi>, %select_n3A_325, %reduce_min3A_326 [1] : vector<256x532xi32> to vector<256xi32>
      %broadcast_in_dim3A_328 = vector.shape_cast %reduce_min3A_327 : vector<256xi32> to vector<256x1xi32>
      %eq3A_329 = vector.broadcast %broadcast_in_dim3A_328 : vector<256x1xi32> to vector<256x532xi32>
      %eq3A_330 = arith.cmpi eq, %concatenate3A_139, %eq3A_329 : vector<256x532xi32>
      %jit3A_331 = arith.constant 2.000000e+38 : f32
      %broadcast_in_dim3A_332 = vector.broadcast %jit3A_331 : f32 to vector<256x532xf32>
      %select_n3A_333 = arith.select %eq3A_330, %broadcast_in_dim3A_332, %select_n3A_318 : vector<256x532xi1>, vector<256x532xf32>
      %reduce_min3A_334 = arith.constant dense<0x7F800000> : vector<256xf32>
      %reduce_min3A_335 = vector.multi_reduction <minimumf>, %select_n3A_333, %reduce_min3A_334 [1] : vector<256x532xf32> to vector<256xf32>
      %broadcast_in_dim3A_336 = vector.shape_cast %reduce_min3A_335 : vector<256xf32> to vector<256x1xf32>
      %le3A_337 = vector.broadcast %broadcast_in_dim3A_336 : vector<256x1xf32> to vector<256x532xf32>
      %le3A_338 = arith.cmpf ole, %select_n3A_333, %le3A_337 : vector<256x532xf32>
      %broadcast_in_dim3A_339 = vector.broadcast %while3A : i32 to vector<256x532xi32>
      %select_n3A_340 = arith.select %le3A_338, %concatenate3A_139, %broadcast_in_dim3A_339 : vector<256x532xi1>, vector<256x532xi32>
      %reduce_min3A_341 = arith.constant dense<2147483647> : vector<256xi32>
      %reduce_min3A_342 = vector.multi_reduction <minsi>, %select_n3A_340, %reduce_min3A_341 [1] : vector<256x532xi32> to vector<256xi32>
      %broadcast_in_dim3A_343 = vector.shape_cast %reduce_min3A_342 : vector<256xi32> to vector<256x1xi32>
      %eq3A_344 = vector.broadcast %broadcast_in_dim3A_343 : vector<256x1xi32> to vector<256x532xi32>
      %eq3A_345 = arith.cmpi eq, %concatenate3A_139, %eq3A_344 : vector<256x532xi32>
      %jit3A_346 = arith.constant 2.000000e+38 : f32
      %broadcast_in_dim3A_347 = vector.broadcast %jit3A_346 : f32 to vector<256x532xf32>
      %select_n3A_348 = arith.select %eq3A_345, %broadcast_in_dim3A_347, %select_n3A_333 : vector<256x532xi1>, vector<256x532xf32>
      %reduce_min3A_349 = arith.constant dense<0x7F800000> : vector<256xf32>
      %reduce_min3A_350 = vector.multi_reduction <minimumf>, %select_n3A_348, %reduce_min3A_349 [1] : vector<256x532xf32> to vector<256xf32>
      %broadcast_in_dim3A_351 = vector.shape_cast %reduce_min3A_350 : vector<256xf32> to vector<256x1xf32>
      %le3A_352 = vector.broadcast %broadcast_in_dim3A_351 : vector<256x1xf32> to vector<256x532xf32>
      %le3A_353 = arith.cmpf ole, %select_n3A_348, %le3A_352 : vector<256x532xf32>
      %broadcast_in_dim3A_354 = vector.broadcast %while3A : i32 to vector<256x532xi32>
      %select_n3A_355 = arith.select %le3A_353, %concatenate3A_139, %broadcast_in_dim3A_354 : vector<256x532xi1>, vector<256x532xi32>
      %reduce_min3A_356 = arith.constant dense<2147483647> : vector<256xi32>
      %reduce_min3A_357 = vector.multi_reduction <minsi>, %select_n3A_355, %reduce_min3A_356 [1] : vector<256x532xi32> to vector<256xi32>
      %broadcast_in_dim3A_358 = vector.shape_cast %reduce_min3A_357 : vector<256xi32> to vector<256x1xi32>
      %eq3A_359 = vector.broadcast %broadcast_in_dim3A_358 : vector<256x1xi32> to vector<256x532xi32>
      %eq3A_360 = arith.cmpi eq, %concatenate3A_139, %eq3A_359 : vector<256x532xi32>
      %jit3A_361 = arith.constant 2.000000e+38 : f32
      %broadcast_in_dim3A_362 = vector.broadcast %jit3A_361 : f32 to vector<256x532xf32>
      %select_n3A_363 = arith.select %eq3A_360, %broadcast_in_dim3A_362, %select_n3A_348 : vector<256x532xi1>, vector<256x532xf32>
      %reduce_min3A_364 = arith.constant dense<0x7F800000> : vector<256xf32>
      %reduce_min3A_365 = vector.multi_reduction <minimumf>, %select_n3A_363, %reduce_min3A_364 [1] : vector<256x532xf32> to vector<256xf32>
      %broadcast_in_dim3A_366 = vector.shape_cast %reduce_min3A_365 : vector<256xf32> to vector<256x1xf32>
      %le3A_367 = vector.broadcast %broadcast_in_dim3A_366 : vector<256x1xf32> to vector<256x532xf32>
      %le3A_368 = arith.cmpf ole, %select_n3A_363, %le3A_367 : vector<256x532xf32>
      %broadcast_in_dim3A_369 = vector.broadcast %while3A : i32 to vector<256x532xi32>
      %select_n3A_370 = arith.select %le3A_368, %concatenate3A_139, %broadcast_in_dim3A_369 : vector<256x532xi1>, vector<256x532xi32>
      %reduce_min3A_371 = arith.constant dense<2147483647> : vector<256xi32>
      %reduce_min3A_372 = vector.multi_reduction <minsi>, %select_n3A_370, %reduce_min3A_371 [1] : vector<256x532xi32> to vector<256xi32>
      %broadcast_in_dim3A_373 = vector.shape_cast %reduce_min3A_372 : vector<256xi32> to vector<256x1xi32>
      %eq3A_374 = vector.broadcast %broadcast_in_dim3A_373 : vector<256x1xi32> to vector<256x532xi32>
      %eq3A_375 = arith.cmpi eq, %concatenate3A_139, %eq3A_374 : vector<256x532xi32>
      %jit3A_376 = arith.constant 2.000000e+38 : f32
      %broadcast_in_dim3A_377 = vector.broadcast %jit3A_376 : f32 to vector<256x532xf32>
      %select_n3A_378 = arith.select %eq3A_375, %broadcast_in_dim3A_377, %select_n3A_363 : vector<256x532xi1>, vector<256x532xf32>
      %reduce_min3A_379 = arith.constant dense<0x7F800000> : vector<256xf32>
      %reduce_min3A_380 = vector.multi_reduction <minimumf>, %select_n3A_378, %reduce_min3A_379 [1] : vector<256x532xf32> to vector<256xf32>
      %broadcast_in_dim3A_381 = vector.shape_cast %reduce_min3A_380 : vector<256xf32> to vector<256x1xf32>
      %le3A_382 = vector.broadcast %broadcast_in_dim3A_381 : vector<256x1xf32> to vector<256x532xf32>
      %le3A_383 = arith.cmpf ole, %select_n3A_378, %le3A_382 : vector<256x532xf32>
      %broadcast_in_dim3A_384 = vector.broadcast %while3A : i32 to vector<256x532xi32>
      %select_n3A_385 = arith.select %le3A_383, %concatenate3A_139, %broadcast_in_dim3A_384 : vector<256x532xi1>, vector<256x532xi32>
      %reduce_min3A_386 = arith.constant dense<2147483647> : vector<256xi32>
      %reduce_min3A_387 = vector.multi_reduction <minsi>, %select_n3A_385, %reduce_min3A_386 [1] : vector<256x532xi32> to vector<256xi32>
      %broadcast_in_dim3A_388 = vector.shape_cast %reduce_min3A_387 : vector<256xi32> to vector<256x1xi32>
      %eq3A_389 = vector.broadcast %broadcast_in_dim3A_388 : vector<256x1xi32> to vector<256x532xi32>
      %eq3A_390 = arith.cmpi eq, %concatenate3A_139, %eq3A_389 : vector<256x532xi32>
      %jit3A_391 = arith.constant 2.000000e+38 : f32
      %broadcast_in_dim3A_392 = vector.broadcast %jit3A_391 : f32 to vector<256x532xf32>
      %select_n3A_393 = arith.select %eq3A_390, %broadcast_in_dim3A_392, %select_n3A_378 : vector<256x532xi1>, vector<256x532xf32>
      %reduce_min3A_394 = arith.constant dense<0x7F800000> : vector<256xf32>
      %reduce_min3A_395 = vector.multi_reduction <minimumf>, %select_n3A_393, %reduce_min3A_394 [1] : vector<256x532xf32> to vector<256xf32>
      %broadcast_in_dim3A_396 = vector.shape_cast %reduce_min3A_395 : vector<256xf32> to vector<256x1xf32>
      %le3A_397 = vector.broadcast %broadcast_in_dim3A_396 : vector<256x1xf32> to vector<256x532xf32>
      %le3A_398 = arith.cmpf ole, %select_n3A_393, %le3A_397 : vector<256x532xf32>
      %broadcast_in_dim3A_399 = vector.broadcast %while3A : i32 to vector<256x532xi32>
      %select_n3A_400 = arith.select %le3A_398, %concatenate3A_139, %broadcast_in_dim3A_399 : vector<256x532xi1>, vector<256x532xi32>
      %reduce_min3A_401 = arith.constant dense<2147483647> : vector<256xi32>
      %reduce_min3A_402 = vector.multi_reduction <minsi>, %select_n3A_400, %reduce_min3A_401 [1] : vector<256x532xi32> to vector<256xi32>
      %broadcast_in_dim3A_403 = vector.shape_cast %reduce_min3A_402 : vector<256xi32> to vector<256x1xi32>
      %eq3A_404 = vector.broadcast %broadcast_in_dim3A_403 : vector<256x1xi32> to vector<256x532xi32>
      %eq3A_405 = arith.cmpi eq, %concatenate3A_139, %eq3A_404 : vector<256x532xi32>
      %jit3A_406 = arith.constant 2.000000e+38 : f32
      %broadcast_in_dim3A_407 = vector.broadcast %jit3A_406 : f32 to vector<256x532xf32>
      %select_n3A_408 = arith.select %eq3A_405, %broadcast_in_dim3A_407, %select_n3A_393 : vector<256x532xi1>, vector<256x532xf32>
      %reduce_min3A_409 = arith.constant dense<0x7F800000> : vector<256xf32>
      %reduce_min3A_410 = vector.multi_reduction <minimumf>, %select_n3A_408, %reduce_min3A_409 [1] : vector<256x532xf32> to vector<256xf32>
      %broadcast_in_dim3A_411 = vector.shape_cast %reduce_min3A_410 : vector<256xf32> to vector<256x1xf32>
      %le3A_412 = vector.broadcast %broadcast_in_dim3A_411 : vector<256x1xf32> to vector<256x532xf32>
      %le3A_413 = arith.cmpf ole, %select_n3A_408, %le3A_412 : vector<256x532xf32>
      %broadcast_in_dim3A_414 = vector.broadcast %while3A : i32 to vector<256x532xi32>
      %select_n3A_415 = arith.select %le3A_413, %concatenate3A_139, %broadcast_in_dim3A_414 : vector<256x532xi1>, vector<256x532xi32>
      %reduce_min3A_416 = arith.constant dense<2147483647> : vector<256xi32>
      %reduce_min3A_417 = vector.multi_reduction <minsi>, %select_n3A_415, %reduce_min3A_416 [1] : vector<256x532xi32> to vector<256xi32>
      %broadcast_in_dim3A_418 = vector.shape_cast %reduce_min3A_417 : vector<256xi32> to vector<256x1xi32>
      %eq3A_419 = vector.broadcast %broadcast_in_dim3A_418 : vector<256x1xi32> to vector<256x532xi32>
      %eq3A_420 = arith.cmpi eq, %concatenate3A_139, %eq3A_419 : vector<256x532xi32>
      %jit3A_421 = arith.constant 2.000000e+38 : f32
      %broadcast_in_dim3A_422 = vector.broadcast %jit3A_421 : f32 to vector<256x532xf32>
      %select_n3A_423 = arith.select %eq3A_420, %broadcast_in_dim3A_422, %select_n3A_408 : vector<256x532xi1>, vector<256x532xf32>
      %reduce_min3A_424 = arith.constant dense<0x7F800000> : vector<256xf32>
      %reduce_min3A_425 = vector.multi_reduction <minimumf>, %select_n3A_423, %reduce_min3A_424 [1] : vector<256x532xf32> to vector<256xf32>
      %broadcast_in_dim3A_426 = vector.shape_cast %reduce_min3A_425 : vector<256xf32> to vector<256x1xf32>
      %le3A_427 = vector.broadcast %broadcast_in_dim3A_426 : vector<256x1xf32> to vector<256x532xf32>
      %le3A_428 = arith.cmpf ole, %select_n3A_423, %le3A_427 : vector<256x532xf32>
      %broadcast_in_dim3A_429 = vector.broadcast %while3A : i32 to vector<256x532xi32>
      %select_n3A_430 = arith.select %le3A_428, %concatenate3A_139, %broadcast_in_dim3A_429 : vector<256x532xi1>, vector<256x532xi32>
      %reduce_min3A_431 = arith.constant dense<2147483647> : vector<256xi32>
      %reduce_min3A_432 = vector.multi_reduction <minsi>, %select_n3A_430, %reduce_min3A_431 [1] : vector<256x532xi32> to vector<256xi32>
      %broadcast_in_dim3A_433 = vector.shape_cast %reduce_min3A_432 : vector<256xi32> to vector<256x1xi32>
      %eq3A_434 = vector.broadcast %broadcast_in_dim3A_433 : vector<256x1xi32> to vector<256x532xi32>
      %eq3A_435 = arith.cmpi eq, %concatenate3A_139, %eq3A_434 : vector<256x532xi32>
      %jit3A_436 = arith.constant 2.000000e+38 : f32
      %broadcast_in_dim3A_437 = vector.broadcast %jit3A_436 : f32 to vector<256x532xf32>
      %select_n3A_438 = arith.select %eq3A_435, %broadcast_in_dim3A_437, %select_n3A_423 : vector<256x532xi1>, vector<256x532xf32>
      %concatenate3A_439 = tpu.concatenate %broadcast_in_dim3A_142, %broadcast_in_dim3A_156, %broadcast_in_dim3A_171, %broadcast_in_dim3A_186, %broadcast_in_dim3A_201, %broadcast_in_dim3A_216, %broadcast_in_dim3A_231, %broadcast_in_dim3A_246, %broadcast_in_dim3A_261, %broadcast_in_dim3A_276, %broadcast_in_dim3A_291, %broadcast_in_dim3A_306, %broadcast_in_dim3A_321, %broadcast_in_dim3A_336, %broadcast_in_dim3A_351, %broadcast_in_dim3A_366, %broadcast_in_dim3A_381, %broadcast_in_dim3A_396, %broadcast_in_dim3A_411, %broadcast_in_dim3A_426 in 1 : vector<256x1xf32>, vector<256x1xf32>, vector<256x1xf32>, vector<256x1xf32>, vector<256x1xf32>, vector<256x1xf32>, vector<256x1xf32>, vector<256x1xf32>, vector<256x1xf32>, vector<256x1xf32>, vector<256x1xf32>, vector<256x1xf32>, vector<256x1xf32>, vector<256x1xf32>, vector<256x1xf32>, vector<256x1xf32>, vector<256x1xf32>, vector<256x1xf32>, vector<256x1xf32>, vector<256x1xf32> -> vector<256x20xf32>
      %concatenate3A_440 = tpu.concatenate %broadcast_in_dim3A_148, %broadcast_in_dim3A_163, %broadcast_in_dim3A_178, %broadcast_in_dim3A_193, %broadcast_in_dim3A_208, %broadcast_in_dim3A_223, %broadcast_in_dim3A_238, %broadcast_in_dim3A_253, %broadcast_in_dim3A_268, %broadcast_in_dim3A_283, %broadcast_in_dim3A_298, %broadcast_in_dim3A_313, %broadcast_in_dim3A_328, %broadcast_in_dim3A_343, %broadcast_in_dim3A_358, %broadcast_in_dim3A_373, %broadcast_in_dim3A_388, %broadcast_in_dim3A_403, %broadcast_in_dim3A_418, %broadcast_in_dim3A_433 in 1 : vector<256x1xi32>, vector<256x1xi32>, vector<256x1xi32>, vector<256x1xi32>, vector<256x1xi32>, vector<256x1xi32>, vector<256x1xi32>, vector<256x1xi32>, vector<256x1xi32>, vector<256x1xi32>, vector<256x1xi32>, vector<256x1xi32>, vector<256x1xi32>, vector<256x1xi32>, vector<256x1xi32>, vector<256x1xi32>, vector<256x1xi32>, vector<256x1xi32>, vector<256x1xi32>, vector<256x1xi32> -> vector<256x20xi32>
      scf.yield %concatenate3A_439, %concatenate3A_440 : vector<256x20xf32>, vector<256x20xi32>
    }
    %min3A = arith.constant 8191 : i32
    %min3A_97 = vector.broadcast %min3A : i32 to vector<256x20xi32>
    %min3A_98 = arith.minsi %while3A_96#1, %min3A_97 : vector<256x20xi32>
    %slice3A = vector.extract_strided_slice %min3A_98 {offsets = [0, 0], sizes = [256, 12], strides = [1, 1]} : vector<256x20xi32> to vector<256x12xi32>
    %concatenate3A = tpu.concatenate %min3A_98, %slice3A in 1 : vector<256x20xi32>, vector<256x12xi32> -> vector<256x32xi32>
    %swap3A = arith.constant 0 : index
    %swap3A_99 = arith.constant 0 : index
    %swap3A_100 = vector.load %arg8[%swap3A, %swap3A_99] : memref<256x32xi32, #tpu.memory_space<vmem>>, vector<256x32xi32>
    tpu.vector_store %arg8[%swap3A, %swap3A_99], %concatenate3A {strides = array<i32>} : memref<256x32xi32, #tpu.memory_space<vmem>>, vector<256x32xi32>,
    return
  }
  func.func @transform_0(%arg0: i32) -> (i32, i32) {
    %c0_i32 = arith.constant 0 : i32
    %c0_i32_0 = arith.constant 0 : i32
    return %arg0, %c0_i32 : i32, i32
  }
  func.func @transform_1(%arg0: i32) -> (i32, i32) {
    %c0_i32 = arith.constant 0 : i32
    %c0_i32_0 = arith.constant 0 : i32
    return %arg0, %c0_i32 : i32, i32
  }
  func.func @transform_2(%arg0: i32) -> (i32, i32) {
    %c0_i32 = arith.constant 0 : i32
    %c0_i32_0 = arith.constant 0 : i32
    return %arg0, %c0_i32 : i32, i32
  }
  func.func @transform_3(%arg0: i32) -> (i32, i32) {
    %c0_i32 = arith.constant 0 : i32
    %c0_i32_0 = arith.constant 0 : i32
    %c0_i32_1 = arith.constant 0 : i32
    return %c0_i32, %c0_i32_0 : i32, i32
  }
  func.func @transform_4(%arg0: i32) -> (i32, i32) {
    %c0_i32 = arith.constant 0 : i32
    %c0_i32_0 = arith.constant 0 : i32
    %c0_i32_1 = arith.constant 0 : i32
    return %c0_i32, %c0_i32_0 : i32, i32
  }
  func.func @transform_5(%arg0: i32) -> (i32, i32, i32) {
    %c0_i32 = arith.constant 0 : i32
    %c0_i32_0 = arith.constant 0 : i32
    %c0_i32_1 = arith.constant 0 : i32
    %c0_i32_2 = arith.constant 0 : i32
    return %c0_i32, %c0_i32_0, %c0_i32_1 : i32, i32, i32
  }
  func.func @transform_6(%arg0: i32) -> (i32, i32, i32) {
    %c0_i32 = arith.constant 0 : i32
    %c0_i32_0 = arith.constant 0 : i32
    %c0_i32_1 = arith.constant 0 : i32
    %c0_i32_2 = arith.constant 0 : i32
    return %c0_i32, %c0_i32_0, %c0_i32_1 : i32, i32, i32
  }
  func.func @transform_7(%arg0: i32) -> (i32, i32) {
    %c0_i32 = arith.constant 0 : i32
    %c0_i32_0 = arith.constant 0 : i32
    return %arg0, %c0_i32 : i32, i32
  }
}

module attributes {stable_mosaic.version = 14 : i64} {
  func.func @_l1_body(%arg0: i32, %arg1: memref<256x64xf32, #tpu.memory_space<vmem>>, %arg2: memref<256x20x128xf32, #tpu.memory_space<vmem>>, %arg3: memref<256x1xi32, #tpu.memory_space<vmem>>, %arg4: memref<128x128xf32, #tpu.memory_space<vmem>>, %arg5: memref<1x128xf32, #tpu.memory_space<vmem>>, %arg6: memref<192x1024xf32, #tpu.memory_space<vmem>>, %arg7: memref<1x1024xf32, #tpu.memory_space<vmem>>, %arg8: memref<1024x512xf32, #tpu.memory_space<vmem>>, %arg9: memref<1x512xf32, #tpu.memory_space<vmem>>, %arg10: memref<512x256xf32, #tpu.memory_space<vmem>>, %arg11: memref<1x256xf32, #tpu.memory_space<vmem>>, %arg12: memref<256x40xf32, #tpu.memory_space<vmem>>, %arg13: memref<1x40xf32, #tpu.memory_space<vmem>>, %arg14: memref<16x40xf32, #tpu.memory_space<vmem>>, %arg15: memref<16x1024xf32, #tpu.memory_space<vmem>>) attributes {dimension_semantics = [#tpu.dimension_semantics<arbitrary>], iteration_bounds = array<i64: 32>, scalar_prefetch = 0 : i64, scratch_operands = 1 : i64, tpu.core_type = #tpu.core_type<tc>, window_params = [{transform_indices = @transform_0, window_bounds = array<i64: 256, 64>}, {transform_indices = @transform_1, window_bounds = array<i64: 256, 20, 128>}, {transform_indices = @transform_2, window_bounds = array<i64: 256, 1>}, {pipeline_mode = #tpu.pipeline_mode<synchronous>, transform_indices = @transform_3, window_bounds = array<i64: 128, 128>}, {pipeline_mode = #tpu.pipeline_mode<synchronous>, transform_indices = @transform_4, window_bounds = array<i64: 1, 128>}, {pipeline_mode = #tpu.pipeline_mode<synchronous>, transform_indices = @transform_5, window_bounds = array<i64: 192, 1024>}, {pipeline_mode = #tpu.pipeline_mode<synchronous>, transform_indices = @transform_6, window_bounds = array<i64: 1, 1024>}, {pipeline_mode = #tpu.pipeline_mode<synchronous>, transform_indices = @transform_7, window_bounds = array<i64: 1024, 512>}, {pipeline_mode = #tpu.pipeline_mode<synchronous>, transform_indices = @transform_8, window_bounds = array<i64: 1, 512>}, {pipeline_mode = #tpu.pipeline_mode<synchronous>, transform_indices = @transform_9, window_bounds = array<i64: 512, 256>}, {pipeline_mode = #tpu.pipeline_mode<synchronous>, transform_indices = @transform_10, window_bounds = array<i64: 1, 256>}, {pipeline_mode = #tpu.pipeline_mode<synchronous>, transform_indices = @transform_11, window_bounds = array<i64: 256, 40>}, {pipeline_mode = #tpu.pipeline_mode<synchronous>, transform_indices = @transform_12, window_bounds = array<i64: 1, 40>}, {pipeline_mode = #tpu.pipeline_mode<synchronous>, transform_indices = @transform_13, window_bounds = array<i64: 16, 40>}]} {
    %get3A = arith.constant 0 : index
    %get3A_0 = arith.constant 0 : index
    %get3A_1 = vector.load %arg1[%get3A, %get3A_0] : memref<256x64xf32, #tpu.memory_space<vmem>>, vector<256x64xf32>
    %get3A_2 = arith.constant 0 : index
    %get3A_3 = arith.constant 0 : index
    %get3A_4 = vector.load %arg4[%get3A_2, %get3A_3] : memref<128x128xf32, #tpu.memory_space<vmem>>, vector<64x128xf32>
    %convert_element_type3A = arith.truncf %get3A_1 : vector<256x64xf32> to vector<256x64xbf16>
    %convert_element_type3A_5 = arith.truncf %get3A_4 : vector<64x128xf32> to vector<64x128xbf16>
    %dot_general3A = arith.constant dense<0.000000e+00> : vector<256x128xf32>
    %dot_general3A_6 = tpu.matmul %convert_element_type3A, %convert_element_type3A_5, %dot_general3A {dimension_numbers = #tpu.dot_dimension_numbers<[1], [0], [0], [1], [0, 0, 1, 1], [], []>, transpose_lhs_hint = false} : vector<256x64xbf16>, vector<64x128xbf16>, vector<256x128xf32> -> vector<256x128xf32>
    %get3A_7 = arith.constant 0 : index
    %get3A_8 = arith.constant 0 : index
    %get3A_9 = vector.load %arg5[%get3A_7, %get3A_8] : memref<1x128xf32, #tpu.memory_space<vmem>>, vector<1x128xf32>
    %add3A = vector.broadcast %get3A_9 : vector<1x128xf32> to vector<256x128xf32>
    %add3A_10 = arith.addf %dot_general3A_6, %add3A : vector<256x128xf32>
    %get3A_11 = arith.constant 0 : index
    %get3A_12 = arith.constant 0 : index
    %get3A_13 = arith.constant 0 : index
    %get3A_14 = vector.load %arg2[%get3A_11, %get3A_12, %get3A_13] : memref<256x20x128xf32, #tpu.memory_space<vmem>>, vector<256x20x128xf32>
    %slice3A = vector.extract_strided_slice %get3A_14 {offsets = [0, 0, 0], sizes = [256, 20, 64], strides = [1, 1, 1]} : vector<256x20x128xf32> to vector<256x20x64xf32>
    %broadcast_in_dim3A = vector.shape_cast %get3A_1 : vector<256x64xf32> to vector<256x1x64xf32>
    %sub3A = vector.broadcast %broadcast_in_dim3A : vector<256x1x64xf32> to vector<256x20x64xf32>
    %sub3A_15 = arith.subf %slice3A, %sub3A : vector<256x20x64xf32>
    %reshape3A = vector.shape_cast %sub3A_15 : vector<256x20x64xf32> to vector<5120x64xf32>
    %get3A_16 = arith.constant 64 : index
    %get3A_17 = arith.constant 0 : index
    %get3A_18 = vector.load %arg4[%get3A_16, %get3A_17] : memref<128x128xf32, #tpu.memory_space<vmem>>, vector<64x128xf32>
    %convert_element_type3A_19 = arith.truncf %reshape3A : vector<5120x64xf32> to vector<5120x64xbf16>
    %convert_element_type3A_20 = arith.truncf %get3A_18 : vector<64x128xf32> to vector<64x128xbf16>
    %dot_general3A_21 = arith.constant dense<0.000000e+00> : vector<5120x128xf32>
    %dot_general3A_22 = tpu.matmul %convert_element_type3A_19, %convert_element_type3A_20, %dot_general3A_21 {dimension_numbers = #tpu.dot_dimension_numbers<[1], [0], [0], [1], [0, 0, 1, 1], [], []>, transpose_lhs_hint = false} : vector<5120x64xbf16>, vector<64x128xbf16>, vector<5120x128xf32> -> vector<5120x128xf32>
    %reshape3A_23 = vector.shape_cast %dot_general3A_22 : vector<5120x128xf32> to vector<256x20x128xf32>
    %reduce_max3A = arith.constant dense<0xFF800000> : vector<256x128xf32>
    %reduce_max3A_24 = vector.multi_reduction <maximumf>, %reshape3A_23, %reduce_max3A [1] : vector<256x20x128xf32> to vector<256x128xf32>
    %add3A_25 = arith.addf %add3A_10, %reduce_max3A_24 : vector<256x128xf32>
    %get3A_26 = arith.constant 0 : index
    %get3A_27 = arith.constant 0 : index
    %get3A_28 = vector.load %arg6[%get3A_26, %get3A_27] : memref<192x1024xf32, #tpu.memory_space<vmem>>, vector<64x1024xf32>
    %convert_element_type3A_29 = arith.truncf %get3A_1 : vector<256x64xf32> to vector<256x64xbf16>
    %convert_element_type3A_30 = arith.truncf %get3A_28 : vector<64x1024xf32> to vector<64x1024xbf16>
    %dot_general3A_31 = arith.constant dense<0.000000e+00> : vector<256x1024xf32>
    %dot_general3A_32 = tpu.matmul %convert_element_type3A_29, %convert_element_type3A_30, %dot_general3A_31 {dimension_numbers = #tpu.dot_dimension_numbers<[1], [0], [0], [1], [0, 0, 1, 1], [], []>, transpose_lhs_hint = false} : vector<256x64xbf16>, vector<64x1024xbf16>, vector<256x1024xf32> -> vector<256x1024xf32>
    %get3A_33 = arith.constant 64 : index
    %get3A_34 = arith.constant 0 : index
    %get3A_35 = vector.load %arg6[%get3A_33, %get3A_34] : memref<192x1024xf32, #tpu.memory_space<vmem>>, vector<128x1024xf32>
    %convert_element_type3A_36 = arith.truncf %add3A_25 : vector<256x128xf32> to vector<256x128xbf16>
    %convert_element_type3A_37 = arith.truncf %get3A_35 : vector<128x1024xf32> to vector<128x1024xbf16>
    %dot_general3A_38 = arith.constant dense<0.000000e+00> : vector<256x1024xf32>
    %dot_general3A_39 = tpu.matmul %convert_element_type3A_36, %convert_element_type3A_37, %dot_general3A_38 {dimension_numbers = #tpu.dot_dimension_numbers<[1], [0], [0], [1], [0, 0, 1, 1], [], []>, transpose_lhs_hint = false} : vector<256x128xbf16>, vector<128x1024xbf16>, vector<256x1024xf32> -> vector<256x1024xf32>
    %add3A_40 = arith.addf %dot_general3A_32, %dot_general3A_39 : vector<256x1024xf32>
    %get3A_41 = arith.constant 0 : index
    %get3A_42 = arith.constant 0 : index
    %get3A_43 = vector.load %arg7[%get3A_41, %get3A_42] : memref<1x1024xf32, #tpu.memory_space<vmem>>, vector<1x1024xf32>
    %add3A_44 = vector.broadcast %get3A_43 : vector<1x1024xf32> to vector<256x1024xf32>
    %add3A_45 = arith.addf %add3A_40, %add3A_44 : vector<256x1024xf32>
    %eq3A = arith.constant 0 : i32
    %eq3A_46 = arith.cmpi eq, %arg0, %eq3A : i32
    %convert_element_type3A_47 = arith.extui %eq3A_46 : i1 to i32
    %cond3A = arith.constant 0 : i32
    %cond3A_48 = arith.cmpi ne, %convert_element_type3A_47, %cond3A : i32
    scf.if %cond3A_48 {
      %broadcast_in_dim3A_78 = arith.constant 0xFF800000 : f32
      %broadcast_in_dim3A_79 = vector.broadcast %broadcast_in_dim3A_78 : f32 to vector<16x1024xf32>
      %swap3A = arith.constant 0 : index
      %swap3A_80 = arith.constant 0 : index
      %swap3A_81 = vector.load %arg15[%swap3A, %swap3A_80] : memref<16x1024xf32, #tpu.memory_space<vmem>>, vector<16x1024xf32>
      tpu.vector_store %arg15[%swap3A, %swap3A_80], %broadcast_in_dim3A_79 {strides = array<i32>} : memref<16x1024xf32, #tpu.memory_space<vmem>>, vector<16x1024xf32>,
    } else {
    }
    %get3A_49 = arith.constant 0 : index
    %get3A_50 = arith.constant 0 : index
    %get3A_51 = vector.load %arg3[%get3A_49, %get3A_50] : memref<256x1xi32, #tpu.memory_space<vmem>>, vector<256x1xi32>
    %reduce_min3A = vector.shape_cast %get3A_51 : vector<256x1xi32> to vector<1x256x1xi32>
    %reduce_min3A_52 = arith.constant dense<2147483647> : vector<1xi32>
    %reduce_min3A_53 = vector.multi_reduction <minsi>, %reduce_min3A, %reduce_min3A_52 [1, 2] : vector<1x256x1xi32> to vector<1xi32>
    %reduce_min3A_54 = vector.shape_cast %reduce_min3A_53 : vector<1xi32> to vector<1x1x1xi32>
    %reduce_min3A_55 = vector.extract %reduce_min3A_54[0, 0, 0] : i32 from vector<1x1x1xi32>
    %reduce_max3A_56 = vector.shape_cast %get3A_51 : vector<256x1xi32> to vector<1x256x1xi32>
    %reduce_max3A_57 = arith.constant dense<-2147483648> : vector<1xi32>
    %reduce_max3A_58 = vector.multi_reduction <maxsi>, %reduce_max3A_56, %reduce_max3A_57 [1, 2] : vector<1x256x1xi32> to vector<1xi32>
    %reduce_max3A_59 = vector.shape_cast %reduce_max3A_58 : vector<1xi32> to vector<1x1x1xi32>
    %reduce_max3A_60 = vector.extract %reduce_max3A_59[0, 0, 0] : i32 from vector<1x1x1xi32>
    %add3A_61 = arith.constant 1 : i32
    %add3A_62 = arith.addi %reduce_max3A_60, %add3A_61 : i32
    %while3A = arith.constant 0 : i32
    %while3A_63 = arith.subi %add3A_62, %reduce_min3A_55 : i32
    %while3A_64 = arith.addi %reduce_min3A_55, %while3A_63 : i32
    %while3A_65 = arith.constant 1 : i32
    %while3A_66 = arith.divsi %while3A_63, %while3A_65 : i32
    %while3A_67 = arith.muli %while3A_66, %while3A_65 : i32
    %while3A_68 = arith.addi %reduce_min3A_55, %while3A_67 : i32
    %while3A_69 = arith.constant 1 : i32
    %while3A_70 = scf.for %while3A_78 = %reduce_min3A_55 to %while3A_68 step %while3A_69 iter_args(%while3A_79 = %while3A) -> (i32)  : i32 {
      %eq3A_80 = vector.broadcast %while3A_78 : i32 to vector<256x1xi32>
      %eq3A_81 = arith.cmpi eq, %get3A_51, %eq3A_80 : vector<256x1xi32>
      %jit3A = arith.constant 0xFF800000 : f32
      %broadcast_in_dim3A_82 = vector.shape_cast %eq3A_81 : vector<256x1xi1> to vector<256x1xi1>
      %broadcast_in_dim3A_83 = vector.broadcast %broadcast_in_dim3A_82 : vector<256x1xi1> to vector<256x1024xi1>
      %broadcast_in_dim3A_84 = vector.broadcast %jit3A : f32 to vector<256x1024xf32>
      %select_n3A = arith.select %broadcast_in_dim3A_83, %add3A_45, %broadcast_in_dim3A_84 : vector<256x1024xi1>, vector<256x1024xf32>
      %reduce_max3A_85 = arith.constant dense<0xFF800000> : vector<1024xf32>
      %reduce_max3A_86 = vector.multi_reduction <maximumf>, %select_n3A, %reduce_max3A_85 [0] : vector<256x1024xf32> to vector<1024xf32>
      %broadcast_in_dim3A_87 = vector.shape_cast %reduce_max3A_86 : vector<1024xf32> to vector<1x1024xf32>
      %get3A_88 = arith.index_cast %while3A_78 : i32 to index
      %get3A_89 = arith.constant 0 : index
      %get3A_90 = vector.load %arg15[%get3A_88, %get3A_89] : memref<16x1024xf32, #tpu.memory_space<vmem>>, vector<1x1024xf32>
      %max3A = arith.maximumf %get3A_90, %broadcast_in_dim3A_87 : vector<1x1024xf32>
      %swap3A = arith.index_cast %while3A_78 : i32 to index
      %swap3A_91 = arith.constant 0 : index
      %swap3A_92 = vector.load %arg15[%swap3A, %swap3A_91] : memref<16x1024xf32, #tpu.memory_space<vmem>>, vector<1x1024xf32>
      tpu.vector_store %arg15[%swap3A, %swap3A_91], %max3A {strides = array<i32>} : memref<16x1024xf32, #tpu.memory_space<vmem>>, vector<1x1024xf32>,
      %while3A_93 = arith.constant 0 : i32
      scf.yield %while3A_93 : i32
    }
    %while3A_71 = arith.constant 1 : i32
    %while3A_72 = scf.for %while3A_78 = %while3A_68 to %while3A_64 step %while3A_71 iter_args(%while3A_79 = %while3A_70) -> (i32)  : i32 {
      %eq3A_80 = vector.broadcast %while3A_78 : i32 to vector<256x1xi32>
      %eq3A_81 = arith.cmpi eq, %get3A_51, %eq3A_80 : vector<256x1xi32>
      %jit3A = arith.constant 0xFF800000 : f32
      %broadcast_in_dim3A_82 = vector.shape_cast %eq3A_81 : vector<256x1xi1> to vector<256x1xi1>
      %broadcast_in_dim3A_83 = vector.broadcast %broadcast_in_dim3A_82 : vector<256x1xi1> to vector<256x1024xi1>
      %broadcast_in_dim3A_84 = vector.broadcast %jit3A : f32 to vector<256x1024xf32>
      %select_n3A = arith.select %broadcast_in_dim3A_83, %add3A_45, %broadcast_in_dim3A_84 : vector<256x1024xi1>, vector<256x1024xf32>
      %reduce_max3A_85 = arith.constant dense<0xFF800000> : vector<1024xf32>
      %reduce_max3A_86 = vector.multi_reduction <maximumf>, %select_n3A, %reduce_max3A_85 [0] : vector<256x1024xf32> to vector<1024xf32>
      %broadcast_in_dim3A_87 = vector.shape_cast %reduce_max3A_86 : vector<1024xf32> to vector<1x1024xf32>
      %get3A_88 = arith.index_cast %while3A_78 : i32 to index
      %get3A_89 = arith.constant 0 : index
      %get3A_90 = vector.load %arg15[%get3A_88, %get3A_89] : memref<16x1024xf32, #tpu.memory_space<vmem>>, vector<1x1024xf32>
      %max3A = arith.maximumf %get3A_90, %broadcast_in_dim3A_87 : vector<1x1024xf32>
      %swap3A = arith.index_cast %while3A_78 : i32 to index
      %swap3A_91 = arith.constant 0 : index
      %swap3A_92 = vector.load %arg15[%swap3A, %swap3A_91] : memref<16x1024xf32, #tpu.memory_space<vmem>>, vector<1x1024xf32>
      tpu.vector_store %arg15[%swap3A, %swap3A_91], %max3A {strides = array<i32>} : memref<16x1024xf32, #tpu.memory_space<vmem>>, vector<1x1024xf32>,
      %while3A_93 = arith.constant 0 : i32
      scf.yield %while3A_93 : i32
    }
    %eq3A_73 = arith.constant 31 : i32
    %eq3A_74 = arith.cmpi eq, %arg0, %eq3A_73 : i32
    %convert_element_type3A_75 = arith.extui %eq3A_74 : i1 to i32
    %cond3A_76 = arith.constant 0 : i32
    %cond3A_77 = arith.cmpi ne, %convert_element_type3A_75, %cond3A_76 : i32
    scf.if %cond3A_77 {
      %get3A_78 = arith.constant 0 : index
      %get3A_79 = arith.constant 0 : index
      %get3A_80 = vector.load %arg15[%get3A_78, %get3A_79] : memref<16x1024xf32, #tpu.memory_space<vmem>>, vector<16x1024xf32>
      %get3A_81 = arith.constant 0 : index
      %get3A_82 = arith.constant 0 : index
      %get3A_83 = vector.load %arg8[%get3A_81, %get3A_82] : memref<1024x512xf32, #tpu.memory_space<vmem>>, vector<1024x512xf32>
      %convert_element_type3A_84 = arith.truncf %get3A_80 : vector<16x1024xf32> to vector<16x1024xbf16>
      %convert_element_type3A_85 = arith.truncf %get3A_83 : vector<1024x512xf32> to vector<1024x512xbf16>
      %dot_general3A_86 = arith.constant dense<0.000000e+00> : vector<16x512xf32>
      %dot_general3A_87 = tpu.matmul %convert_element_type3A_84, %convert_element_type3A_85, %dot_general3A_86 {dimension_numbers = #tpu.dot_dimension_numbers<[1], [0], [0], [1], [0, 0, 1, 1], [], []>, transpose_lhs_hint = false} : vector<16x1024xbf16>, vector<1024x512xbf16>, vector<16x512xf32> -> vector<16x512xf32>
      %get3A_88 = arith.constant 0 : index
      %get3A_89 = arith.constant 0 : index
      %get3A_90 = vector.load %arg9[%get3A_88, %get3A_89] : memref<1x512xf32, #tpu.memory_space<vmem>>, vector<1x512xf32>
      %add3A_91 = vector.broadcast %get3A_90 : vector<1x512xf32> to vector<16x512xf32>
      %add3A_92 = arith.addf %dot_general3A_87, %add3A_91 : vector<16x512xf32>
      %get3A_93 = arith.constant 0 : index
      %get3A_94 = arith.constant 0 : index
      %get3A_95 = vector.load %arg10[%get3A_93, %get3A_94] : memref<512x256xf32, #tpu.memory_space<vmem>>, vector<512x256xf32>
      %convert_element_type3A_96 = arith.truncf %add3A_92 : vector<16x512xf32> to vector<16x512xbf16>
      %convert_element_type3A_97 = arith.truncf %get3A_95 : vector<512x256xf32> to vector<512x256xbf16>
      %dot_general3A_98 = arith.constant dense<0.000000e+00> : vector<16x256xf32>
      %dot_general3A_99 = tpu.matmul %convert_element_type3A_96, %convert_element_type3A_97, %dot_general3A_98 {dimension_numbers = #tpu.dot_dimension_numbers<[1], [0], [0], [1], [0, 0, 1, 1], [], []>, transpose_lhs_hint = false} : vector<16x512xbf16>, vector<512x256xbf16>, vector<16x256xf32> -> vector<16x256xf32>
      %get3A_100 = arith.constant 0 : index
      %get3A_101 = arith.constant 0 : index
      %get3A_102 = vector.load %arg11[%get3A_100, %get3A_101] : memref<1x256xf32, #tpu.memory_space<vmem>>, vector<1x256xf32>
      %add3A_103 = vector.broadcast %get3A_102 : vector<1x256xf32> to vector<16x256xf32>
      %add3A_104 = arith.addf %dot_general3A_99, %add3A_103 : vector<16x256xf32>
      %get3A_105 = arith.constant 0 : index
      %get3A_106 = arith.constant 0 : index
      %get3A_107 = vector.load %arg12[%get3A_105, %get3A_106] : memref<256x40xf32, #tpu.memory_space<vmem>>, vector<256x40xf32>
      %convert_element_type3A_108 = arith.truncf %add3A_104 : vector<16x256xf32> to vector<16x256xbf16>
      %convert_element_type3A_109 = arith.truncf %get3A_107 : vector<256x40xf32> to vector<256x40xbf16>
      %dot_general3A_110 = arith.constant dense<0.000000e+00> : vector<16x40xf32>
      %dot_general3A_111 = tpu.matmul %convert_element_type3A_108, %convert_element_type3A_109, %dot_general3A_110 {dimension_numbers = #tpu.dot_dimension_numbers<[1], [0], [0], [1], [0, 0, 1, 1], [], []>, transpose_lhs_hint = false} : vector<16x256xbf16>, vector<256x40xbf16>, vector<16x40xf32> -> vector<16x40xf32>
      %get3A_112 = arith.constant 0 : index
      %get3A_113 = arith.constant 0 : index
      %get3A_114 = vector.load %arg13[%get3A_112, %get3A_113] : memref<1x40xf32, #tpu.memory_space<vmem>>, vector<1x40xf32>
      %add3A_115 = vector.broadcast %get3A_114 : vector<1x40xf32> to vector<16x40xf32>
      %add3A_116 = arith.addf %dot_general3A_111, %add3A_115 : vector<16x40xf32>
      %swap3A = arith.constant 0 : index
      %swap3A_117 = arith.constant 0 : index
      %swap3A_118 = vector.load %arg14[%swap3A, %swap3A_117] : memref<16x40xf32, #tpu.memory_space<vmem>>, vector<16x40xf32>
      tpu.vector_store %arg14[%swap3A, %swap3A_117], %add3A_116 {strides = array<i32>} : memref<16x40xf32, #tpu.memory_space<vmem>>, vector<16x40xf32>,
    } else {
    }
    return
  }
  func.func @transform_0(%arg0: i32) -> (i32, i32) {
    %c0_i32 = arith.constant 0 : i32
    %c0_i32_0 = arith.constant 0 : i32
    return %arg0, %c0_i32 : i32, i32
  }
  func.func @transform_1(%arg0: i32) -> (i32, i32, i32) {
    %c0_i32 = arith.constant 0 : i32
    %c0_i32_0 = arith.constant 0 : i32
    %c0_i32_1 = arith.constant 0 : i32
    return %arg0, %c0_i32, %c0_i32_0 : i32, i32, i32
  }
  func.func @transform_2(%arg0: i32) -> (i32, i32) {
    %c0_i32 = arith.constant 0 : i32
    %c0_i32_0 = arith.constant 0 : i32
    return %arg0, %c0_i32 : i32, i32
  }
  func.func @transform_3(%arg0: i32) -> (i32, i32) {
    %c0_i32 = arith.constant 0 : i32
    %c0_i32_0 = arith.constant 0 : i32
    %c0_i32_1 = arith.constant 0 : i32
    return %c0_i32, %c0_i32_0 : i32, i32
  }
  func.func @transform_4(%arg0: i32) -> (i32, i32) {
    %c0_i32 = arith.constant 0 : i32
    %c0_i32_0 = arith.constant 0 : i32
    %c0_i32_1 = arith.constant 0 : i32
    return %c0_i32, %c0_i32_0 : i32, i32
  }
  func.func @transform_5(%arg0: i32) -> (i32, i32) {
    %c0_i32 = arith.constant 0 : i32
    %c0_i32_0 = arith.constant 0 : i32
    %c0_i32_1 = arith.constant 0 : i32
    return %c0_i32, %c0_i32_0 : i32, i32
  }
  func.func @transform_6(%arg0: i32) -> (i32, i32) {
    %c0_i32 = arith.constant 0 : i32
    %c0_i32_0 = arith.constant 0 : i32
    %c0_i32_1 = arith.constant 0 : i32
    return %c0_i32, %c0_i32_0 : i32, i32
  }
  func.func @transform_7(%arg0: i32) -> (i32, i32) {
    %c0_i32 = arith.constant 0 : i32
    %c0_i32_0 = arith.constant 0 : i32
    %c0_i32_1 = arith.constant 0 : i32
    return %c0_i32, %c0_i32_0 : i32, i32
  }
  func.func @transform_8(%arg0: i32) -> (i32, i32) {
    %c0_i32 = arith.constant 0 : i32
    %c0_i32_0 = arith.constant 0 : i32
    %c0_i32_1 = arith.constant 0 : i32
    return %c0_i32, %c0_i32_0 : i32, i32
  }
  func.func @transform_9(%arg0: i32) -> (i32, i32) {
    %c0_i32 = arith.constant 0 : i32
    %c0_i32_0 = arith.constant 0 : i32
    %c0_i32_1 = arith.constant 0 : i32
    return %c0_i32, %c0_i32_0 : i32, i32
  }
  func.func @transform_10(%arg0: i32) -> (i32, i32) {
    %c0_i32 = arith.constant 0 : i32
    %c0_i32_0 = arith.constant 0 : i32
    %c0_i32_1 = arith.constant 0 : i32
    return %c0_i32, %c0_i32_0 : i32, i32
  }
  func.func @transform_11(%arg0: i32) -> (i32, i32) {
    %c0_i32 = arith.constant 0 : i32
    %c0_i32_0 = arith.constant 0 : i32
    %c0_i32_1 = arith.constant 0 : i32
    return %c0_i32, %c0_i32_0 : i32, i32
  }
  func.func @transform_12(%arg0: i32) -> (i32, i32) {
    %c0_i32 = arith.constant 0 : i32
    %c0_i32_0 = arith.constant 0 : i32
    %c0_i32_1 = arith.constant 0 : i32
    return %c0_i32, %c0_i32_0 : i32, i32
  }
  func.func @transform_13(%arg0: i32) -> (i32, i32) {
    %c0_i32 = arith.constant 0 : i32
    %c0_i32_0 = arith.constant 0 : i32
    %c0_i32_1 = arith.constant 0 : i32
    return %c0_i32, %c0_i32_0 : i32, i32
  }
}

</mosaic_0001>

<sc_bundles>
// kernel: kernel.11.cloned.1.call-start
scs
__scs_entry_jumppad:
0x0: {  	(pc) =	sbr.rel $0x88, $3  }
0x1: {  	(tag) =	ssettag $0x0;
	lr =	simm.s32 $0x1  }
0x2: {  	[smem:$0x3F8B] =	sst lr;
	_ =	strace $0xD0000000  }
0x3: {  	_ = 	snop  }
0x4: {  	_ = 	snop  }
0x5: {  	_ = 	snop  }
0x6: {  	_ = 	snop  }
0x7: {  	_ = 	snop  }
__scs_overlays_trampoline_lowered:
0x8: {  	[smem:$0x3F9A] =	sst s0  }
0x9: {  	[smem:$0x3F9B] =	sst s1  }
0xa: {  	[smem:$0x3F9C] =	sst s2  }
0xb: {  	[smem:$0x3F9D] =	sst s3  }
0xc: {  	[smem:$0x3F9E] =	sst s4  }
0xd: {  	[smem:$0x3F9F] =	sst s5  }
0xe: {  	[smem:$0x3FA0] =	sst s6  }
0xf: {  	[smem:$0x3FA1] =	sst s7  }
0x10: {  	[smem:$0x3FA2] =	sst s8  }
0x11: {  	[smem:$0x3FA3] =	sst s9;
	s0 =	simm.s32 @!p0 $0x0  }
0x12: {  	s1 =	sld [smem:$0x3F89];
	s0 =	simm.s32 @p0 $0x1  }
0x13: {  	[smem:$0x3FA4] =	sst s0;
	s0 =	simm.s32 @!p1 $0x0  }
0x14: {  	s2 =	sld [smem:$0x3F88];
	s0 =	simm.s32 @p1 $0x1  }
0x15: {  	[smem:$0x3FA5] =	sst s0;
	s0 =	simm.s32 @!p2 $0x0  }
0x16: {  	s3 =	sld [smem:$0x3FDB];
	s0 =	simm.s32 @p2 $0x1  }
0x17: {  	s4 =	simm.s32 $0x1BF5;
	[smem:$0x3FA7] =	sst s0  }
0x18: {  	s0 =	sld [smem:$0x3F8A];
	_ =	swait.ge [sflag:s4], $0x0  }
0x19: {  	s7 =	sld [smem:$0x3F8B]  }
0x1a: {  	s8 =	sadd.s32 $0xFFFFE003, lr  }
0x1b: {  	s9 =	sadd.s32 $0xFFFFFEF7, lr;
	s5 =	simm.s32 $0xFFFFFFFF;
	p2 =	slt.u32 s8, $0xFFFFF086  }
0x1c: {  	p1 =	slt.u32 s9, $0xF7A;
	s5 =	simm.s32 @!p2 $0x0  }
0x1d: {  	s5 =	simm.s32 @p1 $0x1;
	p0 =	seq.s32 s7, s2  }
0x1e: {  	s7 =	smul.u32 @!p0 $0xF7A, s2;
	p2 =	seq.s32 @!p0 s5, $0x0  }
0x1f: {  	s9 =	smul.u32 $0xF7A, s1;
	s8 =	simm.s32 @!p0 $0x1BF5;
	p2 =	por !p2, p0  }
0x20: {  	[sflag:s8] =	ssyncset.s32 @!p0 $0xFFFFF086;
	s6 =	sadd.s32 @!p0 s3, s7;
	s7 =	simm.s32 @!p0 $0x108  }
0x21: {  	s3 =	sadd.s32 s3, s9;
	s6 =	sadd.s32 @!p0 $0x88, s6;
	s7 =	simm.s32 @p2 $0x1082  }
0x22: {  	[simem:s7], [sflag:s8] =	dma.local @!p0 [hbm:s6], $0xF7A  }
0x23: {  	s9 =	sor.u32 $0xD0000000, s2;
	s6 =	simm.s32 $0x108;
	_ =	swait.ge @!p0 [sflag:s8], $0x0  }
0x24: {  	s3 =	sadd.s32 $0x88, s3;
	s6 =	simm.s32 @!p1 $0x1082;
	[sflag:s4] =	ssyncset.s32 $0xFFFFF086  }
0x25: {  	[simem:s6], [sflag:s4] =	dma.local [hbm:s3], $0xF7A  }
0x26: {  	[smem:$0x3F8B] =	sst s1;
	(tag) =	ssettag s2;
	_ =	strace s9  }
0x27: {  	s1 =	sld [smem:$0x3F9B]  }
0x28: {  	s2 =	sld [smem:$0x3F9C]  }
0x29: {  	s4 =	sld [smem:$0x3F9E]  }
0x2a: {  	p0 =	seq.s32 s5, $0x0;
	s5 =	sld [smem:$0x3F9F]  }
0x2b: {  	s6 =	sld [smem:$0x3FA0]  }
0x2c: {  	s7 =	sld [smem:$0x3FA1]  }
0x2d: {  	s3 =	simm.s32 $0x108;
	s8 =	sld [smem:$0x3FA2]  }
0x2e: {  	s3 =	simm.s32 @!p0 $0x1082;
	s9 =	sld [smem:$0x3FA3]  }
0x2f: {  	lr =	sadd.s32 s0, s3;
	s0 =	sld [smem:$0x3F9A]  }
0x30: {  	s3 =	sld [smem:$0x3F9D]  }
0x31: {  	[smem:$0x3FA6] =	sst s10  }
0x32: {  	s10 =	sld [smem:$0x3FA4];
	_ =	sdelay $0x3  }
0x33: {  	p0 =	seq.s32 s10, $0x1;
	s10 =	sld [smem:$0x3FA6];
	_ =	sdelay $0x3  }
0x34: {  	[smem:$0x3FA6] =	sst s10  }
0x35: {  	s10 =	sld [smem:$0x3FA5];
	_ =	sdelay $0x3  }
0x36: {  	p1 =	seq.s32 s10, $0x1;
	s10 =	sld [smem:$0x3FA6];
	_ =	sdelay $0x3  }
0x37: {  	[smem:$0x3FA6] =	sst s10  }
0x38: {  	s10 =	sld [smem:$0x3FA7]  }
0x39: {  	_ = 	snop;
	(pc) =	sbr.ind lr, $3  }
0x3a: {  	_ = 	snop  }
0x3b: {  	_ = 	snop  }
0x3c: {  	p2 =	seq.s32 s10, $0x1;
	s10 =	sld [smem:$0x3FA6]  }
0x3d: {  	_ =	shalt  }
0x3e: {  	_ =	shalt  }
0x3f: {  	_ =	shalt  }
0x40: {  	_ =	shalt  }
0x41: {  	_ =	shalt  }
0x42: {  	_ =	shalt  }
0x43: {  	_ =	shalt  }
0x44: {  	_ =	shalt  }
0x45: {  	_ =	shalt  }
0x46: {  	_ =	shalt  }
0x47: {  	_ =	shalt  }
0x48: {  	_ =	shalt  }
0x49: {  	_ =	shalt  }
0x4a: {  	_ =	shalt  }
0x4b: {  	_ =	shalt  }
0x4c: {  	_ =	shalt  }
0x4d: {  	_ =	shalt  }
0x4e: {  	_ =	shalt  }
0x4f: {  	_ =	shalt  }
0x50: {  	_ =	shalt  }
0x51: {  	_ =	shalt  }
0x52: {  	_ =	shalt  }
0x53: {  	_ =	shalt  }
0x54: {  	_ =	shalt  }
0x55: {  	_ =	shalt  }
0x56: {  	_ =	shalt  }
0x57: {  	_ =	shalt  }
0x58: {  	_ =	shalt  }
0x59: {  	_ =	shalt  }
0x5a: {  	_ =	shalt  }
0x5b: {  	_ =	shalt  }
0x5c: {  	_ =	shalt  }
0x5d: {  	_ =	shalt  }
0x5e: {  	_ =	shalt  }
0x5f: {  	_ =	shalt  }
0x60: {  	_ =	shalt  }
0x61: {  	_ =	shalt  }
0x62: {  	_ =	shalt  }
0x63: {  	_ =	shalt  }
0x64: {  	_ =	shalt  }
0x65: {  	_ =	shalt  }
0x66: {  	_ =	shalt  }
0x67: {  	_ =	shalt  }
0x68: {  	_ =	shalt  }
0x69: {  	_ =	shalt  }
0x6a: {  	_ =	shalt  }
0x6b: {  	_ =	shalt  }
0x6c: {  	_ =	shalt  }
0x6d: {  	_ =	shalt  }
0x6e: {  	_ =	shalt  }
0x6f: {  	_ =	shalt  }
0x70: {  	_ =	shalt  }
0x71: {  	_ =	shalt  }
0x72: {  	_ =	shalt  }
0x73: {  	_ =	shalt  }
0x74: {  	_ =	shalt  }
0x75: {  	_ =	shalt  }
0x76: {  	_ =	shalt  }
0x77: {  	_ =	shalt  }
0x78: {  	_ =	shalt  }
0x79: {  	_ =	shalt  }
0x7a: {  	_ =	shalt  }
0x7b: {  	_ =	shalt  }
0x7c: {  	_ =	shalt  }
0x7d: {  	_ =	shalt  }
0x7e: {  	_ =	shalt  }
0x7f: {  	_ =	shalt  }
0x80: {  	_ =	shalt  }
0x81: {  	_ =	shalt  }
0x82: {  	_ =	shalt  }
0x83: {  	_ =	shalt  }
0x84: {  	_ =	shalt  }
0x85: {  	_ =	shalt  }
0x86: {  	_ =	shalt  }
0x87: {  	_ =	shalt  }
.Lfunc_end0:
.L_simem_size_0:
called_computation_lowered:
.L_overlay_start_0:
0x88: {  	s2 =	sld [smem:$0x3FD9]  }
0x89: {  	s3 =	sld [smem:$0x3FFE];
	_ =	sdelay $0x1  }
0x8a: {  	s1 =	srdreg.scid  }
0x8b: {  	s0 =	sand.u32 $0x1, s1  }
0x8c: {  	s16 =	sshll.u32 s0, $0xA;
	s2 =	sadd.s32 s3, s2  }
0x8d: {  	s2 =	sadd.s32 s2, s16  }
0x8e: {  	[smem:$0x3FB2] =	sst s2  }
0x8f: {  	_ = 	snop  }
0x90: {  	(tm) =	ssettm $0x1  }
0x91: {  	s17 =	sld [smem:$0x3FFB];
	_ =	sdelay $0x3  }
0x92: {  	_ =	strace s17  }
0x93: {  	s2 =	sld [smem:$0x3FFC];
	_ =	sdelay $0x3  }
0x94: {  	_ =	strace s2  }
0x95: {  	s2 =	sld [smem:$0x3FFD];
	_ =	sdelay $0x3  }
0x96: {  	_ =	strace s2  }
0x97: {  	_ =	strace $0x8FFFFFFF  }
0x98: {  	s18 =	sld [smem:$0x3FDB];
	_ =	sdelay $0x1  }
0x99: {  	s19 =	simm.s32 $_scs_section_size  }
0x9a: {  	s4 =	simm.s32 $_size__tile_overlayer_lowered;
	s5 =	simm.s32 $_tile_overlayer_lowered  }
0x9b: {  	s22 =	simm.s32 $0x1BFF;
	s21 =	sshll.u32 s5, $0x1;
	s2 =	sadd.s32 s19, s18  }
0x9c: {  	s6 =	simm.s32 $0x0;
	s20 =	sshll.u32 s4, $0x1;
	s4 =	sadd.s32 s21, s2  }
0x9d: {  	[timem:s6], [sflag:s22] =	dma.local [hbm:s4], s20  }
0x9e: {  	_ =	swait.ge [sflag:s22], s20  }
0x9f: {  	s3 =	ssub.s32 $0x0, s20;
	[sflag:s22] =	ssyncset.done $0x0  }
0xa0: {  	[sflag:s22] =	ssyncadd.s32 s3;
	_ =	sdelay $0x1  }
0xa1: {  	s23 =	simm.s32 $0x1B8B  }
0xa2: {  	_ =	swait.ge [sflag:s23], $0x1  }
0xa3: {  	[sflag:s23] =	ssyncset.done $0x0  }
0xa4: {  	s25 =	simm.s32 $0x1B8E;
	s24 =	sld [smem:$0x3FFE];
	[sflag:s23] =	ssyncadd.s32 $0xFFFFFFFF  }
0xa5: {  	s26 =	simm.s32 $execute0_lowered;
	[smem:$0x3FD2] =	sst s25  }
0xa6: {  	s4 =	sshll.u32 s26, $0x1;
	_ =	strace $0x80000046;
	[dreg:$0x1] =	wrdreg $0xFFFFFFFF  }
0xa7: {  	s28 =	simm.s32 $_size_execute0_lowered;
	s2 =	sadd.s32 s2, s4;
	[dreg:$0x0] =	wrdreg $0x0  }
0xa8: {  	s4 =	sshll.u32 s28, $0x1;
	[dreg:$0x2] =	wrdreg s2  }
0xa9: {  	[dreg:$0x3] =	wrdreg s4  }
0xaa: {  	[dreg:$0x4] =	wrdreg $0xC0  }
0xab: {  	_ =	task [dreg:s6], $0x5FFFF  }
0xac: {  	[dreg:$0x1] =	wrdreg $0xFFFFFFFF  }
0xad: {  	[dreg:$0x0] =	wrdreg $0x60  }
0xae: {  	[dreg:$0x2] =	wrdreg s24  }
0xaf: {  	[dreg:$0x3] =	wrdreg $0x9  }
0xb0: {  	_ =	task.clear_ibuf [dreg:s6], $0x4FFFF;
	_ =	strace $0x90000046  }
0xb1: {  	s29 =	simm.s32 $0x9;
	_ =	strace $0x80000048  }
0xb2: {  	_ =	swait.ge [sflag:s29], $0x1  }
0xb3: {  	[sflag:s29] =	ssyncadd.s32 $0xFFFFFFFF  }
0xb4: {  	_ =	strace $0x90000048  }
0xb5: {  	_ =	sfence  }
0xb6: {  	s30 =	sld [smem:$0x0];
	_ =	sdelay $0x2  }
0xb7: {  	s31 =	sshll.u32 s1, $0xD;
	s1 =	sshrl.u32 s1, $0x2  }
0xb8: {  	s3 =	sand.u32 $0x4000, s31;
	s1 =	sadd.s32 s1, s30  }
0xb9: {  	s0 =	sor.u32 s3, s0;
	s1 =	sshll.u32 s1, $0x11  }
0xba: {  	s0 =	sor.u32 s1, s0  }
0xbb: {  	s0 =	sadd.s32 $0x8F2B, s0  }
0xbc: {  	[sflag:s0] =	ssyncadd.remote.s32 $0x1  }
0xbd: {  	_ =	sfence.sel $0xFFFF  }
0xbe: {  	[dreg:$0x0] =	wrdreg $0xFFFFFFFF;
	(pc) =	sbr.abs _section_cstart, $3  }
0xbf: {  	[dreg:$0x1] =	wrdreg $0xFFFFFFFF  }
0xc0: {  	_ =	task.clear_ibuf [dreg:s6], $0x2FFFF;
	_ =	strace $0x9FFFFFFF  }
0xc1: {  	(tm) =	ssettm $0x7FFFFFFF  }
tec
execute0_lowered:
.L_overlay_start_1:
0x0: {  	(tag) =	ssettag $0x1  }
0x1: {  	s0 =	srdreg.scid;
	s1 =	stileid.u32  }
0x2: {  	s31 =	sand.u32 $0x1, s0;
	s6 =	sshll.u32 s1, $0x1  }
0x3: {  	s4 =	rddreg [dreg:$0x0];
	s2 =	simm.s32 $0x0;
	s3 =	sor.u32 s31, s6  }
0x4: {  	[smem:$0x7FF] =	sst s2;
	s0 =	smul.u32 $0x1400, s3  }
0x5: {  	s30 =	sadd.s32 $0x64000, s4;
	s1 =	sadd.s32 $0x69000, s4;
	s3 =	smul.u32 $0x14000, s3  }
0x6: {  	_ =	strace $0x80000047;
	[dreg:$0x12] =	wrdreg s1;
	s5 =	sshrl.u32 s0, $0x3  }
0x7: {  	s3 =	sadd.s32 s1, s3;
	s7 =	sor.u32 $0x100, s0;
	s6 =	sor.u32 $0x200, s0  }
0x8: {  	s14 =	sor.u32 $0x300, s0;
	s16 =	sadd.s32 $0x400, s0;
	s24 =	sadd.s32 $0x600, s0  }
0x9: {  	s5 =	sadd.s32 s30, s5;
	[dreg:$0x3] =	wrdreg s3;
	s8 =	sshrl.u32 s7, $0x3  }
0xa: {  	s10 =	sshrl.u32 s6, $0x3;
	[dreg:$0x2] =	wrdreg s5;
	s3 =	sadd.s32 s30, s8  }
0xb: {  	s12 =	sshll.u32 s6, $0x4;
	s11 =	sadd.s32 s30, s10;
	[dreg:$0x4] =	wrdreg s3  }
0xc: {  	s18 =	sshrl.u32 s16, $0x3;
	s13 =	sadd.s32 s1, s12;
	[dreg:$0x6] =	wrdreg s11  }
0xd: {  	s20 =	sshll.u32 s16, $0x4;
	s19 =	sadd.s32 s30, s18;
	[dreg:$0x7] =	wrdreg s13  }
0xe: {  	s6 =	sshll.u32 s24, $0x4;
	s21 =	sadd.s32 s1, s20;
	[dreg:$0xa] =	wrdreg s19  }
0xf: {  	s5 =	sshll.u32 s7, $0x4;
	s7 =	sadd.s32 s1, s6;
	[dreg:$0xb] =	wrdreg s21  }
0x10: {  	s22 =	sadd.s32 $0x500, s0;
	s15 =	sshrl.u32 s14, $0x3;
	[dreg:$0xf] =	wrdreg s7  }
0x11: {  	s23 =	sshrl.u32 s22, $0x3;
	s9 =	sadd.s32 s1, s5;
	s10 =	rddreg [dreg:$0x2]  }
0x12: {  	s3 =	sadd.s32 s30, s15;
	s5 =	sshll.u32 s14, $0x4;
	[dreg:$0x5] =	wrdreg s9  }
0x13: {  	s26 =	sshrl.u32 s24, $0x3;
	[dreg:$0x8] =	wrdreg s3;
	s17 =	sadd.s32 s1, s5  }
0x14: {  	[tilespmem:s2], [sflag:$0x2] =	stream.linear.gather [hbm4b:s10+s2], $0x100, $0x38;
	[tilespmem:$0x8100] =	vst v63  }
0x15: {  	s3 =	sadd.s32 s30, s23;
	s5 =	sshll.u32 s22, $0x4;
	[dreg:$0x9] =	wrdreg s17  }
0x16: {  	s8 =	sadd.s32 $0x700, s0;
	[dreg:$0xc] =	wrdreg s3;
	s25 =	sadd.s32 s1, s5  }
0x17: {  	s9 =	sshrl.u32 s8, $0x3;
	s5 =	sadd.s32 s30, s26;
	[dreg:$0xd] =	wrdreg s25  }
0x18: {  	s3 =	sadd.s32 s30, s9;
	[dreg:$0xe] =	wrdreg s5;
	s5 =	sshll.u32 s8, $0x4  }
0x19: {  	[dreg:$0x10] =	wrdreg s3;
	s11 =	sadd.s32 s1, s5  }
0x1a: {  	s3 =	simm.s32 $0x2;
	[dreg:$0x11] =	wrdreg s11  }
0x1b: {  	_ =	swait.ge [sflag:s3], $0x100  }
0x1c: {  	s4 =	sadd.s32 $0x24000, s4;
	[sflag:s3] =	ssyncset.done $0x0  }
0x1d: {  	s6 =	simm.s32 $0x1;
	s5 =	simm.s32 $0x100;
	[sflag:s3] =	ssyncadd.s32 $0xFFFFFF00  }
0x1e: {  	[tilespmem:s5], [sflag:$0x1] =	stream.indirect.gather [hbm4b:s4+s5], $0x80, s2, s5, $0xb8;
	[tilespmem:$0x8100] =	vst v63  }
0x1f: {  	_ =	swait.ge [sflag:s6], $0x8000  }
0x20: {  	[sflag:s6] =	ssyncset.done $0x0  }
0x21: {  	s7 =	rddreg [dreg:$0x3];
	[sflag:s6] =	ssyncadd.s32 $0xFFFF8000  }
0x22: {  	[hbm4b:s7+s2] =	stream.linear.scatter [tilespmem:s5], [sflag:$0x2], $0x8000, $0x38;
	[tilespmem:$0x8100] =	vst v63  }
0x23: {  	_ =	swait.ge [sflag:s3], $0x8000  }
0x24: {  	[sflag:s3] =	ssyncset.done $0x0  }
0x25: {  	s12 =	rddreg [dreg:$0x4];
	[sflag:s3] =	ssyncadd.s32 $0xFFFF8000  }
0x26: {  	[tilespmem:s2], [sflag:$0x2] =	stream.linear.gather [hbm4b:s12+s2], $0x100, $0x38;
	[tilespmem:$0x8100] =	vst v63  }
0x27: {  	_ =	swait.ge [sflag:s3], $0x100  }
0x28: {  	[sflag:s3] =	ssyncset.done $0x0  }
0x29: {  	[sflag:s3] =	ssyncadd.s32 $0xFFFFFF00  }
0x2a: {  	[tilespmem:s5], [sflag:$0x1] =	stream.indirect.gather [hbm4b:s4+s5], $0x80, s2, s5, $0xb8;
	[tilespmem:$0x8100] =	vst v63  }
0x2b: {  	_ =	swait.ge [sflag:s6], $0x8000  }
0x2c: {  	[sflag:s6] =	ssyncset.done $0x0  }
0x2d: {  	s13 =	rddreg [dreg:$0x5];
	[sflag:s6] =	ssyncadd.s32 $0xFFFF8000  }
0x2e: {  	[hbm4b:s13+s2] =	stream.linear.scatter [tilespmem:s5], [sflag:$0x2], $0x8000, $0x38;
	[tilespmem:$0x8100] =	vst v63  }
0x2f: {  	_ =	swait.ge [sflag:s3], $0x8000  }
0x30: {  	[sflag:s3] =	ssyncset.done $0x0  }
0x31: {  	s14 =	rddreg [dreg:$0x6];
	[sflag:s3] =	ssyncadd.s32 $0xFFFF8000  }
0x32: {  	[tilespmem:s2], [sflag:$0x2] =	stream.linear.gather [hbm4b:s14+s2], $0x100, $0x38;
	[tilespmem:$0x8100] =	vst v63  }
0x33: {  	_ =	swait.ge [sflag:s3], $0x100  }
0x34: {  	[sflag:s3] =	ssyncset.done $0x0  }
0x35: {  	[sflag:s3] =	ssyncadd.s32 $0xFFFFFF00  }
0x36: {  	[tilespmem:s5], [sflag:$0x1] =	stream.indirect.gather [hbm4b:s4+s5], $0x80, s2, s5, $0xb8;
	[tilespmem:$0x8100] =	vst v63  }
0x37: {  	_ =	swait.ge [sflag:s6], $0x8000  }
0x38: {  	[sflag:s6] =	ssyncset.done $0x0  }
0x39: {  	s15 =	rddreg [dreg:$0x7];
	[sflag:s6] =	ssyncadd.s32 $0xFFFF8000  }
0x3a: {  	[hbm4b:s15+s2] =	stream.linear.scatter [tilespmem:s5], [sflag:$0x2], $0x8000, $0x38;
	[tilespmem:$0x8100] =	vst v63  }
0x3b: {  	_ =	swait.ge [sflag:s3], $0x8000  }
0x3c: {  	[sflag:s3] =	ssyncset.done $0x0  }
0x3d: {  	s16 =	rddreg [dreg:$0x8];
	[sflag:s3] =	ssyncadd.s32 $0xFFFF8000  }
0x3e: {  	[tilespmem:s2], [sflag:$0x2] =	stream.linear.gather [hbm4b:s16+s2], $0x100, $0x38;
	[tilespmem:$0x8100] =	vst v63  }
0x3f: {  	_ =	swait.ge [sflag:s3], $0x100  }
0x40: {  	[sflag:s3] =	ssyncset.done $0x0  }
0x41: {  	[sflag:s3] =	ssyncadd.s32 $0xFFFFFF00  }
0x42: {  	[tilespmem:s5], [sflag:$0x1] =	stream.indirect.gather [hbm4b:s4+s5], $0x80, s2, s5, $0xb8;
	[tilespmem:$0x8100] =	vst v63  }
0x43: {  	_ =	swait.ge [sflag:s6], $0x8000  }
0x44: {  	[sflag:s6] =	ssyncset.done $0x0  }
0x45: {  	s17 =	rddreg [dreg:$0x9];
	[sflag:s6] =	ssyncadd.s32 $0xFFFF8000  }
0x46: {  	[hbm4b:s17+s2] =	stream.linear.scatter [tilespmem:s5], [sflag:$0x2], $0x8000, $0x38;
	[tilespmem:$0x8100] =	vst v63  }
0x47: {  	_ =	swait.ge [sflag:s3], $0x8000  }
0x48: {  	[sflag:s3] =	ssyncset.done $0x0  }
0x49: {  	s18 =	rddreg [dreg:$0xa];
	[sflag:s3] =	ssyncadd.s32 $0xFFFF8000  }
0x4a: {  	[tilespmem:s2], [sflag:$0x2] =	stream.linear.gather [hbm4b:s18+s2], $0x100, $0x38;
	[tilespmem:$0x8100] =	vst v63  }
0x4b: {  	_ =	swait.ge [sflag:s3], $0x100  }
0x4c: {  	[sflag:s3] =	ssyncset.done $0x0  }
0x4d: {  	[sflag:s3] =	ssyncadd.s32 $0xFFFFFF00  }
0x4e: {  	[tilespmem:s5], [sflag:$0x1] =	stream.indirect.gather [hbm4b:s4+s5], $0x80, s2, s5, $0xb8;
	[tilespmem:$0x8100] =	vst v63  }
0x4f: {  	_ =	swait.ge [sflag:s6], $0x8000  }
0x50: {  	[sflag:s6] =	ssyncset.done $0x0  }
0x51: {  	s19 =	rddreg [dreg:$0xb];
	[sflag:s6] =	ssyncadd.s32 $0xFFFF8000  }
0x52: {  	[hbm4b:s19+s2] =	stream.linear.scatter [tilespmem:s5], [sflag:$0x2], $0x8000, $0x38;
	[tilespmem:$0x8100] =	vst v63  }
0x53: {  	_ =	swait.ge [sflag:s3], $0x8000  }
0x54: {  	[sflag:s3] =	ssyncset.done $0x0  }
0x55: {  	s20 =	rddreg [dreg:$0xc];
	[sflag:s3] =	ssyncadd.s32 $0xFFFF8000  }
0x56: {  	[tilespmem:s2], [sflag:$0x2] =	stream.linear.gather [hbm4b:s20+s2], $0x100, $0x38;
	[tilespmem:$0x8100] =	vst v63  }
0x57: {  	_ =	swait.ge [sflag:s3], $0x100  }
0x58: {  	[sflag:s3] =	ssyncset.done $0x0  }
0x59: {  	[sflag:s3] =	ssyncadd.s32 $0xFFFFFF00  }
0x5a: {  	[tilespmem:s5], [sflag:$0x1] =	stream.indirect.gather [hbm4b:s4+s5], $0x80, s2, s5, $0xb8;
	[tilespmem:$0x8100] =	vst v63  }
0x5b: {  	_ =	swait.ge [sflag:s6], $0x8000  }
0x5c: {  	[sflag:s6] =	ssyncset.done $0x0  }
0x5d: {  	s21 =	rddreg [dreg:$0xd];
	[sflag:s6] =	ssyncadd.s32 $0xFFFF8000  }
0x5e: {  	[hbm4b:s21+s2] =	stream.linear.scatter [tilespmem:s5], [sflag:$0x2], $0x8000, $0x38;
	[tilespmem:$0x8100] =	vst v63  }
0x5f: {  	_ =	swait.ge [sflag:s3], $0x8000  }
0x60: {  	[sflag:s3] =	ssyncset.done $0x0  }
0x61: {  	s22 =	rddreg [dreg:$0xe];
	[sflag:s3] =	ssyncadd.s32 $0xFFFF8000  }
0x62: {  	[tilespmem:s2], [sflag:$0x2] =	stream.linear.gather [hbm4b:s22+s2], $0x100, $0x38;
	[tilespmem:$0x8100] =	vst v63  }
0x63: {  	_ =	swait.ge [sflag:s3], $0x100  }
0x64: {  	[sflag:s3] =	ssyncset.done $0x0  }
0x65: {  	[sflag:s3] =	ssyncadd.s32 $0xFFFFFF00  }
0x66: {  	[tilespmem:s5], [sflag:$0x1] =	stream.indirect.gather [hbm4b:s4+s5], $0x80, s2, s5, $0xb8;
	[tilespmem:$0x8100] =	vst v63  }
0x67: {  	_ =	swait.ge [sflag:s6], $0x8000  }
0x68: {  	[sflag:s6] =	ssyncset.done $0x0  }
0x69: {  	s23 =	rddreg [dreg:$0xf];
	[sflag:s6] =	ssyncadd.s32 $0xFFFF8000  }
0x6a: {  	[hbm4b:s23+s2] =	stream.linear.scatter [tilespmem:s5], [sflag:$0x2], $0x8000, $0x38;
	[tilespmem:$0x8100] =	vst v63  }
0x6b: {  	_ =	swait.ge [sflag:s3], $0x8000  }
0x6c: {  	[sflag:s3] =	ssyncset.done $0x0  }
0x6d: {  	s24 =	rddreg [dreg:$0x10];
	[sflag:s3] =	ssyncadd.s32 $0xFFFF8000  }
0x6e: {  	[tilespmem:s2], [sflag:$0x2] =	stream.linear.gather [hbm4b:s24+s2], $0x100, $0x38;
	[tilespmem:$0x8100] =	vst v63  }
0x6f: {  	_ =	swait.ge [sflag:s3], $0x100  }
0x70: {  	[sflag:s3] =	ssyncset.done $0x0  }
0x71: {  	[sflag:s3] =	ssyncadd.s32 $0xFFFFFF00  }
0x72: {  	[tilespmem:s5], [sflag:$0x1] =	stream.indirect.gather [hbm4b:s4+s5], $0x80, s2, s5, $0xb8;
	[tilespmem:$0x8100] =	vst v63  }
0x73: {  	_ =	swait.ge [sflag:s6], $0x8000  }
0x74: {  	[sflag:s6] =	ssyncset.done $0x0  }
0x75: {  	s25 =	rddreg [dreg:$0x11];
	[sflag:s6] =	ssyncadd.s32 $0xFFFF8000  }
0x76: {  	[hbm4b:s25+s2] =	stream.linear.scatter [tilespmem:s5], [sflag:$0x2], $0x8000, $0x38;
	[tilespmem:$0x8100] =	vst v63  }
0x77: {  	s8 =	sadd.s32 $0x800, s0;
	_ =	swait.ge [sflag:s3], $0x8000  }
0x78: {  	s26 =	sshrl.u32 s8, $0x3;
	[sflag:s3] =	ssyncset.done $0x0  }
0x79: {  	s7 =	sadd.s32 s30, s26;
	[sflag:s3] =	ssyncadd.s32 $0xFFFF8000  }
0x7a: {  	[tilespmem:s2], [sflag:$0x2] =	stream.linear.gather [hbm4b:s7+s2], $0x100, $0x38;
	[tilespmem:$0x8100] =	vst v63  }
0x7b: {  	_ =	swait.ge [sflag:s3], $0x100  }
0x7c: {  	[sflag:s3] =	ssyncset.done $0x0  }
0x7d: {  	[sflag:s3] =	ssyncadd.s32 $0xFFFFFF00  }
0x7e: {  	[tilespmem:s5], [sflag:$0x1] =	stream.indirect.gather [hbm4b:s4+s5], $0x80, s2, s5, $0xb8;
	[tilespmem:$0x8100] =	vst v63  }
0x7f: {  	_ =	swait.ge [sflag:s6], $0x8000  }
0x80: {  	s8 =	sshll.u32 s8, $0x4;
	[sflag:s6] =	ssyncset.done $0x0  }
0x81: {  	s8 =	sadd.s32 s1, s8;
	[sflag:s6] =	ssyncadd.s32 $0xFFFF8000  }
0x82: {  	[hbm4b:s8+s2] =	stream.linear.scatter [tilespmem:s5], [sflag:$0x2], $0x8000, $0x38;
	[tilespmem:$0x8100] =	vst v63  }
0x83: {  	s10 =	sadd.s32 $0x900, s0;
	_ =	swait.ge [sflag:s3], $0x8000  }
0x84: {  	s9 =	sshrl.u32 s10, $0x3;
	[sflag:s3] =	ssyncset.done $0x0  }
0x85: {  	s9 =	sadd.s32 s30, s9;
	[sflag:s3] =	ssyncadd.s32 $0xFFFF8000  }
0x86: {  	[tilespmem:s2], [sflag:$0x2] =	stream.linear.gather [hbm4b:s9+s2], $0x100, $0x38;
	[tilespmem:$0x8100] =	vst v63  }
0x87: {  	_ =	swait.ge [sflag:s3], $0x100  }
0x88: {  	[sflag:s3] =	ssyncset.done $0x0  }
0x89: {  	[sflag:s3] =	ssyncadd.s32 $0xFFFFFF00  }
0x8a: {  	[tilespmem:s5], [sflag:$0x1] =	stream.indirect.gather [hbm4b:s4+s5], $0x80, s2, s5, $0xb8;
	[tilespmem:$0x8100] =	vst v63  }
0x8b: {  	_ =	swait.ge [sflag:s6], $0x8000  }
0x8c: {  	s10 =	sshll.u32 s10, $0x4;
	[sflag:s6] =	ssyncset.done $0x0  }
0x8d: {  	s10 =	sadd.s32 s1, s10;
	[sflag:s6] =	ssyncadd.s32 $0xFFFF8000  }
0x8e: {  	[hbm4b:s10+s2] =	stream.linear.scatter [tilespmem:s5], [sflag:$0x2], $0x8000, $0x38;
	[tilespmem:$0x8100] =	vst v63  }
0x8f: {  	s12 =	sadd.s32 $0xA00, s0;
	_ =	swait.ge [sflag:s3], $0x8000  }
0x90: {  	s11 =	sshrl.u32 s12, $0x3;
	[sflag:s3] =	ssyncset.done $0x0  }
0x91: {  	s11 =	sadd.s32 s30, s11;
	[sflag:s3] =	ssyncadd.s32 $0xFFFF8000  }
0x92: {  	[tilespmem:s2], [sflag:$0x2] =	stream.linear.gather [hbm4b:s11+s2], $0x100, $0x38;
	[tilespmem:$0x8100] =	vst v63  }
0x93: {  	_ =	swait.ge [sflag:s3], $0x100  }
0x94: {  	[sflag:s3] =	ssyncset.done $0x0  }
0x95: {  	[sflag:s3] =	ssyncadd.s32 $0xFFFFFF00  }
0x96: {  	[tilespmem:s5], [sflag:$0x1] =	stream.indirect.gather [hbm4b:s4+s5], $0x80, s2, s5, $0xb8;
	[tilespmem:$0x8100] =	vst v63  }
0x97: {  	_ =	swait.ge [sflag:s6], $0x8000  }
0x98: {  	s12 =	sshll.u32 s12, $0x4;
	[sflag:s6] =	ssyncset.done $0x0  }
0x99: {  	s12 =	sadd.s32 s1, s12;
	[sflag:s6] =	ssyncadd.s32 $0xFFFF8000  }
0x9a: {  	[hbm4b:s12+s2] =	stream.linear.scatter [tilespmem:s5], [sflag:$0x2], $0x8000, $0x38;
	[tilespmem:$0x8100] =	vst v63  }
0x9b: {  	s14 =	sadd.s32 $0xB00, s0;
	_ =	swait.ge [sflag:s3], $0x8000  }
0x9c: {  	s13 =	sshrl.u32 s14, $0x3;
	[sflag:s3] =	ssyncset.done $0x0  }
0x9d: {  	s13 =	sadd.s32 s30, s13;
	[sflag:s3] =	ssyncadd.s32 $0xFFFF8000  }
0x9e: {  	[tilespmem:s2], [sflag:$0x2] =	stream.linear.gather [hbm4b:s13+s2], $0x100, $0x38;
	[tilespmem:$0x8100] =	vst v63  }
0x9f: {  	_ =	swait.ge [sflag:s3], $0x100  }
0xa0: {  	[sflag:s3] =	ssyncset.done $0x0  }
0xa1: {  	[sflag:s3] =	ssyncadd.s32 $0xFFFFFF00  }
0xa2: {  	[tilespmem:s5], [sflag:$0x1] =	stream.indirect.gather [hbm4b:s4+s5], $0x80, s2, s5, $0xb8;
	[tilespmem:$0x8100] =	vst v63  }
0xa3: {  	_ =	swait.ge [sflag:s6], $0x8000  }
0xa4: {  	s14 =	sshll.u32 s14, $0x4;
	[sflag:s6] =	ssyncset.done $0x0  }
0xa5: {  	s14 =	sadd.s32 s1, s14;
	[sflag:s6] =	ssyncadd.s32 $0xFFFF8000  }
0xa6: {  	[hbm4b:s14+s2] =	stream.linear.scatter [tilespmem:s5], [sflag:$0x2], $0x8000, $0x38;
	[tilespmem:$0x8100] =	vst v63  }
0xa7: {  	s16 =	sadd.s32 $0xC00, s0;
	_ =	swait.ge [sflag:s3], $0x8000  }
0xa8: {  	s15 =	sshrl.u32 s16, $0x3;
	[sflag:s3] =	ssyncset.done $0x0  }
0xa9: {  	s15 =	sadd.s32 s30, s15;
	[sflag:s3] =	ssyncadd.s32 $0xFFFF8000  }
0xaa: {  	[tilespmem:s2], [sflag:$0x2] =	stream.linear.gather [hbm4b:s15+s2], $0x100, $0x38;
	[tilespmem:$0x8100] =	vst v63  }
0xab: {  	_ =	swait.ge [sflag:s3], $0x100  }
0xac: {  	[sflag:s3] =	ssyncset.done $0x0  }
0xad: {  	[sflag:s3] =	ssyncadd.s32 $0xFFFFFF00  }
0xae: {  	[tilespmem:s5], [sflag:$0x1] =	stream.indirect.gather [hbm4b:s4+s5], $0x80, s2, s5, $0xb8;
	[tilespmem:$0x8100] =	vst v63  }
0xaf: {  	_ =	swait.ge [sflag:s6], $0x8000  }
0xb0: {  	s16 =	sshll.u32 s16, $0x4;
	[sflag:s6] =	ssyncset.done $0x0  }
0xb1: {  	s16 =	sadd.s32 s1, s16;
	[sflag:s6] =	ssyncadd.s32 $0xFFFF8000  }
0xb2: {  	[hbm4b:s16+s2] =	stream.linear.scatter [tilespmem:s5], [sflag:$0x2], $0x8000, $0x38;
	[tilespmem:$0x8100] =	vst v63  }
0xb3: {  	s18 =	sadd.s32 $0xD00, s0;
	_ =	swait.ge [sflag:s3], $0x8000  }
0xb4: {  	s17 =	sshrl.u32 s18, $0x3;
	[sflag:s3] =	ssyncset.done $0x0  }
0xb5: {  	s17 =	sadd.s32 s30, s17;
	[sflag:s3] =	ssyncadd.s32 $0xFFFF8000  }
0xb6: {  	[tilespmem:s2], [sflag:$0x2] =	stream.linear.gather [hbm4b:s17+s2], $0x100, $0x38;
	[tilespmem:$0x8100] =	vst v63  }
0xb7: {  	_ =	swait.ge [sflag:s3], $0x100  }
0xb8: {  	[sflag:s3] =	ssyncset.done $0x0  }
0xb9: {  	[sflag:s3] =	ssyncadd.s32 $0xFFFFFF00  }
0xba: {  	[tilespmem:s5], [sflag:$0x1] =	stream.indirect.gather [hbm4b:s4+s5], $0x80, s2, s5, $0xb8;
	[tilespmem:$0x8100] =	vst v63  }
0xbb: {  	_ =	swait.ge [sflag:s6], $0x8000  }
0xbc: {  	s18 =	sshll.u32 s18, $0x4;
	[sflag:s6] =	ssyncset.done $0x0  }
0xbd: {  	s18 =	sadd.s32 s1, s18;
	[sflag:s6] =	ssyncadd.s32 $0xFFFF8000  }
0xbe: {  	[hbm4b:s18+s2] =	stream.linear.scatter [tilespmem:s5], [sflag:$0x2], $0x8000, $0x38;
	[tilespmem:$0x8100] =	vst v63  }
0xbf: {  	s20 =	sadd.s32 $0xE00, s0;
	_ =	swait.ge [sflag:s3], $0x8000  }
0xc0: {  	s19 =	sshrl.u32 s20, $0x3;
	[sflag:s3] =	ssyncset.done $0x0  }
0xc1: {  	s19 =	sadd.s32 s30, s19;
	[sflag:s3] =	ssyncadd.s32 $0xFFFF8000  }
0xc2: {  	[tilespmem:s2], [sflag:$0x2] =	stream.linear.gather [hbm4b:s19+s2], $0x100, $0x38;
	[tilespmem:$0x8100] =	vst v63  }
0xc3: {  	_ =	swait.ge [sflag:s3], $0x100  }
0xc4: {  	[sflag:s3] =	ssyncset.done $0x0  }
0xc5: {  	[sflag:s3] =	ssyncadd.s32 $0xFFFFFF00  }
0xc6: {  	[tilespmem:s5], [sflag:$0x1] =	stream.indirect.gather [hbm4b:s4+s5], $0x80, s2, s5, $0xb8;
	[tilespmem:$0x8100] =	vst v63  }
0xc7: {  	_ =	swait.ge [sflag:s6], $0x8000  }
0xc8: {  	s20 =	sshll.u32 s20, $0x4;
	[sflag:s6] =	ssyncset.done $0x0  }
0xc9: {  	s20 =	sadd.s32 s1, s20;
	[sflag:s6] =	ssyncadd.s32 $0xFFFF8000  }
0xca: {  	[hbm4b:s20+s2] =	stream.linear.scatter [tilespmem:s5], [sflag:$0x2], $0x8000, $0x38;
	[tilespmem:$0x8100] =	vst v63  }
0xcb: {  	s22 =	sadd.s32 $0xF00, s0;
	_ =	swait.ge [sflag:s3], $0x8000  }
0xcc: {  	s21 =	sshrl.u32 s22, $0x3;
	[sflag:s3] =	ssyncset.done $0x0  }
0xcd: {  	s21 =	sadd.s32 s30, s21;
	[sflag:s3] =	ssyncadd.s32 $0xFFFF8000  }
0xce: {  	[tilespmem:s2], [sflag:$0x2] =	stream.linear.gather [hbm4b:s21+s2], $0x100, $0x38;
	[tilespmem:$0x8100] =	vst v63  }
0xcf: {  	_ =	swait.ge [sflag:s3], $0x100  }
0xd0: {  	[sflag:s3] =	ssyncset.done $0x0  }
0xd1: {  	[sflag:s3] =	ssyncadd.s32 $0xFFFFFF00  }
0xd2: {  	[tilespmem:s5], [sflag:$0x1] =	stream.indirect.gather [hbm4b:s4+s5], $0x80, s2, s5, $0xb8;
	[tilespmem:$0x8100] =	vst v63  }
0xd3: {  	_ =	swait.ge [sflag:s6], $0x8000  }
0xd4: {  	s22 =	sshll.u32 s22, $0x4;
	[sflag:s6] =	ssyncset.done $0x0  }
0xd5: {  	s22 =	sadd.s32 s1, s22;
	[sflag:s6] =	ssyncadd.s32 $0xFFFF8000  }
0xd6: {  	[hbm4b:s22+s2] =	stream.linear.scatter [tilespmem:s5], [sflag:$0x2], $0x8000, $0x38;
	[tilespmem:$0x8100] =	vst v63  }
0xd7: {  	s24 =	sadd.s32 $0x1000, s0;
	_ =	swait.ge [sflag:s3], $0x8000  }
0xd8: {  	s23 =	sshrl.u32 s24, $0x3;
	[sflag:s3] =	ssyncset.done $0x0  }
0xd9: {  	s23 =	sadd.s32 s30, s23;
	[sflag:s3] =	ssyncadd.s32 $0xFFFF8000  }
0xda: {  	[tilespmem:s2], [sflag:$0x2] =	stream.linear.gather [hbm4b:s23+s2], $0x100, $0x38;
	[tilespmem:$0x8100] =	vst v63  }
0xdb: {  	_ =	swait.ge [sflag:s3], $0x100  }
0xdc: {  	[sflag:s3] =	ssyncset.done $0x0  }
0xdd: {  	[sflag:s3] =	ssyncadd.s32 $0xFFFFFF00  }
0xde: {  	[tilespmem:s5], [sflag:$0x1] =	stream.indirect.gather [hbm4b:s4+s5], $0x80, s2, s5, $0xb8;
	[tilespmem:$0x8100] =	vst v63  }
0xdf: {  	_ =	swait.ge [sflag:s6], $0x8000  }
0xe0: {  	s24 =	sshll.u32 s24, $0x4;
	[sflag:s6] =	ssyncset.done $0x0  }
0xe1: {  	s24 =	sadd.s32 s1, s24;
	[sflag:s6] =	ssyncadd.s32 $0xFFFF8000  }
0xe2: {  	[hbm4b:s24+s2] =	stream.linear.scatter [tilespmem:s5], [sflag:$0x2], $0x8000, $0x38;
	[tilespmem:$0x8100] =	vst v63  }
0xe3: {  	s26 =	sadd.s32 $0x1100, s0;
	_ =	swait.ge [sflag:s3], $0x8000  }
0xe4: {  	s25 =	sshrl.u32 s26, $0x3;
	[sflag:s3] =	ssyncset.done $0x0  }
0xe5: {  	s25 =	sadd.s32 s30, s25;
	[sflag:s3] =	ssyncadd.s32 $0xFFFF8000  }
0xe6: {  	[tilespmem:s2], [sflag:$0x2] =	stream.linear.gather [hbm4b:s25+s2], $0x100, $0x38;
	[tilespmem:$0x8100] =	vst v63  }
0xe7: {  	_ =	swait.ge [sflag:s3], $0x100  }
0xe8: {  	[sflag:s3] =	ssyncset.done $0x0  }
0xe9: {  	[sflag:s3] =	ssyncadd.s32 $0xFFFFFF00  }
0xea: {  	[tilespmem:s5], [sflag:$0x1] =	stream.indirect.gather [hbm4b:s4+s5], $0x80, s2, s5, $0xb8;
	[tilespmem:$0x8100] =	vst v63  }
0xeb: {  	_ =	swait.ge [sflag:s6], $0x8000  }
0xec: {  	s26 =	sshll.u32 s26, $0x4;
	[sflag:s6] =	ssyncset.done $0x0  }
0xed: {  	s26 =	sadd.s32 s1, s26;
	[sflag:s6] =	ssyncadd.s32 $0xFFFF8000  }
0xee: {  	[hbm4b:s26+s2] =	stream.linear.scatter [tilespmem:s5], [sflag:$0x2], $0x8000, $0x38;
	[tilespmem:$0x8100] =	vst v63  }
0xef: {  	s29 =	sadd.s32 $0x1200, s0;
	_ =	swait.ge [sflag:s3], $0x8000  }
0xf0: {  	s28 =	sshrl.u32 s29, $0x3;
	[sflag:s3] =	ssyncset.done $0x0  }
0xf1: {  	s28 =	sadd.s32 s30, s28;
	[sflag:s3] =	ssyncadd.s32 $0xFFFF8000  }
0xf2: {  	[tilespmem:s2], [sflag:$0x2] =	stream.linear.gather [hbm4b:s28+s2], $0x100, $0x38;
	[tilespmem:$0x8100] =	vst v63  }
0xf3: {  	_ =	swait.ge [sflag:s3], $0x100  }
0xf4: {  	[sflag:s3] =	ssyncset.done $0x0  }
0xf5: {  	[sflag:s3] =	ssyncadd.s32 $0xFFFFFF00  }
0xf6: {  	[tilespmem:s5], [sflag:$0x1] =	stream.indirect.gather [hbm4b:s4+s5], $0x80, s2, s5, $0xb8;
	[tilespmem:$0x8100] =	vst v63  }
0xf7: {  	_ =	swait.ge [sflag:s6], $0x8000  }
0xf8: {  	s29 =	sshll.u32 s29, $0x4;
	[sflag:s6] =	ssyncset.done $0x0  }
0xf9: {  	s29 =	sadd.s32 s1, s29;
	s0 =	sadd.s32 $0x1300, s0;
	[sflag:s6] =	ssyncadd.s32 $0xFFFF8000  }
0xfa: {  	[hbm4b:s29+s2] =	stream.linear.scatter [tilespmem:s5], [sflag:$0x2], $0x8000, $0x38;
	[tilespmem:$0x8100] =	vst v63  }
0xfb: {  	s1 =	sshrl.u32 s0, $0x3;
	_ =	swait.ge [sflag:s3], $0x8000  }
0xfc: {  	s30 =	sadd.s32 s30, s1;
	s1 =	ssub.s32 $0x2, s31;
	[sflag:s3] =	ssyncset.done $0x0  }
0xfd: {  	s31 =	sshrl.u32 s1, $0x1;
	[sflag:s3] =	ssyncadd.s32 $0xFFFF8000  }
0xfe: {  	[tilespmem:s2], [sflag:$0x2] =	stream.linear.gather [hbm4b:s30+s2], $0x100, $0x38;
	[tilespmem:$0x8100] =	vst v63  }
0xff: {  	s1 =	ssub.s32 s1, s31;
	_ =	swait.ge [sflag:s3], $0x100  }
0x100: {  	s1 =	smax.u32 s1, $0x1;
	[sflag:s3] =	ssyncset.done $0x0  }
0x101: {  	p0 =	sne.s32 s1, $0x1;
	[sflag:s3] =	ssyncadd.s32 $0xFFFFFF00  }
0x102: {  	[tilespmem:s5], [sflag:$0x1] =	stream.indirect.gather [hbm4b:s4+s5], $0x80, s2, s5, $0xb8;
	[tilespmem:$0x8100] =	vst v63  }
.Ltmp0:
0x103: {  	_ =	swait.ge [sflag:s6], $0x8000;
	(pc) =	sbr.rel @!p0 .LBB2_2-.Ltmp0, $4  }
0x104: {  	s0 =	sshll.u32 s0, $0x4;
	[sflag:s6] =	ssyncset.done $0x0;
	s31 =	rddreg [dreg:$0x12]  }
0x105: {  	s31 =	sadd.s32 s31, s0;
	[sflag:s6] =	ssyncadd.s32 $0xFFFF8000  }
0x106: {  	[hbm4b:s31+s2] =	stream.linear.scatter [tilespmem:s5], [sflag:$0x2], $0x8000, $0x38;
	[tilespmem:$0x8100] =	vst v63  }
0x107: {  	s1 =	sadd.s32 $0xFFFFFFFF, s1;
	_ =	swait.ge [sflag:s3], $0x8000  }
.LBB2_1:
0x108: {  	[sflag:s3] =	ssyncset.done $0x0  }
0x109: {  	s0 =	rddreg [dreg:$0x2];
	[sflag:s3] =	ssyncadd.s32 $0xFFFF8000  }
0x10a: {  	[tilespmem:s2], [sflag:$0x2] =	stream.linear.gather [hbm4b:s0+s2], $0x100, $0x38;
	[tilespmem:$0x8100] =	vst v63  }
0x10b: {  	_ =	swait.ge [sflag:s3], $0x100  }
0x10c: {  	[sflag:s3] =	ssyncset.done $0x0  }
0x10d: {  	[sflag:s3] =	ssyncadd.s32 $0xFFFFFF00  }
0x10e: {  	[tilespmem:s5], [sflag:$0x1] =	stream.indirect.gather [hbm4b:s4+s5], $0x80, s2, s5, $0xb8;
	[tilespmem:$0x8100] =	vst v63  }
0x10f: {  	_ =	swait.ge [sflag:s6], $0x8000  }
0x110: {  	[sflag:s6] =	ssyncset.done $0x0  }
0x111: {  	s0 =	rddreg [dreg:$0x3];
	[sflag:s6] =	ssyncadd.s32 $0xFFFF8000  }
0x112: {  	[hbm4b:s0+s2] =	stream.linear.scatter [tilespmem:s5], [sflag:$0x2], $0x8000, $0x38;
	[tilespmem:$0x8100] =	vst v63  }
0x113: {  	_ =	swait.ge [sflag:s3], $0x8000  }
0x114: {  	[sflag:s3] =	ssyncset.done $0x0  }
0x115: {  	s0 =	rddreg [dreg:$0x4];
	[sflag:s3] =	ssyncadd.s32 $0xFFFF8000  }
0x116: {  	[tilespmem:s2], [sflag:$0x2] =	stream.linear.gather [hbm4b:s0+s2], $0x100, $0x38;
	[tilespmem:$0x8100] =	vst v63  }
0x117: {  	_ =	swait.ge [sflag:s3], $0x100  }
0x118: {  	[sflag:s3] =	ssyncset.done $0x0  }
0x119: {  	[sflag:s3] =	ssyncadd.s32 $0xFFFFFF00  }
0x11a: {  	[tilespmem:s5], [sflag:$0x1] =	stream.indirect.gather [hbm4b:s4+s5], $0x80, s2, s5, $0xb8;
	[tilespmem:$0x8100] =	vst v63  }
0x11b: {  	_ =	swait.ge [sflag:s6], $0x8000  }
0x11c: {  	[sflag:s6] =	ssyncset.done $0x0  }
0x11d: {  	s0 =	rddreg [dreg:$0x5];
	[sflag:s6] =	ssyncadd.s32 $0xFFFF8000  }
0x11e: {  	[hbm4b:s0+s2] =	stream.linear.scatter [tilespmem:s5], [sflag:$0x2], $0x8000, $0x38;
	[tilespmem:$0x8100] =	vst v63  }
0x11f: {  	_ =	swait.ge [sflag:s3], $0x8000  }
0x120: {  	[sflag:s3] =	ssyncset.done $0x0  }
0x121: {  	s0 =	rddreg [dreg:$0x6];
	[sflag:s3] =	ssyncadd.s32 $0xFFFF8000  }
0x122: {  	[tilespmem:s2], [sflag:$0x2] =	stream.linear.gather [hbm4b:s0+s2], $0x100, $0x38;
	[tilespmem:$0x8100] =	vst v63  }
0x123: {  	_ =	swait.ge [sflag:s3], $0x100  }
0x124: {  	[sflag:s3] =	ssyncset.done $0x0  }
0x125: {  	[sflag:s3] =	ssyncadd.s32 $0xFFFFFF00  }
0x126: {  	[tilespmem:s5], [sflag:$0x1] =	stream.indirect.gather [hbm4b:s4+s5], $0x80, s2, s5, $0xb8;
	[tilespmem:$0x8100] =	vst v63  }
0x127: {  	_ =	swait.ge [sflag:s6], $0x8000  }
0x128: {  	[sflag:s6] =	ssyncset.done $0x0  }
0x129: {  	s0 =	rddreg [dreg:$0x7];
	[sflag:s6] =	ssyncadd.s32 $0xFFFF8000  }
0x12a: {  	[hbm4b:s0+s2] =	stream.linear.scatter [tilespmem:s5], [sflag:$0x2], $0x8000, $0x38;
	[tilespmem:$0x8100] =	vst v63  }
0x12b: {  	_ =	swait.ge [sflag:s3], $0x8000  }
0x12c: {  	[sflag:s3] =	ssyncset.done $0x0  }
0x12d: {  	s0 =	rddreg [dreg:$0x8];
	[sflag:s3] =	ssyncadd.s32 $0xFFFF8000  }
0x12e: {  	[tilespmem:s2], [sflag:$0x2] =	stream.linear.gather [hbm4b:s0+s2], $0x100, $0x38;
	[tilespmem:$0x8100] =	vst v63  }
0x12f: {  	_ =	swait.ge [sflag:s3], $0x100  }
0x130: {  	[sflag:s3] =	ssyncset.done $0x0  }
0x131: {  	[sflag:s3] =	ssyncadd.s32 $0xFFFFFF00  }
0x132: {  	[tilespmem:s5], [sflag:$0x1] =	stream.indirect.gather [hbm4b:s4+s5], $0x80, s2, s5, $0xb8;
	[tilespmem:$0x8100] =	vst v63  }
0x133: {  	_ =	swait.ge [sflag:s6], $0x8000  }
0x134: {  	[sflag:s6] =	ssyncset.done $0x0  }
0x135: {  	s0 =	rddreg [dreg:$0x9];
	[sflag:s6] =	ssyncadd.s32 $0xFFFF8000  }
0x136: {  	[hbm4b:s0+s2] =	stream.linear.scatter [tilespmem:s5], [sflag:$0x2], $0x8000, $0x38;
	[tilespmem:$0x8100] =	vst v63  }
0x137: {  	_ =	swait.ge [sflag:s3], $0x8000  }
0x138: {  	[sflag:s3] =	ssyncset.done $0x0  }
0x139: {  	s0 =	rddreg [dreg:$0xa];
	[sflag:s3] =	ssyncadd.s32 $0xFFFF8000  }
0x13a: {  	[tilespmem:s2], [sflag:$0x2] =	stream.linear.gather [hbm4b:s0+s2], $0x100, $0x38;
	[tilespmem:$0x8100] =	vst v63  }
0x13b: {  	_ =	swait.ge [sflag:s3], $0x100  }
0x13c: {  	[sflag:s3] =	ssyncset.done $0x0  }
0x13d: {  	[sflag:s3] =	ssyncadd.s32 $0xFFFFFF00  }
0x13e: {  	[tilespmem:s5], [sflag:$0x1] =	stream.indirect.gather [hbm4b:s4+s5], $0x80, s2, s5, $0xb8;
	[tilespmem:$0x8100] =	vst v63  }
0x13f: {  	_ =	swait.ge [sflag:s6], $0x8000  }
0x140: {  	[sflag:s6] =	ssyncset.done $0x0  }
0x141: {  	s0 =	rddreg [dreg:$0xb];
	[sflag:s6] =	ssyncadd.s32 $0xFFFF8000  }
0x142: {  	[hbm4b:s0+s2] =	stream.linear.scatter [tilespmem:s5], [sflag:$0x2], $0x8000, $0x38;
	[tilespmem:$0x8100] =	vst v63  }
0x143: {  	_ =	swait.ge [sflag:s3], $0x8000  }
0x144: {  	[sflag:s3] =	ssyncset.done $0x0  }
0x145: {  	s0 =	rddreg [dreg:$0xc];
	[sflag:s3] =	ssyncadd.s32 $0xFFFF8000  }
0x146: {  	[tilespmem:s2], [sflag:$0x2] =	stream.linear.gather [hbm4b:s0+s2], $0x100, $0x38;
	[tilespmem:$0x8100] =	vst v63  }
0x147: {  	_ =	swait.ge [sflag:s3], $0x100  }
0x148: {  	[sflag:s3] =	ssyncset.done $0x0  }
0x149: {  	[sflag:s3] =	ssyncadd.s32 $0xFFFFFF00  }
0x14a: {  	[tilespmem:s5], [sflag:$0x1] =	stream.indirect.gather [hbm4b:s4+s5], $0x80, s2, s5, $0xb8;
	[tilespmem:$0x8100] =	vst v63  }
0x14b: {  	_ =	swait.ge [sflag:s6], $0x8000  }
0x14c: {  	[sflag:s6] =	ssyncset.done $0x0  }
0x14d: {  	s0 =	rddreg [dreg:$0xd];
	[sflag:s6] =	ssyncadd.s32 $0xFFFF8000  }
0x14e: {  	[hbm4b:s0+s2] =	stream.linear.scatter [tilespmem:s5], [sflag:$0x2], $0x8000, $0x38;
	[tilespmem:$0x8100] =	vst v63  }
0x14f: {  	_ =	swait.ge [sflag:s3], $0x8000  }
0x150: {  	[sflag:s3] =	ssyncset.done $0x0  }
0x151: {  	s0 =	rddreg [dreg:$0xe];
	[sflag:s3] =	ssyncadd.s32 $0xFFFF8000  }
0x152: {  	[tilespmem:s2], [sflag:$0x2] =	stream.linear.gather [hbm4b:s0+s2], $0x100, $0x38;
	[tilespmem:$0x8100] =	vst v63  }
0x153: {  	_ =	swait.ge [sflag:s3], $0x100  }
0x154: {  	[sflag:s3] =	ssyncset.done $0x0  }
0x155: {  	[sflag:s3] =	ssyncadd.s32 $0xFFFFFF00  }
0x156: {  	[tilespmem:s5], [sflag:$0x1] =	stream.indirect.gather [hbm4b:s4+s5], $0x80, s2, s5, $0xb8;
	[tilespmem:$0x8100] =	vst v63  }
0x157: {  	_ =	swait.ge [sflag:s6], $0x8000  }
0x158: {  	[sflag:s6] =	ssyncset.done $0x0  }
0x159: {  	s0 =	rddreg [dreg:$0xf];
	[sflag:s6] =	ssyncadd.s32 $0xFFFF8000  }
0x15a: {  	[hbm4b:s0+s2] =	stream.linear.scatter [tilespmem:s5], [sflag:$0x2], $0x8000, $0x38;
	[tilespmem:$0x8100] =	vst v63  }
0x15b: {  	_ =	swait.ge [sflag:s3], $0x8000  }
0x15c: {  	[sflag:s3] =	ssyncset.done $0x0  }
0x15d: {  	s0 =	rddreg [dreg:$0x10];
	[sflag:s3] =	ssyncadd.s32 $0xFFFF8000  }
0x15e: {  	[tilespmem:s2], [sflag:$0x2] =	stream.linear.gather [hbm4b:s0+s2], $0x100, $0x38;
	[tilespmem:$0x8100] =	vst v63  }
0x15f: {  	_ =	swait.ge [sflag:s3], $0x100  }
0x160: {  	[sflag:s3] =	ssyncset.done $0x0  }
0x161: {  	[sflag:s3] =	ssyncadd.s32 $0xFFFFFF00  }
0x162: {  	[tilespmem:s5], [sflag:$0x1] =	stream.indirect.gather [hbm4b:s4+s5], $0x80, s2, s5, $0xb8;
	[tilespmem:$0x8100] =	vst v63  }
0x163: {  	_ =	swait.ge [sflag:s6], $0x8000  }
0x164: {  	[sflag:s6] =	ssyncset.done $0x0  }
0x165: {  	s0 =	rddreg [dreg:$0x11];
	[sflag:s6] =	ssyncadd.s32 $0xFFFF8000  }
0x166: {  	[hbm4b:s0+s2] =	stream.linear.scatter [tilespmem:s5], [sflag:$0x2], $0x8000, $0x38;
	[tilespmem:$0x8100] =	vst v63  }
0x167: {  	_ =	swait.ge [sflag:s3], $0x8000  }
0x168: {  	[sflag:s3] =	ssyncset.done $0x0  }
0x169: {  	[sflag:s3] =	ssyncadd.s32 $0xFFFF8000  }
0x16a: {  	[tilespmem:s2], [sflag:$0x2] =	stream.linear.gather [hbm4b:s7+s2], $0x100, $0x38;
	[tilespmem:$0x8100] =	vst v63  }
0x16b: {  	_ =	swait.ge [sflag:s3], $0x100  }
0x16c: {  	[sflag:s3] =	ssyncset.done $0x0  }
0x16d: {  	[sflag:s3] =	ssyncadd.s32 $0xFFFFFF00  }
0x16e: {  	[tilespmem:s5], [sflag:$0x1] =	stream.indirect.gather [hbm4b:s4+s5], $0x80, s2, s5, $0xb8;
	[tilespmem:$0x8100] =	vst v63  }
0x16f: {  	_ =	swait.ge [sflag:s6], $0x8000  }
0x170: {  	[sflag:s6] =	ssyncset.done $0x0  }
0x171: {  	[sflag:s6] =	ssyncadd.s32 $0xFFFF8000  }
0x172: {  	[hbm4b:s8+s2] =	stream.linear.scatter [tilespmem:s5], [sflag:$0x2], $0x8000, $0x38;
	[tilespmem:$0x8100] =	vst v63  }
0x173: {  	_ =	swait.ge [sflag:s3], $0x8000  }
0x174: {  	[sflag:s3] =	ssyncset.done $0x0  }
0x175: {  	[sflag:s3] =	ssyncadd.s32 $0xFFFF8000  }
0x176: {  	[tilespmem:s2], [sflag:$0x2] =	stream.linear.gather [hbm4b:s9+s2], $0x100, $0x38;
	[tilespmem:$0x8100] =	vst v63  }
0x177: {  	_ =	swait.ge [sflag:s3], $0x100  }
0x178: {  	[sflag:s3] =	ssyncset.done $0x0  }
0x179: {  	[sflag:s3] =	ssyncadd.s32 $0xFFFFFF00  }
0x17a: {  	[tilespmem:s5], [sflag:$0x1] =	stream.indirect.gather [hbm4b:s4+s5], $0x80, s2, s5, $0xb8;
	[tilespmem:$0x8100] =	vst v63  }
0x17b: {  	_ =	swait.ge [sflag:s6], $0x8000  }
0x17c: {  	[sflag:s6] =	ssyncset.done $0x0  }
0x17d: {  	[sflag:s6] =	ssyncadd.s32 $0xFFFF8000  }
0x17e: {  	[hbm4b:s10+s2] =	stream.linear.scatter [tilespmem:s5], [sflag:$0x2], $0x8000, $0x38;
	[tilespmem:$0x8100] =	vst v63  }
0x17f: {  	_ =	swait.ge [sflag:s3], $0x8000  }
0x180: {  	[sflag:s3] =	ssyncset.done $0x0  }
0x181: {  	[sflag:s3] =	ssyncadd.s32 $0xFFFF8000  }
0x182: {  	[tilespmem:s2], [sflag:$0x2] =	stream.linear.gather [hbm4b:s11+s2], $0x100, $0x38;
	[tilespmem:$0x8100] =	vst v63  }
0x183: {  	_ =	swait.ge [sflag:s3], $0x100  }
0x184: {  	[sflag:s3] =	ssyncset.done $0x0  }
0x185: {  	[sflag:s3] =	ssyncadd.s32 $0xFFFFFF00  }
0x186: {  	[tilespmem:s5], [sflag:$0x1] =	stream.indirect.gather [hbm4b:s4+s5], $0x80, s2, s5, $0xb8;
	[tilespmem:$0x8100] =	vst v63  }
0x187: {  	_ =	swait.ge [sflag:s6], $0x8000  }
0x188: {  	[sflag:s6] =	ssyncset.done $0x0  }
0x189: {  	[sflag:s6] =	ssyncadd.s32 $0xFFFF8000  }
0x18a: {  	[hbm4b:s12+s2] =	stream.linear.scatter [tilespmem:s5], [sflag:$0x2], $0x8000, $0x38;
	[tilespmem:$0x8100] =	vst v63  }
0x18b: {  	_ =	swait.ge [sflag:s3], $0x8000  }
0x18c: {  	[sflag:s3] =	ssyncset.done $0x0  }
0x18d: {  	[sflag:s3] =	ssyncadd.s32 $0xFFFF8000  }
0x18e: {  	[tilespmem:s2], [sflag:$0x2] =	stream.linear.gather [hbm4b:s13+s2], $0x100, $0x38;
	[tilespmem:$0x8100] =	vst v63  }
0x18f: {  	_ =	swait.ge [sflag:s3], $0x100  }
0x190: {  	[sflag:s3] =	ssyncset.done $0x0  }
0x191: {  	[sflag:s3] =	ssyncadd.s32 $0xFFFFFF00  }
0x192: {  	[tilespmem:s5], [sflag:$0x1] =	stream.indirect.gather [hbm4b:s4+s5], $0x80, s2, s5, $0xb8;
	[tilespmem:$0x8100] =	vst v63  }
0x193: {  	_ =	swait.ge [sflag:s6], $0x8000  }
0x194: {  	[sflag:s6] =	ssyncset.done $0x0  }
0x195: {  	[sflag:s6] =	ssyncadd.s32 $0xFFFF8000  }
0x196: {  	[hbm4b:s14+s2] =	stream.linear.scatter [tilespmem:s5], [sflag:$0x2], $0x8000, $0x38;
	[tilespmem:$0x8100] =	vst v63  }
0x197: {  	_ =	swait.ge [sflag:s3], $0x8000  }
0x198: {  	[sflag:s3] =	ssyncset.done $0x0  }
0x199: {  	[sflag:s3] =	ssyncadd.s32 $0xFFFF8000  }
0x19a: {  	[tilespmem:s2], [sflag:$0x2] =	stream.linear.gather [hbm4b:s15+s2], $0x100, $0x38;
	[tilespmem:$0x8100] =	vst v63  }
0x19b: {  	_ =	swait.ge [sflag:s3], $0x100  }
0x19c: {  	[sflag:s3] =	ssyncset.done $0x0  }
0x19d: {  	[sflag:s3] =	ssyncadd.s32 $0xFFFFFF00  }
0x19e: {  	[tilespmem:s5], [sflag:$0x1] =	stream.indirect.gather [hbm4b:s4+s5], $0x80, s2, s5, $0xb8;
	[tilespmem:$0x8100] =	vst v63  }
0x19f: {  	_ =	swait.ge [sflag:s6], $0x8000  }
0x1a0: {  	[sflag:s6] =	ssyncset.done $0x0  }
0x1a1: {  	[sflag:s6] =	ssyncadd.s32 $0xFFFF8000  }
0x1a2: {  	[hbm4b:s16+s2] =	stream.linear.scatter [tilespmem:s5], [sflag:$0x2], $0x8000, $0x38;
	[tilespmem:$0x8100] =	vst v63  }
0x1a3: {  	_ =	swait.ge [sflag:s3], $0x8000  }
0x1a4: {  	[sflag:s3] =	ssyncset.done $0x0  }
0x1a5: {  	[sflag:s3] =	ssyncadd.s32 $0xFFFF8000  }
0x1a6: {  	[tilespmem:s2], [sflag:$0x2] =	stream.linear.gather [hbm4b:s17+s2], $0x100, $0x38;
	[tilespmem:$0x8100] =	vst v63  }
0x1a7: {  	_ =	swait.ge [sflag:s3], $0x100  }
0x1a8: {  	[sflag:s3] =	ssyncset.done $0x0  }
0x1a9: {  	[sflag:s3] =	ssyncadd.s32 $0xFFFFFF00  }
0x1aa: {  	[tilespmem:s5], [sflag:$0x1] =	stream.indirect.gather [hbm4b:s4+s5], $0x80, s2, s5, $0xb8;
	[tilespmem:$0x8100] =	vst v63  }
0x1ab: {  	_ =	swait.ge [sflag:s6], $0x8000  }
0x1ac: {  	[sflag:s6] =	ssyncset.done $0x0  }
0x1ad: {  	[sflag:s6] =	ssyncadd.s32 $0xFFFF8000  }
0x1ae: {  	[hbm4b:s18+s2] =	stream.linear.scatter [tilespmem:s5], [sflag:$0x2], $0x8000, $0x38;
	[tilespmem:$0x8100] =	vst v63  }
0x1af: {  	_ =	swait.ge [sflag:s3], $0x8000  }
0x1b0: {  	[sflag:s3] =	ssyncset.done $0x0  }
0x1b1: {  	[sflag:s3] =	ssyncadd.s32 $0xFFFF8000  }
0x1b2: {  	[tilespmem:s2], [sflag:$0x2] =	stream.linear.gather [hbm4b:s19+s2], $0x100, $0x38;
	[tilespmem:$0x8100] =	vst v63  }
0x1b3: {  	_ =	swait.ge [sflag:s3], $0x100  }
0x1b4: {  	[sflag:s3] =	ssyncset.done $0x0  }
0x1b5: {  	[sflag:s3] =	ssyncadd.s32 $0xFFFFFF00  }
0x1b6: {  	[tilespmem:s5], [sflag:$0x1] =	stream.indirect.gather [hbm4b:s4+s5], $0x80, s2, s5, $0xb8;
	[tilespmem:$0x8100] =	vst v63  }
0x1b7: {  	_ =	swait.ge [sflag:s6], $0x8000  }
0x1b8: {  	[sflag:s6] =	ssyncset.done $0x0  }
0x1b9: {  	[sflag:s6] =	ssyncadd.s32 $0xFFFF8000  }
0x1ba: {  	[hbm4b:s20+s2] =	stream.linear.scatter [tilespmem:s5], [sflag:$0x2], $0x8000, $0x38;
	[tilespmem:$0x8100] =	vst v63  }
0x1bb: {  	_ =	swait.ge [sflag:s3], $0x8000  }
0x1bc: {  	[sflag:s3] =	ssyncset.done $0x0  }
0x1bd: {  	[sflag:s3] =	ssyncadd.s32 $0xFFFF8000  }
0x1be: {  	[tilespmem:s2], [sflag:$0x2] =	stream.linear.gather [hbm4b:s21+s2], $0x100, $0x38;
	[tilespmem:$0x8100] =	vst v63  }
0x1bf: {  	_ =	swait.ge [sflag:s3], $0x100  }
0x1c0: {  	[sflag:s3] =	ssyncset.done $0x0  }
0x1c1: {  	[sflag:s3] =	ssyncadd.s32 $0xFFFFFF00  }
0x1c2: {  	[tilespmem:s5], [sflag:$0x1] =	stream.indirect.gather [hbm4b:s4+s5], $0x80, s2, s5, $0xb8;
	[tilespmem:$0x8100] =	vst v63  }
0x1c3: {  	_ =	swait.ge [sflag:s6], $0x8000  }
0x1c4: {  	[sflag:s6] =	ssyncset.done $0x0  }
0x1c5: {  	[sflag:s6] =	ssyncadd.s32 $0xFFFF8000  }
0x1c6: {  	[hbm4b:s22+s2] =	stream.linear.scatter [tilespmem:s5], [sflag:$0x2], $0x8000, $0x38;
	[tilespmem:$0x8100] =	vst v63  }
0x1c7: {  	_ =	swait.ge [sflag:s3], $0x8000  }
0x1c8: {  	[sflag:s3] =	ssyncset.done $0x0  }
0x1c9: {  	[sflag:s3] =	ssyncadd.s32 $0xFFFF8000  }
0x1ca: {  	[tilespmem:s2], [sflag:$0x2] =	stream.linear.gather [hbm4b:s23+s2], $0x100, $0x38;
	[tilespmem:$0x8100] =	vst v63  }
0x1cb: {  	_ =	swait.ge [sflag:s3], $0x100  }
0x1cc: {  	[sflag:s3] =	ssyncset.done $0x0  }
0x1cd: {  	[sflag:s3] =	ssyncadd.s32 $0xFFFFFF00  }
0x1ce: {  	[tilespmem:s5], [sflag:$0x1] =	stream.indirect.gather [hbm4b:s4+s5], $0x80, s2, s5, $0xb8;
	[tilespmem:$0x8100] =	vst v63  }
0x1cf: {  	_ =	swait.ge [sflag:s6], $0x8000  }
0x1d0: {  	[sflag:s6] =	ssyncset.done $0x0  }
0x1d1: {  	[sflag:s6] =	ssyncadd.s32 $0xFFFF8000  }
0x1d2: {  	[hbm4b:s24+s2] =	stream.linear.scatter [tilespmem:s5], [sflag:$0x2], $0x8000, $0x38;
	[tilespmem:$0x8100] =	vst v63  }
0x1d3: {  	_ =	swait.ge [sflag:s3], $0x8000  }
0x1d4: {  	[sflag:s3] =	ssyncset.done $0x0  }
0x1d5: {  	[sflag:s3] =	ssyncadd.s32 $0xFFFF8000  }
0x1d6: {  	[tilespmem:s2], [sflag:$0x2] =	stream.linear.gather [hbm4b:s25+s2], $0x100, $0x38;
	[tilespmem:$0x8100] =	vst v63  }
0x1d7: {  	_ =	swait.ge [sflag:s3], $0x100  }
0x1d8: {  	[sflag:s3] =	ssyncset.done $0x0  }
0x1d9: {  	[sflag:s3] =	ssyncadd.s32 $0xFFFFFF00  }
0x1da: {  	[tilespmem:s5], [sflag:$0x1] =	stream.indirect.gather [hbm4b:s4+s5], $0x80, s2, s5, $0xb8;
	[tilespmem:$0x8100] =	vst v63  }
0x1db: {  	_ =	swait.ge [sflag:s6], $0x8000  }
0x1dc: {  	[sflag:s6] =	ssyncset.done $0x0  }
0x1dd: {  	[sflag:s6] =	ssyncadd.s32 $0xFFFF8000  }
0x1de: {  	[hbm4b:s26+s2] =	stream.linear.scatter [tilespmem:s5], [sflag:$0x2], $0x8000, $0x38;
	[tilespmem:$0x8100] =	vst v63  }
0x1df: {  	_ =	swait.ge [sflag:s3], $0x8000  }
0x1e0: {  	[sflag:s3] =	ssyncset.done $0x0  }
0x1e1: {  	[sflag:s3] =	ssyncadd.s32 $0xFFFF8000  }
0x1e2: {  	[tilespmem:s2], [sflag:$0x2] =	stream.linear.gather [hbm4b:s28+s2], $0x100, $0x38;
	[tilespmem:$0x8100] =	vst v63  }
0x1e3: {  	_ =	swait.ge [sflag:s3], $0x100  }
0x1e4: {  	[sflag:s3] =	ssyncset.done $0x0  }
0x1e5: {  	[sflag:s3] =	ssyncadd.s32 $0xFFFFFF00  }
0x1e6: {  	[tilespmem:s5], [sflag:$0x1] =	stream.indirect.gather [hbm4b:s4+s5], $0x80, s2, s5, $0xb8;
	[tilespmem:$0x8100] =	vst v63  }
0x1e7: {  	_ =	swait.ge [sflag:s6], $0x8000  }
0x1e8: {  	[sflag:s6] =	ssyncset.done $0x0  }
0x1e9: {  	[sflag:s6] =	ssyncadd.s32 $0xFFFF8000  }
0x1ea: {  	[hbm4b:s29+s2] =	stream.linear.scatter [tilespmem:s5], [sflag:$0x2], $0x8000, $0x38;
	[tilespmem:$0x8100] =	vst v63  }
0x1eb: {  	_ =	swait.ge [sflag:s3], $0x8000  }
0x1ec: {  	[sflag:s3] =	ssyncset.done $0x0  }
0x1ed: {  	[sflag:s3] =	ssyncadd.s32 $0xFFFF8000  }
0x1ee: {  	[tilespmem:s2], [sflag:$0x2] =	stream.linear.gather [hbm4b:s30+s2], $0x100, $0x38;
	[tilespmem:$0x8100] =	vst v63  }
0x1ef: {  	_ =	swait.ge [sflag:s3], $0x100  }
0x1f0: {  	[sflag:s3] =	ssyncset.done $0x0  }
0x1f1: {  	p0 =	sne.s32 s1, $0x1;
	[sflag:s3] =	ssyncadd.s32 $0xFFFFFF00  }
0x1f2: {  	[tilespmem:s5], [sflag:$0x1] =	stream.indirect.gather [hbm4b:s4+s5], $0x80, s2, s5, $0xb8;
	[tilespmem:$0x8100] =	vst v63  }
.Ltmp1:
0x1f3: {  	_ =	swait.ge [sflag:s6], $0x8000;
	(pc) =	sbr.rel @p0 .LBB2_1-.Ltmp1, $4  }
0x1f4: {  	[sflag:s6] =	ssyncset.done $0x0  }
0x1f5: {  	[sflag:s6] =	ssyncadd.s32 $0xFFFF8000  }
0x1f6: {  	[hbm4b:s31+s2] =	stream.linear.scatter [tilespmem:s5], [sflag:$0x2], $0x8000, $0x38;
	[tilespmem:$0x8100] =	vst v63  }
0x1f7: {  	s1 =	sadd.s32 $0xFFFFFFFF, s1;
	_ =	swait.ge [sflag:s3], $0x8000  }
.LBB2_2:
0x1f8: {  	[sflag:s3] =	ssyncset.done $0x0  }
0x1f9: {  	[sflag:s3] =	ssyncadd.s32 $0xFFFF8000  }
0x1fa: {  	_ =	sfence.sel $0x180000  }
0x1fb: {  	[bflag:$0x0] =	sbarrier.arrive $0xFFFF  }
0x1fc: {  	_ =	strace $0x90000047  }
0x1fd: {  	s0 =	stileid.u32;
	[bflag:$0x2] =	sbarrier.arrive $0xFFFF  }
0x1fe: {  	p0 =	sne.s32 s0, $0x0;
	s0 =	rddreg [dreg:$0x1]  }
0x1ff: {  	s0 =	sadd.s32 @!p0 $0x100000, s0  }
0x200: {  	[sflag:s0] =	ssyncadd.tile.s32 @!p0 $0x1;
	_ =	shalt  }
.Lfunc_end2:
_tile_overlayer_lowered:
.L_overlay_start_2:
0x201: {  	(tag) =	ssettag $0x2  }
0x202: {  	s0 =	rddreg [dreg:$0x0];
	s2 =	stileid.u32  }
0x203: {  	s1 =	rddreg [dreg:$0x1];
	p0 =	sne.s32 s2, $0x0  }
0x204: {  	s3 =	rddreg [dreg:$0x2];
	[bflag:$0x3] =	sbarrier.arrive $0xFFFF;
	s2 =	simm.s32 @!p0 $0x1C02  }
0x205: {  	[timem:s3], [sflag:s2] =	dma.local @!p0 [hbm:s0], s1  }
0x206: {  	s0 =	simm.s32 @!p0 $0x2  }
0x207: {  	_ =	swait.ge @!p0 [sflag:s0], s1  }
0x208: {  	s1 =	ssub.s32 @!p0 $0x0, s1;
	[sflag:s0] =	ssyncset.done @!p0 $0x0  }
0x209: {  	[sflag:s0] =	ssyncadd.s32 @!p0 s1  }
0x20a: {  	[bflag:$0x3] =	sbarrier.arrive $0xFFFF  }
0x20b: {  	_ =	shalt  }

// kernel: kernel.14.cloned.1.call-start
scs
__scs_entry_jumppad:
0x0: {  	(pc) =	sbr.rel $0x88, $3  }
0x1: {  	(tag) =	ssettag $0x0;
	lr =	simm.s32 $0x1  }
0x2: {  	[smem:$0x3F8B] =	sst lr;
	_ =	strace $0xD0000000  }
0x3: {  	_ = 	snop  }
0x4: {  	_ = 	snop  }
0x5: {  	_ = 	snop  }
0x6: {  	_ = 	snop  }
0x7: {  	_ = 	snop  }
__scs_overlays_trampoline_lowered:
0x8: {  	[smem:$0x3F9A] =	sst s0  }
0x9: {  	[smem:$0x3F9B] =	sst s1  }
0xa: {  	[smem:$0x3F9C] =	sst s2  }
0xb: {  	[smem:$0x3F9D] =	sst s3  }
0xc: {  	[smem:$0x3F9E] =	sst s4  }
0xd: {  	[smem:$0x3F9F] =	sst s5  }
0xe: {  	[smem:$0x3FA0] =	sst s6  }
0xf: {  	[smem:$0x3FA1] =	sst s7  }
0x10: {  	[smem:$0x3FA2] =	sst s8  }
0x11: {  	[smem:$0x3FA3] =	sst s9;
	s0 =	simm.s32 @!p0 $0x0  }
0x12: {  	s1 =	sld [smem:$0x3F89];
	s0 =	simm.s32 @p0 $0x1  }
0x13: {  	[smem:$0x3FA4] =	sst s0;
	s0 =	simm.s32 @!p1 $0x0  }
0x14: {  	s2 =	sld [smem:$0x3F88];
	s0 =	simm.s32 @p1 $0x1  }
0x15: {  	[smem:$0x3FA5] =	sst s0;
	s0 =	simm.s32 @!p2 $0x0  }
0x16: {  	s3 =	sld [smem:$0x3FDB];
	s0 =	simm.s32 @p2 $0x1  }
0x17: {  	s4 =	simm.s32 $0x1BF5;
	[smem:$0x3FA7] =	sst s0  }
0x18: {  	s0 =	sld [smem:$0x3F8A];
	_ =	swait.ge [sflag:s4], $0x0  }
0x19: {  	s7 =	sld [smem:$0x3F8B]  }
0x1a: {  	s8 =	sadd.s32 $0xFFFFE003, lr  }
0x1b: {  	s9 =	sadd.s32 $0xFFFFFEF7, lr;
	s5 =	simm.s32 $0xFFFFFFFF;
	p2 =	slt.u32 s8, $0xFFFFF086  }
0x1c: {  	p1 =	slt.u32 s9, $0xF7A;
	s5 =	simm.s32 @!p2 $0x0  }
0x1d: {  	s5 =	simm.s32 @p1 $0x1;
	p0 =	seq.s32 s7, s2  }
0x1e: {  	s7 =	smul.u32 @!p0 $0xF7A, s2;
	p2 =	seq.s32 @!p0 s5, $0x0  }
0x1f: {  	s9 =	smul.u32 $0xF7A, s1;
	s8 =	simm.s32 @!p0 $0x1BF5;
	p2 =	por !p2, p0  }
0x20: {  	[sflag:s8] =	ssyncset.s32 @!p0 $0xFFFFF086;
	s6 =	sadd.s32 @!p0 s3, s7;
	s7 =	simm.s32 @!p0 $0x108  }
0x21: {  	s3 =	sadd.s32 s3, s9;
	s6 =	sadd.s32 @!p0 $0x88, s6;
	s7 =	simm.s32 @p2 $0x1082  }
0x22: {  	[simem:s7], [sflag:s8] =	dma.local @!p0 [hbm:s6], $0xF7A  }
0x23: {  	s9 =	sor.u32 $0xD0000000, s2;
	s6 =	simm.s32 $0x108;
	_ =	swait.ge @!p0 [sflag:s8], $0x0  }
0x24: {  	s3 =	sadd.s32 $0x88, s3;
	s6 =	simm.s32 @!p1 $0x1082;
	[sflag:s4] =	ssyncset.s32 $0xFFFFF086  }
0x25: {  	[simem:s6], [sflag:s4] =	dma.local [hbm:s3], $0xF7A  }
0x26: {  	[smem:$0x3F8B] =	sst s1;
	(tag) =	ssettag s2;
	_ =	strace s9  }
0x27: {  	s1 =	sld [smem:$0x3F9B]  }
0x28: {  	s2 =	sld [smem:$0x3F9C]  }
0x29: {  	s4 =	sld [smem:$0x3F9E]  }
0x2a: {  	p0 =	seq.s32 s5, $0x0;
	s5 =	sld [smem:$0x3F9F]  }
0x2b: {  	s6 =	sld [smem:$0x3FA0]  }
0x2c: {  	s7 =	sld [smem:$0x3FA1]  }
0x2d: {  	s3 =	simm.s32 $0x108;
	s8 =	sld [smem:$0x3FA2]  }
0x2e: {  	s3 =	simm.s32 @!p0 $0x1082;
	s9 =	sld [smem:$0x3FA3]  }
0x2f: {  	lr =	sadd.s32 s0, s3;
	s0 =	sld [smem:$0x3F9A]  }
0x30: {  	s3 =	sld [smem:$0x3F9D]  }
0x31: {  	[smem:$0x3FA6] =	sst s10  }
0x32: {  	s10 =	sld [smem:$0x3FA4];
	_ =	sdelay $0x3  }
0x33: {  	p0 =	seq.s32 s10, $0x1;
	s10 =	sld [smem:$0x3FA6];
	_ =	sdelay $0x3  }
0x34: {  	[smem:$0x3FA6] =	sst s10  }
0x35: {  	s10 =	sld [smem:$0x3FA5];
	_ =	sdelay $0x3  }
0x36: {  	p1 =	seq.s32 s10, $0x1;
	s10 =	sld [smem:$0x3FA6];
	_ =	sdelay $0x3  }
0x37: {  	[smem:$0x3FA6] =	sst s10  }
0x38: {  	s10 =	sld [smem:$0x3FA7]  }
0x39: {  	_ = 	snop;
	(pc) =	sbr.ind lr, $3  }
0x3a: {  	_ = 	snop  }
0x3b: {  	_ = 	snop  }
0x3c: {  	p2 =	seq.s32 s10, $0x1;
	s10 =	sld [smem:$0x3FA6]  }
0x3d: {  	_ =	shalt  }
0x3e: {  	_ =	shalt  }
0x3f: {  	_ =	shalt  }
0x40: {  	_ =	shalt  }
0x41: {  	_ =	shalt  }
0x42: {  	_ =	shalt  }
0x43: {  	_ =	shalt  }
0x44: {  	_ =	shalt  }
0x45: {  	_ =	shalt  }
0x46: {  	_ =	shalt  }
0x47: {  	_ =	shalt  }
0x48: {  	_ =	shalt  }
0x49: {  	_ =	shalt  }
0x4a: {  	_ =	shalt  }
0x4b: {  	_ =	shalt  }
0x4c: {  	_ =	shalt  }
0x4d: {  	_ =	shalt  }
0x4e: {  	_ =	shalt  }
0x4f: {  	_ =	shalt  }
0x50: {  	_ =	shalt  }
0x51: {  	_ =	shalt  }
0x52: {  	_ =	shalt  }
0x53: {  	_ =	shalt  }
0x54: {  	_ =	shalt  }
0x55: {  	_ =	shalt  }
0x56: {  	_ =	shalt  }
0x57: {  	_ =	shalt  }
0x58: {  	_ =	shalt  }
0x59: {  	_ =	shalt  }
0x5a: {  	_ =	shalt  }
0x5b: {  	_ =	shalt  }
0x5c: {  	_ =	shalt  }
0x5d: {  	_ =	shalt  }
0x5e: {  	_ =	shalt  }
0x5f: {  	_ =	shalt  }
0x60: {  	_ =	shalt  }
0x61: {  	_ =	shalt  }
0x62: {  	_ =	shalt  }
0x63: {  	_ =	shalt  }
0x64: {  	_ =	shalt  }
0x65: {  	_ =	shalt  }
0x66: {  	_ =	shalt  }
0x67: {  	_ =	shalt  }
0x68: {  	_ =	shalt  }
0x69: {  	_ =	shalt  }
0x6a: {  	_ =	shalt  }
0x6b: {  	_ =	shalt  }
0x6c: {  	_ =	shalt  }
0x6d: {  	_ =	shalt  }
0x6e: {  	_ =	shalt  }
0x6f: {  	_ =	shalt  }
0x70: {  	_ =	shalt  }
0x71: {  	_ =	shalt  }
0x72: {  	_ =	shalt  }
0x73: {  	_ =	shalt  }
0x74: {  	_ =	shalt  }
0x75: {  	_ =	shalt  }
0x76: {  	_ =	shalt  }
0x77: {  	_ =	shalt  }
0x78: {  	_ =	shalt  }
0x79: {  	_ =	shalt  }
0x7a: {  	_ =	shalt  }
0x7b: {  	_ =	shalt  }
0x7c: {  	_ =	shalt  }
0x7d: {  	_ =	shalt  }
0x7e: {  	_ =	shalt  }
0x7f: {  	_ =	shalt  }
0x80: {  	_ =	shalt  }
0x81: {  	_ =	shalt  }
0x82: {  	_ =	shalt  }
0x83: {  	_ =	shalt  }
0x84: {  	_ =	shalt  }
0x85: {  	_ =	shalt  }
0x86: {  	_ =	shalt  }
0x87: {  	_ =	shalt  }
.Lfunc_end0:
.L_simem_size_0:
called_computation.1_lowered:
.L_overlay_start_0:
0x88: {  	s2 =	sld [smem:$0x3FD9]  }
0x89: {  	s3 =	sld [smem:$0x3FFE];
	_ =	sdelay $0x1  }
0x8a: {  	s1 =	srdreg.scid  }
0x8b: {  	s0 =	sand.u32 $0x1, s1  }
0x8c: {  	s16 =	sshll.u32 s0, $0xA;
	s2 =	sadd.s32 s3, s2  }
0x8d: {  	s2 =	sadd.s32 s2, s16  }
0x8e: {  	[smem:$0x3FB2] =	sst s2  }
0x8f: {  	_ = 	snop  }
0x90: {  	(tm) =	ssettm $0x1  }
0x91: {  	s17 =	sld [smem:$0x3FFB];
	_ =	sdelay $0x3  }
0x92: {  	_ =	strace s17  }
0x93: {  	s2 =	sld [smem:$0x3FFC];
	_ =	sdelay $0x3  }
0x94: {  	_ =	strace s2  }
0x95: {  	s2 =	sld [smem:$0x3FFD];
	_ =	sdelay $0x3  }
0x96: {  	_ =	strace s2  }
0x97: {  	_ =	strace $0x8FFFFFFF  }
0x98: {  	s18 =	sld [smem:$0x3FDB];
	_ =	sdelay $0x1  }
0x99: {  	s19 =	simm.s32 $_scs_section_size  }
0x9a: {  	s4 =	simm.s32 $_size__tile_overlayer_lowered;
	s5 =	simm.s32 $_tile_overlayer_lowered  }
0x9b: {  	s22 =	simm.s32 $0x1BFF;
	s21 =	sshll.u32 s5, $0x1;
	s2 =	sadd.s32 s19, s18  }
0x9c: {  	s6 =	simm.s32 $0x0;
	s20 =	sshll.u32 s4, $0x1;
	s4 =	sadd.s32 s21, s2  }
0x9d: {  	[timem:s6], [sflag:s22] =	dma.local [hbm:s4], s20  }
0x9e: {  	_ =	swait.ge [sflag:s22], s20  }
0x9f: {  	s3 =	ssub.s32 $0x0, s20;
	[sflag:s22] =	ssyncset.done $0x0  }
0xa0: {  	[sflag:s22] =	ssyncadd.s32 s3;
	_ =	sdelay $0x1  }
0xa1: {  	s23 =	simm.s32 $0x1B8B  }
0xa2: {  	_ =	swait.ge [sflag:s23], $0x1  }
0xa3: {  	[sflag:s23] =	ssyncset.done $0x0  }
0xa4: {  	s25 =	simm.s32 $0x1B8E;
	s24 =	sld [smem:$0x3FFE];
	[sflag:s23] =	ssyncadd.s32 $0xFFFFFFFF  }
0xa5: {  	s26 =	simm.s32 $execute0_lowered;
	[smem:$0x3FD2] =	sst s25  }
0xa6: {  	s4 =	sshll.u32 s26, $0x1;
	_ =	strace $0x80000049;
	[dreg:$0x1] =	wrdreg $0xFFFFFFFF  }
0xa7: {  	s28 =	simm.s32 $_size_execute0_lowered;
	s2 =	sadd.s32 s2, s4;
	[dreg:$0x0] =	wrdreg $0x0  }
0xa8: {  	s4 =	sshll.u32 s28, $0x1;
	[dreg:$0x2] =	wrdreg s2  }
0xa9: {  	[dreg:$0x3] =	wrdreg s4  }
0xaa: {  	[dreg:$0x4] =	wrdreg $0xC0  }
0xab: {  	_ =	task [dreg:s6], $0x5FFFF  }
0xac: {  	[dreg:$0x1] =	wrdreg $0xFFFFFFFF  }
0xad: {  	[dreg:$0x0] =	wrdreg $0x60  }
0xae: {  	[dreg:$0x2] =	wrdreg s24  }
0xaf: {  	[dreg:$0x3] =	wrdreg $0x9  }
0xb0: {  	_ =	task.clear_ibuf [dreg:s6], $0x4FFFF;
	_ =	strace $0x90000049  }
0xb1: {  	s29 =	simm.s32 $0x9;
	_ =	strace $0x8000004B  }
0xb2: {  	_ =	swait.ge [sflag:s29], $0x1  }
0xb3: {  	[sflag:s29] =	ssyncadd.s32 $0xFFFFFFFF  }
0xb4: {  	_ =	strace $0x9000004B  }
0xb5: {  	_ =	sfence  }
0xb6: {  	s30 =	sld [smem:$0x0];
	_ =	sdelay $0x2  }
0xb7: {  	s31 =	sshll.u32 s1, $0xD;
	s1 =	sshrl.u32 s1, $0x2  }
0xb8: {  	s3 =	sand.u32 $0x4000, s31;
	s1 =	sadd.s32 s1, s30  }
0xb9: {  	s0 =	sor.u32 s3, s0;
	s1 =	sshll.u32 s1, $0x11  }
0xba: {  	s0 =	sor.u32 s1, s0  }
0xbb: {  	s0 =	sadd.s32 $0x8F2B, s0  }
0xbc: {  	[sflag:s0] =	ssyncadd.remote.s32 $0x1  }
0xbd: {  	_ =	sfence.sel $0xFFFF  }
0xbe: {  	[dreg:$0x0] =	wrdreg $0xFFFFFFFF;
	(pc) =	sbr.abs _section_cstart, $3  }
0xbf: {  	[dreg:$0x1] =	wrdreg $0xFFFFFFFF  }
0xc0: {  	_ =	task.clear_ibuf [dreg:s6], $0x2FFFF;
	_ =	strace $0x9FFFFFFF  }
0xc1: {  	(tm) =	ssettm $0x7FFFFFFF  }
tec
execute0_lowered:
.L_overlay_start_1:
0x0: {  	(tag) =	ssettag $0x1  }
0x1: {  	s0 =	srdreg.scid;
	s1 =	stileid.u32  }
0x2: {  	s31 =	sand.u32 $0x1, s0;
	s6 =	sshll.u32 s1, $0x1  }
0x3: {  	s4 =	rddreg [dreg:$0x0];
	s2 =	simm.s32 $0x0;
	s3 =	sor.u32 s31, s6  }
0x4: {  	[smem:$0x7FF] =	sst s2;
	s0 =	smul.u32 $0x1400, s3  }
0x5: {  	s30 =	sadd.s32 $0x64000, s4;
	s1 =	sadd.s32 $0x69000, s4;
	s3 =	smul.u32 $0x14000, s3  }
0x6: {  	_ =	strace $0x8000004A;
	[dreg:$0x12] =	wrdreg s1;
	s5 =	sshrl.u32 s0, $0x3  }
0x7: {  	s3 =	sadd.s32 s1, s3;
	s7 =	sor.u32 $0x100, s0;
	s6 =	sor.u32 $0x200, s0  }
0x8: {  	s14 =	sor.u32 $0x300, s0;
	s16 =	sadd.s32 $0x400, s0;
	s24 =	sadd.s32 $0x600, s0  }
0x9: {  	s5 =	sadd.s32 s30, s5;
	[dreg:$0x3] =	wrdreg s3;
	s8 =	sshrl.u32 s7, $0x3  }
0xa: {  	s10 =	sshrl.u32 s6, $0x3;
	[dreg:$0x2] =	wrdreg s5;
	s3 =	sadd.s32 s30, s8  }
0xb: {  	s12 =	sshll.u32 s6, $0x4;
	s11 =	sadd.s32 s30, s10;
	[dreg:$0x4] =	wrdreg s3  }
0xc: {  	s18 =	sshrl.u32 s16, $0x3;
	s13 =	sadd.s32 s1, s12;
	[dreg:$0x6] =	wrdreg s11  }
0xd: {  	s20 =	sshll.u32 s16, $0x4;
	s19 =	sadd.s32 s30, s18;
	[dreg:$0x7] =	wrdreg s13  }
0xe: {  	s6 =	sshll.u32 s24, $0x4;
	s21 =	sadd.s32 s1, s20;
	[dreg:$0xa] =	wrdreg s19  }
0xf: {  	s5 =	sshll.u32 s7, $0x4;
	s7 =	sadd.s32 s1, s6;
	[dreg:$0xb] =	wrdreg s21  }
0x10: {  	s22 =	sadd.s32 $0x500, s0;
	s15 =	sshrl.u32 s14, $0x3;
	[dreg:$0xf] =	wrdreg s7  }
0x11: {  	s23 =	sshrl.u32 s22, $0x3;
	s9 =	sadd.s32 s1, s5;
	s10 =	rddreg [dreg:$0x2]  }
0x12: {  	s3 =	sadd.s32 s30, s15;
	s5 =	sshll.u32 s14, $0x4;
	[dreg:$0x5] =	wrdreg s9  }
0x13: {  	s26 =	sshrl.u32 s24, $0x3;
	[dreg:$0x8] =	wrdreg s3;
	s17 =	sadd.s32 s1, s5  }
0x14: {  	[tilespmem:s2], [sflag:$0x2] =	stream.linear.gather [hbm4b:s10+s2], $0x100, $0x38;
	[tilespmem:$0x8100] =	vst v63  }
0x15: {  	s3 =	sadd.s32 s30, s23;
	s5 =	sshll.u32 s22, $0x4;
	[dreg:$0x9] =	wrdreg s17  }
0x16: {  	s8 =	sadd.s32 $0x700, s0;
	[dreg:$0xc] =	wrdreg s3;
	s25 =	sadd.s32 s1, s5  }
0x17: {  	s9 =	sshrl.u32 s8, $0x3;
	s5 =	sadd.s32 s30, s26;
	[dreg:$0xd] =	wrdreg s25  }
0x18: {  	s3 =	sadd.s32 s30, s9;
	[dreg:$0xe] =	wrdreg s5;
	s5 =	sshll.u32 s8, $0x4  }
0x19: {  	[dreg:$0x10] =	wrdreg s3;
	s11 =	sadd.s32 s1, s5  }
0x1a: {  	s3 =	simm.s32 $0x2;
	[dreg:$0x11] =	wrdreg s11  }
0x1b: {  	_ =	swait.ge [sflag:s3], $0x100  }
0x1c: {  	s4 =	sadd.s32 $0x24000, s4;
	[sflag:s3] =	ssyncset.done $0x0  }
0x1d: {  	s6 =	simm.s32 $0x1;
	s5 =	simm.s32 $0x100;
	[sflag:s3] =	ssyncadd.s32 $0xFFFFFF00  }
0x1e: {  	[tilespmem:s5], [sflag:$0x1] =	stream.indirect.gather [hbm4b:s4+s5], $0x80, s2, s5, $0xb8;
	[tilespmem:$0x8100] =	vst v63  }
0x1f: {  	_ =	swait.ge [sflag:s6], $0x8000  }
0x20: {  	[sflag:s6] =	ssyncset.done $0x0  }
0x21: {  	s7 =	rddreg [dreg:$0x3];
	[sflag:s6] =	ssyncadd.s32 $0xFFFF8000  }
0x22: {  	[hbm4b:s7+s2] =	stream.linear.scatter [tilespmem:s5], [sflag:$0x2], $0x8000, $0x38;
	[tilespmem:$0x8100] =	vst v63  }
0x23: {  	_ =	swait.ge [sflag:s3], $0x8000  }
0x24: {  	[sflag:s3] =	ssyncset.done $0x0  }
0x25: {  	s12 =	rddreg [dreg:$0x4];
	[sflag:s3] =	ssyncadd.s32 $0xFFFF8000  }
0x26: {  	[tilespmem:s2], [sflag:$0x2] =	stream.linear.gather [hbm4b:s12+s2], $0x100, $0x38;
	[tilespmem:$0x8100] =	vst v63  }
0x27: {  	_ =	swait.ge [sflag:s3], $0x100  }
0x28: {  	[sflag:s3] =	ssyncset.done $0x0  }
0x29: {  	[sflag:s3] =	ssyncadd.s32 $0xFFFFFF00  }
0x2a: {  	[tilespmem:s5], [sflag:$0x1] =	stream.indirect.gather [hbm4b:s4+s5], $0x80, s2, s5, $0xb8;
	[tilespmem:$0x8100] =	vst v63  }
0x2b: {  	_ =	swait.ge [sflag:s6], $0x8000  }
0x2c: {  	[sflag:s6] =	ssyncset.done $0x0  }
0x2d: {  	s13 =	rddreg [dreg:$0x5];
	[sflag:s6] =	ssyncadd.s32 $0xFFFF8000  }
0x2e: {  	[hbm4b:s13+s2] =	stream.linear.scatter [tilespmem:s5], [sflag:$0x2], $0x8000, $0x38;
	[tilespmem:$0x8100] =	vst v63  }
0x2f: {  	_ =	swait.ge [sflag:s3], $0x8000  }
0x30: {  	[sflag:s3] =	ssyncset.done $0x0  }
0x31: {  	s14 =	rddreg [dreg:$0x6];
	[sflag:s3] =	ssyncadd.s32 $0xFFFF8000  }
0x32: {  	[tilespmem:s2], [sflag:$0x2] =	stream.linear.gather [hbm4b:s14+s2], $0x100, $0x38;
	[tilespmem:$0x8100] =	vst v63  }
0x33: {  	_ =	swait.ge [sflag:s3], $0x100  }
0x34: {  	[sflag:s3] =	ssyncset.done $0x0  }
0x35: {  	[sflag:s3] =	ssyncadd.s32 $0xFFFFFF00  }
0x36: {  	[tilespmem:s5], [sflag:$0x1] =	stream.indirect.gather [hbm4b:s4+s5], $0x80, s2, s5, $0xb8;
	[tilespmem:$0x8100] =	vst v63  }
0x37: {  	_ =	swait.ge [sflag:s6], $0x8000  }
0x38: {  	[sflag:s6] =	ssyncset.done $0x0  }
0x39: {  	s15 =	rddreg [dreg:$0x7];
	[sflag:s6] =	ssyncadd.s32 $0xFFFF8000  }
0x3a: {  	[hbm4b:s15+s2] =	stream.linear.scatter [tilespmem:s5], [sflag:$0x2], $0x8000, $0x38;
	[tilespmem:$0x8100] =	vst v63  }
0x3b: {  	_ =	swait.ge [sflag:s3], $0x8000  }
0x3c: {  	[sflag:s3] =	ssyncset.done $0x0  }
0x3d: {  	s16 =	rddreg [dreg:$0x8];
	[sflag:s3] =	ssyncadd.s32 $0xFFFF8000  }
0x3e: {  	[tilespmem:s2], [sflag:$0x2] =	stream.linear.gather [hbm4b:s16+s2], $0x100, $0x38;
	[tilespmem:$0x8100] =	vst v63  }
0x3f: {  	_ =	swait.ge [sflag:s3], $0x100  }
0x40: {  	[sflag:s3] =	ssyncset.done $0x0  }
0x41: {  	[sflag:s3] =	ssyncadd.s32 $0xFFFFFF00  }
0x42: {  	[tilespmem:s5], [sflag:$0x1] =	stream.indirect.gather [hbm4b:s4+s5], $0x80, s2, s5, $0xb8;
	[tilespmem:$0x8100] =	vst v63  }
0x43: {  	_ =	swait.ge [sflag:s6], $0x8000  }
0x44: {  	[sflag:s6] =	ssyncset.done $0x0  }
0x45: {  	s17 =	rddreg [dreg:$0x9];
	[sflag:s6] =	ssyncadd.s32 $0xFFFF8000  }
0x46: {  	[hbm4b:s17+s2] =	stream.linear.scatter [tilespmem:s5], [sflag:$0x2], $0x8000, $0x38;
	[tilespmem:$0x8100] =	vst v63  }
0x47: {  	_ =	swait.ge [sflag:s3], $0x8000  }
0x48: {  	[sflag:s3] =	ssyncset.done $0x0  }
0x49: {  	s18 =	rddreg [dreg:$0xa];
	[sflag:s3] =	ssyncadd.s32 $0xFFFF8000  }
0x4a: {  	[tilespmem:s2], [sflag:$0x2] =	stream.linear.gather [hbm4b:s18+s2], $0x100, $0x38;
	[tilespmem:$0x8100] =	vst v63  }
0x4b: {  	_ =	swait.ge [sflag:s3], $0x100  }
0x4c: {  	[sflag:s3] =	ssyncset.done $0x0  }
0x4d: {  	[sflag:s3] =	ssyncadd.s32 $0xFFFFFF00  }
0x4e: {  	[tilespmem:s5], [sflag:$0x1] =	stream.indirect.gather [hbm4b:s4+s5], $0x80, s2, s5, $0xb8;
	[tilespmem:$0x8100] =	vst v63  }
0x4f: {  	_ =	swait.ge [sflag:s6], $0x8000  }
0x50: {  	[sflag:s6] =	ssyncset.done $0x0  }
0x51: {  	s19 =	rddreg [dreg:$0xb];
	[sflag:s6] =	ssyncadd.s32 $0xFFFF8000  }
0x52: {  	[hbm4b:s19+s2] =	stream.linear.scatter [tilespmem:s5], [sflag:$0x2], $0x8000, $0x38;
	[tilespmem:$0x8100] =	vst v63  }
0x53: {  	_ =	swait.ge [sflag:s3], $0x8000  }
0x54: {  	[sflag:s3] =	ssyncset.done $0x0  }
0x55: {  	s20 =	rddreg [dreg:$0xc];
	[sflag:s3] =	ssyncadd.s32 $0xFFFF8000  }
0x56: {  	[tilespmem:s2], [sflag:$0x2] =	stream.linear.gather [hbm4b:s20+s2], $0x100, $0x38;
	[tilespmem:$0x8100] =	vst v63  }
0x57: {  	_ =	swait.ge [sflag:s3], $0x100  }
0x58: {  	[sflag:s3] =	ssyncset.done $0x0  }
0x59: {  	[sflag:s3] =	ssyncadd.s32 $0xFFFFFF00  }
0x5a: {  	[tilespmem:s5], [sflag:$0x1] =	stream.indirect.gather [hbm4b:s4+s5], $0x80, s2, s5, $0xb8;
	[tilespmem:$0x8100] =	vst v63  }
0x5b: {  	_ =	swait.ge [sflag:s6], $0x8000  }
0x5c: {  	[sflag:s6] =	ssyncset.done $0x0  }
0x5d: {  	s21 =	rddreg [dreg:$0xd];
	[sflag:s6] =	ssyncadd.s32 $0xFFFF8000  }
0x5e: {  	[hbm4b:s21+s2] =	stream.linear.scatter [tilespmem:s5], [sflag:$0x2], $0x8000, $0x38;
	[tilespmem:$0x8100] =	vst v63  }
0x5f: {  	_ =	swait.ge [sflag:s3], $0x8000  }
0x60: {  	[sflag:s3] =	ssyncset.done $0x0  }
0x61: {  	s22 =	rddreg [dreg:$0xe];
	[sflag:s3] =	ssyncadd.s32 $0xFFFF8000  }
0x62: {  	[tilespmem:s2], [sflag:$0x2] =	stream.linear.gather [hbm4b:s22+s2], $0x100, $0x38;
	[tilespmem:$0x8100] =	vst v63  }
0x63: {  	_ =	swait.ge [sflag:s3], $0x100  }
0x64: {  	[sflag:s3] =	ssyncset.done $0x0  }
0x65: {  	[sflag:s3] =	ssyncadd.s32 $0xFFFFFF00  }
0x66: {  	[tilespmem:s5], [sflag:$0x1] =	stream.indirect.gather [hbm4b:s4+s5], $0x80, s2, s5, $0xb8;
	[tilespmem:$0x8100] =	vst v63  }
0x67: {  	_ =	swait.ge [sflag:s6], $0x8000  }
0x68: {  	[sflag:s6] =	ssyncset.done $0x0  }
0x69: {  	s23 =	rddreg [dreg:$0xf];
	[sflag:s6] =	ssyncadd.s32 $0xFFFF8000  }
0x6a: {  	[hbm4b:s23+s2] =	stream.linear.scatter [tilespmem:s5], [sflag:$0x2], $0x8000, $0x38;
	[tilespmem:$0x8100] =	vst v63  }
0x6b: {  	_ =	swait.ge [sflag:s3], $0x8000  }
0x6c: {  	[sflag:s3] =	ssyncset.done $0x0  }
0x6d: {  	s24 =	rddreg [dreg:$0x10];
	[sflag:s3] =	ssyncadd.s32 $0xFFFF8000  }
0x6e: {  	[tilespmem:s2], [sflag:$0x2] =	stream.linear.gather [hbm4b:s24+s2], $0x100, $0x38;
	[tilespmem:$0x8100] =	vst v63  }
0x6f: {  	_ =	swait.ge [sflag:s3], $0x100  }
0x70: {  	[sflag:s3] =	ssyncset.done $0x0  }
0x71: {  	[sflag:s3] =	ssyncadd.s32 $0xFFFFFF00  }
0x72: {  	[tilespmem:s5], [sflag:$0x1] =	stream.indirect.gather [hbm4b:s4+s5], $0x80, s2, s5, $0xb8;
	[tilespmem:$0x8100] =	vst v63  }
0x73: {  	_ =	swait.ge [sflag:s6], $0x8000  }
0x74: {  	[sflag:s6] =	ssyncset.done $0x0  }
0x75: {  	s25 =	rddreg [dreg:$0x11];
	[sflag:s6] =	ssyncadd.s32 $0xFFFF8000  }
0x76: {  	[hbm4b:s25+s2] =	stream.linear.scatter [tilespmem:s5], [sflag:$0x2], $0x8000, $0x38;
	[tilespmem:$0x8100] =	vst v63  }
0x77: {  	s8 =	sadd.s32 $0x800, s0;
	_ =	swait.ge [sflag:s3], $0x8000  }
0x78: {  	s26 =	sshrl.u32 s8, $0x3;
	[sflag:s3] =	ssyncset.done $0x0  }
0x79: {  	s7 =	sadd.s32 s30, s26;
	[sflag:s3] =	ssyncadd.s32 $0xFFFF8000  }
0x7a: {  	[tilespmem:s2], [sflag:$0x2] =	stream.linear.gather [hbm4b:s7+s2], $0x100, $0x38;
	[tilespmem:$0x8100] =	vst v63  }
0x7b: {  	_ =	swait.ge [sflag:s3], $0x100  }
0x7c: {  	[sflag:s3] =	ssyncset.done $0x0  }
0x7d: {  	[sflag:s3] =	ssyncadd.s32 $0xFFFFFF00  }
0x7e: {  	[tilespmem:s5], [sflag:$0x1] =	stream.indirect.gather [hbm4b:s4+s5], $0x80, s2, s5, $0xb8;
	[tilespmem:$0x8100] =	vst v63  }
0x7f: {  	_ =	swait.ge [sflag:s6], $0x8000  }
0x80: {  	s8 =	sshll.u32 s8, $0x4;
	[sflag:s6] =	ssyncset.done $0x0  }
0x81: {  	s8 =	sadd.s32 s1, s8;
	[sflag:s6] =	ssyncadd.s32 $0xFFFF8000  }
0x82: {  	[hbm4b:s8+s2] =	stream.linear.scatter [tilespmem:s5], [sflag:$0x2], $0x8000, $0x38;
	[tilespmem:$0x8100] =	vst v63  }
0x83: {  	s10 =	sadd.s32 $0x900, s0;
	_ =	swait.ge [sflag:s3], $0x8000  }
0x84: {  	s9 =	sshrl.u32 s10, $0x3;
	[sflag:s3] =	ssyncset.done $0x0  }
0x85: {  	s9 =	sadd.s32 s30, s9;
	[sflag:s3] =	ssyncadd.s32 $0xFFFF8000  }
0x86: {  	[tilespmem:s2], [sflag:$0x2] =	stream.linear.gather [hbm4b:s9+s2], $0x100, $0x38;
	[tilespmem:$0x8100] =	vst v63  }
0x87: {  	_ =	swait.ge [sflag:s3], $0x100  }
0x88: {  	[sflag:s3] =	ssyncset.done $0x0  }
0x89: {  	[sflag:s3] =	ssyncadd.s32 $0xFFFFFF00  }
0x8a: {  	[tilespmem:s5], [sflag:$0x1] =	stream.indirect.gather [hbm4b:s4+s5], $0x80, s2, s5, $0xb8;
	[tilespmem:$0x8100] =	vst v63  }
0x8b: {  	_ =	swait.ge [sflag:s6], $0x8000  }
0x8c: {  	s10 =	sshll.u32 s10, $0x4;
	[sflag:s6] =	ssyncset.done $0x0  }
0x8d: {  	s10 =	sadd.s32 s1, s10;
	[sflag:s6] =	ssyncadd.s32 $0xFFFF8000  }
0x8e: {  	[hbm4b:s10+s2] =	stream.linear.scatter [tilespmem:s5], [sflag:$0x2], $0x8000, $0x38;
	[tilespmem:$0x8100] =	vst v63  }
0x8f: {  	s12 =	sadd.s32 $0xA00, s0;
	_ =	swait.ge [sflag:s3], $0x8000  }
0x90: {  	s11 =	sshrl.u32 s12, $0x3;
	[sflag:s3] =	ssyncset.done $0x0  }
0x91: {  	s11 =	sadd.s32 s30, s11;
	[sflag:s3] =	ssyncadd.s32 $0xFFFF8000  }
0x92: {  	[tilespmem:s2], [sflag:$0x2] =	stream.linear.gather [hbm4b:s11+s2], $0x100, $0x38;
	[tilespmem:$0x8100] =	vst v63  }
0x93: {  	_ =	swait.ge [sflag:s3], $0x100  }
0x94: {  	[sflag:s3] =	ssyncset.done $0x0  }
0x95: {  	[sflag:s3] =	ssyncadd.s32 $0xFFFFFF00  }
0x96: {  	[tilespmem:s5], [sflag:$0x1] =	stream.indirect.gather [hbm4b:s4+s5], $0x80, s2, s5, $0xb8;
	[tilespmem:$0x8100] =	vst v63  }
0x97: {  	_ =	swait.ge [sflag:s6], $0x8000  }
0x98: {  	s12 =	sshll.u32 s12, $0x4;
	[sflag:s6] =	ssyncset.done $0x0  }
0x99: {  	s12 =	sadd.s32 s1, s12;
	[sflag:s6] =	ssyncadd.s32 $0xFFFF8000  }
0x9a: {  	[hbm4b:s12+s2] =	stream.linear.scatter [tilespmem:s5], [sflag:$0x2], $0x8000, $0x38;
	[tilespmem:$0x8100] =	vst v63  }
0x9b: {  	s14 =	sadd.s32 $0xB00, s0;
	_ =	swait.ge [sflag:s3], $0x8000  }
0x9c: {  	s13 =	sshrl.u32 s14, $0x3;
	[sflag:s3] =	ssyncset.done $0x0  }
0x9d: {  	s13 =	sadd.s32 s30, s13;
	[sflag:s3] =	ssyncadd.s32 $0xFFFF8000  }
0x9e: {  	[tilespmem:s2], [sflag:$0x2] =	stream.linear.gather [hbm4b:s13+s2], $0x100, $0x38;
	[tilespmem:$0x8100] =	vst v63  }
0x9f: {  	_ =	swait.ge [sflag:s3], $0x100  }
0xa0: {  	[sflag:s3] =	ssyncset.done $0x0  }
0xa1: {  	[sflag:s3] =	ssyncadd.s32 $0xFFFFFF00  }
0xa2: {  	[tilespmem:s5], [sflag:$0x1] =	stream.indirect.gather [hbm4b:s4+s5], $0x80, s2, s5, $0xb8;
	[tilespmem:$0x8100] =	vst v63  }
0xa3: {  	_ =	swait.ge [sflag:s6], $0x8000  }
0xa4: {  	s14 =	sshll.u32 s14, $0x4;
	[sflag:s6] =	ssyncset.done $0x0  }
0xa5: {  	s14 =	sadd.s32 s1, s14;
	[sflag:s6] =	ssyncadd.s32 $0xFFFF8000  }
0xa6: {  	[hbm4b:s14+s2] =	stream.linear.scatter [tilespmem:s5], [sflag:$0x2], $0x8000, $0x38;
	[tilespmem:$0x8100] =	vst v63  }
0xa7: {  	s16 =	sadd.s32 $0xC00, s0;
	_ =	swait.ge [sflag:s3], $0x8000  }
0xa8: {  	s15 =	sshrl.u32 s16, $0x3;
	[sflag:s3] =	ssyncset.done $0x0  }
0xa9: {  	s15 =	sadd.s32 s30, s15;
	[sflag:s3] =	ssyncadd.s32 $0xFFFF8000  }
0xaa: {  	[tilespmem:s2], [sflag:$0x2] =	stream.linear.gather [hbm4b:s15+s2], $0x100, $0x38;
	[tilespmem:$0x8100] =	vst v63  }
0xab: {  	_ =	swait.ge [sflag:s3], $0x100  }
0xac: {  	[sflag:s3] =	ssyncset.done $0x0  }
0xad: {  	[sflag:s3] =	ssyncadd.s32 $0xFFFFFF00  }
0xae: {  	[tilespmem:s5], [sflag:$0x1] =	stream.indirect.gather [hbm4b:s4+s5], $0x80, s2, s5, $0xb8;
	[tilespmem:$0x8100] =	vst v63  }
0xaf: {  	_ =	swait.ge [sflag:s6], $0x8000  }
0xb0: {  	s16 =	sshll.u32 s16, $0x4;
	[sflag:s6] =	ssyncset.done $0x0  }
0xb1: {  	s16 =	sadd.s32 s1, s16;
	[sflag:s6] =	ssyncadd.s32 $0xFFFF8000  }
0xb2: {  	[hbm4b:s16+s2] =	stream.linear.scatter [tilespmem:s5], [sflag:$0x2], $0x8000, $0x38;
	[tilespmem:$0x8100] =	vst v63  }
0xb3: {  	s18 =	sadd.s32 $0xD00, s0;
	_ =	swait.ge [sflag:s3], $0x8000  }
0xb4: {  	s17 =	sshrl.u32 s18, $0x3;
	[sflag:s3] =	ssyncset.done $0x0  }
0xb5: {  	s17 =	sadd.s32 s30, s17;
	[sflag:s3] =	ssyncadd.s32 $0xFFFF8000  }
0xb6: {  	[tilespmem:s2], [sflag:$0x2] =	stream.linear.gather [hbm4b:s17+s2], $0x100, $0x38;
	[tilespmem:$0x8100] =	vst v63  }
0xb7: {  	_ =	swait.ge [sflag:s3], $0x100  }
0xb8: {  	[sflag:s3] =	ssyncset.done $0x0  }
0xb9: {  	[sflag:s3] =	ssyncadd.s32 $0xFFFFFF00  }
0xba: {  	[tilespmem:s5], [sflag:$0x1] =	stream.indirect.gather [hbm4b:s4+s5], $0x80, s2, s5, $0xb8;
	[tilespmem:$0x8100] =	vst v63  }
0xbb: {  	_ =	swait.ge [sflag:s6], $0x8000  }
0xbc: {  	s18 =	sshll.u32 s18, $0x4;
	[sflag:s6] =	ssyncset.done $0x0  }
0xbd: {  	s18 =	sadd.s32 s1, s18;
	[sflag:s6] =	ssyncadd.s32 $0xFFFF8000  }
0xbe: {  	[hbm4b:s18+s2] =	stream.linear.scatter [tilespmem:s5], [sflag:$0x2], $0x8000, $0x38;
	[tilespmem:$0x8100] =	vst v63  }
0xbf: {  	s20 =	sadd.s32 $0xE00, s0;
	_ =	swait.ge [sflag:s3], $0x8000  }
0xc0: {  	s19 =	sshrl.u32 s20, $0x3;
	[sflag:s3] =	ssyncset.done $0x0  }
0xc1: {  	s19 =	sadd.s32 s30, s19;
	[sflag:s3] =	ssyncadd.s32 $0xFFFF8000  }
0xc2: {  	[tilespmem:s2], [sflag:$0x2] =	stream.linear.gather [hbm4b:s19+s2], $0x100, $0x38;
	[tilespmem:$0x8100] =	vst v63  }
0xc3: {  	_ =	swait.ge [sflag:s3], $0x100  }
0xc4: {  	[sflag:s3] =	ssyncset.done $0x0  }
0xc5: {  	[sflag:s3] =	ssyncadd.s32 $0xFFFFFF00  }
0xc6: {  	[tilespmem:s5], [sflag:$0x1] =	stream.indirect.gather [hbm4b:s4+s5], $0x80, s2, s5, $0xb8;
	[tilespmem:$0x8100] =	vst v63  }
0xc7: {  	_ =	swait.ge [sflag:s6], $0x8000  }
0xc8: {  	s20 =	sshll.u32 s20, $0x4;
	[sflag:s6] =	ssyncset.done $0x0  }
0xc9: {  	s20 =	sadd.s32 s1, s20;
	[sflag:s6] =	ssyncadd.s32 $0xFFFF8000  }
0xca: {  	[hbm4b:s20+s2] =	stream.linear.scatter [tilespmem:s5], [sflag:$0x2], $0x8000, $0x38;
	[tilespmem:$0x8100] =	vst v63  }
0xcb: {  	s22 =	sadd.s32 $0xF00, s0;
	_ =	swait.ge [sflag:s3], $0x8000  }
0xcc: {  	s21 =	sshrl.u32 s22, $0x3;
	[sflag:s3] =	ssyncset.done $0x0  }
0xcd: {  	s21 =	sadd.s32 s30, s21;
	[sflag:s3] =	ssyncadd.s32 $0xFFFF8000  }
0xce: {  	[tilespmem:s2], [sflag:$0x2] =	stream.linear.gather [hbm4b:s21+s2], $0x100, $0x38;
	[tilespmem:$0x8100] =	vst v63  }
0xcf: {  	_ =	swait.ge [sflag:s3], $0x100  }
0xd0: {  	[sflag:s3] =	ssyncset.done $0x0  }
0xd1: {  	[sflag:s3] =	ssyncadd.s32 $0xFFFFFF00  }
0xd2: {  	[tilespmem:s5], [sflag:$0x1] =	stream.indirect.gather [hbm4b:s4+s5], $0x80, s2, s5, $0xb8;
	[tilespmem:$0x8100] =	vst v63  }
0xd3: {  	_ =	swait.ge [sflag:s6], $0x8000  }
0xd4: {  	s22 =	sshll.u32 s22, $0x4;
	[sflag:s6] =	ssyncset.done $0x0  }
0xd5: {  	s22 =	sadd.s32 s1, s22;
	[sflag:s6] =	ssyncadd.s32 $0xFFFF8000  }
0xd6: {  	[hbm4b:s22+s2] =	stream.linear.scatter [tilespmem:s5], [sflag:$0x2], $0x8000, $0x38;
	[tilespmem:$0x8100] =	vst v63  }
0xd7: {  	s24 =	sadd.s32 $0x1000, s0;
	_ =	swait.ge [sflag:s3], $0x8000  }
0xd8: {  	s23 =	sshrl.u32 s24, $0x3;
	[sflag:s3] =	ssyncset.done $0x0  }
0xd9: {  	s23 =	sadd.s32 s30, s23;
	[sflag:s3] =	ssyncadd.s32 $0xFFFF8000  }
0xda: {  	[tilespmem:s2], [sflag:$0x2] =	stream.linear.gather [hbm4b:s23+s2], $0x100, $0x38;
	[tilespmem:$0x8100] =	vst v63  }
0xdb: {  	_ =	swait.ge [sflag:s3], $0x100  }
0xdc: {  	[sflag:s3] =	ssyncset.done $0x0  }
0xdd: {  	[sflag:s3] =	ssyncadd.s32 $0xFFFFFF00  }
0xde: {  	[tilespmem:s5], [sflag:$0x1] =	stream.indirect.gather [hbm4b:s4+s5], $0x80, s2, s5, $0xb8;
	[tilespmem:$0x8100] =	vst v63  }
0xdf: {  	_ =	swait.ge [sflag:s6], $0x8000  }
0xe0: {  	s24 =	sshll.u32 s24, $0x4;
	[sflag:s6] =	ssyncset.done $0x0  }
0xe1: {  	s24 =	sadd.s32 s1, s24;
	[sflag:s6] =	ssyncadd.s32 $0xFFFF8000  }
0xe2: {  	[hbm4b:s24+s2] =	stream.linear.scatter [tilespmem:s5], [sflag:$0x2], $0x8000, $0x38;
	[tilespmem:$0x8100] =	vst v63  }
0xe3: {  	s26 =	sadd.s32 $0x1100, s0;
	_ =	swait.ge [sflag:s3], $0x8000  }
0xe4: {  	s25 =	sshrl.u32 s26, $0x3;
	[sflag:s3] =	ssyncset.done $0x0  }
0xe5: {  	s25 =	sadd.s32 s30, s25;
	[sflag:s3] =	ssyncadd.s32 $0xFFFF8000  }
0xe6: {  	[tilespmem:s2], [sflag:$0x2] =	stream.linear.gather [hbm4b:s25+s2], $0x100, $0x38;
	[tilespmem:$0x8100] =	vst v63  }
0xe7: {  	_ =	swait.ge [sflag:s3], $0x100  }
0xe8: {  	[sflag:s3] =	ssyncset.done $0x0  }
0xe9: {  	[sflag:s3] =	ssyncadd.s32 $0xFFFFFF00  }
0xea: {  	[tilespmem:s5], [sflag:$0x1] =	stream.indirect.gather [hbm4b:s4+s5], $0x80, s2, s5, $0xb8;
	[tilespmem:$0x8100] =	vst v63  }
0xeb: {  	_ =	swait.ge [sflag:s6], $0x8000  }
0xec: {  	s26 =	sshll.u32 s26, $0x4;
	[sflag:s6] =	ssyncset.done $0x0  }
0xed: {  	s26 =	sadd.s32 s1, s26;
	[sflag:s6] =	ssyncadd.s32 $0xFFFF8000  }
0xee: {  	[hbm4b:s26+s2] =	stream.linear.scatter [tilespmem:s5], [sflag:$0x2], $0x8000, $0x38;
	[tilespmem:$0x8100] =	vst v63  }
0xef: {  	s29 =	sadd.s32 $0x1200, s0;
	_ =	swait.ge [sflag:s3], $0x8000  }
0xf0: {  	s28 =	sshrl.u32 s29, $0x3;
	[sflag:s3] =	ssyncset.done $0x0  }
0xf1: {  	s28 =	sadd.s32 s30, s28;
	[sflag:s3] =	ssyncadd.s32 $0xFFFF8000  }
0xf2: {  	[tilespmem:s2], [sflag:$0x2] =	stream.linear.gather [hbm4b:s28+s2], $0x100, $0x38;
	[tilespmem:$0x8100] =	vst v63  }
0xf3: {  	_ =	swait.ge [sflag:s3], $0x100  }
0xf4: {  	[sflag:s3] =	ssyncset.done $0x0  }
0xf5: {  	[sflag:s3] =	ssyncadd.s32 $0xFFFFFF00  }
0xf6: {  	[tilespmem:s5], [sflag:$0x1] =	stream.indirect.gather [hbm4b:s4+s5], $0x80, s2, s5, $0xb8;
	[tilespmem:$0x8100] =	vst v63  }
0xf7: {  	_ =	swait.ge [sflag:s6], $0x8000  }
0xf8: {  	s29 =	sshll.u32 s29, $0x4;
	[sflag:s6] =	ssyncset.done $0x0  }
0xf9: {  	s29 =	sadd.s32 s1, s29;
	s0 =	sadd.s32 $0x1300, s0;
	[sflag:s6] =	ssyncadd.s32 $0xFFFF8000  }
0xfa: {  	[hbm4b:s29+s2] =	stream.linear.scatter [tilespmem:s5], [sflag:$0x2], $0x8000, $0x38;
	[tilespmem:$0x8100] =	vst v63  }
0xfb: {  	s1 =	sshrl.u32 s0, $0x3;
	_ =	swait.ge [sflag:s3], $0x8000  }
0xfc: {  	s30 =	sadd.s32 s30, s1;
	s1 =	ssub.s32 $0x2, s31;
	[sflag:s3] =	ssyncset.done $0x0  }
0xfd: {  	s31 =	sshrl.u32 s1, $0x1;
	[sflag:s3] =	ssyncadd.s32 $0xFFFF8000  }
0xfe: {  	[tilespmem:s2], [sflag:$0x2] =	stream.linear.gather [hbm4b:s30+s2], $0x100, $0x38;
	[tilespmem:$0x8100] =	vst v63  }
0xff: {  	s1 =	ssub.s32 s1, s31;
	_ =	swait.ge [sflag:s3], $0x100  }
0x100: {  	s1 =	smax.u32 s1, $0x1;
	[sflag:s3] =	ssyncset.done $0x0  }
0x101: {  	p0 =	sne.s32 s1, $0x1;
	[sflag:s3] =	ssyncadd.s32 $0xFFFFFF00  }
0x102: {  	[tilespmem:s5], [sflag:$0x1] =	stream.indirect.gather [hbm4b:s4+s5], $0x80, s2, s5, $0xb8;
	[tilespmem:$0x8100] =	vst v63  }
.Ltmp0:
0x103: {  	_ =	swait.ge [sflag:s6], $0x8000;
	(pc) =	sbr.rel @!p0 .LBB2_2-.Ltmp0, $4  }
0x104: {  	s0 =	sshll.u32 s0, $0x4;
	[sflag:s6] =	ssyncset.done $0x0;
	s31 =	rddreg [dreg:$0x12]  }
0x105: {  	s31 =	sadd.s32 s31, s0;
	[sflag:s6] =	ssyncadd.s32 $0xFFFF8000  }
0x106: {  	[hbm4b:s31+s2] =	stream.linear.scatter [tilespmem:s5], [sflag:$0x2], $0x8000, $0x38;
	[tilespmem:$0x8100] =	vst v63  }
0x107: {  	s1 =	sadd.s32 $0xFFFFFFFF, s1;
	_ =	swait.ge [sflag:s3], $0x8000  }
.LBB2_1:
0x108: {  	[sflag:s3] =	ssyncset.done $0x0  }
0x109: {  	s0 =	rddreg [dreg:$0x2];
	[sflag:s3] =	ssyncadd.s32 $0xFFFF8000  }
0x10a: {  	[tilespmem:s2], [sflag:$0x2] =	stream.linear.gather [hbm4b:s0+s2], $0x100, $0x38;
	[tilespmem:$0x8100] =	vst v63  }
0x10b: {  	_ =	swait.ge [sflag:s3], $0x100  }
0x10c: {  	[sflag:s3] =	ssyncset.done $0x0  }
0x10d: {  	[sflag:s3] =	ssyncadd.s32 $0xFFFFFF00  }
0x10e: {  	[tilespmem:s5], [sflag:$0x1] =	stream.indirect.gather [hbm4b:s4+s5], $0x80, s2, s5, $0xb8;
	[tilespmem:$0x8100] =	vst v63  }
0x10f: {  	_ =	swait.ge [sflag:s6], $0x8000  }
0x110: {  	[sflag:s6] =	ssyncset.done $0x0  }
0x111: {  	s0 =	rddreg [dreg:$0x3];
	[sflag:s6] =	ssyncadd.s32 $0xFFFF8000  }
0x112: {  	[hbm4b:s0+s2] =	stream.linear.scatter [tilespmem:s5], [sflag:$0x2], $0x8000, $0x38;
	[tilespmem:$0x8100] =	vst v63  }
0x113: {  	_ =	swait.ge [sflag:s3], $0x8000  }
0x114: {  	[sflag:s3] =	ssyncset.done $0x0  }
0x115: {  	s0 =	rddreg [dreg:$0x4];
	[sflag:s3] =	ssyncadd.s32 $0xFFFF8000  }
0x116: {  	[tilespmem:s2], [sflag:$0x2] =	stream.linear.gather [hbm4b:s0+s2], $0x100, $0x38;
	[tilespmem:$0x8100] =	vst v63  }
0x117: {  	_ =	swait.ge [sflag:s3], $0x100  }
0x118: {  	[sflag:s3] =	ssyncset.done $0x0  }
0x119: {  	[sflag:s3] =	ssyncadd.s32 $0xFFFFFF00  }
0x11a: {  	[tilespmem:s5], [sflag:$0x1] =	stream.indirect.gather [hbm4b:s4+s5], $0x80, s2, s5, $0xb8;
	[tilespmem:$0x8100] =	vst v63  }
0x11b: {  	_ =	swait.ge [sflag:s6], $0x8000  }
0x11c: {  	[sflag:s6] =	ssyncset.done $0x0  }
0x11d: {  	s0 =	rddreg [dreg:$0x5];
	[sflag:s6] =	ssyncadd.s32 $0xFFFF8000  }
0x11e: {  	[hbm4b:s0+s2] =	stream.linear.scatter [tilespmem:s5], [sflag:$0x2], $0x8000, $0x38;
	[tilespmem:$0x8100] =	vst v63  }
0x11f: {  	_ =	swait.ge [sflag:s3], $0x8000  }
0x120: {  	[sflag:s3] =	ssyncset.done $0x0  }
0x121: {  	s0 =	rddreg [dreg:$0x6];
	[sflag:s3] =	ssyncadd.s32 $0xFFFF8000  }
0x122: {  	[tilespmem:s2], [sflag:$0x2] =	stream.linear.gather [hbm4b:s0+s2], $0x100, $0x38;
	[tilespmem:$0x8100] =	vst v63  }
0x123: {  	_ =	swait.ge [sflag:s3], $0x100  }
0x124: {  	[sflag:s3] =	ssyncset.done $0x0  }
0x125: {  	[sflag:s3] =	ssyncadd.s32 $0xFFFFFF00  }
0x126: {  	[tilespmem:s5], [sflag:$0x1] =	stream.indirect.gather [hbm4b:s4+s5], $0x80, s2, s5, $0xb8;
	[tilespmem:$0x8100] =	vst v63  }
0x127: {  	_ =	swait.ge [sflag:s6], $0x8000  }
0x128: {  	[sflag:s6] =	ssyncset.done $0x0  }
0x129: {  	s0 =	rddreg [dreg:$0x7];
	[sflag:s6] =	ssyncadd.s32 $0xFFFF8000  }
0x12a: {  	[hbm4b:s0+s2] =	stream.linear.scatter [tilespmem:s5], [sflag:$0x2], $0x8000, $0x38;
	[tilespmem:$0x8100] =	vst v63  }
0x12b: {  	_ =	swait.ge [sflag:s3], $0x8000  }
0x12c: {  	[sflag:s3] =	ssyncset.done $0x0  }
0x12d: {  	s0 =	rddreg [dreg:$0x8];
	[sflag:s3] =	ssyncadd.s32 $0xFFFF8000  }
0x12e: {  	[tilespmem:s2], [sflag:$0x2] =	stream.linear.gather [hbm4b:s0+s2], $0x100, $0x38;
	[tilespmem:$0x8100] =	vst v63  }
0x12f: {  	_ =	swait.ge [sflag:s3], $0x100  }
0x130: {  	[sflag:s3] =	ssyncset.done $0x0  }
0x131: {  	[sflag:s3] =	ssyncadd.s32 $0xFFFFFF00  }
0x132: {  	[tilespmem:s5], [sflag:$0x1] =	stream.indirect.gather [hbm4b:s4+s5], $0x80, s2, s5, $0xb8;
	[tilespmem:$0x8100] =	vst v63  }
0x133: {  	_ =	swait.ge [sflag:s6], $0x8000  }
0x134: {  	[sflag:s6] =	ssyncset.done $0x0  }
0x135: {  	s0 =	rddreg [dreg:$0x9];
	[sflag:s6] =	ssyncadd.s32 $0xFFFF8000  }
0x136: {  	[hbm4b:s0+s2] =	stream.linear.scatter [tilespmem:s5], [sflag:$0x2], $0x8000, $0x38;
	[tilespmem:$0x8100] =	vst v63  }
0x137: {  	_ =	swait.ge [sflag:s3], $0x8000  }
0x138: {  	[sflag:s3] =	ssyncset.done $0x0  }
0x139: {  	s0 =	rddreg [dreg:$0xa];
	[sflag:s3] =	ssyncadd.s32 $0xFFFF8000  }
0x13a: {  	[tilespmem:s2], [sflag:$0x2] =	stream.linear.gather [hbm4b:s0+s2], $0x100, $0x38;
	[tilespmem:$0x8100] =	vst v63  }
0x13b: {  	_ =	swait.ge [sflag:s3], $0x100  }
0x13c: {  	[sflag:s3] =	ssyncset.done $0x0  }
0x13d: {  	[sflag:s3] =	ssyncadd.s32 $0xFFFFFF00  }
0x13e: {  	[tilespmem:s5], [sflag:$0x1] =	stream.indirect.gather [hbm4b:s4+s5], $0x80, s2, s5, $0xb8;
	[tilespmem:$0x8100] =	vst v63  }
0x13f: {  	_ =	swait.ge [sflag:s6], $0x8000  }
0x140: {  	[sflag:s6] =	ssyncset.done $0x0  }
0x141: {  	s0 =	rddreg [dreg:$0xb];
	[sflag:s6] =	ssyncadd.s32 $0xFFFF8000  }
0x142: {  	[hbm4b:s0+s2] =	stream.linear.scatter [tilespmem:s5], [sflag:$0x2], $0x8000, $0x38;
	[tilespmem:$0x8100] =	vst v63  }
0x143: {  	_ =	swait.ge [sflag:s3], $0x8000  }
0x144: {  	[sflag:s3] =	ssyncset.done $0x0  }
0x145: {  	s0 =	rddreg [dreg:$0xc];
	[sflag:s3] =	ssyncadd.s32 $0xFFFF8000  }
0x146: {  	[tilespmem:s2], [sflag:$0x2] =	stream.linear.gather [hbm4b:s0+s2], $0x100, $0x38;
	[tilespmem:$0x8100] =	vst v63  }
0x147: {  	_ =	swait.ge [sflag:s3], $0x100  }
0x148: {  	[sflag:s3] =	ssyncset.done $0x0  }
0x149: {  	[sflag:s3] =	ssyncadd.s32 $0xFFFFFF00  }
0x14a: {  	[tilespmem:s5], [sflag:$0x1] =	stream.indirect.gather [hbm4b:s4+s5], $0x80, s2, s5, $0xb8;
	[tilespmem:$0x8100] =	vst v63  }
0x14b: {  	_ =	swait.ge [sflag:s6], $0x8000  }
0x14c: {  	[sflag:s6] =	ssyncset.done $0x0  }
0x14d: {  	s0 =	rddreg [dreg:$0xd];
	[sflag:s6] =	ssyncadd.s32 $0xFFFF8000  }
0x14e: {  	[hbm4b:s0+s2] =	stream.linear.scatter [tilespmem:s5], [sflag:$0x2], $0x8000, $0x38;
	[tilespmem:$0x8100] =	vst v63  }
0x14f: {  	_ =	swait.ge [sflag:s3], $0x8000  }
0x150: {  	[sflag:s3] =	ssyncset.done $0x0  }
0x151: {  	s0 =	rddreg [dreg:$0xe];
	[sflag:s3] =	ssyncadd.s32 $0xFFFF8000  }
0x152: {  	[tilespmem:s2], [sflag:$0x2] =	stream.linear.gather [hbm4b:s0+s2], $0x100, $0x38;
	[tilespmem:$0x8100] =	vst v63  }
0x153: {  	_ =	swait.ge [sflag:s3], $0x100  }
0x154: {  	[sflag:s3] =	ssyncset.done $0x0  }
0x155: {  	[sflag:s3] =	ssyncadd.s32 $0xFFFFFF00  }
0x156: {  	[tilespmem:s5], [sflag:$0x1] =	stream.indirect.gather [hbm4b:s4+s5], $0x80, s2, s5, $0xb8;
	[tilespmem:$0x8100] =	vst v63  }
0x157: {  	_ =	swait.ge [sflag:s6], $0x8000  }
0x158: {  	[sflag:s6] =	ssyncset.done $0x0  }
0x159: {  	s0 =	rddreg [dreg:$0xf];
	[sflag:s6] =	ssyncadd.s32 $0xFFFF8000  }
0x15a: {  	[hbm4b:s0+s2] =	stream.linear.scatter [tilespmem:s5], [sflag:$0x2], $0x8000, $0x38;
	[tilespmem:$0x8100] =	vst v63  }
0x15b: {  	_ =	swait.ge [sflag:s3], $0x8000  }
0x15c: {  	[sflag:s3] =	ssyncset.done $0x0  }
0x15d: {  	s0 =	rddreg [dreg:$0x10];
	[sflag:s3] =	ssyncadd.s32 $0xFFFF8000  }
0x15e: {  	[tilespmem:s2], [sflag:$0x2] =	stream.linear.gather [hbm4b:s0+s2], $0x100, $0x38;
	[tilespmem:$0x8100] =	vst v63  }
0x15f: {  	_ =	swait.ge [sflag:s3], $0x100  }
0x160: {  	[sflag:s3] =	ssyncset.done $0x0  }
0x161: {  	[sflag:s3] =	ssyncadd.s32 $0xFFFFFF00  }
0x162: {  	[tilespmem:s5], [sflag:$0x1] =	stream.indirect.gather [hbm4b:s4+s5], $0x80, s2, s5, $0xb8;
	[tilespmem:$0x8100] =	vst v63  }
0x163: {  	_ =	swait.ge [sflag:s6], $0x8000  }
0x164: {  	[sflag:s6] =	ssyncset.done $0x0  }
0x165: {  	s0 =	rddreg [dreg:$0x11];
	[sflag:s6] =	ssyncadd.s32 $0xFFFF8000  }
0x166: {  	[hbm4b:s0+s2] =	stream.linear.scatter [tilespmem:s5], [sflag:$0x2], $0x8000, $0x38;
	[tilespmem:$0x8100] =	vst v63  }
0x167: {  	_ =	swait.ge [sflag:s3], $0x8000  }
0x168: {  	[sflag:s3] =	ssyncset.done $0x0  }
0x169: {  	[sflag:s3] =	ssyncadd.s32 $0xFFFF8000  }
0x16a: {  	[tilespmem:s2], [sflag:$0x2] =	stream.linear.gather [hbm4b:s7+s2], $0x100, $0x38;
	[tilespmem:$0x8100] =	vst v63  }
0x16b: {  	_ =	swait.ge [sflag:s3], $0x100  }
0x16c: {  	[sflag:s3] =	ssyncset.done $0x0  }
0x16d: {  	[sflag:s3] =	ssyncadd.s32 $0xFFFFFF00  }
0x16e: {  	[tilespmem:s5], [sflag:$0x1] =	stream.indirect.gather [hbm4b:s4+s5], $0x80, s2, s5, $0xb8;
	[tilespmem:$0x8100] =	vst v63  }
0x16f: {  	_ =	swait.ge [sflag:s6], $0x8000  }
0x170: {  	[sflag:s6] =	ssyncset.done $0x0  }
0x171: {  	[sflag:s6] =	ssyncadd.s32 $0xFFFF8000  }
0x172: {  	[hbm4b:s8+s2] =	stream.linear.scatter [tilespmem:s5], [sflag:$0x2], $0x8000, $0x38;
	[tilespmem:$0x8100] =	vst v63  }
0x173: {  	_ =	swait.ge [sflag:s3], $0x8000  }
0x174: {  	[sflag:s3] =	ssyncset.done $0x0  }
0x175: {  	[sflag:s3] =	ssyncadd.s32 $0xFFFF8000  }
0x176: {  	[tilespmem:s2], [sflag:$0x2] =	stream.linear.gather [hbm4b:s9+s2], $0x100, $0x38;
	[tilespmem:$0x8100] =	vst v63  }
0x177: {  	_ =	swait.ge [sflag:s3], $0x100  }
0x178: {  	[sflag:s3] =	ssyncset.done $0x0  }
0x179: {  	[sflag:s3] =	ssyncadd.s32 $0xFFFFFF00  }
0x17a: {  	[tilespmem:s5], [sflag:$0x1] =	stream.indirect.gather [hbm4b:s4+s5], $0x80, s2, s5, $0xb8;
	[tilespmem:$0x8100] =	vst v63  }
0x17b: {  	_ =	swait.ge [sflag:s6], $0x8000  }
0x17c: {  	[sflag:s6] =	ssyncset.done $0x0  }
0x17d: {  	[sflag:s6] =	ssyncadd.s32 $0xFFFF8000  }
0x17e: {  	[hbm4b:s10+s2] =	stream.linear.scatter [tilespmem:s5], [sflag:$0x2], $0x8000, $0x38;
	[tilespmem:$0x8100] =	vst v63  }
0x17f: {  	_ =	swait.ge [sflag:s3], $0x8000  }
0x180: {  	[sflag:s3] =	ssyncset.done $0x0  }
0x181: {  	[sflag:s3] =	ssyncadd.s32 $0xFFFF8000  }
0x182: {  	[tilespmem:s2], [sflag:$0x2] =	stream.linear.gather [hbm4b:s11+s2], $0x100, $0x38;
	[tilespmem:$0x8100] =	vst v63  }
0x183: {  	_ =	swait.ge [sflag:s3], $0x100  }
0x184: {  	[sflag:s3] =	ssyncset.done $0x0  }
0x185: {  	[sflag:s3] =	ssyncadd.s32 $0xFFFFFF00  }
0x186: {  	[tilespmem:s5], [sflag:$0x1] =	stream.indirect.gather [hbm4b:s4+s5], $0x80, s2, s5, $0xb8;
	[tilespmem:$0x8100] =	vst v63  }
0x187: {  	_ =	swait.ge [sflag:s6], $0x8000  }
0x188: {  	[sflag:s6] =	ssyncset.done $0x0  }
0x189: {  	[sflag:s6] =	ssyncadd.s32 $0xFFFF8000  }
0x18a: {  	[hbm4b:s12+s2] =	stream.linear.scatter [tilespmem:s5], [sflag:$0x2], $0x8000, $0x38;
	[tilespmem:$0x8100] =	vst v63  }
0x18b: {  	_ =	swait.ge [sflag:s3], $0x8000  }
0x18c: {  	[sflag:s3] =	ssyncset.done $0x0  }
0x18d: {  	[sflag:s3] =	ssyncadd.s32 $0xFFFF8000  }
0x18e: {  	[tilespmem:s2], [sflag:$0x2] =	stream.linear.gather [hbm4b:s13+s2], $0x100, $0x38;
	[tilespmem:$0x8100] =	vst v63  }
0x18f: {  	_ =	swait.ge [sflag:s3], $0x100  }
0x190: {  	[sflag:s3] =	ssyncset.done $0x0  }
0x191: {  	[sflag:s3] =	ssyncadd.s32 $0xFFFFFF00  }
0x192: {  	[tilespmem:s5], [sflag:$0x1] =	stream.indirect.gather [hbm4b:s4+s5], $0x80, s2, s5, $0xb8;
	[tilespmem:$0x8100] =	vst v63  }
0x193: {  	_ =	swait.ge [sflag:s6], $0x8000  }
0x194: {  	[sflag:s6] =	ssyncset.done $0x0  }
0x195: {  	[sflag:s6] =	ssyncadd.s32 $0xFFFF8000  }
0x196: {  	[hbm4b:s14+s2] =	stream.linear.scatter [tilespmem:s5], [sflag:$0x2], $0x8000, $0x38;
	[tilespmem:$0x8100] =	vst v63  }
0x197: {  	_ =	swait.ge [sflag:s3], $0x8000  }
0x198: {  	[sflag:s3] =	ssyncset.done $0x0  }
0x199: {  	[sflag:s3] =	ssyncadd.s32 $0xFFFF8000  }
0x19a: {  	[tilespmem:s2], [sflag:$0x2] =	stream.linear.gather [hbm4b:s15+s2], $0x100, $0x38;
	[tilespmem:$0x8100] =	vst v63  }
0x19b: {  	_ =	swait.ge [sflag:s3], $0x100  }
0x19c: {  	[sflag:s3] =	ssyncset.done $0x0  }
0x19d: {  	[sflag:s3] =	ssyncadd.s32 $0xFFFFFF00  }
0x19e: {  	[tilespmem:s5], [sflag:$0x1] =	stream.indirect.gather [hbm4b:s4+s5], $0x80, s2, s5, $0xb8;
	[tilespmem:$0x8100] =	vst v63  }
0x19f: {  	_ =	swait.ge [sflag:s6], $0x8000  }
0x1a0: {  	[sflag:s6] =	ssyncset.done $0x0  }
0x1a1: {  	[sflag:s6] =	ssyncadd.s32 $0xFFFF8000  }
0x1a2: {  	[hbm4b:s16+s2] =	stream.linear.scatter [tilespmem:s5], [sflag:$0x2], $0x8000, $0x38;
	[tilespmem:$0x8100] =	vst v63  }
0x1a3: {  	_ =	swait.ge [sflag:s3], $0x8000  }
0x1a4: {  	[sflag:s3] =	ssyncset.done $0x0  }
0x1a5: {  	[sflag:s3] =	ssyncadd.s32 $0xFFFF8000  }
0x1a6: {  	[tilespmem:s2], [sflag:$0x2] =	stream.linear.gather [hbm4b:s17+s2], $0x100, $0x38;
	[tilespmem:$0x8100] =	vst v63  }
0x1a7: {  	_ =	swait.ge [sflag:s3], $0x100  }
0x1a8: {  	[sflag:s3] =	ssyncset.done $0x0  }
0x1a9: {  	[sflag:s3] =	ssyncadd.s32 $0xFFFFFF00  }
0x1aa: {  	[tilespmem:s5], [sflag:$0x1] =	stream.indirect.gather [hbm4b:s4+s5], $0x80, s2, s5, $0xb8;
	[tilespmem:$0x8100] =	vst v63  }
0x1ab: {  	_ =	swait.ge [sflag:s6], $0x8000  }
0x1ac: {  	[sflag:s6] =	ssyncset.done $0x0  }
0x1ad: {  	[sflag:s6] =	ssyncadd.s32 $0xFFFF8000  }
0x1ae: {  	[hbm4b:s18+s2] =	stream.linear.scatter [tilespmem:s5], [sflag:$0x2], $0x8000, $0x38;
	[tilespmem:$0x8100] =	vst v63  }
0x1af: {  	_ =	swait.ge [sflag:s3], $0x8000  }
0x1b0: {  	[sflag:s3] =	ssyncset.done $0x0  }
0x1b1: {  	[sflag:s3] =	ssyncadd.s32 $0xFFFF8000  }
0x1b2: {  	[tilespmem:s2], [sflag:$0x2] =	stream.linear.gather [hbm4b:s19+s2], $0x100, $0x38;
	[tilespmem:$0x8100] =	vst v63  }
0x1b3: {  	_ =	swait.ge [sflag:s3], $0x100  }
0x1b4: {  	[sflag:s3] =	ssyncset.done $0x0  }
0x1b5: {  	[sflag:s3] =	ssyncadd.s32 $0xFFFFFF00  }
0x1b6: {  	[tilespmem:s5], [sflag:$0x1] =	stream.indirect.gather [hbm4b:s4+s5], $0x80, s2, s5, $0xb8;
	[tilespmem:$0x8100] =	vst v63  }
0x1b7: {  	_ =	swait.ge [sflag:s6], $0x8000  }
0x1b8: {  	[sflag:s6] =	ssyncset.done $0x0  }
0x1b9: {  	[sflag:s6] =	ssyncadd.s32 $0xFFFF8000  }
0x1ba: {  	[hbm4b:s20+s2] =	stream.linear.scatter [tilespmem:s5], [sflag:$0x2], $0x8000, $0x38;
	[tilespmem:$0x8100] =	vst v63  }
0x1bb: {  	_ =	swait.ge [sflag:s3], $0x8000  }
0x1bc: {  	[sflag:s3] =	ssyncset.done $0x0  }
0x1bd: {  	[sflag:s3] =	ssyncadd.s32 $0xFFFF8000  }
0x1be: {  	[tilespmem:s2], [sflag:$0x2] =	stream.linear.gather [hbm4b:s21+s2], $0x100, $0x38;
	[tilespmem:$0x8100] =	vst v63  }
0x1bf: {  	_ =	swait.ge [sflag:s3], $0x100  }
0x1c0: {  	[sflag:s3] =	ssyncset.done $0x0  }
0x1c1: {  	[sflag:s3] =	ssyncadd.s32 $0xFFFFFF00  }
0x1c2: {  	[tilespmem:s5], [sflag:$0x1] =	stream.indirect.gather [hbm4b:s4+s5], $0x80, s2, s5, $0xb8;
	[tilespmem:$0x8100] =	vst v63  }
0x1c3: {  	_ =	swait.ge [sflag:s6], $0x8000  }
0x1c4: {  	[sflag:s6] =	ssyncset.done $0x0  }
0x1c5: {  	[sflag:s6] =	ssyncadd.s32 $0xFFFF8000  }
0x1c6: {  	[hbm4b:s22+s2] =	stream.linear.scatter [tilespmem:s5], [sflag:$0x2], $0x8000, $0x38;
	[tilespmem:$0x8100] =	vst v63  }
0x1c7: {  	_ =	swait.ge [sflag:s3], $0x8000  }
0x1c8: {  	[sflag:s3] =	ssyncset.done $0x0  }
0x1c9: {  	[sflag:s3] =	ssyncadd.s32 $0xFFFF8000  }
0x1ca: {  	[tilespmem:s2], [sflag:$0x2] =	stream.linear.gather [hbm4b:s23+s2], $0x100, $0x38;
	[tilespmem:$0x8100] =	vst v63  }
0x1cb: {  	_ =	swait.ge [sflag:s3], $0x100  }
0x1cc: {  	[sflag:s3] =	ssyncset.done $0x0  }
0x1cd: {  	[sflag:s3] =	ssyncadd.s32 $0xFFFFFF00  }
0x1ce: {  	[tilespmem:s5], [sflag:$0x1] =	stream.indirect.gather [hbm4b:s4+s5], $0x80, s2, s5, $0xb8;
	[tilespmem:$0x8100] =	vst v63  }
0x1cf: {  	_ =	swait.ge [sflag:s6], $0x8000  }
0x1d0: {  	[sflag:s6] =	ssyncset.done $0x0  }
0x1d1: {  	[sflag:s6] =	ssyncadd.s32 $0xFFFF8000  }
0x1d2: {  	[hbm4b:s24+s2] =	stream.linear.scatter [tilespmem:s5], [sflag:$0x2], $0x8000, $0x38;
	[tilespmem:$0x8100] =	vst v63  }
0x1d3: {  	_ =	swait.ge [sflag:s3], $0x8000  }
0x1d4: {  	[sflag:s3] =	ssyncset.done $0x0  }
0x1d5: {  	[sflag:s3] =	ssyncadd.s32 $0xFFFF8000  }
0x1d6: {  	[tilespmem:s2], [sflag:$0x2] =	stream.linear.gather [hbm4b:s25+s2], $0x100, $0x38;
	[tilespmem:$0x8100] =	vst v63  }
0x1d7: {  	_ =	swait.ge [sflag:s3], $0x100  }
0x1d8: {  	[sflag:s3] =	ssyncset.done $0x0  }
0x1d9: {  	[sflag:s3] =	ssyncadd.s32 $0xFFFFFF00  }
0x1da: {  	[tilespmem:s5], [sflag:$0x1] =	stream.indirect.gather [hbm4b:s4+s5], $0x80, s2, s5, $0xb8;
	[tilespmem:$0x8100] =	vst v63  }
0x1db: {  	_ =	swait.ge [sflag:s6], $0x8000  }
0x1dc: {  	[sflag:s6] =	ssyncset.done $0x0  }
0x1dd: {  	[sflag:s6] =	ssyncadd.s32 $0xFFFF8000  }
0x1de: {  	[hbm4b:s26+s2] =	stream.linear.scatter [tilespmem:s5], [sflag:$0x2], $0x8000, $0x38;
	[tilespmem:$0x8100] =	vst v63  }
0x1df: {  	_ =	swait.ge [sflag:s3], $0x8000  }
0x1e0: {  	[sflag:s3] =	ssyncset.done $0x0  }
0x1e1: {  	[sflag:s3] =	ssyncadd.s32 $0xFFFF8000  }
0x1e2: {  	[tilespmem:s2], [sflag:$0x2] =	stream.linear.gather [hbm4b:s28+s2], $0x100, $0x38;
	[tilespmem:$0x8100] =	vst v63  }
0x1e3: {  	_ =	swait.ge [sflag:s3], $0x100  }
0x1e4: {  	[sflag:s3] =	ssyncset.done $0x0  }
0x1e5: {  	[sflag:s3] =	ssyncadd.s32 $0xFFFFFF00  }
0x1e6: {  	[tilespmem:s5], [sflag:$0x1] =	stream.indirect.gather [hbm4b:s4+s5], $0x80, s2, s5, $0xb8;
	[tilespmem:$0x8100] =	vst v63  }
0x1e7: {  	_ =	swait.ge [sflag:s6], $0x8000  }
0x1e8: {  	[sflag:s6] =	ssyncset.done $0x0  }
0x1e9: {  	[sflag:s6] =	ssyncadd.s32 $0xFFFF8000  }
0x1ea: {  	[hbm4b:s29+s2] =	stream.linear.scatter [tilespmem:s5], [sflag:$0x2], $0x8000, $0x38;
	[tilespmem:$0x8100] =	vst v63  }
0x1eb: {  	_ =	swait.ge [sflag:s3], $0x8000  }
0x1ec: {  	[sflag:s3] =	ssyncset.done $0x0  }
0x1ed: {  	[sflag:s3] =	ssyncadd.s32 $0xFFFF8000  }
0x1ee: {  	[tilespmem:s2], [sflag:$0x2] =	stream.linear.gather [hbm4b:s30+s2], $0x100, $0x38;
	[tilespmem:$0x8100] =	vst v63  }
0x1ef: {  	_ =	swait.ge [sflag:s3], $0x100  }
0x1f0: {  	[sflag:s3] =	ssyncset.done $0x0  }
0x1f1: {  	p0 =	sne.s32 s1, $0x1;
	[sflag:s3] =	ssyncadd.s32 $0xFFFFFF00  }
0x1f2: {  	[tilespmem:s5], [sflag:$0x1] =	stream.indirect.gather [hbm4b:s4+s5], $0x80, s2, s5, $0xb8;
	[tilespmem:$0x8100] =	vst v63  }
.Ltmp1:
0x1f3: {  	_ =	swait.ge [sflag:s6], $0x8000;
	(pc) =	sbr.rel @p0 .LBB2_1-.Ltmp1, $4  }
0x1f4: {  	[sflag:s6] =	ssyncset.done $0x0  }
0x1f5: {  	[sflag:s6] =	ssyncadd.s32 $0xFFFF8000  }
0x1f6: {  	[hbm4b:s31+s2] =	stream.linear.scatter [tilespmem:s5], [sflag:$0x2], $0x8000, $0x38;
	[tilespmem:$0x8100] =	vst v63  }
0x1f7: {  	s1 =	sadd.s32 $0xFFFFFFFF, s1;
	_ =	swait.ge [sflag:s3], $0x8000  }
.LBB2_2:
0x1f8: {  	[sflag:s3] =	ssyncset.done $0x0  }
0x1f9: {  	[sflag:s3] =	ssyncadd.s32 $0xFFFF8000  }
0x1fa: {  	_ =	sfence.sel $0x180000  }
0x1fb: {  	[bflag:$0x0] =	sbarrier.arrive $0xFFFF  }
0x1fc: {  	_ =	strace $0x9000004A  }
0x1fd: {  	s0 =	stileid.u32;
	[bflag:$0x2] =	sbarrier.arrive $0xFFFF  }
0x1fe: {  	p0 =	sne.s32 s0, $0x0;
	s0 =	rddreg [dreg:$0x1]  }
0x1ff: {  	s0 =	sadd.s32 @!p0 $0x100000, s0  }
0x200: {  	[sflag:s0] =	ssyncadd.tile.s32 @!p0 $0x1;
	_ =	shalt  }
.Lfunc_end2:
_tile_overlayer_lowered:
.L_overlay_start_2:
0x201: {  	(tag) =	ssettag $0x2  }
0x202: {  	s0 =	rddreg [dreg:$0x0];
	s2 =	stileid.u32  }
0x203: {  	s1 =	rddreg [dreg:$0x1];
	p0 =	sne.s32 s2, $0x0  }
0x204: {  	s3 =	rddreg [dreg:$0x2];
	[bflag:$0x3] =	sbarrier.arrive $0xFFFF;
	s2 =	simm.s32 @!p0 $0x1C02  }
0x205: {  	[timem:s3], [sflag:s2] =	dma.local @!p0 [hbm:s0], s1  }
0x206: {  	s0 =	simm.s32 @!p0 $0x2  }
0x207: {  	_ =	swait.ge @!p0 [sflag:s0], s1  }
0x208: {  	s1 =	ssub.s32 @!p0 $0x0, s1;
	[sflag:s0] =	ssyncset.done @!p0 $0x0  }
0x209: {  	[sflag:s0] =	ssyncadd.s32 @!p0 s1  }
0x20a: {  	[bflag:$0x3] =	sbarrier.arrive $0xFFFF  }
0x20b: {  	_ =	shalt  }

</sc_bundles>
